<compile_context>
chip_gen: v7x
topology: tpu7x:2x2x1
jax: 0.10.2.dev20260603
libtpu: 0.0.44.dev20260713+nightly
codegen_flags: <defaults>
</compile_context>

<pallas_src>
import dataclasses

import jax
import jax.numpy as jnp
from jax import lax
from jax.experimental import pallas as pl
from jax.experimental.pallas import tpu as pltpu
from jax.experimental.pallas import tpu_sc as plsc

M = 1000000
D = 32
B = 16384
DP = 128

NW = 32
REG = 31264
LAST = M - (NW - 1) * REG
CAP = 1024
NWIN = CAP // 16
NCHUNK = B // 16
NR = 8
LOOKA = 4
VX = B + NW * 16


def _body(idx_hbm, val_y_hbm, mem_ref, memy_ref, valx_ref,
          idx_v, valy_v, winner_v, memy_v, rowbuf_v, row16_v, tgt_v, wp_v,
          ysem, gsem, ssem):
  wid = lax.axis_index("c") * 16 + lax.axis_index("s")
  lo = wid * REG
  is_last = wid == NW - 1
  hi = jnp.where(is_last, M, lo + REG)
  stage0 = B + wid * 16

  @pl.when(jnp.logical_not(is_last))
  def _():
    pltpu.async_copy(memy_ref.at[pl.ds(lo, REG)], memy_v.at[pl.ds(0, REG)],
                     ysem)

  @pl.when(is_last)
  def _():
    pltpu.async_copy(memy_ref.at[pl.ds(lo, LAST)], memy_v.at[pl.ds(0, LAST)],
                     ysem)

  pltpu.sync_copy(idx_hbm, idx_v)
  pltpu.sync_copy(val_y_hbm, valy_v)

  pltpu.sync_copy(mem_ref.at[pl.ds(lo, 16)], row16_v)
  pltpu.sync_copy(row16_v, valx_ref.at[pl.ds(stage0, 16)])

  lanes = lax.iota(jnp.int32, 16)

  winner_v[pl.ds(0, 16)] = jnp.full((16,), -1, jnp.int32)

  def pass_a(j, carry):
    v = idx_v[pl.ds(j * 16, 16)]
    m = (v >= lo) & (v < hi)
    lt = jnp.where(m, v - lo, 0)
    pos = j * 16 + lanes
    plsc.store_scatter(winner_v, [lt], pos, mask=m)
    return carry

  lax.fori_loop(0, NCHUNK, pass_a, 0)

  w16 = winner_v[pl.ds(0, 16)]
  pad_t = lo + lanes
  pad_w = jnp.where(w16 >= 0, w16, stage0 + lanes)
  for k in range(NWIN + 1):
    tgt_v[pl.ds(k * 16, 16)] = pad_t
    wp_v[pl.ds(k * 16, 16)] = pad_w

  @pl.when(jnp.logical_not(is_last))
  def _():
    pltpu.make_async_copy(memy_ref.at[pl.ds(lo, REG)],
                          memy_v.at[pl.ds(0, REG)], ysem).wait()

  @pl.when(is_last)
  def _():
    pltpu.make_async_copy(memy_ref.at[pl.ds(lo, LAST)],
                          memy_v.at[pl.ds(0, LAST)], ysem).wait()

  def pass_b(j, cnt):
    v = idx_v[pl.ds(j * 16, 16)]
    m = (v >= lo) & (v < hi)
    lt = jnp.where(m, v - lo, 0)
    wpos = plsc.load_gather(winner_v, [lt], mask=m)
    wp = jnp.where(m, wpos, 0)
    vy = plsc.load_gather(valy_v, [wp])
    plsc.store_scatter(memy_v, [lt], vy, mask=m)
    inc = plsc.cumsum(jnp.where(m, 1, 0).astype(jnp.int32))
    m2 = m & ((cnt + inc) <= CAP)
    plsc.store_compressed(tgt_v.at[pl.ds(cnt, 16)], v, mask=m2)
    plsc.store_compressed(wp_v.at[pl.ds(cnt, 16)], wp, mask=m2)
    total = jnp.max(jnp.where(m, inc, 0))
    return cnt + jnp.minimum(total, CAP - cnt)

  lax.fori_loop(0, NCHUNK, pass_b, jnp.int32(0))

  @pl.when(jnp.logical_not(is_last))
  def _():
    pltpu.async_copy(memy_v.at[pl.ds(0, REG)], memy_ref.at[pl.ds(lo, REG)],
                     ysem)

  @pl.when(is_last)
  def _():
    pltpu.async_copy(memy_v.at[pl.ds(0, LAST)], memy_ref.at[pl.ds(lo, LAST)],
                     ysem)

  gathers = [None] * NWIN
  scatters = [None] * NWIN

  def gather_win(k):
    wpv = wp_v[pl.ds(k * 16, 16)]
    gathers[k] = pltpu.async_copy(valx_ref.at[wpv],
                                  rowbuf_v.at[pl.ds((k % NR) * 16, 16)], gsem)

  for k in range(LOOKA):
    gather_win(k)
  drained = set()
  for k in range(NWIN):
    if k + LOOKA < NWIN:
      if k - (NR - LOOKA) >= 0:
        scatters[k - (NR - LOOKA)].wait()
        drained.add(k - (NR - LOOKA))
      gather_win(k + LOOKA)
    gathers[k].wait()
    tgv = tgt_v[pl.ds(k * 16, 16)]
    scatters[k] = pltpu.async_copy(rowbuf_v.at[pl.ds((k % NR) * 16, 16)],
                                   mem_ref.at[tgv], ssem)
  for k in range(NWIN):
    if k not in drained:
      scatters[k].wait()

  @pl.when(jnp.logical_not(is_last))
  def _():
    pltpu.make_async_copy(memy_v.at[pl.ds(0, REG)],
                          memy_ref.at[pl.ds(lo, REG)], ysem).wait()

  @pl.when(is_last)
  def _():
    pltpu.make_async_copy(memy_v.at[pl.ds(0, LAST)],
                          memy_ref.at[pl.ds(lo, LAST)], ysem).wait()


def kernel(mem, mem_y, idx, val, val_y):
  mesh = plsc.VectorSubcoreMesh(core_axis_name="c", subcore_axis_name="s")
  cp = pltpu.CompilerParams()
  if "needs_layout_passes" in pltpu.CompilerParams.__dataclass_fields__:
    cp = dataclasses.replace(cp, needs_layout_passes=False)
  if "use_tc_tiling_on_sc" in pltpu.CompilerParams.__dataclass_fields__:
    cp = dataclasses.replace(cp, use_tc_tiling_on_sc=False)
  run = pl.kernel(
      _body,
      out_type=(),
      mesh=mesh,
      scratch_types=[
          pltpu.VMEM((B,), jnp.int32),
          pltpu.VMEM((B,), jnp.int32),
          pltpu.VMEM((REG,), jnp.int32),
          pltpu.VMEM((REG,), jnp.int32),
          pltpu.VMEM((NR * 16, DP), jnp.float32),
          pltpu.VMEM((16, DP), jnp.float32),
          pltpu.VMEM((CAP + 16,), jnp.int32),
          pltpu.VMEM((CAP + 16,), jnp.int32),
          pltpu.SemaphoreType.DMA,
          pltpu.SemaphoreType.DMA,
          pltpu.SemaphoreType.DMA,
      ],
      compiler_params=cp,
  )
  memp = jnp.pad(mem, ((0, 0), (0, DP - D)))
  valx = jnp.pad(val, ((0, NW * 16), (0, DP - D)))
  mem_ref = jax.new_ref(memp)
  memy_ref = jax.new_ref(mem_y)
  valx_ref = jax.new_ref(valx)
  run(idx, val_y, mem_ref, memy_ref, valx_ref)
  return mem_ref[...][:, :D], memy_ref[...]

# --- scband reference (transcript-rebuilt; emitter-appended) ---
"""Pipeline reference for scband-tmp-buffer-23665269801250 (READ-ONLY COPY).

The authoritative reference and input builder live on the scoring server;
editing this copy changes nothing except your own understanding.
"""

import jax, jax.numpy as jnp
import numpy as np

M = 1000000
D = 32
B = 16384
N_CLASSES = 100


def setup_inputs(seed: int = 0) -> dict:
    key = jax.random.key(seed)
    k1, k2, k3, k4, k5 = jax.random.split(key, 5)
    mem = jax.random.normal(k1, (M, D), dtype=jnp.float32)
    mem_y = jax.random.randint(k2, (M,), 0, N_CLASSES, dtype=jnp.int32)
    idx = jax.random.randint(k3, (B,), 0, M, dtype=jnp.int32)
    val = jax.random.normal(k4, (B, D), dtype=jnp.float32)
    val_y = jax.random.randint(k5, (B,), 0, N_CLASSES, dtype=jnp.int32)
    return {"mem": mem, "mem_y": mem_y, "idx": idx, "val": val, "val_y": val_y}


def reference(mem, mem_y, idx, val, val_y):
    # Faithful jax translation of Tmp_Buffer.update_true_buffer semantics:
    # staged batch (val, val_y) is written into the persistent memory buffer
    # at row positions idx (random reservoir slots in the original, here an
    # explicit int index tensor). Scatter-overwrite: later duplicate writes win
    # nondeterministically, matching dict-based idx_map overwrite.
    new_mem = mem.at[idx].set(val)
    new_mem_y = mem_y.at[idx].set(val_y)
    return new_mem, new_mem_y

if __name__ == "__main__":
    import jax
    _d = setup_inputs()
    print(jax.jit(kernel)(*tuple(_d.values())))

</pallas_src>

<mosaic_0001>
#map = affine_map<(d0, d1) -> (0)>
#map1 = affine_map<(d0, d1) -> (0, 0)>
module attributes {stable_mosaic.version = 14 : i64} {
  func.func @new_body(%arg0: i32, %arg1: i32, %arg2: memref<16384xi32, #tpu.memory_space<hbm>>, %arg3: memref<16384xi32, #tpu.memory_space<hbm>>, %arg4: memref<1000000x128xf32, #tpu.memory_space<hbm>>, %arg5: memref<1000000xi32, #tpu.memory_space<hbm>>, %arg6: memref<16896x128xf32, #tpu.memory_space<hbm>>, %arg7: memref<1000000x128xf32, #tpu.memory_space<hbm>>, %arg8: memref<1000000xi32, #tpu.memory_space<hbm>>, %arg9: memref<16896x128xf32, #tpu.memory_space<hbm>>, %arg10: memref<16384xi32, #tpu.memory_space<vmem>>, %arg11: memref<16384xi32, #tpu.memory_space<vmem>>, %arg12: memref<31264xi32, #tpu.memory_space<vmem>>, %arg13: memref<31264xi32, #tpu.memory_space<vmem>>, %arg14: memref<128x128xf32, #tpu.memory_space<vmem>>, %arg15: memref<16x128xf32, #tpu.memory_space<vmem>>, %arg16: memref<1040xi32, #tpu.memory_space<vmem>>, %arg17: memref<1040xi32, #tpu.memory_space<vmem>>, %arg18: memref<!tpu.dma_semaphore, #tpu.memory_space<semaphore_mem>>, %arg19: memref<!tpu.dma_semaphore, #tpu.memory_space<semaphore_mem>>, %arg20: memref<!tpu.dma_semaphore, #tpu.memory_space<semaphore_mem>>) attributes {dimension_semantics = [#tpu.dimension_semantics<core_parallel>, #tpu.dimension_semantics<subcore_parallel>], iteration_bounds = array<i64: 2, 16>, scalar_prefetch = 0 : i64, scratch_operands = 11 : i64, tpu.core_type = #tpu.core_type<sc_vector_subcore>, window_params = [{transform_indices = #map}, {transform_indices = #map}, {transform_indices = #map1}, {transform_indices = #map}, {transform_indices = #map1}, {transform_indices = #map1}, {transform_indices = #map}, {transform_indices = #map1}]} {
    %mul3A = arith.constant 16 : i32
    %mul3A_0 = arith.muli %arg0, %mul3A : i32
    %add3A = arith.addi %mul3A_0, %arg1 : i32
    %mul3A_1 = arith.constant 31264 : i32
    %mul3A_2 = arith.muli %add3A, %mul3A_1 : i32
    %eq3A = arith.constant 31 : i32
    %eq3A_3 = arith.cmpi eq, %add3A, %eq3A : i32
    %add3A_4 = arith.constant 31264 : i32
    %add3A_5 = arith.addi %mul3A_2, %add3A_4 : i32
    %jit3A = arith.constant 1000000 : i32
    %select_n3A = arith.select %eq3A_3, %jit3A, %add3A_5 : i32
    %mul3A_6 = arith.constant 16 : i32
    %mul3A_7 = arith.muli %add3A, %mul3A_6 : i32
    %add3A_8 = arith.constant 16384 : i32
    %add3A_9 = arith.addi %add3A_8, %mul3A_7 : i32
    %not3A = arith.constant true
    %not3A_10 = arith.xori %eq3A_3, %not3A : i1
    %convert_element_type3A = arith.extui %not3A_10 : i1 to i32
    %cond3A = arith.constant 0 : i32
    %cond3A_11 = arith.cmpi ne, %convert_element_type3A, %cond3A : i32
    scf.if %cond3A_11 {
      %dma_start3A_2111 = arith.constant 0 : i32
      %dma_start3A_2112 = tpu.memref_slice %arg13[%dma_start3A_2111] : memref<31264xi32, #tpu.memory_space<vmem>> -> memref<31264xi32, #tpu.memory_space<vmem>>
      %dma_start3A_2113 = tpu.memref_slice %arg5[%mul3A_2] : memref<1000000xi32, #tpu.memory_space<hbm>> -> memref<31264xi32, #tpu.memory_space<hbm>>
      %dma_start3A_2114 = arith.constant 0 : i32
      %dma_start3A_2115 = tpu.memref_slice %arg13[%dma_start3A_2114] : memref<31264xi32, #tpu.memory_space<vmem>> -> memref<31264xi32, #tpu.memory_space<vmem>>
      %dma_start3A_2116 = tpu.memref_slice %arg5[%mul3A_2] : memref<1000000xi32, #tpu.memory_space<hbm>> -> memref<31264xi32, #tpu.memory_space<hbm>>
      tpu.enqueue_dma source(%dma_start3A_2116 : memref<31264xi32, #tpu.memory_space<hbm>>) target(%dma_start3A_2115 : memref<31264xi32, #tpu.memory_space<vmem>>) target_semaphore(%arg18 : memref<!tpu.dma_semaphore, #tpu.memory_space<semaphore_mem>>)
    } else {
    }
    %convert_element_type3A_12 = arith.extui %eq3A_3 : i1 to i32
    %cond3A_13 = arith.constant 0 : i32
    %cond3A_14 = arith.cmpi ne, %convert_element_type3A_12, %cond3A_13 : i32
    scf.if %cond3A_14 {
      %dma_start3A_2111 = arith.constant 0 : i32
      %dma_start3A_2112 = tpu.memref_slice %arg13[%dma_start3A_2111] : memref<31264xi32, #tpu.memory_space<vmem>> -> memref<30816xi32, #tpu.memory_space<vmem>>
      %dma_start3A_2113 = tpu.memref_slice %arg5[%mul3A_2] : memref<1000000xi32, #tpu.memory_space<hbm>> -> memref<30816xi32, #tpu.memory_space<hbm>>
      %dma_start3A_2114 = arith.constant 0 : i32
      %dma_start3A_2115 = tpu.memref_slice %arg13[%dma_start3A_2114] : memref<31264xi32, #tpu.memory_space<vmem>> -> memref<30816xi32, #tpu.memory_space<vmem>>
      %dma_start3A_2116 = tpu.memref_slice %arg5[%mul3A_2] : memref<1000000xi32, #tpu.memory_space<hbm>> -> memref<30816xi32, #tpu.memory_space<hbm>>
      tpu.enqueue_dma source(%dma_start3A_2116 : memref<30816xi32, #tpu.memory_space<hbm>>) target(%dma_start3A_2115 : memref<30816xi32, #tpu.memory_space<vmem>>) target_semaphore(%arg18 : memref<!tpu.dma_semaphore, #tpu.memory_space<semaphore_mem>>)
    } else {
    }
    "tpu.region"() ({
      %run_scoped3A = tpu.sem_alloc : memref<!tpu.dma_semaphore, #tpu.memory_space<semaphore_mem>>
      tpu.enqueue_dma source(%arg2 : memref<16384xi32, #tpu.memory_space<hbm>>) target(%arg10 : memref<16384xi32, #tpu.memory_space<vmem>>) target_semaphore(%run_scoped3A : memref<!tpu.dma_semaphore, #tpu.memory_space<semaphore_mem>>)
      tpu.wait_dma2 semaphore(%run_scoped3A : memref<!tpu.dma_semaphore, #tpu.memory_space<semaphore_mem>>) src(%arg2 : memref<16384xi32, #tpu.memory_space<hbm>>) dst(%arg10 : memref<16384xi32, #tpu.memory_space<vmem>>)
      tpu.yield
    }) : () -> ()
    "tpu.region"() ({
      %run_scoped3A = tpu.sem_alloc : memref<!tpu.dma_semaphore, #tpu.memory_space<semaphore_mem>>
      tpu.enqueue_dma source(%arg3 : memref<16384xi32, #tpu.memory_space<hbm>>) target(%arg11 : memref<16384xi32, #tpu.memory_space<vmem>>) target_semaphore(%run_scoped3A : memref<!tpu.dma_semaphore, #tpu.memory_space<semaphore_mem>>)
      tpu.wait_dma2 semaphore(%run_scoped3A : memref<!tpu.dma_semaphore, #tpu.memory_space<semaphore_mem>>) src(%arg3 : memref<16384xi32, #tpu.memory_space<hbm>>) dst(%arg11 : memref<16384xi32, #tpu.memory_space<vmem>>)
      tpu.yield
    }) : () -> ()
    "tpu.region"() ({
      %run_scoped3A = tpu.sem_alloc : memref<!tpu.dma_semaphore, #tpu.memory_space<semaphore_mem>>
      %dma_start3A_2111 = arith.constant 0 : i32
      %dma_start3A_2112 = tpu.memref_slice %arg4[%mul3A_2, %dma_start3A_2111] : memref<1000000x128xf32, #tpu.memory_space<hbm>> -> memref<16x128xf32, #tpu.memory_space<hbm>>
      %dma_start3A_2113 = arith.constant 0 : i32
      %dma_start3A_2114 = tpu.memref_slice %arg4[%mul3A_2, %dma_start3A_2113] : memref<1000000x128xf32, #tpu.memory_space<hbm>> -> memref<16x128xf32, #tpu.memory_space<hbm>>
      tpu.enqueue_dma source(%dma_start3A_2114 : memref<16x128xf32, #tpu.memory_space<hbm>>) target(%arg15 : memref<16x128xf32, #tpu.memory_space<vmem>>) target_semaphore(%run_scoped3A : memref<!tpu.dma_semaphore, #tpu.memory_space<semaphore_mem>>)
      %dma_wait3A_2115 = arith.constant 0 : i32
      %dma_wait3A_2116 = tpu.memref_slice %arg4[%mul3A_2, %dma_wait3A_2115] : memref<1000000x128xf32, #tpu.memory_space<hbm>> -> memref<16x128xf32, #tpu.memory_space<hbm>>
      %dma_wait3A_2117 = arith.constant 0 : i32
      %dma_wait3A_2118 = tpu.memref_slice %arg4[%mul3A_2, %dma_wait3A_2117] : memref<1000000x128xf32, #tpu.memory_space<hbm>> -> memref<16x128xf32, #tpu.memory_space<hbm>>
      tpu.wait_dma2 semaphore(%run_scoped3A : memref<!tpu.dma_semaphore, #tpu.memory_space<semaphore_mem>>) src(%dma_wait3A_2118 : memref<16x128xf32, #tpu.memory_space<hbm>>) dst(%arg15 : memref<16x128xf32, #tpu.memory_space<vmem>>)
      tpu.yield
    }) : () -> ()
    "tpu.region"() ({
      %run_scoped3A = tpu.sem_alloc : memref<!tpu.dma_semaphore, #tpu.memory_space<semaphore_mem>>
      %dma_start3A_2111 = arith.constant 0 : i32
      %dma_start3A_2112 = tpu.memref_slice %arg6[%add3A_9, %dma_start3A_2111] : memref<16896x128xf32, #tpu.memory_space<hbm>> -> memref<16x128xf32, #tpu.memory_space<hbm>>
      %dma_start3A_2113 = arith.constant 0 : i32
      %dma_start3A_2114 = tpu.memref_slice %arg6[%add3A_9, %dma_start3A_2113] : memref<16896x128xf32, #tpu.memory_space<hbm>> -> memref<16x128xf32, #tpu.memory_space<hbm>>
      tpu.enqueue_dma source(%arg15 : memref<16x128xf32, #tpu.memory_space<vmem>>) target(%dma_start3A_2114 : memref<16x128xf32, #tpu.memory_space<hbm>>) target_semaphore(%run_scoped3A : memref<!tpu.dma_semaphore, #tpu.memory_space<semaphore_mem>>)
      %dma_wait3A_2115 = arith.constant 0 : i32
      %dma_wait3A_2116 = tpu.memref_slice %arg6[%add3A_9, %dma_wait3A_2115] : memref<16896x128xf32, #tpu.memory_space<hbm>> -> memref<16x128xf32, #tpu.memory_space<hbm>>
      %dma_wait3A_2117 = arith.constant 0 : i32
      %dma_wait3A_2118 = tpu.memref_slice %arg6[%add3A_9, %dma_wait3A_2117] : memref<16896x128xf32, #tpu.memory_space<hbm>> -> memref<16x128xf32, #tpu.memory_space<hbm>>
      tpu.wait_dma2 semaphore(%run_scoped3A : memref<!tpu.dma_semaphore, #tpu.memory_space<semaphore_mem>>) src(%arg15 : memref<16x128xf32, #tpu.memory_space<vmem>>) dst(%dma_wait3A_2118 : memref<16x128xf32, #tpu.memory_space<hbm>>)
      tpu.yield
    }) : () -> ()
    %iota3A = tpu.iota {dimensions = array<i32: 0>} : vector<16xi32>
    %broadcast_in_dim3A = arith.constant -1 : i32
    %broadcast_in_dim3A_15 = vector.broadcast %broadcast_in_dim3A : i32 to vector<16xi32>
    %swap3A = arith.constant 0 : index
    %swap3A_16 = tpu.vector_load %arg12[%swap3A] {strides = array<i32>} : memref<31264xi32, #tpu.memory_space<vmem>>, vector<16xi32>,
    tpu.vector_store %arg12[%swap3A], %broadcast_in_dim3A_15 {strides = array<i32>} : memref<31264xi32, #tpu.memory_space<vmem>>, vector<16xi32>,
    %scan3A = arith.constant 0 : i32
    %scan3A_17 = arith.constant 0 : i32
    %scan3A_18 = arith.constant 1024 : i32
    %scan3A_19 = arith.addi %scan3A_17, %scan3A_18 : i32
    %scan3A_20 = arith.constant 1 : i32
    scf.for %scan3A_2111 = %scan3A_17 to %scan3A_19 step %scan3A_20  : i32 {
      %mul3A_2112 = arith.constant 16 : i32
      %mul3A_2113 = arith.muli %scan3A_2111, %mul3A_2112 : i32
      %get3A_2114 = arith.index_cast %mul3A_2113 : i32 to index
      %get3A_2115 = tpu.vector_load %arg10[%get3A_2114] {strides = array<i32>} : memref<16384xi32, #tpu.memory_space<vmem>>, vector<16xi32>,
      %ge3A_2116 = vector.broadcast %mul3A_2 : i32 to vector<16xi32>
      %ge3A_2117 = arith.cmpi sge, %get3A_2115, %ge3A_2116 : vector<16xi32>
      %lt3A = vector.broadcast %select_n3A : i32 to vector<16xi32>
      %lt3A_2118 = arith.cmpi slt, %get3A_2115, %lt3A : vector<16xi32>
      %and3A = arith.andi %ge3A_2117, %lt3A_2118 : vector<16xi1>
      %sub3A = vector.broadcast %mul3A_2 : i32 to vector<16xi32>
      %sub3A_2119 = arith.subi %get3A_2115, %sub3A : vector<16xi32>
      %jit3A_2120 = arith.constant 0 : i32
      %broadcast_in_dim3A_2121 = vector.broadcast %jit3A_2120 : i32 to vector<16xi32>
      %select_n3A_2122 = arith.select %and3A, %sub3A_2119, %broadcast_in_dim3A_2121 : vector<16xi1>, vector<16xi32>
      %mul3A_2123 = arith.constant 16 : i32
      %mul3A_2124 = arith.muli %scan3A_2111, %mul3A_2123 : i32
      %add3A_2125 = vector.broadcast %mul3A_2124 : i32 to vector<16xi32>
      %add3A_2126 = arith.addi %add3A_2125, %iota3A : vector<16xi32>
      tpu.vector_store_idx %arg12[%select_n3A_2122], %add3A_2126 masked %and3A : memref<31264xi32, #tpu.memory_space<vmem>>[vector<16xi32>], vector<16xi32>, vector<16xi1>
    }
    %scan3A_21 = arith.constant 1024 : i32
    %get3A = arith.constant 0 : index
    %get3A_22 = tpu.vector_load %arg12[%get3A] {strides = array<i32>} : memref<31264xi32, #tpu.memory_space<vmem>>, vector<16xi32>,
    %add3A_23 = vector.broadcast %mul3A_2 : i32 to vector<16xi32>
    %add3A_24 = arith.addi %add3A_23, %iota3A : vector<16xi32>
    %ge3A = arith.constant 0 : i32
    %ge3A_25 = vector.broadcast %ge3A : i32 to vector<16xi32>
    %ge3A_26 = arith.cmpi sge, %get3A_22, %ge3A_25 : vector<16xi32>
    %add3A_27 = vector.broadcast %add3A_9 : i32 to vector<16xi32>
    %add3A_28 = arith.addi %add3A_27, %iota3A : vector<16xi32>
    %select_n3A_29 = arith.select %ge3A_26, %get3A_22, %add3A_28 : vector<16xi1>, vector<16xi32>
    %swap3A_30 = arith.constant 0 : index
    %swap3A_31 = tpu.vector_load %arg16[%swap3A_30] {strides = array<i32>} : memref<1040xi32, #tpu.memory_space<vmem>>, vector<16xi32>,
    tpu.vector_store %arg16[%swap3A_30], %add3A_24 {strides = array<i32>} : memref<1040xi32, #tpu.memory_space<vmem>>, vector<16xi32>,
    %swap3A_32 = arith.constant 0 : index
    %swap3A_33 = tpu.vector_load %arg17[%swap3A_32] {strides = array<i32>} : memref<1040xi32, #tpu.memory_space<vmem>>, vector<16xi32>,
    tpu.vector_store %arg17[%swap3A_32], %select_n3A_29 {strides = array<i32>} : memref<1040xi32, #tpu.memory_space<vmem>>, vector<16xi32>,
    %swap3A_34 = arith.constant 16 : index
    %swap3A_35 = tpu.vector_load %arg16[%swap3A_34] {strides = array<i32>} : memref<1040xi32, #tpu.memory_space<vmem>>, vector<16xi32>,
    tpu.vector_store %arg16[%swap3A_34], %add3A_24 {strides = array<i32>} : memref<1040xi32, #tpu.memory_space<vmem>>, vector<16xi32>,
    %swap3A_36 = arith.constant 16 : index
    %swap3A_37 = tpu.vector_load %arg17[%swap3A_36] {strides = array<i32>} : memref<1040xi32, #tpu.memory_space<vmem>>, vector<16xi32>,
    tpu.vector_store %arg17[%swap3A_36], %select_n3A_29 {strides = array<i32>} : memref<1040xi32, #tpu.memory_space<vmem>>, vector<16xi32>,
    %swap3A_38 = arith.constant 32 : index
    %swap3A_39 = tpu.vector_load %arg16[%swap3A_38] {strides = array<i32>} : memref<1040xi32, #tpu.memory_space<vmem>>, vector<16xi32>,
    tpu.vector_store %arg16[%swap3A_38], %add3A_24 {strides = array<i32>} : memref<1040xi32, #tpu.memory_space<vmem>>, vector<16xi32>,
    %swap3A_40 = arith.constant 32 : index
    %swap3A_41 = tpu.vector_load %arg17[%swap3A_40] {strides = array<i32>} : memref<1040xi32, #tpu.memory_space<vmem>>, vector<16xi32>,
    tpu.vector_store %arg17[%swap3A_40], %select_n3A_29 {strides = array<i32>} : memref<1040xi32, #tpu.memory_space<vmem>>, vector<16xi32>,
    %swap3A_42 = arith.constant 48 : index
    %swap3A_43 = tpu.vector_load %arg16[%swap3A_42] {strides = array<i32>} : memref<1040xi32, #tpu.memory_space<vmem>>, vector<16xi32>,
    tpu.vector_store %arg16[%swap3A_42], %add3A_24 {strides = array<i32>} : memref<1040xi32, #tpu.memory_space<vmem>>, vector<16xi32>,
    %swap3A_44 = arith.constant 48 : index
    %swap3A_45 = tpu.vector_load %arg17[%swap3A_44] {strides = array<i32>} : memref<1040xi32, #tpu.memory_space<vmem>>, vector<16xi32>,
    tpu.vector_store %arg17[%swap3A_44], %select_n3A_29 {strides = array<i32>} : memref<1040xi32, #tpu.memory_space<vmem>>, vector<16xi32>,
    %swap3A_46 = arith.constant 64 : index
    %swap3A_47 = tpu.vector_load %arg16[%swap3A_46] {strides = array<i32>} : memref<1040xi32, #tpu.memory_space<vmem>>, vector<16xi32>,
    tpu.vector_store %arg16[%swap3A_46], %add3A_24 {strides = array<i32>} : memref<1040xi32, #tpu.memory_space<vmem>>, vector<16xi32>,
    %swap3A_48 = arith.constant 64 : index
    %swap3A_49 = tpu.vector_load %arg17[%swap3A_48] {strides = array<i32>} : memref<1040xi32, #tpu.memory_space<vmem>>, vector<16xi32>,
    tpu.vector_store %arg17[%swap3A_48], %select_n3A_29 {strides = array<i32>} : memref<1040xi32, #tpu.memory_space<vmem>>, vector<16xi32>,
    %swap3A_50 = arith.constant 80 : index
    %swap3A_51 = tpu.vector_load %arg16[%swap3A_50] {strides = array<i32>} : memref<1040xi32, #tpu.memory_space<vmem>>, vector<16xi32>,
    tpu.vector_store %arg16[%swap3A_50], %add3A_24 {strides = array<i32>} : memref<1040xi32, #tpu.memory_space<vmem>>, vector<16xi32>,
    %swap3A_52 = arith.constant 80 : index
    %swap3A_53 = tpu.vector_load %arg17[%swap3A_52] {strides = array<i32>} : memref<1040xi32, #tpu.memory_space<vmem>>, vector<16xi32>,
    tpu.vector_store %arg17[%swap3A_52], %select_n3A_29 {strides = array<i32>} : memref<1040xi32, #tpu.memory_space<vmem>>, vector<16xi32>,
    %swap3A_54 = arith.constant 96 : index
    %swap3A_55 = tpu.vector_load %arg16[%swap3A_54] {strides = array<i32>} : memref<1040xi32, #tpu.memory_space<vmem>>, vector<16xi32>,
    tpu.vector_store %arg16[%swap3A_54], %add3A_24 {strides = array<i32>} : memref<1040xi32, #tpu.memory_space<vmem>>, vector<16xi32>,
    %swap3A_56 = arith.constant 96 : index
    %swap3A_57 = tpu.vector_load %arg17[%swap3A_56] {strides = array<i32>} : memref<1040xi32, #tpu.memory_space<vmem>>, vector<16xi32>,
    tpu.vector_store %arg17[%swap3A_56], %select_n3A_29 {strides = array<i32>} : memref<1040xi32, #tpu.memory_space<vmem>>, vector<16xi32>,
    %swap3A_58 = arith.constant 112 : index
    %swap3A_59 = tpu.vector_load %arg16[%swap3A_58] {strides = array<i32>} : memref<1040xi32, #tpu.memory_space<vmem>>, vector<16xi32>,
    tpu.vector_store %arg16[%swap3A_58], %add3A_24 {strides = array<i32>} : memref<1040xi32, #tpu.memory_space<vmem>>, vector<16xi32>,
    %swap3A_60 = arith.constant 112 : index
    %swap3A_61 = tpu.vector_load %arg17[%swap3A_60] {strides = array<i32>} : memref<1040xi32, #tpu.memory_space<vmem>>, vector<16xi32>,
    tpu.vector_store %arg17[%swap3A_60], %select_n3A_29 {strides = array<i32>} : memref<1040xi32, #tpu.memory_space<vmem>>, vector<16xi32>,
    %swap3A_62 = arith.constant 128 : index
    %swap3A_63 = tpu.vector_load %arg16[%swap3A_62] {strides = array<i32>} : memref<1040xi32, #tpu.memory_space<vmem>>, vector<16xi32>,
    tpu.vector_store %arg16[%swap3A_62], %add3A_24 {strides = array<i32>} : memref<1040xi32, #tpu.memory_space<vmem>>, vector<16xi32>,
    %swap3A_64 = arith.constant 128 : index
    %swap3A_65 = tpu.vector_load %arg17[%swap3A_64] {strides = array<i32>} : memref<1040xi32, #tpu.memory_space<vmem>>, vector<16xi32>,
    tpu.vector_store %arg17[%swap3A_64], %select_n3A_29 {strides = array<i32>} : memref<1040xi32, #tpu.memory_space<vmem>>, vector<16xi32>,
    %swap3A_66 = arith.constant 144 : index
    %swap3A_67 = tpu.vector_load %arg16[%swap3A_66] {strides = array<i32>} : memref<1040xi32, #tpu.memory_space<vmem>>, vector<16xi32>,
    tpu.vector_store %arg16[%swap3A_66], %add3A_24 {strides = array<i32>} : memref<1040xi32, #tpu.memory_space<vmem>>, vector<16xi32>,
    %swap3A_68 = arith.constant 144 : index
    %swap3A_69 = tpu.vector_load %arg17[%swap3A_68] {strides = array<i32>} : memref<1040xi32, #tpu.memory_space<vmem>>, vector<16xi32>,
    tpu.vector_store %arg17[%swap3A_68], %select_n3A_29 {strides = array<i32>} : memref<1040xi32, #tpu.memory_space<vmem>>, vector<16xi32>,
    %swap3A_70 = arith.constant 160 : index
    %swap3A_71 = tpu.vector_load %arg16[%swap3A_70] {strides = array<i32>} : memref<1040xi32, #tpu.memory_space<vmem>>, vector<16xi32>,
    tpu.vector_store %arg16[%swap3A_70], %add3A_24 {strides = array<i32>} : memref<1040xi32, #tpu.memory_space<vmem>>, vector<16xi32>,
    %swap3A_72 = arith.constant 160 : index
    %swap3A_73 = tpu.vector_load %arg17[%swap3A_72] {strides = array<i32>} : memref<1040xi32, #tpu.memory_space<vmem>>, vector<16xi32>,
    tpu.vector_store %arg17[%swap3A_72], %select_n3A_29 {strides = array<i32>} : memref<1040xi32, #tpu.memory_space<vmem>>, vector<16xi32>,
    %swap3A_74 = arith.constant 176 : index
    %swap3A_75 = tpu.vector_load %arg16[%swap3A_74] {strides = array<i32>} : memref<1040xi32, #tpu.memory_space<vmem>>, vector<16xi32>,
    tpu.vector_store %arg16[%swap3A_74], %add3A_24 {strides = array<i32>} : memref<1040xi32, #tpu.memory_space<vmem>>, vector<16xi32>,
    %swap3A_76 = arith.constant 176 : index
    %swap3A_77 = tpu.vector_load %arg17[%swap3A_76] {strides = array<i32>} : memref<1040xi32, #tpu.memory_space<vmem>>, vector<16xi32>,
    tpu.vector_store %arg17[%swap3A_76], %select_n3A_29 {strides = array<i32>} : memref<1040xi32, #tpu.memory_space<vmem>>, vector<16xi32>,
    %swap3A_78 = arith.constant 192 : index
    %swap3A_79 = tpu.vector_load %arg16[%swap3A_78] {strides = array<i32>} : memref<1040xi32, #tpu.memory_space<vmem>>, vector<16xi32>,
    tpu.vector_store %arg16[%swap3A_78], %add3A_24 {strides = array<i32>} : memref<1040xi32, #tpu.memory_space<vmem>>, vector<16xi32>,
    %swap3A_80 = arith.constant 192 : index
    %swap3A_81 = tpu.vector_load %arg17[%swap3A_80] {strides = array<i32>} : memref<1040xi32, #tpu.memory_space<vmem>>, vector<16xi32>,
    tpu.vector_store %arg17[%swap3A_80], %select_n3A_29 {strides = array<i32>} : memref<1040xi32, #tpu.memory_space<vmem>>, vector<16xi32>,
    %swap3A_82 = arith.constant 208 : index
    %swap3A_83 = tpu.vector_load %arg16[%swap3A_82] {strides = array<i32>} : memref<1040xi32, #tpu.memory_space<vmem>>, vector<16xi32>,
    tpu.vector_store %arg16[%swap3A_82], %add3A_24 {strides = array<i32>} : memref<1040xi32, #tpu.memory_space<vmem>>, vector<16xi32>,
    %swap3A_84 = arith.constant 208 : index
    %swap3A_85 = tpu.vector_load %arg17[%swap3A_84] {strides = array<i32>} : memref<1040xi32, #tpu.memory_space<vmem>>, vector<16xi32>,
    tpu.vector_store %arg17[%swap3A_84], %select_n3A_29 {strides = array<i32>} : memref<1040xi32, #tpu.memory_space<vmem>>, vector<16xi32>,
    %swap3A_86 = arith.constant 224 : index
    %swap3A_87 = tpu.vector_load %arg16[%swap3A_86] {strides = array<i32>} : memref<1040xi32, #tpu.memory_space<vmem>>, vector<16xi32>,
    tpu.vector_store %arg16[%swap3A_86], %add3A_24 {strides = array<i32>} : memref<1040xi32, #tpu.memory_space<vmem>>, vector<16xi32>,
    %swap3A_88 = arith.constant 224 : index
    %swap3A_89 = tpu.vector_load %arg17[%swap3A_88] {strides = array<i32>} : memref<1040xi32, #tpu.memory_space<vmem>>, vector<16xi32>,
    tpu.vector_store %arg17[%swap3A_88], %select_n3A_29 {strides = array<i32>} : memref<1040xi32, #tpu.memory_space<vmem>>, vector<16xi32>,
    %swap3A_90 = arith.constant 240 : index
    %swap3A_91 = tpu.vector_load %arg16[%swap3A_90] {strides = array<i32>} : memref<1040xi32, #tpu.memory_space<vmem>>, vector<16xi32>,
    tpu.vector_store %arg16[%swap3A_90], %add3A_24 {strides = array<i32>} : memref<1040xi32, #tpu.memory_space<vmem>>, vector<16xi32>,
    %swap3A_92 = arith.constant 240 : index
    %swap3A_93 = tpu.vector_load %arg17[%swap3A_92] {strides = array<i32>} : memref<1040xi32, #tpu.memory_space<vmem>>, vector<16xi32>,
    tpu.vector_store %arg17[%swap3A_92], %select_n3A_29 {strides = array<i32>} : memref<1040xi32, #tpu.memory_space<vmem>>, vector<16xi32>,
    %swap3A_94 = arith.constant 256 : index
    %swap3A_95 = tpu.vector_load %arg16[%swap3A_94] {strides = array<i32>} : memref<1040xi32, #tpu.memory_space<vmem>>, vector<16xi32>,
    tpu.vector_store %arg16[%swap3A_94], %add3A_24 {strides = array<i32>} : memref<1040xi32, #tpu.memory_space<vmem>>, vector<16xi32>,
    %swap3A_96 = arith.constant 256 : index
    %swap3A_97 = tpu.vector_load %arg17[%swap3A_96] {strides = array<i32>} : memref<1040xi32, #tpu.memory_space<vmem>>, vector<16xi32>,
    tpu.vector_store %arg17[%swap3A_96], %select_n3A_29 {strides = array<i32>} : memref<1040xi32, #tpu.memory_space<vmem>>, vector<16xi32>,
    %swap3A_98 = arith.constant 272 : index
    %swap3A_99 = tpu.vector_load %arg16[%swap3A_98] {strides = array<i32>} : memref<1040xi32, #tpu.memory_space<vmem>>, vector<16xi32>,
    tpu.vector_store %arg16[%swap3A_98], %add3A_24 {strides = array<i32>} : memref<1040xi32, #tpu.memory_space<vmem>>, vector<16xi32>,
    %swap3A_100 = arith.constant 272 : index
    %swap3A_101 = tpu.vector_load %arg17[%swap3A_100] {strides = array<i32>} : memref<1040xi32, #tpu.memory_space<vmem>>, vector<16xi32>,
    tpu.vector_store %arg17[%swap3A_100], %select_n3A_29 {strides = array<i32>} : memref<1040xi32, #tpu.memory_space<vmem>>, vector<16xi32>,
    %swap3A_102 = arith.constant 288 : index
    %swap3A_103 = tpu.vector_load %arg16[%swap3A_102] {strides = array<i32>} : memref<1040xi32, #tpu.memory_space<vmem>>, vector<16xi32>,
    tpu.vector_store %arg16[%swap3A_102], %add3A_24 {strides = array<i32>} : memref<1040xi32, #tpu.memory_space<vmem>>, vector<16xi32>,
    %swap3A_104 = arith.constant 288 : index
    %swap3A_105 = tpu.vector_load %arg17[%swap3A_104] {strides = array<i32>} : memref<1040xi32, #tpu.memory_space<vmem>>, vector<16xi32>,
    tpu.vector_store %arg17[%swap3A_104], %select_n3A_29 {strides = array<i32>} : memref<1040xi32, #tpu.memory_space<vmem>>, vector<16xi32>,
    %swap3A_106 = arith.constant 304 : index
    %swap3A_107 = tpu.vector_load %arg16[%swap3A_106] {strides = array<i32>} : memref<1040xi32, #tpu.memory_space<vmem>>, vector<16xi32>,
    tpu.vector_store %arg16[%swap3A_106], %add3A_24 {strides = array<i32>} : memref<1040xi32, #tpu.memory_space<vmem>>, vector<16xi32>,
    %swap3A_108 = arith.constant 304 : index
    %swap3A_109 = tpu.vector_load %arg17[%swap3A_108] {strides = array<i32>} : memref<1040xi32, #tpu.memory_space<vmem>>, vector<16xi32>,
    tpu.vector_store %arg17[%swap3A_108], %select_n3A_29 {strides = array<i32>} : memref<1040xi32, #tpu.memory_space<vmem>>, vector<16xi32>,
    %swap3A_110 = arith.constant 320 : index
    %swap3A_111 = tpu.vector_load %arg16[%swap3A_110] {strides = array<i32>} : memref<1040xi32, #tpu.memory_space<vmem>>, vector<16xi32>,
    tpu.vector_store %arg16[%swap3A_110], %add3A_24 {strides = array<i32>} : memref<1040xi32, #tpu.memory_space<vmem>>, vector<16xi32>,
    %swap3A_112 = arith.constant 320 : index
    %swap3A_113 = tpu.vector_load %arg17[%swap3A_112] {strides = array<i32>} : memref<1040xi32, #tpu.memory_space<vmem>>, vector<16xi32>,
    tpu.vector_store %arg17[%swap3A_112], %select_n3A_29 {strides = array<i32>} : memref<1040xi32, #tpu.memory_space<vmem>>, vector<16xi32>,
    %swap3A_114 = arith.constant 336 : index
    %swap3A_115 = tpu.vector_load %arg16[%swap3A_114] {strides = array<i32>} : memref<1040xi32, #tpu.memory_space<vmem>>, vector<16xi32>,
    tpu.vector_store %arg16[%swap3A_114], %add3A_24 {strides = array<i32>} : memref<1040xi32, #tpu.memory_space<vmem>>, vector<16xi32>,
    %swap3A_116 = arith.constant 336 : index
    %swap3A_117 = tpu.vector_load %arg17[%swap3A_116] {strides = array<i32>} : memref<1040xi32, #tpu.memory_space<vmem>>, vector<16xi32>,
    tpu.vector_store %arg17[%swap3A_116], %select_n3A_29 {strides = array<i32>} : memref<1040xi32, #tpu.memory_space<vmem>>, vector<16xi32>,
    %swap3A_118 = arith.constant 352 : index
    %swap3A_119 = tpu.vector_load %arg16[%swap3A_118] {strides = array<i32>} : memref<1040xi32, #tpu.memory_space<vmem>>, vector<16xi32>,
    tpu.vector_store %arg16[%swap3A_118], %add3A_24 {strides = array<i32>} : memref<1040xi32, #tpu.memory_space<vmem>>, vector<16xi32>,
    %swap3A_120 = arith.constant 352 : index
    %swap3A_121 = tpu.vector_load %arg17[%swap3A_120] {strides = array<i32>} : memref<1040xi32, #tpu.memory_space<vmem>>, vector<16xi32>,
    tpu.vector_store %arg17[%swap3A_120], %select_n3A_29 {strides = array<i32>} : memref<1040xi32, #tpu.memory_space<vmem>>, vector<16xi32>,
    %swap3A_122 = arith.constant 368 : index
    %swap3A_123 = tpu.vector_load %arg16[%swap3A_122] {strides = array<i32>} : memref<1040xi32, #tpu.memory_space<vmem>>, vector<16xi32>,
    tpu.vector_store %arg16[%swap3A_122], %add3A_24 {strides = array<i32>} : memref<1040xi32, #tpu.memory_space<vmem>>, vector<16xi32>,
    %swap3A_124 = arith.constant 368 : index
    %swap3A_125 = tpu.vector_load %arg17[%swap3A_124] {strides = array<i32>} : memref<1040xi32, #tpu.memory_space<vmem>>, vector<16xi32>,
    tpu.vector_store %arg17[%swap3A_124], %select_n3A_29 {strides = array<i32>} : memref<1040xi32, #tpu.memory_space<vmem>>, vector<16xi32>,
    %swap3A_126 = arith.constant 384 : index
    %swap3A_127 = tpu.vector_load %arg16[%swap3A_126] {strides = array<i32>} : memref<1040xi32, #tpu.memory_space<vmem>>, vector<16xi32>,
    tpu.vector_store %arg16[%swap3A_126], %add3A_24 {strides = array<i32>} : memref<1040xi32, #tpu.memory_space<vmem>>, vector<16xi32>,
    %swap3A_128 = arith.constant 384 : index
    %swap3A_129 = tpu.vector_load %arg17[%swap3A_128] {strides = array<i32>} : memref<1040xi32, #tpu.memory_space<vmem>>, vector<16xi32>,
    tpu.vector_store %arg17[%swap3A_128], %select_n3A_29 {strides = array<i32>} : memref<1040xi32, #tpu.memory_space<vmem>>, vector<16xi32>,
    %swap3A_130 = arith.constant 400 : index
    %swap3A_131 = tpu.vector_load %arg16[%swap3A_130] {strides = array<i32>} : memref<1040xi32, #tpu.memory_space<vmem>>, vector<16xi32>,
    tpu.vector_store %arg16[%swap3A_130], %add3A_24 {strides = array<i32>} : memref<1040xi32, #tpu.memory_space<vmem>>, vector<16xi32>,
    %swap3A_132 = arith.constant 400 : index
    %swap3A_133 = tpu.vector_load %arg17[%swap3A_132] {strides = array<i32>} : memref<1040xi32, #tpu.memory_space<vmem>>, vector<16xi32>,
    tpu.vector_store %arg17[%swap3A_132], %select_n3A_29 {strides = array<i32>} : memref<1040xi32, #tpu.memory_space<vmem>>, vector<16xi32>,
    %swap3A_134 = arith.constant 416 : index
    %swap3A_135 = tpu.vector_load %arg16[%swap3A_134] {strides = array<i32>} : memref<1040xi32, #tpu.memory_space<vmem>>, vector<16xi32>,
    tpu.vector_store %arg16[%swap3A_134], %add3A_24 {strides = array<i32>} : memref<1040xi32, #tpu.memory_space<vmem>>, vector<16xi32>,
    %swap3A_136 = arith.constant 416 : index
    %swap3A_137 = tpu.vector_load %arg17[%swap3A_136] {strides = array<i32>} : memref<1040xi32, #tpu.memory_space<vmem>>, vector<16xi32>,
    tpu.vector_store %arg17[%swap3A_136], %select_n3A_29 {strides = array<i32>} : memref<1040xi32, #tpu.memory_space<vmem>>, vector<16xi32>,
    %swap3A_138 = arith.constant 432 : index
    %swap3A_139 = tpu.vector_load %arg16[%swap3A_138] {strides = array<i32>} : memref<1040xi32, #tpu.memory_space<vmem>>, vector<16xi32>,
    tpu.vector_store %arg16[%swap3A_138], %add3A_24 {strides = array<i32>} : memref<1040xi32, #tpu.memory_space<vmem>>, vector<16xi32>,
    %swap3A_140 = arith.constant 432 : index
    %swap3A_141 = tpu.vector_load %arg17[%swap3A_140] {strides = array<i32>} : memref<1040xi32, #tpu.memory_space<vmem>>, vector<16xi32>,
    tpu.vector_store %arg17[%swap3A_140], %select_n3A_29 {strides = array<i32>} : memref<1040xi32, #tpu.memory_space<vmem>>, vector<16xi32>,
    %swap3A_142 = arith.constant 448 : index
    %swap3A_143 = tpu.vector_load %arg16[%swap3A_142] {strides = array<i32>} : memref<1040xi32, #tpu.memory_space<vmem>>, vector<16xi32>,
    tpu.vector_store %arg16[%swap3A_142], %add3A_24 {strides = array<i32>} : memref<1040xi32, #tpu.memory_space<vmem>>, vector<16xi32>,
    %swap3A_144 = arith.constant 448 : index
    %swap3A_145 = tpu.vector_load %arg17[%swap3A_144] {strides = array<i32>} : memref<1040xi32, #tpu.memory_space<vmem>>, vector<16xi32>,
    tpu.vector_store %arg17[%swap3A_144], %select_n3A_29 {strides = array<i32>} : memref<1040xi32, #tpu.memory_space<vmem>>, vector<16xi32>,
    %swap3A_146 = arith.constant 464 : index
    %swap3A_147 = tpu.vector_load %arg16[%swap3A_146] {strides = array<i32>} : memref<1040xi32, #tpu.memory_space<vmem>>, vector<16xi32>,
    tpu.vector_store %arg16[%swap3A_146], %add3A_24 {strides = array<i32>} : memref<1040xi32, #tpu.memory_space<vmem>>, vector<16xi32>,
    %swap3A_148 = arith.constant 464 : index
    %swap3A_149 = tpu.vector_load %arg17[%swap3A_148] {strides = array<i32>} : memref<1040xi32, #tpu.memory_space<vmem>>, vector<16xi32>,
    tpu.vector_store %arg17[%swap3A_148], %select_n3A_29 {strides = array<i32>} : memref<1040xi32, #tpu.memory_space<vmem>>, vector<16xi32>,
    %swap3A_150 = arith.constant 480 : index
    %swap3A_151 = tpu.vector_load %arg16[%swap3A_150] {strides = array<i32>} : memref<1040xi32, #tpu.memory_space<vmem>>, vector<16xi32>,
    tpu.vector_store %arg16[%swap3A_150], %add3A_24 {strides = array<i32>} : memref<1040xi32, #tpu.memory_space<vmem>>, vector<16xi32>,
    %swap3A_152 = arith.constant 480 : index
    %swap3A_153 = tpu.vector_load %arg17[%swap3A_152] {strides = array<i32>} : memref<1040xi32, #tpu.memory_space<vmem>>, vector<16xi32>,
    tpu.vector_store %arg17[%swap3A_152], %select_n3A_29 {strides = array<i32>} : memref<1040xi32, #tpu.memory_space<vmem>>, vector<16xi32>,
    %swap3A_154 = arith.constant 496 : index
    %swap3A_155 = tpu.vector_load %arg16[%swap3A_154] {strides = array<i32>} : memref<1040xi32, #tpu.memory_space<vmem>>, vector<16xi32>,
    tpu.vector_store %arg16[%swap3A_154], %add3A_24 {strides = array<i32>} : memref<1040xi32, #tpu.memory_space<vmem>>, vector<16xi32>,
    %swap3A_156 = arith.constant 496 : index
    %swap3A_157 = tpu.vector_load %arg17[%swap3A_156] {strides = array<i32>} : memref<1040xi32, #tpu.memory_space<vmem>>, vector<16xi32>,
    tpu.vector_store %arg17[%swap3A_156], %select_n3A_29 {strides = array<i32>} : memref<1040xi32, #tpu.memory_space<vmem>>, vector<16xi32>,
    %swap3A_158 = arith.constant 512 : index
    %swap3A_159 = tpu.vector_load %arg16[%swap3A_158] {strides = array<i32>} : memref<1040xi32, #tpu.memory_space<vmem>>, vector<16xi32>,
    tpu.vector_store %arg16[%swap3A_158], %add3A_24 {strides = array<i32>} : memref<1040xi32, #tpu.memory_space<vmem>>, vector<16xi32>,
    %swap3A_160 = arith.constant 512 : index
    %swap3A_161 = tpu.vector_load %arg17[%swap3A_160] {strides = array<i32>} : memref<1040xi32, #tpu.memory_space<vmem>>, vector<16xi32>,
    tpu.vector_store %arg17[%swap3A_160], %select_n3A_29 {strides = array<i32>} : memref<1040xi32, #tpu.memory_space<vmem>>, vector<16xi32>,
    %swap3A_162 = arith.constant 528 : index
    %swap3A_163 = tpu.vector_load %arg16[%swap3A_162] {strides = array<i32>} : memref<1040xi32, #tpu.memory_space<vmem>>, vector<16xi32>,
    tpu.vector_store %arg16[%swap3A_162], %add3A_24 {strides = array<i32>} : memref<1040xi32, #tpu.memory_space<vmem>>, vector<16xi32>,
    %swap3A_164 = arith.constant 528 : index
    %swap3A_165 = tpu.vector_load %arg17[%swap3A_164] {strides = array<i32>} : memref<1040xi32, #tpu.memory_space<vmem>>, vector<16xi32>,
    tpu.vector_store %arg17[%swap3A_164], %select_n3A_29 {strides = array<i32>} : memref<1040xi32, #tpu.memory_space<vmem>>, vector<16xi32>,
    %swap3A_166 = arith.constant 544 : index
    %swap3A_167 = tpu.vector_load %arg16[%swap3A_166] {strides = array<i32>} : memref<1040xi32, #tpu.memory_space<vmem>>, vector<16xi32>,
    tpu.vector_store %arg16[%swap3A_166], %add3A_24 {strides = array<i32>} : memref<1040xi32, #tpu.memory_space<vmem>>, vector<16xi32>,
    %swap3A_168 = arith.constant 544 : index
    %swap3A_169 = tpu.vector_load %arg17[%swap3A_168] {strides = array<i32>} : memref<1040xi32, #tpu.memory_space<vmem>>, vector<16xi32>,
    tpu.vector_store %arg17[%swap3A_168], %select_n3A_29 {strides = array<i32>} : memref<1040xi32, #tpu.memory_space<vmem>>, vector<16xi32>,
    %swap3A_170 = arith.constant 560 : index
    %swap3A_171 = tpu.vector_load %arg16[%swap3A_170] {strides = array<i32>} : memref<1040xi32, #tpu.memory_space<vmem>>, vector<16xi32>,
    tpu.vector_store %arg16[%swap3A_170], %add3A_24 {strides = array<i32>} : memref<1040xi32, #tpu.memory_space<vmem>>, vector<16xi32>,
    %swap3A_172 = arith.constant 560 : index
    %swap3A_173 = tpu.vector_load %arg17[%swap3A_172] {strides = array<i32>} : memref<1040xi32, #tpu.memory_space<vmem>>, vector<16xi32>,
    tpu.vector_store %arg17[%swap3A_172], %select_n3A_29 {strides = array<i32>} : memref<1040xi32, #tpu.memory_space<vmem>>, vector<16xi32>,
    %swap3A_174 = arith.constant 576 : index
    %swap3A_175 = tpu.vector_load %arg16[%swap3A_174] {strides = array<i32>} : memref<1040xi32, #tpu.memory_space<vmem>>, vector<16xi32>,
    tpu.vector_store %arg16[%swap3A_174], %add3A_24 {strides = array<i32>} : memref<1040xi32, #tpu.memory_space<vmem>>, vector<16xi32>,
    %swap3A_176 = arith.constant 576 : index
    %swap3A_177 = tpu.vector_load %arg17[%swap3A_176] {strides = array<i32>} : memref<1040xi32, #tpu.memory_space<vmem>>, vector<16xi32>,
    tpu.vector_store %arg17[%swap3A_176], %select_n3A_29 {strides = array<i32>} : memref<1040xi32, #tpu.memory_space<vmem>>, vector<16xi32>,
    %swap3A_178 = arith.constant 592 : index
    %swap3A_179 = tpu.vector_load %arg16[%swap3A_178] {strides = array<i32>} : memref<1040xi32, #tpu.memory_space<vmem>>, vector<16xi32>,
    tpu.vector_store %arg16[%swap3A_178], %add3A_24 {strides = array<i32>} : memref<1040xi32, #tpu.memory_space<vmem>>, vector<16xi32>,
    %swap3A_180 = arith.constant 592 : index
    %swap3A_181 = tpu.vector_load %arg17[%swap3A_180] {strides = array<i32>} : memref<1040xi32, #tpu.memory_space<vmem>>, vector<16xi32>,
    tpu.vector_store %arg17[%swap3A_180], %select_n3A_29 {strides = array<i32>} : memref<1040xi32, #tpu.memory_space<vmem>>, vector<16xi32>,
    %swap3A_182 = arith.constant 608 : index
    %swap3A_183 = tpu.vector_load %arg16[%swap3A_182] {strides = array<i32>} : memref<1040xi32, #tpu.memory_space<vmem>>, vector<16xi32>,
    tpu.vector_store %arg16[%swap3A_182], %add3A_24 {strides = array<i32>} : memref<1040xi32, #tpu.memory_space<vmem>>, vector<16xi32>,
    %swap3A_184 = arith.constant 608 : index
    %swap3A_185 = tpu.vector_load %arg17[%swap3A_184] {strides = array<i32>} : memref<1040xi32, #tpu.memory_space<vmem>>, vector<16xi32>,
    tpu.vector_store %arg17[%swap3A_184], %select_n3A_29 {strides = array<i32>} : memref<1040xi32, #tpu.memory_space<vmem>>, vector<16xi32>,
    %swap3A_186 = arith.constant 624 : index
    %swap3A_187 = tpu.vector_load %arg16[%swap3A_186] {strides = array<i32>} : memref<1040xi32, #tpu.memory_space<vmem>>, vector<16xi32>,
    tpu.vector_store %arg16[%swap3A_186], %add3A_24 {strides = array<i32>} : memref<1040xi32, #tpu.memory_space<vmem>>, vector<16xi32>,
    %swap3A_188 = arith.constant 624 : index
    %swap3A_189 = tpu.vector_load %arg17[%swap3A_188] {strides = array<i32>} : memref<1040xi32, #tpu.memory_space<vmem>>, vector<16xi32>,
    tpu.vector_store %arg17[%swap3A_188], %select_n3A_29 {strides = array<i32>} : memref<1040xi32, #tpu.memory_space<vmem>>, vector<16xi32>,
    %swap3A_190 = arith.constant 640 : index
    %swap3A_191 = tpu.vector_load %arg16[%swap3A_190] {strides = array<i32>} : memref<1040xi32, #tpu.memory_space<vmem>>, vector<16xi32>,
    tpu.vector_store %arg16[%swap3A_190], %add3A_24 {strides = array<i32>} : memref<1040xi32, #tpu.memory_space<vmem>>, vector<16xi32>,
    %swap3A_192 = arith.constant 640 : index
    %swap3A_193 = tpu.vector_load %arg17[%swap3A_192] {strides = array<i32>} : memref<1040xi32, #tpu.memory_space<vmem>>, vector<16xi32>,
    tpu.vector_store %arg17[%swap3A_192], %select_n3A_29 {strides = array<i32>} : memref<1040xi32, #tpu.memory_space<vmem>>, vector<16xi32>,
    %swap3A_194 = arith.constant 656 : index
    %swap3A_195 = tpu.vector_load %arg16[%swap3A_194] {strides = array<i32>} : memref<1040xi32, #tpu.memory_space<vmem>>, vector<16xi32>,
    tpu.vector_store %arg16[%swap3A_194], %add3A_24 {strides = array<i32>} : memref<1040xi32, #tpu.memory_space<vmem>>, vector<16xi32>,
    %swap3A_196 = arith.constant 656 : index
    %swap3A_197 = tpu.vector_load %arg17[%swap3A_196] {strides = array<i32>} : memref<1040xi32, #tpu.memory_space<vmem>>, vector<16xi32>,
    tpu.vector_store %arg17[%swap3A_196], %select_n3A_29 {strides = array<i32>} : memref<1040xi32, #tpu.memory_space<vmem>>, vector<16xi32>,
    %swap3A_198 = arith.constant 672 : index
    %swap3A_199 = tpu.vector_load %arg16[%swap3A_198] {strides = array<i32>} : memref<1040xi32, #tpu.memory_space<vmem>>, vector<16xi32>,
    tpu.vector_store %arg16[%swap3A_198], %add3A_24 {strides = array<i32>} : memref<1040xi32, #tpu.memory_space<vmem>>, vector<16xi32>,
    %swap3A_200 = arith.constant 672 : index
    %swap3A_201 = tpu.vector_load %arg17[%swap3A_200] {strides = array<i32>} : memref<1040xi32, #tpu.memory_space<vmem>>, vector<16xi32>,
    tpu.vector_store %arg17[%swap3A_200], %select_n3A_29 {strides = array<i32>} : memref<1040xi32, #tpu.memory_space<vmem>>, vector<16xi32>,
    %swap3A_202 = arith.constant 688 : index
    %swap3A_203 = tpu.vector_load %arg16[%swap3A_202] {strides = array<i32>} : memref<1040xi32, #tpu.memory_space<vmem>>, vector<16xi32>,
    tpu.vector_store %arg16[%swap3A_202], %add3A_24 {strides = array<i32>} : memref<1040xi32, #tpu.memory_space<vmem>>, vector<16xi32>,
    %swap3A_204 = arith.constant 688 : index
    %swap3A_205 = tpu.vector_load %arg17[%swap3A_204] {strides = array<i32>} : memref<1040xi32, #tpu.memory_space<vmem>>, vector<16xi32>,
    tpu.vector_store %arg17[%swap3A_204], %select_n3A_29 {strides = array<i32>} : memref<1040xi32, #tpu.memory_space<vmem>>, vector<16xi32>,
    %swap3A_206 = arith.constant 704 : index
    %swap3A_207 = tpu.vector_load %arg16[%swap3A_206] {strides = array<i32>} : memref<1040xi32, #tpu.memory_space<vmem>>, vector<16xi32>,
    tpu.vector_store %arg16[%swap3A_206], %add3A_24 {strides = array<i32>} : memref<1040xi32, #tpu.memory_space<vmem>>, vector<16xi32>,
    %swap3A_208 = arith.constant 704 : index
    %swap3A_209 = tpu.vector_load %arg17[%swap3A_208] {strides = array<i32>} : memref<1040xi32, #tpu.memory_space<vmem>>, vector<16xi32>,
    tpu.vector_store %arg17[%swap3A_208], %select_n3A_29 {strides = array<i32>} : memref<1040xi32, #tpu.memory_space<vmem>>, vector<16xi32>,
    %swap3A_210 = arith.constant 720 : index
    %swap3A_211 = tpu.vector_load %arg16[%swap3A_210] {strides = array<i32>} : memref<1040xi32, #tpu.memory_space<vmem>>, vector<16xi32>,
    tpu.vector_store %arg16[%swap3A_210], %add3A_24 {strides = array<i32>} : memref<1040xi32, #tpu.memory_space<vmem>>, vector<16xi32>,
    %swap3A_212 = arith.constant 720 : index
    %swap3A_213 = tpu.vector_load %arg17[%swap3A_212] {strides = array<i32>} : memref<1040xi32, #tpu.memory_space<vmem>>, vector<16xi32>,
    tpu.vector_store %arg17[%swap3A_212], %select_n3A_29 {strides = array<i32>} : memref<1040xi32, #tpu.memory_space<vmem>>, vector<16xi32>,
    %swap3A_214 = arith.constant 736 : index
    %swap3A_215 = tpu.vector_load %arg16[%swap3A_214] {strides = array<i32>} : memref<1040xi32, #tpu.memory_space<vmem>>, vector<16xi32>,
    tpu.vector_store %arg16[%swap3A_214], %add3A_24 {strides = array<i32>} : memref<1040xi32, #tpu.memory_space<vmem>>, vector<16xi32>,
    %swap3A_216 = arith.constant 736 : index
    %swap3A_217 = tpu.vector_load %arg17[%swap3A_216] {strides = array<i32>} : memref<1040xi32, #tpu.memory_space<vmem>>, vector<16xi32>,
    tpu.vector_store %arg17[%swap3A_216], %select_n3A_29 {strides = array<i32>} : memref<1040xi32, #tpu.memory_space<vmem>>, vector<16xi32>,
    %swap3A_218 = arith.constant 752 : index
    %swap3A_219 = tpu.vector_load %arg16[%swap3A_218] {strides = array<i32>} : memref<1040xi32, #tpu.memory_space<vmem>>, vector<16xi32>,
    tpu.vector_store %arg16[%swap3A_218], %add3A_24 {strides = array<i32>} : memref<1040xi32, #tpu.memory_space<vmem>>, vector<16xi32>,
    %swap3A_220 = arith.constant 752 : index
    %swap3A_221 = tpu.vector_load %arg17[%swap3A_220] {strides = array<i32>} : memref<1040xi32, #tpu.memory_space<vmem>>, vector<16xi32>,
    tpu.vector_store %arg17[%swap3A_220], %select_n3A_29 {strides = array<i32>} : memref<1040xi32, #tpu.memory_space<vmem>>, vector<16xi32>,
    %swap3A_222 = arith.constant 768 : index
    %swap3A_223 = tpu.vector_load %arg16[%swap3A_222] {strides = array<i32>} : memref<1040xi32, #tpu.memory_space<vmem>>, vector<16xi32>,
    tpu.vector_store %arg16[%swap3A_222], %add3A_24 {strides = array<i32>} : memref<1040xi32, #tpu.memory_space<vmem>>, vector<16xi32>,
    %swap3A_224 = arith.constant 768 : index
    %swap3A_225 = tpu.vector_load %arg17[%swap3A_224] {strides = array<i32>} : memref<1040xi32, #tpu.memory_space<vmem>>, vector<16xi32>,
    tpu.vector_store %arg17[%swap3A_224], %select_n3A_29 {strides = array<i32>} : memref<1040xi32, #tpu.memory_space<vmem>>, vector<16xi32>,
    %swap3A_226 = arith.constant 784 : index
    %swap3A_227 = tpu.vector_load %arg16[%swap3A_226] {strides = array<i32>} : memref<1040xi32, #tpu.memory_space<vmem>>, vector<16xi32>,
    tpu.vector_store %arg16[%swap3A_226], %add3A_24 {strides = array<i32>} : memref<1040xi32, #tpu.memory_space<vmem>>, vector<16xi32>,
    %swap3A_228 = arith.constant 784 : index
    %swap3A_229 = tpu.vector_load %arg17[%swap3A_228] {strides = array<i32>} : memref<1040xi32, #tpu.memory_space<vmem>>, vector<16xi32>,
    tpu.vector_store %arg17[%swap3A_228], %select_n3A_29 {strides = array<i32>} : memref<1040xi32, #tpu.memory_space<vmem>>, vector<16xi32>,
    %swap3A_230 = arith.constant 800 : index
    %swap3A_231 = tpu.vector_load %arg16[%swap3A_230] {strides = array<i32>} : memref<1040xi32, #tpu.memory_space<vmem>>, vector<16xi32>,
    tpu.vector_store %arg16[%swap3A_230], %add3A_24 {strides = array<i32>} : memref<1040xi32, #tpu.memory_space<vmem>>, vector<16xi32>,
    %swap3A_232 = arith.constant 800 : index
    %swap3A_233 = tpu.vector_load %arg17[%swap3A_232] {strides = array<i32>} : memref<1040xi32, #tpu.memory_space<vmem>>, vector<16xi32>,
    tpu.vector_store %arg17[%swap3A_232], %select_n3A_29 {strides = array<i32>} : memref<1040xi32, #tpu.memory_space<vmem>>, vector<16xi32>,
    %swap3A_234 = arith.constant 816 : index
    %swap3A_235 = tpu.vector_load %arg16[%swap3A_234] {strides = array<i32>} : memref<1040xi32, #tpu.memory_space<vmem>>, vector<16xi32>,
    tpu.vector_store %arg16[%swap3A_234], %add3A_24 {strides = array<i32>} : memref<1040xi32, #tpu.memory_space<vmem>>, vector<16xi32>,
    %swap3A_236 = arith.constant 816 : index
    %swap3A_237 = tpu.vector_load %arg17[%swap3A_236] {strides = array<i32>} : memref<1040xi32, #tpu.memory_space<vmem>>, vector<16xi32>,
    tpu.vector_store %arg17[%swap3A_236], %select_n3A_29 {strides = array<i32>} : memref<1040xi32, #tpu.memory_space<vmem>>, vector<16xi32>,
    %swap3A_238 = arith.constant 832 : index
    %swap3A_239 = tpu.vector_load %arg16[%swap3A_238] {strides = array<i32>} : memref<1040xi32, #tpu.memory_space<vmem>>, vector<16xi32>,
    tpu.vector_store %arg16[%swap3A_238], %add3A_24 {strides = array<i32>} : memref<1040xi32, #tpu.memory_space<vmem>>, vector<16xi32>,
    %swap3A_240 = arith.constant 832 : index
    %swap3A_241 = tpu.vector_load %arg17[%swap3A_240] {strides = array<i32>} : memref<1040xi32, #tpu.memory_space<vmem>>, vector<16xi32>,
    tpu.vector_store %arg17[%swap3A_240], %select_n3A_29 {strides = array<i32>} : memref<1040xi32, #tpu.memory_space<vmem>>, vector<16xi32>,
    %swap3A_242 = arith.constant 848 : index
    %swap3A_243 = tpu.vector_load %arg16[%swap3A_242] {strides = array<i32>} : memref<1040xi32, #tpu.memory_space<vmem>>, vector<16xi32>,
    tpu.vector_store %arg16[%swap3A_242], %add3A_24 {strides = array<i32>} : memref<1040xi32, #tpu.memory_space<vmem>>, vector<16xi32>,
    %swap3A_244 = arith.constant 848 : index
    %swap3A_245 = tpu.vector_load %arg17[%swap3A_244] {strides = array<i32>} : memref<1040xi32, #tpu.memory_space<vmem>>, vector<16xi32>,
    tpu.vector_store %arg17[%swap3A_244], %select_n3A_29 {strides = array<i32>} : memref<1040xi32, #tpu.memory_space<vmem>>, vector<16xi32>,
    %swap3A_246 = arith.constant 864 : index
    %swap3A_247 = tpu.vector_load %arg16[%swap3A_246] {strides = array<i32>} : memref<1040xi32, #tpu.memory_space<vmem>>, vector<16xi32>,
    tpu.vector_store %arg16[%swap3A_246], %add3A_24 {strides = array<i32>} : memref<1040xi32, #tpu.memory_space<vmem>>, vector<16xi32>,
    %swap3A_248 = arith.constant 864 : index
    %swap3A_249 = tpu.vector_load %arg17[%swap3A_248] {strides = array<i32>} : memref<1040xi32, #tpu.memory_space<vmem>>, vector<16xi32>,
    tpu.vector_store %arg17[%swap3A_248], %select_n3A_29 {strides = array<i32>} : memref<1040xi32, #tpu.memory_space<vmem>>, vector<16xi32>,
    %swap3A_250 = arith.constant 880 : index
    %swap3A_251 = tpu.vector_load %arg16[%swap3A_250] {strides = array<i32>} : memref<1040xi32, #tpu.memory_space<vmem>>, vector<16xi32>,
    tpu.vector_store %arg16[%swap3A_250], %add3A_24 {strides = array<i32>} : memref<1040xi32, #tpu.memory_space<vmem>>, vector<16xi32>,
    %swap3A_252 = arith.constant 880 : index
    %swap3A_253 = tpu.vector_load %arg17[%swap3A_252] {strides = array<i32>} : memref<1040xi32, #tpu.memory_space<vmem>>, vector<16xi32>,
    tpu.vector_store %arg17[%swap3A_252], %select_n3A_29 {strides = array<i32>} : memref<1040xi32, #tpu.memory_space<vmem>>, vector<16xi32>,
    %swap3A_254 = arith.constant 896 : index
    %swap3A_255 = tpu.vector_load %arg16[%swap3A_254] {strides = array<i32>} : memref<1040xi32, #tpu.memory_space<vmem>>, vector<16xi32>,
    tpu.vector_store %arg16[%swap3A_254], %add3A_24 {strides = array<i32>} : memref<1040xi32, #tpu.memory_space<vmem>>, vector<16xi32>,
    %swap3A_256 = arith.constant 896 : index
    %swap3A_257 = tpu.vector_load %arg17[%swap3A_256] {strides = array<i32>} : memref<1040xi32, #tpu.memory_space<vmem>>, vector<16xi32>,
    tpu.vector_store %arg17[%swap3A_256], %select_n3A_29 {strides = array<i32>} : memref<1040xi32, #tpu.memory_space<vmem>>, vector<16xi32>,
    %swap3A_258 = arith.constant 912 : index
    %swap3A_259 = tpu.vector_load %arg16[%swap3A_258] {strides = array<i32>} : memref<1040xi32, #tpu.memory_space<vmem>>, vector<16xi32>,
    tpu.vector_store %arg16[%swap3A_258], %add3A_24 {strides = array<i32>} : memref<1040xi32, #tpu.memory_space<vmem>>, vector<16xi32>,
    %swap3A_260 = arith.constant 912 : index
    %swap3A_261 = tpu.vector_load %arg17[%swap3A_260] {strides = array<i32>} : memref<1040xi32, #tpu.memory_space<vmem>>, vector<16xi32>,
    tpu.vector_store %arg17[%swap3A_260], %select_n3A_29 {strides = array<i32>} : memref<1040xi32, #tpu.memory_space<vmem>>, vector<16xi32>,
    %swap3A_262 = arith.constant 928 : index
    %swap3A_263 = tpu.vector_load %arg16[%swap3A_262] {strides = array<i32>} : memref<1040xi32, #tpu.memory_space<vmem>>, vector<16xi32>,
    tpu.vector_store %arg16[%swap3A_262], %add3A_24 {strides = array<i32>} : memref<1040xi32, #tpu.memory_space<vmem>>, vector<16xi32>,
    %swap3A_264 = arith.constant 928 : index
    %swap3A_265 = tpu.vector_load %arg17[%swap3A_264] {strides = array<i32>} : memref<1040xi32, #tpu.memory_space<vmem>>, vector<16xi32>,
    tpu.vector_store %arg17[%swap3A_264], %select_n3A_29 {strides = array<i32>} : memref<1040xi32, #tpu.memory_space<vmem>>, vector<16xi32>,
    %swap3A_266 = arith.constant 944 : index
    %swap3A_267 = tpu.vector_load %arg16[%swap3A_266] {strides = array<i32>} : memref<1040xi32, #tpu.memory_space<vmem>>, vector<16xi32>,
    tpu.vector_store %arg16[%swap3A_266], %add3A_24 {strides = array<i32>} : memref<1040xi32, #tpu.memory_space<vmem>>, vector<16xi32>,
    %swap3A_268 = arith.constant 944 : index
    %swap3A_269 = tpu.vector_load %arg17[%swap3A_268] {strides = array<i32>} : memref<1040xi32, #tpu.memory_space<vmem>>, vector<16xi32>,
    tpu.vector_store %arg17[%swap3A_268], %select_n3A_29 {strides = array<i32>} : memref<1040xi32, #tpu.memory_space<vmem>>, vector<16xi32>,
    %swap3A_270 = arith.constant 960 : index
    %swap3A_271 = tpu.vector_load %arg16[%swap3A_270] {strides = array<i32>} : memref<1040xi32, #tpu.memory_space<vmem>>, vector<16xi32>,
    tpu.vector_store %arg16[%swap3A_270], %add3A_24 {strides = array<i32>} : memref<1040xi32, #tpu.memory_space<vmem>>, vector<16xi32>,
    %swap3A_272 = arith.constant 960 : index
    %swap3A_273 = tpu.vector_load %arg17[%swap3A_272] {strides = array<i32>} : memref<1040xi32, #tpu.memory_space<vmem>>, vector<16xi32>,
    tpu.vector_store %arg17[%swap3A_272], %select_n3A_29 {strides = array<i32>} : memref<1040xi32, #tpu.memory_space<vmem>>, vector<16xi32>,
    %swap3A_274 = arith.constant 976 : index
    %swap3A_275 = tpu.vector_load %arg16[%swap3A_274] {strides = array<i32>} : memref<1040xi32, #tpu.memory_space<vmem>>, vector<16xi32>,
    tpu.vector_store %arg16[%swap3A_274], %add3A_24 {strides = array<i32>} : memref<1040xi32, #tpu.memory_space<vmem>>, vector<16xi32>,
    %swap3A_276 = arith.constant 976 : index
    %swap3A_277 = tpu.vector_load %arg17[%swap3A_276] {strides = array<i32>} : memref<1040xi32, #tpu.memory_space<vmem>>, vector<16xi32>,
    tpu.vector_store %arg17[%swap3A_276], %select_n3A_29 {strides = array<i32>} : memref<1040xi32, #tpu.memory_space<vmem>>, vector<16xi32>,
    %swap3A_278 = arith.constant 992 : index
    %swap3A_279 = tpu.vector_load %arg16[%swap3A_278] {strides = array<i32>} : memref<1040xi32, #tpu.memory_space<vmem>>, vector<16xi32>,
    tpu.vector_store %arg16[%swap3A_278], %add3A_24 {strides = array<i32>} : memref<1040xi32, #tpu.memory_space<vmem>>, vector<16xi32>,
    %swap3A_280 = arith.constant 992 : index
    %swap3A_281 = tpu.vector_load %arg17[%swap3A_280] {strides = array<i32>} : memref<1040xi32, #tpu.memory_space<vmem>>, vector<16xi32>,
    tpu.vector_store %arg17[%swap3A_280], %select_n3A_29 {strides = array<i32>} : memref<1040xi32, #tpu.memory_space<vmem>>, vector<16xi32>,
    %swap3A_282 = arith.constant 1008 : index
    %swap3A_283 = tpu.vector_load %arg16[%swap3A_282] {strides = array<i32>} : memref<1040xi32, #tpu.memory_space<vmem>>, vector<16xi32>,
    tpu.vector_store %arg16[%swap3A_282], %add3A_24 {strides = array<i32>} : memref<1040xi32, #tpu.memory_space<vmem>>, vector<16xi32>,
    %swap3A_284 = arith.constant 1008 : index
    %swap3A_285 = tpu.vector_load %arg17[%swap3A_284] {strides = array<i32>} : memref<1040xi32, #tpu.memory_space<vmem>>, vector<16xi32>,
    tpu.vector_store %arg17[%swap3A_284], %select_n3A_29 {strides = array<i32>} : memref<1040xi32, #tpu.memory_space<vmem>>, vector<16xi32>,
    %swap3A_286 = arith.constant 1024 : index
    %swap3A_287 = tpu.vector_load %arg16[%swap3A_286] {strides = array<i32>} : memref<1040xi32, #tpu.memory_space<vmem>>, vector<16xi32>,
    tpu.vector_store %arg16[%swap3A_286], %add3A_24 {strides = array<i32>} : memref<1040xi32, #tpu.memory_space<vmem>>, vector<16xi32>,
    %swap3A_288 = arith.constant 1024 : index
    %swap3A_289 = tpu.vector_load %arg17[%swap3A_288] {strides = array<i32>} : memref<1040xi32, #tpu.memory_space<vmem>>, vector<16xi32>,
    tpu.vector_store %arg17[%swap3A_288], %select_n3A_29 {strides = array<i32>} : memref<1040xi32, #tpu.memory_space<vmem>>, vector<16xi32>,
    %not3A_290 = arith.constant true
    %not3A_291 = arith.xori %eq3A_3, %not3A_290 : i1
    %convert_element_type3A_292 = arith.extui %not3A_291 : i1 to i32
    %cond3A_293 = arith.constant 0 : i32
    %cond3A_294 = arith.cmpi ne, %convert_element_type3A_292, %cond3A_293 : i32
    scf.if %cond3A_294 {
      %dma_wait3A_2111 = arith.constant 0 : i32
      %dma_wait3A_2112 = tpu.memref_slice %arg13[%dma_wait3A_2111] : memref<31264xi32, #tpu.memory_space<vmem>> -> memref<31264xi32, #tpu.memory_space<vmem>>
      %dma_wait3A_2113 = tpu.memref_slice %arg5[%mul3A_2] : memref<1000000xi32, #tpu.memory_space<hbm>> -> memref<31264xi32, #tpu.memory_space<hbm>>
      %dma_wait3A_2114 = arith.constant 0 : i32
      %dma_wait3A_2115 = tpu.memref_slice %arg13[%dma_wait3A_2114] : memref<31264xi32, #tpu.memory_space<vmem>> -> memref<31264xi32, #tpu.memory_space<vmem>>
      %dma_wait3A_2116 = tpu.memref_slice %arg5[%mul3A_2] : memref<1000000xi32, #tpu.memory_space<hbm>> -> memref<31264xi32, #tpu.memory_space<hbm>>
      tpu.wait_dma2 semaphore(%arg18 : memref<!tpu.dma_semaphore, #tpu.memory_space<semaphore_mem>>) src(%dma_wait3A_2116 : memref<31264xi32, #tpu.memory_space<hbm>>) dst(%dma_wait3A_2115 : memref<31264xi32, #tpu.memory_space<vmem>>)
    } else {
    }
    %convert_element_type3A_295 = arith.extui %eq3A_3 : i1 to i32
    %cond3A_296 = arith.constant 0 : i32
    %cond3A_297 = arith.cmpi ne, %convert_element_type3A_295, %cond3A_296 : i32
    scf.if %cond3A_297 {
      %dma_wait3A_2111 = arith.constant 0 : i32
      %dma_wait3A_2112 = tpu.memref_slice %arg13[%dma_wait3A_2111] : memref<31264xi32, #tpu.memory_space<vmem>> -> memref<30816xi32, #tpu.memory_space<vmem>>
      %dma_wait3A_2113 = tpu.memref_slice %arg5[%mul3A_2] : memref<1000000xi32, #tpu.memory_space<hbm>> -> memref<30816xi32, #tpu.memory_space<hbm>>
      %dma_wait3A_2114 = arith.constant 0 : i32
      %dma_wait3A_2115 = tpu.memref_slice %arg13[%dma_wait3A_2114] : memref<31264xi32, #tpu.memory_space<vmem>> -> memref<30816xi32, #tpu.memory_space<vmem>>
      %dma_wait3A_2116 = tpu.memref_slice %arg5[%mul3A_2] : memref<1000000xi32, #tpu.memory_space<hbm>> -> memref<30816xi32, #tpu.memory_space<hbm>>
      tpu.wait_dma2 semaphore(%arg18 : memref<!tpu.dma_semaphore, #tpu.memory_space<semaphore_mem>>) src(%dma_wait3A_2116 : memref<30816xi32, #tpu.memory_space<hbm>>) dst(%dma_wait3A_2115 : memref<30816xi32, #tpu.memory_space<vmem>>)
    } else {
    }
    %scan3A_298 = arith.constant 0 : i32
    %scan3A_299 = arith.constant 0 : i32
    %scan3A_300 = arith.constant 1024 : i32
    %scan3A_301 = arith.addi %scan3A_299, %scan3A_300 : i32
    %scan3A_302 = arith.constant 1 : i32
    %scan3A_303 = scf.for %scan3A_2111 = %scan3A_299 to %scan3A_301 step %scan3A_302 iter_args(%scan3A_2112 = %scan3A_298) -> (i32)  : i32 {
      %mul3A_2113 = arith.constant 16 : i32
      %mul3A_2114 = arith.muli %scan3A_2111, %mul3A_2113 : i32
      %get3A_2115 = arith.index_cast %mul3A_2114 : i32 to index
      %get3A_2116 = tpu.vector_load %arg10[%get3A_2115] {strides = array<i32>} : memref<16384xi32, #tpu.memory_space<vmem>>, vector<16xi32>,
      %ge3A_2117 = vector.broadcast %mul3A_2 : i32 to vector<16xi32>
      %ge3A_2118 = arith.cmpi sge, %get3A_2116, %ge3A_2117 : vector<16xi32>
      %lt3A = vector.broadcast %select_n3A : i32 to vector<16xi32>
      %lt3A_2119 = arith.cmpi slt, %get3A_2116, %lt3A : vector<16xi32>
      %and3A = arith.andi %ge3A_2118, %lt3A_2119 : vector<16xi1>
      %sub3A = vector.broadcast %mul3A_2 : i32 to vector<16xi32>
      %sub3A_2120 = arith.subi %get3A_2116, %sub3A : vector<16xi32>
      %jit3A_2121 = arith.constant 0 : i32
      %broadcast_in_dim3A_2122 = vector.broadcast %jit3A_2121 : i32 to vector<16xi32>
      %select_n3A_2123 = arith.select %and3A, %sub3A_2120, %broadcast_in_dim3A_2122 : vector<16xi1>, vector<16xi32>
      %gather3A = tpu.vector_load_idx %arg12[%select_n3A_2123] masked %and3A : memref<31264xi32, #tpu.memory_space<vmem>>[vector<16xi32>], vector<16xi32>, vector<16xi1>
      %jit3A_2124 = arith.constant 0 : i32
      %broadcast_in_dim3A_2125 = vector.broadcast %jit3A_2124 : i32 to vector<16xi32>
      %select_n3A_2126 = arith.select %and3A, %gather3A, %broadcast_in_dim3A_2125 : vector<16xi1>, vector<16xi32>
      %gather3A_2127 = tpu.vector_load_idx %arg11[%select_n3A_2126] : memref<16384xi32, #tpu.memory_space<vmem>>[vector<16xi32>], vector<16xi32>,
      tpu.vector_store_idx %arg13[%select_n3A_2123], %gather3A_2127 masked %and3A : memref<31264xi32, #tpu.memory_space<vmem>>[vector<16xi32>], vector<16xi32>, vector<16xi1>
      %jit3A_2128 = arith.constant 1 : i32
      %jit3A_2129 = arith.constant 0 : i32
      %broadcast_in_dim3A_2130 = vector.broadcast %jit3A_2128 : i32 to vector<16xi32>
      %broadcast_in_dim3A_2131 = vector.broadcast %jit3A_2129 : i32 to vector<16xi32>
      %select_n3A_2132 = arith.select %and3A, %broadcast_in_dim3A_2130, %broadcast_in_dim3A_2131 : vector<16xi1>, vector<16xi32>
      %broadcast_in_dim3A_2133 = arith.constant true
      %broadcast_in_dim3A_2134 = vector.broadcast %broadcast_in_dim3A_2133 : i1 to vector<16xi1>
      %masked_cumsum3A = tpu.scan <sum>, %select_n3A_2132 masked %broadcast_in_dim3A_2134 : vector<16xi32>, vector<16xi1> -> vector<16xi32>
      %add3A_2135 = vector.broadcast %scan3A_2112 : i32 to vector<16xi32>
      %add3A_2136 = arith.addi %add3A_2135, %masked_cumsum3A : vector<16xi32>
      %le3A = arith.constant 1024 : i32
      %le3A_2137 = vector.broadcast %le3A : i32 to vector<16xi32>
      %le3A_2138 = arith.cmpi sle, %add3A_2136, %le3A_2137 : vector<16xi32>
      %and3A_2139 = arith.andi %and3A, %le3A_2138 : vector<16xi1>
      %swap3A_2140 = arith.index_cast %scan3A_2112 : i32 to index
      %swap3A_2141 = tpu.vector_load %arg16[%swap3A_2140] masked %and3A_2139 {strides = array<i32>} : memref<1040xi32, #tpu.memory_space<vmem>>, vector<16xi32>, vector<16xi1>
      tpu.vector_store %arg16[%swap3A_2140], %get3A_2116 masked %and3A_2139 {strides = array<i32>} : memref<1040xi32, #tpu.memory_space<vmem>>, vector<16xi32>, vector<16xi1>
      %swap3A_2142 = arith.index_cast %scan3A_2112 : i32 to index
      %swap3A_2143 = tpu.vector_load %arg17[%swap3A_2142] masked %and3A_2139 {strides = array<i32>} : memref<1040xi32, #tpu.memory_space<vmem>>, vector<16xi32>, vector<16xi1>
      tpu.vector_store %arg17[%swap3A_2142], %select_n3A_2126 masked %and3A_2139 {strides = array<i32>} : memref<1040xi32, #tpu.memory_space<vmem>>, vector<16xi32>, vector<16xi1>
      %jit3A_2144 = arith.constant 0 : i32
      %broadcast_in_dim3A_2145 = vector.broadcast %jit3A_2144 : i32 to vector<16xi32>
      %select_n3A_2146 = arith.select %and3A, %masked_cumsum3A, %broadcast_in_dim3A_2145 : vector<16xi1>, vector<16xi32>
      %reduce_max3A = arith.constant true
      %reduce_max3A_2147 = vector.broadcast %reduce_max3A : i1 to vector<16xi1>
      %reduce_max3A_2148 = arith.constant -2147483648 : i32
      %reduce_max3A_2149 = vector.broadcast %reduce_max3A_2148 : i32 to vector<16xi32>
      %reduce_max3A_2150 = arith.xori %select_n3A_2146, %reduce_max3A_2149 : vector<16xi32>
      %reduce_max3A_2151 = tpu.scan <max>, %reduce_max3A_2150 masked %reduce_max3A_2147 : vector<16xi32>, vector<16xi1> -> vector<16xi32>
      %reduce_max3A_2152 = arith.xori %reduce_max3A_2151, %reduce_max3A_2149 : vector<16xi32>
      %reduce_max3A_2153 = vector.extract %reduce_max3A_2152[15] : i32 from vector<16xi32>
      %sub3A_2154 = arith.constant 1024 : i32
      %sub3A_2155 = arith.subi %sub3A_2154, %scan3A_2112 : i32
      %min3A = arith.minsi %reduce_max3A_2153, %sub3A_2155 : i32
      %add3A_2156 = arith.addi %scan3A_2112, %min3A : i32
      scf.yield %add3A_2156 : i32
    }
    %scan3A_304 = arith.constant 1024 : i32
    %not3A_305 = arith.constant true
    %not3A_306 = arith.xori %eq3A_3, %not3A_305 : i1
    %convert_element_type3A_307 = arith.extui %not3A_306 : i1 to i32
    %cond3A_308 = arith.constant 0 : i32
    %cond3A_309 = arith.cmpi ne, %convert_element_type3A_307, %cond3A_308 : i32
    scf.if %cond3A_309 {
      %dma_start3A_2111 = arith.constant 0 : i32
      %dma_start3A_2112 = tpu.memref_slice %arg13[%dma_start3A_2111] : memref<31264xi32, #tpu.memory_space<vmem>> -> memref<31264xi32, #tpu.memory_space<vmem>>
      %dma_start3A_2113 = tpu.memref_slice %arg5[%mul3A_2] : memref<1000000xi32, #tpu.memory_space<hbm>> -> memref<31264xi32, #tpu.memory_space<hbm>>
      %dma_start3A_2114 = tpu.memref_slice %arg5[%mul3A_2] : memref<1000000xi32, #tpu.memory_space<hbm>> -> memref<31264xi32, #tpu.memory_space<hbm>>
      %dma_start3A_2115 = arith.constant 0 : i32
      %dma_start3A_2116 = tpu.memref_slice %arg13[%dma_start3A_2115] : memref<31264xi32, #tpu.memory_space<vmem>> -> memref<31264xi32, #tpu.memory_space<vmem>>
      tpu.enqueue_dma source(%dma_start3A_2116 : memref<31264xi32, #tpu.memory_space<vmem>>) target(%dma_start3A_2114 : memref<31264xi32, #tpu.memory_space<hbm>>) target_semaphore(%arg18 : memref<!tpu.dma_semaphore, #tpu.memory_space<semaphore_mem>>)
    } else {
    }
    %convert_element_type3A_310 = arith.extui %eq3A_3 : i1 to i32
    %cond3A_311 = arith.constant 0 : i32
    %cond3A_312 = arith.cmpi ne, %convert_element_type3A_310, %cond3A_311 : i32
    scf.if %cond3A_312 {
      %dma_start3A_2111 = arith.constant 0 : i32
      %dma_start3A_2112 = tpu.memref_slice %arg13[%dma_start3A_2111] : memref<31264xi32, #tpu.memory_space<vmem>> -> memref<30816xi32, #tpu.memory_space<vmem>>
      %dma_start3A_2113 = tpu.memref_slice %arg5[%mul3A_2] : memref<1000000xi32, #tpu.memory_space<hbm>> -> memref<30816xi32, #tpu.memory_space<hbm>>
      %dma_start3A_2114 = tpu.memref_slice %arg5[%mul3A_2] : memref<1000000xi32, #tpu.memory_space<hbm>> -> memref<30816xi32, #tpu.memory_space<hbm>>
      %dma_start3A_2115 = arith.constant 0 : i32
      %dma_start3A_2116 = tpu.memref_slice %arg13[%dma_start3A_2115] : memref<31264xi32, #tpu.memory_space<vmem>> -> memref<30816xi32, #tpu.memory_space<vmem>>
      tpu.enqueue_dma source(%dma_start3A_2116 : memref<30816xi32, #tpu.memory_space<vmem>>) target(%dma_start3A_2114 : memref<30816xi32, #tpu.memory_space<hbm>>) target_semaphore(%arg18 : memref<!tpu.dma_semaphore, #tpu.memory_space<semaphore_mem>>)
    } else {
    }
    %get3A_313 = arith.constant 0 : index
    %get3A_314 = tpu.vector_load %arg17[%get3A_313] {strides = array<i32>} : memref<1040xi32, #tpu.memory_space<vmem>>, vector<16xi32>,
    %dma_start3A = arith.constant 0 : i32
    %dma_start3A_315 = arith.constant 0 : i32
    %dma_start3A_316 = tpu.memref_slice %arg14[%dma_start3A, %dma_start3A_315] : memref<128x128xf32, #tpu.memory_space<vmem>> -> memref<16x128xf32, #tpu.memory_space<vmem>>
    %dma_start3A_317 = arith.constant 0 : i32
    %dma_start3A_318 = arith.constant 0 : i32
    %dma_start3A_319 = tpu.memref_slice %arg6[%dma_start3A_317, %dma_start3A_318] : memref<16896x128xf32, #tpu.memory_space<hbm>> -> memref<16896x128xf32, #tpu.memory_space<hbm>>
    tpu.enqueue_indirect_dma source(%dma_start3A_319 : memref<16896x128xf32, #tpu.memory_space<hbm>>) target(%dma_start3A_316 : memref<16x128xf32, #tpu.memory_space<vmem>>) offsets(%get3A_314 : vector<16xi32>) semaphore(%arg19 : memref<!tpu.dma_semaphore, #tpu.memory_space<semaphore_mem>>)
    %get3A_320 = arith.constant 16 : index
    %get3A_321 = tpu.vector_load %arg17[%get3A_320] {strides = array<i32>} : memref<1040xi32, #tpu.memory_space<vmem>>, vector<16xi32>,
    %dma_start3A_322 = arith.constant 16 : i32
    %dma_start3A_323 = arith.constant 0 : i32
    %dma_start3A_324 = tpu.memref_slice %arg14[%dma_start3A_322, %dma_start3A_323] : memref<128x128xf32, #tpu.memory_space<vmem>> -> memref<16x128xf32, #tpu.memory_space<vmem>>
    %dma_start3A_325 = arith.constant 0 : i32
    %dma_start3A_326 = arith.constant 0 : i32
    %dma_start3A_327 = tpu.memref_slice %arg6[%dma_start3A_325, %dma_start3A_326] : memref<16896x128xf32, #tpu.memory_space<hbm>> -> memref<16896x128xf32, #tpu.memory_space<hbm>>
    tpu.enqueue_indirect_dma source(%dma_start3A_327 : memref<16896x128xf32, #tpu.memory_space<hbm>>) target(%dma_start3A_324 : memref<16x128xf32, #tpu.memory_space<vmem>>) offsets(%get3A_321 : vector<16xi32>) semaphore(%arg19 : memref<!tpu.dma_semaphore, #tpu.memory_space<semaphore_mem>>)
    %get3A_328 = arith.constant 32 : index
    %get3A_329 = tpu.vector_load %arg17[%get3A_328] {strides = array<i32>} : memref<1040xi32, #tpu.memory_space<vmem>>, vector<16xi32>,
    %dma_start3A_330 = arith.constant 32 : i32
    %dma_start3A_331 = arith.constant 0 : i32
    %dma_start3A_332 = tpu.memref_slice %arg14[%dma_start3A_330, %dma_start3A_331] : memref<128x128xf32, #tpu.memory_space<vmem>> -> memref<16x128xf32, #tpu.memory_space<vmem>>
    %dma_start3A_333 = arith.constant 0 : i32
    %dma_start3A_334 = arith.constant 0 : i32
    %dma_start3A_335 = tpu.memref_slice %arg6[%dma_start3A_333, %dma_start3A_334] : memref<16896x128xf32, #tpu.memory_space<hbm>> -> memref<16896x128xf32, #tpu.memory_space<hbm>>
    tpu.enqueue_indirect_dma source(%dma_start3A_335 : memref<16896x128xf32, #tpu.memory_space<hbm>>) target(%dma_start3A_332 : memref<16x128xf32, #tpu.memory_space<vmem>>) offsets(%get3A_329 : vector<16xi32>) semaphore(%arg19 : memref<!tpu.dma_semaphore, #tpu.memory_space<semaphore_mem>>)
    %get3A_336 = arith.constant 48 : index
    %get3A_337 = tpu.vector_load %arg17[%get3A_336] {strides = array<i32>} : memref<1040xi32, #tpu.memory_space<vmem>>, vector<16xi32>,
    %dma_start3A_338 = arith.constant 48 : i32
    %dma_start3A_339 = arith.constant 0 : i32
    %dma_start3A_340 = tpu.memref_slice %arg14[%dma_start3A_338, %dma_start3A_339] : memref<128x128xf32, #tpu.memory_space<vmem>> -> memref<16x128xf32, #tpu.memory_space<vmem>>
    %dma_start3A_341 = arith.constant 0 : i32
    %dma_start3A_342 = arith.constant 0 : i32
    %dma_start3A_343 = tpu.memref_slice %arg6[%dma_start3A_341, %dma_start3A_342] : memref<16896x128xf32, #tpu.memory_space<hbm>> -> memref<16896x128xf32, #tpu.memory_space<hbm>>
    tpu.enqueue_indirect_dma source(%dma_start3A_343 : memref<16896x128xf32, #tpu.memory_space<hbm>>) target(%dma_start3A_340 : memref<16x128xf32, #tpu.memory_space<vmem>>) offsets(%get3A_337 : vector<16xi32>) semaphore(%arg19 : memref<!tpu.dma_semaphore, #tpu.memory_space<semaphore_mem>>)
    %get3A_344 = arith.constant 64 : index
    %get3A_345 = tpu.vector_load %arg17[%get3A_344] {strides = array<i32>} : memref<1040xi32, #tpu.memory_space<vmem>>, vector<16xi32>,
    %dma_start3A_346 = arith.constant 64 : i32
    %dma_start3A_347 = arith.constant 0 : i32
    %dma_start3A_348 = tpu.memref_slice %arg14[%dma_start3A_346, %dma_start3A_347] : memref<128x128xf32, #tpu.memory_space<vmem>> -> memref<16x128xf32, #tpu.memory_space<vmem>>
    %dma_start3A_349 = arith.constant 0 : i32
    %dma_start3A_350 = arith.constant 0 : i32
    %dma_start3A_351 = tpu.memref_slice %arg6[%dma_start3A_349, %dma_start3A_350] : memref<16896x128xf32, #tpu.memory_space<hbm>> -> memref<16896x128xf32, #tpu.memory_space<hbm>>
    tpu.enqueue_indirect_dma source(%dma_start3A_351 : memref<16896x128xf32, #tpu.memory_space<hbm>>) target(%dma_start3A_348 : memref<16x128xf32, #tpu.memory_space<vmem>>) offsets(%get3A_345 : vector<16xi32>) semaphore(%arg19 : memref<!tpu.dma_semaphore, #tpu.memory_space<semaphore_mem>>)
    %dma_wait3A = arith.constant 0 : i32
    %dma_wait3A_352 = arith.constant 0 : i32
    %dma_wait3A_353 = tpu.memref_slice %arg14[%dma_wait3A, %dma_wait3A_352] : memref<128x128xf32, #tpu.memory_space<vmem>> -> memref<16x128xf32, #tpu.memory_space<vmem>>
    %dma_wait3A_354 = arith.constant 0 : i32
    %dma_wait3A_355 = arith.constant 0 : i32
    %dma_wait3A_356 = tpu.memref_slice %arg6[%dma_wait3A_354, %dma_wait3A_355] : memref<16896x128xf32, #tpu.memory_space<hbm>> -> memref<16896x128xf32, #tpu.memory_space<hbm>>
    tpu.wait_indirect_dma semaphore(%arg19 : memref<!tpu.dma_semaphore, #tpu.memory_space<semaphore_mem>>) src(%dma_wait3A_356 : memref<16896x128xf32, #tpu.memory_space<hbm>>) dst(%dma_wait3A_353 : memref<16x128xf32, #tpu.memory_space<vmem>>)
    %get3A_357 = arith.constant 0 : index
    %get3A_358 = tpu.vector_load %arg16[%get3A_357] {strides = array<i32>} : memref<1040xi32, #tpu.memory_space<vmem>>, vector<16xi32>,
    %dma_start3A_359 = arith.constant 0 : i32
    %dma_start3A_360 = arith.constant 0 : i32
    %dma_start3A_361 = tpu.memref_slice %arg14[%dma_start3A_359, %dma_start3A_360] : memref<128x128xf32, #tpu.memory_space<vmem>> -> memref<16x128xf32, #tpu.memory_space<vmem>>
    %dma_start3A_362 = arith.constant 0 : i32
    %dma_start3A_363 = arith.constant 0 : i32
    %dma_start3A_364 = tpu.memref_slice %arg4[%dma_start3A_362, %dma_start3A_363] : memref<1000000x128xf32, #tpu.memory_space<hbm>> -> memref<1000000x128xf32, #tpu.memory_space<hbm>>
    tpu.enqueue_indirect_dma source(%dma_start3A_361 : memref<16x128xf32, #tpu.memory_space<vmem>>) target(%dma_start3A_364 : memref<1000000x128xf32, #tpu.memory_space<hbm>>) offsets(%get3A_358 : vector<16xi32>) semaphore(%arg20 : memref<!tpu.dma_semaphore, #tpu.memory_space<semaphore_mem>>)
    %get3A_365 = arith.constant 80 : index
    %get3A_366 = tpu.vector_load %arg17[%get3A_365] {strides = array<i32>} : memref<1040xi32, #tpu.memory_space<vmem>>, vector<16xi32>,
    %dma_start3A_367 = arith.constant 80 : i32
    %dma_start3A_368 = arith.constant 0 : i32
    %dma_start3A_369 = tpu.memref_slice %arg14[%dma_start3A_367, %dma_start3A_368] : memref<128x128xf32, #tpu.memory_space<vmem>> -> memref<16x128xf32, #tpu.memory_space<vmem>>
    %dma_start3A_370 = arith.constant 0 : i32
    %dma_start3A_371 = arith.constant 0 : i32
    %dma_start3A_372 = tpu.memref_slice %arg6[%dma_start3A_370, %dma_start3A_371] : memref<16896x128xf32, #tpu.memory_space<hbm>> -> memref<16896x128xf32, #tpu.memory_space<hbm>>
    tpu.enqueue_indirect_dma source(%dma_start3A_372 : memref<16896x128xf32, #tpu.memory_space<hbm>>) target(%dma_start3A_369 : memref<16x128xf32, #tpu.memory_space<vmem>>) offsets(%get3A_366 : vector<16xi32>) semaphore(%arg19 : memref<!tpu.dma_semaphore, #tpu.memory_space<semaphore_mem>>)
    %dma_wait3A_373 = arith.constant 16 : i32
    %dma_wait3A_374 = arith.constant 0 : i32
    %dma_wait3A_375 = tpu.memref_slice %arg14[%dma_wait3A_373, %dma_wait3A_374] : memref<128x128xf32, #tpu.memory_space<vmem>> -> memref<16x128xf32, #tpu.memory_space<vmem>>
    %dma_wait3A_376 = arith.constant 0 : i32
    %dma_wait3A_377 = arith.constant 0 : i32
    %dma_wait3A_378 = tpu.memref_slice %arg6[%dma_wait3A_376, %dma_wait3A_377] : memref<16896x128xf32, #tpu.memory_space<hbm>> -> memref<16896x128xf32, #tpu.memory_space<hbm>>
    tpu.wait_indirect_dma semaphore(%arg19 : memref<!tpu.dma_semaphore, #tpu.memory_space<semaphore_mem>>) src(%dma_wait3A_378 : memref<16896x128xf32, #tpu.memory_space<hbm>>) dst(%dma_wait3A_375 : memref<16x128xf32, #tpu.memory_space<vmem>>)
    %get3A_379 = arith.constant 16 : index
    %get3A_380 = tpu.vector_load %arg16[%get3A_379] {strides = array<i32>} : memref<1040xi32, #tpu.memory_space<vmem>>, vector<16xi32>,
    %dma_start3A_381 = arith.constant 16 : i32
    %dma_start3A_382 = arith.constant 0 : i32
    %dma_start3A_383 = tpu.memref_slice %arg14[%dma_start3A_381, %dma_start3A_382] : memref<128x128xf32, #tpu.memory_space<vmem>> -> memref<16x128xf32, #tpu.memory_space<vmem>>
    %dma_start3A_384 = arith.constant 0 : i32
    %dma_start3A_385 = arith.constant 0 : i32
    %dma_start3A_386 = tpu.memref_slice %arg4[%dma_start3A_384, %dma_start3A_385] : memref<1000000x128xf32, #tpu.memory_space<hbm>> -> memref<1000000x128xf32, #tpu.memory_space<hbm>>
    tpu.enqueue_indirect_dma source(%dma_start3A_383 : memref<16x128xf32, #tpu.memory_space<vmem>>) target(%dma_start3A_386 : memref<1000000x128xf32, #tpu.memory_space<hbm>>) offsets(%get3A_380 : vector<16xi32>) semaphore(%arg20 : memref<!tpu.dma_semaphore, #tpu.memory_space<semaphore_mem>>)
    %get3A_387 = arith.constant 96 : index
    %get3A_388 = tpu.vector_load %arg17[%get3A_387] {strides = array<i32>} : memref<1040xi32, #tpu.memory_space<vmem>>, vector<16xi32>,
    %dma_start3A_389 = arith.constant 96 : i32
    %dma_start3A_390 = arith.constant 0 : i32
    %dma_start3A_391 = tpu.memref_slice %arg14[%dma_start3A_389, %dma_start3A_390] : memref<128x128xf32, #tpu.memory_space<vmem>> -> memref<16x128xf32, #tpu.memory_space<vmem>>
    %dma_start3A_392 = arith.constant 0 : i32
    %dma_start3A_393 = arith.constant 0 : i32
    %dma_start3A_394 = tpu.memref_slice %arg6[%dma_start3A_392, %dma_start3A_393] : memref<16896x128xf32, #tpu.memory_space<hbm>> -> memref<16896x128xf32, #tpu.memory_space<hbm>>
    tpu.enqueue_indirect_dma source(%dma_start3A_394 : memref<16896x128xf32, #tpu.memory_space<hbm>>) target(%dma_start3A_391 : memref<16x128xf32, #tpu.memory_space<vmem>>) offsets(%get3A_388 : vector<16xi32>) semaphore(%arg19 : memref<!tpu.dma_semaphore, #tpu.memory_space<semaphore_mem>>)
    %dma_wait3A_395 = arith.constant 32 : i32
    %dma_wait3A_396 = arith.constant 0 : i32
    %dma_wait3A_397 = tpu.memref_slice %arg14[%dma_wait3A_395, %dma_wait3A_396] : memref<128x128xf32, #tpu.memory_space<vmem>> -> memref<16x128xf32, #tpu.memory_space<vmem>>
    %dma_wait3A_398 = arith.constant 0 : i32
    %dma_wait3A_399 = arith.constant 0 : i32
    %dma_wait3A_400 = tpu.memref_slice %arg6[%dma_wait3A_398, %dma_wait3A_399] : memref<16896x128xf32, #tpu.memory_space<hbm>> -> memref<16896x128xf32, #tpu.memory_space<hbm>>
    tpu.wait_indirect_dma semaphore(%arg19 : memref<!tpu.dma_semaphore, #tpu.memory_space<semaphore_mem>>) src(%dma_wait3A_400 : memref<16896x128xf32, #tpu.memory_space<hbm>>) dst(%dma_wait3A_397 : memref<16x128xf32, #tpu.memory_space<vmem>>)
    %get3A_401 = arith.constant 32 : index
    %get3A_402 = tpu.vector_load %arg16[%get3A_401] {strides = array<i32>} : memref<1040xi32, #tpu.memory_space<vmem>>, vector<16xi32>,
    %dma_start3A_403 = arith.constant 32 : i32
    %dma_start3A_404 = arith.constant 0 : i32
    %dma_start3A_405 = tpu.memref_slice %arg14[%dma_start3A_403, %dma_start3A_404] : memref<128x128xf32, #tpu.memory_space<vmem>> -> memref<16x128xf32, #tpu.memory_space<vmem>>
    %dma_start3A_406 = arith.constant 0 : i32
    %dma_start3A_407 = arith.constant 0 : i32
    %dma_start3A_408 = tpu.memref_slice %arg4[%dma_start3A_406, %dma_start3A_407] : memref<1000000x128xf32, #tpu.memory_space<hbm>> -> memref<1000000x128xf32, #tpu.memory_space<hbm>>
    tpu.enqueue_indirect_dma source(%dma_start3A_405 : memref<16x128xf32, #tpu.memory_space<vmem>>) target(%dma_start3A_408 : memref<1000000x128xf32, #tpu.memory_space<hbm>>) offsets(%get3A_402 : vector<16xi32>) semaphore(%arg20 : memref<!tpu.dma_semaphore, #tpu.memory_space<semaphore_mem>>)
    %get3A_409 = arith.constant 112 : index
    %get3A_410 = tpu.vector_load %arg17[%get3A_409] {strides = array<i32>} : memref<1040xi32, #tpu.memory_space<vmem>>, vector<16xi32>,
    %dma_start3A_411 = arith.constant 112 : i32
    %dma_start3A_412 = arith.constant 0 : i32
    %dma_start3A_413 = tpu.memref_slice %arg14[%dma_start3A_411, %dma_start3A_412] : memref<128x128xf32, #tpu.memory_space<vmem>> -> memref<16x128xf32, #tpu.memory_space<vmem>>
    %dma_start3A_414 = arith.constant 0 : i32
    %dma_start3A_415 = arith.constant 0 : i32
    %dma_start3A_416 = tpu.memref_slice %arg6[%dma_start3A_414, %dma_start3A_415] : memref<16896x128xf32, #tpu.memory_space<hbm>> -> memref<16896x128xf32, #tpu.memory_space<hbm>>
    tpu.enqueue_indirect_dma source(%dma_start3A_416 : memref<16896x128xf32, #tpu.memory_space<hbm>>) target(%dma_start3A_413 : memref<16x128xf32, #tpu.memory_space<vmem>>) offsets(%get3A_410 : vector<16xi32>) semaphore(%arg19 : memref<!tpu.dma_semaphore, #tpu.memory_space<semaphore_mem>>)
    %dma_wait3A_417 = arith.constant 48 : i32
    %dma_wait3A_418 = arith.constant 0 : i32
    %dma_wait3A_419 = tpu.memref_slice %arg14[%dma_wait3A_417, %dma_wait3A_418] : memref<128x128xf32, #tpu.memory_space<vmem>> -> memref<16x128xf32, #tpu.memory_space<vmem>>
    %dma_wait3A_420 = arith.constant 0 : i32
    %dma_wait3A_421 = arith.constant 0 : i32
    %dma_wait3A_422 = tpu.memref_slice %arg6[%dma_wait3A_420, %dma_wait3A_421] : memref<16896x128xf32, #tpu.memory_space<hbm>> -> memref<16896x128xf32, #tpu.memory_space<hbm>>
    tpu.wait_indirect_dma semaphore(%arg19 : memref<!tpu.dma_semaphore, #tpu.memory_space<semaphore_mem>>) src(%dma_wait3A_422 : memref<16896x128xf32, #tpu.memory_space<hbm>>) dst(%dma_wait3A_419 : memref<16x128xf32, #tpu.memory_space<vmem>>)
    %get3A_423 = arith.constant 48 : index
    %get3A_424 = tpu.vector_load %arg16[%get3A_423] {strides = array<i32>} : memref<1040xi32, #tpu.memory_space<vmem>>, vector<16xi32>,
    %dma_start3A_425 = arith.constant 48 : i32
    %dma_start3A_426 = arith.constant 0 : i32
    %dma_start3A_427 = tpu.memref_slice %arg14[%dma_start3A_425, %dma_start3A_426] : memref<128x128xf32, #tpu.memory_space<vmem>> -> memref<16x128xf32, #tpu.memory_space<vmem>>
    %dma_start3A_428 = arith.constant 0 : i32
    %dma_start3A_429 = arith.constant 0 : i32
    %dma_start3A_430 = tpu.memref_slice %arg4[%dma_start3A_428, %dma_start3A_429] : memref<1000000x128xf32, #tpu.memory_space<hbm>> -> memref<1000000x128xf32, #tpu.memory_space<hbm>>
    tpu.enqueue_indirect_dma source(%dma_start3A_427 : memref<16x128xf32, #tpu.memory_space<vmem>>) target(%dma_start3A_430 : memref<1000000x128xf32, #tpu.memory_space<hbm>>) offsets(%get3A_424 : vector<16xi32>) semaphore(%arg20 : memref<!tpu.dma_semaphore, #tpu.memory_space<semaphore_mem>>)
    %dma_wait3A_431 = arith.constant 0 : i32
    %dma_wait3A_432 = arith.constant 0 : i32
    %dma_wait3A_433 = tpu.memref_slice %arg14[%dma_wait3A_431, %dma_wait3A_432] : memref<128x128xf32, #tpu.memory_space<vmem>> -> memref<16x128xf32, #tpu.memory_space<vmem>>
    %dma_wait3A_434 = arith.constant 0 : i32
    %dma_wait3A_435 = arith.constant 0 : i32
    %dma_wait3A_436 = tpu.memref_slice %arg4[%dma_wait3A_434, %dma_wait3A_435] : memref<1000000x128xf32, #tpu.memory_space<hbm>> -> memref<1000000x128xf32, #tpu.memory_space<hbm>>
    tpu.wait_indirect_dma semaphore(%arg20 : memref<!tpu.dma_semaphore, #tpu.memory_space<semaphore_mem>>) src(%dma_wait3A_433 : memref<16x128xf32, #tpu.memory_space<vmem>>) dst(%dma_wait3A_436 : memref<1000000x128xf32, #tpu.memory_space<hbm>>)
    %get3A_437 = arith.constant 128 : index
    %get3A_438 = tpu.vector_load %arg17[%get3A_437] {strides = array<i32>} : memref<1040xi32, #tpu.memory_space<vmem>>, vector<16xi32>,
    %dma_start3A_439 = arith.constant 0 : i32
    %dma_start3A_440 = arith.constant 0 : i32
    %dma_start3A_441 = tpu.memref_slice %arg14[%dma_start3A_439, %dma_start3A_440] : memref<128x128xf32, #tpu.memory_space<vmem>> -> memref<16x128xf32, #tpu.memory_space<vmem>>
    %dma_start3A_442 = arith.constant 0 : i32
    %dma_start3A_443 = arith.constant 0 : i32
    %dma_start3A_444 = tpu.memref_slice %arg6[%dma_start3A_442, %dma_start3A_443] : memref<16896x128xf32, #tpu.memory_space<hbm>> -> memref<16896x128xf32, #tpu.memory_space<hbm>>
    tpu.enqueue_indirect_dma source(%dma_start3A_444 : memref<16896x128xf32, #tpu.memory_space<hbm>>) target(%dma_start3A_441 : memref<16x128xf32, #tpu.memory_space<vmem>>) offsets(%get3A_438 : vector<16xi32>) semaphore(%arg19 : memref<!tpu.dma_semaphore, #tpu.memory_space<semaphore_mem>>)
    %dma_wait3A_445 = arith.constant 64 : i32
    %dma_wait3A_446 = arith.constant 0 : i32
    %dma_wait3A_447 = tpu.memref_slice %arg14[%dma_wait3A_445, %dma_wait3A_446] : memref<128x128xf32, #tpu.memory_space<vmem>> -> memref<16x128xf32, #tpu.memory_space<vmem>>
    %dma_wait3A_448 = arith.constant 0 : i32
    %dma_wait3A_449 = arith.constant 0 : i32
    %dma_wait3A_450 = tpu.memref_slice %arg6[%dma_wait3A_448, %dma_wait3A_449] : memref<16896x128xf32, #tpu.memory_space<hbm>> -> memref<16896x128xf32, #tpu.memory_space<hbm>>
    tpu.wait_indirect_dma semaphore(%arg19 : memref<!tpu.dma_semaphore, #tpu.memory_space<semaphore_mem>>) src(%dma_wait3A_450 : memref<16896x128xf32, #tpu.memory_space<hbm>>) dst(%dma_wait3A_447 : memref<16x128xf32, #tpu.memory_space<vmem>>)
    %get3A_451 = arith.constant 64 : index
    %get3A_452 = tpu.vector_load %arg16[%get3A_451] {strides = array<i32>} : memref<1040xi32, #tpu.memory_space<vmem>>, vector<16xi32>,
    %dma_start3A_453 = arith.constant 64 : i32
    %dma_start3A_454 = arith.constant 0 : i32
    %dma_start3A_455 = tpu.memref_slice %arg14[%dma_start3A_453, %dma_start3A_454] : memref<128x128xf32, #tpu.memory_space<vmem>> -> memref<16x128xf32, #tpu.memory_space<vmem>>
    %dma_start3A_456 = arith.constant 0 : i32
    %dma_start3A_457 = arith.constant 0 : i32
    %dma_start3A_458 = tpu.memref_slice %arg4[%dma_start3A_456, %dma_start3A_457] : memref<1000000x128xf32, #tpu.memory_space<hbm>> -> memref<1000000x128xf32, #tpu.memory_space<hbm>>
    tpu.enqueue_indirect_dma source(%dma_start3A_455 : memref<16x128xf32, #tpu.memory_space<vmem>>) target(%dma_start3A_458 : memref<1000000x128xf32, #tpu.memory_space<hbm>>) offsets(%get3A_452 : vector<16xi32>) semaphore(%arg20 : memref<!tpu.dma_semaphore, #tpu.memory_space<semaphore_mem>>)
    %dma_wait3A_459 = arith.constant 16 : i32
    %dma_wait3A_460 = arith.constant 0 : i32
    %dma_wait3A_461 = tpu.memref_slice %arg14[%dma_wait3A_459, %dma_wait3A_460] : memref<128x128xf32, #tpu.memory_space<vmem>> -> memref<16x128xf32, #tpu.memory_space<vmem>>
    %dma_wait3A_462 = arith.constant 0 : i32
    %dma_wait3A_463 = arith.constant 0 : i32
    %dma_wait3A_464 = tpu.memref_slice %arg4[%dma_wait3A_462, %dma_wait3A_463] : memref<1000000x128xf32, #tpu.memory_space<hbm>> -> memref<1000000x128xf32, #tpu.memory_space<hbm>>
    tpu.wait_indirect_dma semaphore(%arg20 : memref<!tpu.dma_semaphore, #tpu.memory_space<semaphore_mem>>) src(%dma_wait3A_461 : memref<16x128xf32, #tpu.memory_space<vmem>>) dst(%dma_wait3A_464 : memref<1000000x128xf32, #tpu.memory_space<hbm>>)
    %get3A_465 = arith.constant 144 : index
    %get3A_466 = tpu.vector_load %arg17[%get3A_465] {strides = array<i32>} : memref<1040xi32, #tpu.memory_space<vmem>>, vector<16xi32>,
    %dma_start3A_467 = arith.constant 16 : i32
    %dma_start3A_468 = arith.constant 0 : i32
    %dma_start3A_469 = tpu.memref_slice %arg14[%dma_start3A_467, %dma_start3A_468] : memref<128x128xf32, #tpu.memory_space<vmem>> -> memref<16x128xf32, #tpu.memory_space<vmem>>
    %dma_start3A_470 = arith.constant 0 : i32
    %dma_start3A_471 = arith.constant 0 : i32
    %dma_start3A_472 = tpu.memref_slice %arg6[%dma_start3A_470, %dma_start3A_471] : memref<16896x128xf32, #tpu.memory_space<hbm>> -> memref<16896x128xf32, #tpu.memory_space<hbm>>
    tpu.enqueue_indirect_dma source(%dma_start3A_472 : memref<16896x128xf32, #tpu.memory_space<hbm>>) target(%dma_start3A_469 : memref<16x128xf32, #tpu.memory_space<vmem>>) offsets(%get3A_466 : vector<16xi32>) semaphore(%arg19 : memref<!tpu.dma_semaphore, #tpu.memory_space<semaphore_mem>>)
    %dma_wait3A_473 = arith.constant 80 : i32
    %dma_wait3A_474 = arith.constant 0 : i32
    %dma_wait3A_475 = tpu.memref_slice %arg14[%dma_wait3A_473, %dma_wait3A_474] : memref<128x128xf32, #tpu.memory_space<vmem>> -> memref<16x128xf32, #tpu.memory_space<vmem>>
    %dma_wait3A_476 = arith.constant 0 : i32
    %dma_wait3A_477 = arith.constant 0 : i32
    %dma_wait3A_478 = tpu.memref_slice %arg6[%dma_wait3A_476, %dma_wait3A_477] : memref<16896x128xf32, #tpu.memory_space<hbm>> -> memref<16896x128xf32, #tpu.memory_space<hbm>>
    tpu.wait_indirect_dma semaphore(%arg19 : memref<!tpu.dma_semaphore, #tpu.memory_space<semaphore_mem>>) src(%dma_wait3A_478 : memref<16896x128xf32, #tpu.memory_space<hbm>>) dst(%dma_wait3A_475 : memref<16x128xf32, #tpu.memory_space<vmem>>)
    %get3A_479 = arith.constant 80 : index
    %get3A_480 = tpu.vector_load %arg16[%get3A_479] {strides = array<i32>} : memref<1040xi32, #tpu.memory_space<vmem>>, vector<16xi32>,
    %dma_start3A_481 = arith.constant 80 : i32
    %dma_start3A_482 = arith.constant 0 : i32
    %dma_start3A_483 = tpu.memref_slice %arg14[%dma_start3A_481, %dma_start3A_482] : memref<128x128xf32, #tpu.memory_space<vmem>> -> memref<16x128xf32, #tpu.memory_space<vmem>>
    %dma_start3A_484 = arith.constant 0 : i32
    %dma_start3A_485 = arith.constant 0 : i32
    %dma_start3A_486 = tpu.memref_slice %arg4[%dma_start3A_484, %dma_start3A_485] : memref<1000000x128xf32, #tpu.memory_space<hbm>> -> memref<1000000x128xf32, #tpu.memory_space<hbm>>
    tpu.enqueue_indirect_dma source(%dma_start3A_483 : memref<16x128xf32, #tpu.memory_space<vmem>>) target(%dma_start3A_486 : memref<1000000x128xf32, #tpu.memory_space<hbm>>) offsets(%get3A_480 : vector<16xi32>) semaphore(%arg20 : memref<!tpu.dma_semaphore, #tpu.memory_space<semaphore_mem>>)
    %dma_wait3A_487 = arith.constant 32 : i32
    %dma_wait3A_488 = arith.constant 0 : i32
    %dma_wait3A_489 = tpu.memref_slice %arg14[%dma_wait3A_487, %dma_wait3A_488] : memref<128x128xf32, #tpu.memory_space<vmem>> -> memref<16x128xf32, #tpu.memory_space<vmem>>
    %dma_wait3A_490 = arith.constant 0 : i32
    %dma_wait3A_491 = arith.constant 0 : i32
    %dma_wait3A_492 = tpu.memref_slice %arg4[%dma_wait3A_490, %dma_wait3A_491] : memref<1000000x128xf32, #tpu.memory_space<hbm>> -> memref<1000000x128xf32, #tpu.memory_space<hbm>>
    tpu.wait_indirect_dma semaphore(%arg20 : memref<!tpu.dma_semaphore, #tpu.memory_space<semaphore_mem>>) src(%dma_wait3A_489 : memref<16x128xf32, #tpu.memory_space<vmem>>) dst(%dma_wait3A_492 : memref<1000000x128xf32, #tpu.memory_space<hbm>>)
    %get3A_493 = arith.constant 160 : index
    %get3A_494 = tpu.vector_load %arg17[%get3A_493] {strides = array<i32>} : memref<1040xi32, #tpu.memory_space<vmem>>, vector<16xi32>,
    %dma_start3A_495 = arith.constant 32 : i32
    %dma_start3A_496 = arith.constant 0 : i32
    %dma_start3A_497 = tpu.memref_slice %arg14[%dma_start3A_495, %dma_start3A_496] : memref<128x128xf32, #tpu.memory_space<vmem>> -> memref<16x128xf32, #tpu.memory_space<vmem>>
    %dma_start3A_498 = arith.constant 0 : i32
    %dma_start3A_499 = arith.constant 0 : i32
    %dma_start3A_500 = tpu.memref_slice %arg6[%dma_start3A_498, %dma_start3A_499] : memref<16896x128xf32, #tpu.memory_space<hbm>> -> memref<16896x128xf32, #tpu.memory_space<hbm>>
    tpu.enqueue_indirect_dma source(%dma_start3A_500 : memref<16896x128xf32, #tpu.memory_space<hbm>>) target(%dma_start3A_497 : memref<16x128xf32, #tpu.memory_space<vmem>>) offsets(%get3A_494 : vector<16xi32>) semaphore(%arg19 : memref<!tpu.dma_semaphore, #tpu.memory_space<semaphore_mem>>)
    %dma_wait3A_501 = arith.constant 96 : i32
    %dma_wait3A_502 = arith.constant 0 : i32
    %dma_wait3A_503 = tpu.memref_slice %arg14[%dma_wait3A_501, %dma_wait3A_502] : memref<128x128xf32, #tpu.memory_space<vmem>> -> memref<16x128xf32, #tpu.memory_space<vmem>>
    %dma_wait3A_504 = arith.constant 0 : i32
    %dma_wait3A_505 = arith.constant 0 : i32
    %dma_wait3A_506 = tpu.memref_slice %arg6[%dma_wait3A_504, %dma_wait3A_505] : memref<16896x128xf32, #tpu.memory_space<hbm>> -> memref<16896x128xf32, #tpu.memory_space<hbm>>
    tpu.wait_indirect_dma semaphore(%arg19 : memref<!tpu.dma_semaphore, #tpu.memory_space<semaphore_mem>>) src(%dma_wait3A_506 : memref<16896x128xf32, #tpu.memory_space<hbm>>) dst(%dma_wait3A_503 : memref<16x128xf32, #tpu.memory_space<vmem>>)
    %get3A_507 = arith.constant 96 : index
    %get3A_508 = tpu.vector_load %arg16[%get3A_507] {strides = array<i32>} : memref<1040xi32, #tpu.memory_space<vmem>>, vector<16xi32>,
    %dma_start3A_509 = arith.constant 96 : i32
    %dma_start3A_510 = arith.constant 0 : i32
    %dma_start3A_511 = tpu.memref_slice %arg14[%dma_start3A_509, %dma_start3A_510] : memref<128x128xf32, #tpu.memory_space<vmem>> -> memref<16x128xf32, #tpu.memory_space<vmem>>
    %dma_start3A_512 = arith.constant 0 : i32
    %dma_start3A_513 = arith.constant 0 : i32
    %dma_start3A_514 = tpu.memref_slice %arg4[%dma_start3A_512, %dma_start3A_513] : memref<1000000x128xf32, #tpu.memory_space<hbm>> -> memref<1000000x128xf32, #tpu.memory_space<hbm>>
    tpu.enqueue_indirect_dma source(%dma_start3A_511 : memref<16x128xf32, #tpu.memory_space<vmem>>) target(%dma_start3A_514 : memref<1000000x128xf32, #tpu.memory_space<hbm>>) offsets(%get3A_508 : vector<16xi32>) semaphore(%arg20 : memref<!tpu.dma_semaphore, #tpu.memory_space<semaphore_mem>>)
    %dma_wait3A_515 = arith.constant 48 : i32
    %dma_wait3A_516 = arith.constant 0 : i32
    %dma_wait3A_517 = tpu.memref_slice %arg14[%dma_wait3A_515, %dma_wait3A_516] : memref<128x128xf32, #tpu.memory_space<vmem>> -> memref<16x128xf32, #tpu.memory_space<vmem>>
    %dma_wait3A_518 = arith.constant 0 : i32
    %dma_wait3A_519 = arith.constant 0 : i32
    %dma_wait3A_520 = tpu.memref_slice %arg4[%dma_wait3A_518, %dma_wait3A_519] : memref<1000000x128xf32, #tpu.memory_space<hbm>> -> memref<1000000x128xf32, #tpu.memory_space<hbm>>
    tpu.wait_indirect_dma semaphore(%arg20 : memref<!tpu.dma_semaphore, #tpu.memory_space<semaphore_mem>>) src(%dma_wait3A_517 : memref<16x128xf32, #tpu.memory_space<vmem>>) dst(%dma_wait3A_520 : memref<1000000x128xf32, #tpu.memory_space<hbm>>)
    %get3A_521 = arith.constant 176 : index
    %get3A_522 = tpu.vector_load %arg17[%get3A_521] {strides = array<i32>} : memref<1040xi32, #tpu.memory_space<vmem>>, vector<16xi32>,
    %dma_start3A_523 = arith.constant 48 : i32
    %dma_start3A_524 = arith.constant 0 : i32
    %dma_start3A_525 = tpu.memref_slice %arg14[%dma_start3A_523, %dma_start3A_524] : memref<128x128xf32, #tpu.memory_space<vmem>> -> memref<16x128xf32, #tpu.memory_space<vmem>>
    %dma_start3A_526 = arith.constant 0 : i32
    %dma_start3A_527 = arith.constant 0 : i32
    %dma_start3A_528 = tpu.memref_slice %arg6[%dma_start3A_526, %dma_start3A_527] : memref<16896x128xf32, #tpu.memory_space<hbm>> -> memref<16896x128xf32, #tpu.memory_space<hbm>>
    tpu.enqueue_indirect_dma source(%dma_start3A_528 : memref<16896x128xf32, #tpu.memory_space<hbm>>) target(%dma_start3A_525 : memref<16x128xf32, #tpu.memory_space<vmem>>) offsets(%get3A_522 : vector<16xi32>) semaphore(%arg19 : memref<!tpu.dma_semaphore, #tpu.memory_space<semaphore_mem>>)
    %dma_wait3A_529 = arith.constant 112 : i32
    %dma_wait3A_530 = arith.constant 0 : i32
    %dma_wait3A_531 = tpu.memref_slice %arg14[%dma_wait3A_529, %dma_wait3A_530] : memref<128x128xf32, #tpu.memory_space<vmem>> -> memref<16x128xf32, #tpu.memory_space<vmem>>
    %dma_wait3A_532 = arith.constant 0 : i32
    %dma_wait3A_533 = arith.constant 0 : i32
    %dma_wait3A_534 = tpu.memref_slice %arg6[%dma_wait3A_532, %dma_wait3A_533] : memref<16896x128xf32, #tpu.memory_space<hbm>> -> memref<16896x128xf32, #tpu.memory_space<hbm>>
    tpu.wait_indirect_dma semaphore(%arg19 : memref<!tpu.dma_semaphore, #tpu.memory_space<semaphore_mem>>) src(%dma_wait3A_534 : memref<16896x128xf32, #tpu.memory_space<hbm>>) dst(%dma_wait3A_531 : memref<16x128xf32, #tpu.memory_space<vmem>>)
    %get3A_535 = arith.constant 112 : index
    %get3A_536 = tpu.vector_load %arg16[%get3A_535] {strides = array<i32>} : memref<1040xi32, #tpu.memory_space<vmem>>, vector<16xi32>,
    %dma_start3A_537 = arith.constant 112 : i32
    %dma_start3A_538 = arith.constant 0 : i32
    %dma_start3A_539 = tpu.memref_slice %arg14[%dma_start3A_537, %dma_start3A_538] : memref<128x128xf32, #tpu.memory_space<vmem>> -> memref<16x128xf32, #tpu.memory_space<vmem>>
    %dma_start3A_540 = arith.constant 0 : i32
    %dma_start3A_541 = arith.constant 0 : i32
    %dma_start3A_542 = tpu.memref_slice %arg4[%dma_start3A_540, %dma_start3A_541] : memref<1000000x128xf32, #tpu.memory_space<hbm>> -> memref<1000000x128xf32, #tpu.memory_space<hbm>>
    tpu.enqueue_indirect_dma source(%dma_start3A_539 : memref<16x128xf32, #tpu.memory_space<vmem>>) target(%dma_start3A_542 : memref<1000000x128xf32, #tpu.memory_space<hbm>>) offsets(%get3A_536 : vector<16xi32>) semaphore(%arg20 : memref<!tpu.dma_semaphore, #tpu.memory_space<semaphore_mem>>)
    %dma_wait3A_543 = arith.constant 64 : i32
    %dma_wait3A_544 = arith.constant 0 : i32
    %dma_wait3A_545 = tpu.memref_slice %arg14[%dma_wait3A_543, %dma_wait3A_544] : memref<128x128xf32, #tpu.memory_space<vmem>> -> memref<16x128xf32, #tpu.memory_space<vmem>>
    %dma_wait3A_546 = arith.constant 0 : i32
    %dma_wait3A_547 = arith.constant 0 : i32
    %dma_wait3A_548 = tpu.memref_slice %arg4[%dma_wait3A_546, %dma_wait3A_547] : memref<1000000x128xf32, #tpu.memory_space<hbm>> -> memref<1000000x128xf32, #tpu.memory_space<hbm>>
    tpu.wait_indirect_dma semaphore(%arg20 : memref<!tpu.dma_semaphore, #tpu.memory_space<semaphore_mem>>) src(%dma_wait3A_545 : memref<16x128xf32, #tpu.memory_space<vmem>>) dst(%dma_wait3A_548 : memref<1000000x128xf32, #tpu.memory_space<hbm>>)
    %get3A_549 = arith.constant 192 : index
    %get3A_550 = tpu.vector_load %arg17[%get3A_549] {strides = array<i32>} : memref<1040xi32, #tpu.memory_space<vmem>>, vector<16xi32>,
    %dma_start3A_551 = arith.constant 64 : i32
    %dma_start3A_552 = arith.constant 0 : i32
    %dma_start3A_553 = tpu.memref_slice %arg14[%dma_start3A_551, %dma_start3A_552] : memref<128x128xf32, #tpu.memory_space<vmem>> -> memref<16x128xf32, #tpu.memory_space<vmem>>
    %dma_start3A_554 = arith.constant 0 : i32
    %dma_start3A_555 = arith.constant 0 : i32
    %dma_start3A_556 = tpu.memref_slice %arg6[%dma_start3A_554, %dma_start3A_555] : memref<16896x128xf32, #tpu.memory_space<hbm>> -> memref<16896x128xf32, #tpu.memory_space<hbm>>
    tpu.enqueue_indirect_dma source(%dma_start3A_556 : memref<16896x128xf32, #tpu.memory_space<hbm>>) target(%dma_start3A_553 : memref<16x128xf32, #tpu.memory_space<vmem>>) offsets(%get3A_550 : vector<16xi32>) semaphore(%arg19 : memref<!tpu.dma_semaphore, #tpu.memory_space<semaphore_mem>>)
    %dma_wait3A_557 = arith.constant 0 : i32
    %dma_wait3A_558 = arith.constant 0 : i32
    %dma_wait3A_559 = tpu.memref_slice %arg14[%dma_wait3A_557, %dma_wait3A_558] : memref<128x128xf32, #tpu.memory_space<vmem>> -> memref<16x128xf32, #tpu.memory_space<vmem>>
    %dma_wait3A_560 = arith.constant 0 : i32
    %dma_wait3A_561 = arith.constant 0 : i32
    %dma_wait3A_562 = tpu.memref_slice %arg6[%dma_wait3A_560, %dma_wait3A_561] : memref<16896x128xf32, #tpu.memory_space<hbm>> -> memref<16896x128xf32, #tpu.memory_space<hbm>>
    tpu.wait_indirect_dma semaphore(%arg19 : memref<!tpu.dma_semaphore, #tpu.memory_space<semaphore_mem>>) src(%dma_wait3A_562 : memref<16896x128xf32, #tpu.memory_space<hbm>>) dst(%dma_wait3A_559 : memref<16x128xf32, #tpu.memory_space<vmem>>)
    %get3A_563 = arith.constant 128 : index
    %get3A_564 = tpu.vector_load %arg16[%get3A_563] {strides = array<i32>} : memref<1040xi32, #tpu.memory_space<vmem>>, vector<16xi32>,
    %dma_start3A_565 = arith.constant 0 : i32
    %dma_start3A_566 = arith.constant 0 : i32
    %dma_start3A_567 = tpu.memref_slice %arg14[%dma_start3A_565, %dma_start3A_566] : memref<128x128xf32, #tpu.memory_space<vmem>> -> memref<16x128xf32, #tpu.memory_space<vmem>>
    %dma_start3A_568 = arith.constant 0 : i32
    %dma_start3A_569 = arith.constant 0 : i32
    %dma_start3A_570 = tpu.memref_slice %arg4[%dma_start3A_568, %dma_start3A_569] : memref<1000000x128xf32, #tpu.memory_space<hbm>> -> memref<1000000x128xf32, #tpu.memory_space<hbm>>
    tpu.enqueue_indirect_dma source(%dma_start3A_567 : memref<16x128xf32, #tpu.memory_space<vmem>>) target(%dma_start3A_570 : memref<1000000x128xf32, #tpu.memory_space<hbm>>) offsets(%get3A_564 : vector<16xi32>) semaphore(%arg20 : memref<!tpu.dma_semaphore, #tpu.memory_space<semaphore_mem>>)
    %dma_wait3A_571 = arith.constant 80 : i32
    %dma_wait3A_572 = arith.constant 0 : i32
    %dma_wait3A_573 = tpu.memref_slice %arg14[%dma_wait3A_571, %dma_wait3A_572] : memref<128x128xf32, #tpu.memory_space<vmem>> -> memref<16x128xf32, #tpu.memory_space<vmem>>
    %dma_wait3A_574 = arith.constant 0 : i32
    %dma_wait3A_575 = arith.constant 0 : i32
    %dma_wait3A_576 = tpu.memref_slice %arg4[%dma_wait3A_574, %dma_wait3A_575] : memref<1000000x128xf32, #tpu.memory_space<hbm>> -> memref<1000000x128xf32, #tpu.memory_space<hbm>>
    tpu.wait_indirect_dma semaphore(%arg20 : memref<!tpu.dma_semaphore, #tpu.memory_space<semaphore_mem>>) src(%dma_wait3A_573 : memref<16x128xf32, #tpu.memory_space<vmem>>) dst(%dma_wait3A_576 : memref<1000000x128xf32, #tpu.memory_space<hbm>>)
    %get3A_577 = arith.constant 208 : index
    %get3A_578 = tpu.vector_load %arg17[%get3A_577] {strides = array<i32>} : memref<1040xi32, #tpu.memory_space<vmem>>, vector<16xi32>,
    %dma_start3A_579 = arith.constant 80 : i32
    %dma_start3A_580 = arith.constant 0 : i32
    %dma_start3A_581 = tpu.memref_slice %arg14[%dma_start3A_579, %dma_start3A_580] : memref<128x128xf32, #tpu.memory_space<vmem>> -> memref<16x128xf32, #tpu.memory_space<vmem>>
    %dma_start3A_582 = arith.constant 0 : i32
    %dma_start3A_583 = arith.constant 0 : i32
    %dma_start3A_584 = tpu.memref_slice %arg6[%dma_start3A_582, %dma_start3A_583] : memref<16896x128xf32, #tpu.memory_space<hbm>> -> memref<16896x128xf32, #tpu.memory_space<hbm>>
    tpu.enqueue_indirect_dma source(%dma_start3A_584 : memref<16896x128xf32, #tpu.memory_space<hbm>>) target(%dma_start3A_581 : memref<16x128xf32, #tpu.memory_space<vmem>>) offsets(%get3A_578 : vector<16xi32>) semaphore(%arg19 : memref<!tpu.dma_semaphore, #tpu.memory_space<semaphore_mem>>)
    %dma_wait3A_585 = arith.constant 16 : i32
    %dma_wait3A_586 = arith.constant 0 : i32
    %dma_wait3A_587 = tpu.memref_slice %arg14[%dma_wait3A_585, %dma_wait3A_586] : memref<128x128xf32, #tpu.memory_space<vmem>> -> memref<16x128xf32, #tpu.memory_space<vmem>>
    %dma_wait3A_588 = arith.constant 0 : i32
    %dma_wait3A_589 = arith.constant 0 : i32
    %dma_wait3A_590 = tpu.memref_slice %arg6[%dma_wait3A_588, %dma_wait3A_589] : memref<16896x128xf32, #tpu.memory_space<hbm>> -> memref<16896x128xf32, #tpu.memory_space<hbm>>
    tpu.wait_indirect_dma semaphore(%arg19 : memref<!tpu.dma_semaphore, #tpu.memory_space<semaphore_mem>>) src(%dma_wait3A_590 : memref<16896x128xf32, #tpu.memory_space<hbm>>) dst(%dma_wait3A_587 : memref<16x128xf32, #tpu.memory_space<vmem>>)
    %get3A_591 = arith.constant 144 : index
    %get3A_592 = tpu.vector_load %arg16[%get3A_591] {strides = array<i32>} : memref<1040xi32, #tpu.memory_space<vmem>>, vector<16xi32>,
    %dma_start3A_593 = arith.constant 16 : i32
    %dma_start3A_594 = arith.constant 0 : i32
    %dma_start3A_595 = tpu.memref_slice %arg14[%dma_start3A_593, %dma_start3A_594] : memref<128x128xf32, #tpu.memory_space<vmem>> -> memref<16x128xf32, #tpu.memory_space<vmem>>
    %dma_start3A_596 = arith.constant 0 : i32
    %dma_start3A_597 = arith.constant 0 : i32
    %dma_start3A_598 = tpu.memref_slice %arg4[%dma_start3A_596, %dma_start3A_597] : memref<1000000x128xf32, #tpu.memory_space<hbm>> -> memref<1000000x128xf32, #tpu.memory_space<hbm>>
    tpu.enqueue_indirect_dma source(%dma_start3A_595 : memref<16x128xf32, #tpu.memory_space<vmem>>) target(%dma_start3A_598 : memref<1000000x128xf32, #tpu.memory_space<hbm>>) offsets(%get3A_592 : vector<16xi32>) semaphore(%arg20 : memref<!tpu.dma_semaphore, #tpu.memory_space<semaphore_mem>>)
    %dma_wait3A_599 = arith.constant 96 : i32
    %dma_wait3A_600 = arith.constant 0 : i32
    %dma_wait3A_601 = tpu.memref_slice %arg14[%dma_wait3A_599, %dma_wait3A_600] : memref<128x128xf32, #tpu.memory_space<vmem>> -> memref<16x128xf32, #tpu.memory_space<vmem>>
    %dma_wait3A_602 = arith.constant 0 : i32
    %dma_wait3A_603 = arith.constant 0 : i32
    %dma_wait3A_604 = tpu.memref_slice %arg4[%dma_wait3A_602, %dma_wait3A_603] : memref<1000000x128xf32, #tpu.memory_space<hbm>> -> memref<1000000x128xf32, #tpu.memory_space<hbm>>
    tpu.wait_indirect_dma semaphore(%arg20 : memref<!tpu.dma_semaphore, #tpu.memory_space<semaphore_mem>>) src(%dma_wait3A_601 : memref<16x128xf32, #tpu.memory_space<vmem>>) dst(%dma_wait3A_604 : memref<1000000x128xf32, #tpu.memory_space<hbm>>)
    %get3A_605 = arith.constant 224 : index
    %get3A_606 = tpu.vector_load %arg17[%get3A_605] {strides = array<i32>} : memref<1040xi32, #tpu.memory_space<vmem>>, vector<16xi32>,
    %dma_start3A_607 = arith.constant 96 : i32
    %dma_start3A_608 = arith.constant 0 : i32
    %dma_start3A_609 = tpu.memref_slice %arg14[%dma_start3A_607, %dma_start3A_608] : memref<128x128xf32, #tpu.memory_space<vmem>> -> memref<16x128xf32, #tpu.memory_space<vmem>>
    %dma_start3A_610 = arith.constant 0 : i32
    %dma_start3A_611 = arith.constant 0 : i32
    %dma_start3A_612 = tpu.memref_slice %arg6[%dma_start3A_610, %dma_start3A_611] : memref<16896x128xf32, #tpu.memory_space<hbm>> -> memref<16896x128xf32, #tpu.memory_space<hbm>>
    tpu.enqueue_indirect_dma source(%dma_start3A_612 : memref<16896x128xf32, #tpu.memory_space<hbm>>) target(%dma_start3A_609 : memref<16x128xf32, #tpu.memory_space<vmem>>) offsets(%get3A_606 : vector<16xi32>) semaphore(%arg19 : memref<!tpu.dma_semaphore, #tpu.memory_space<semaphore_mem>>)
    %dma_wait3A_613 = arith.constant 32 : i32
    %dma_wait3A_614 = arith.constant 0 : i32
    %dma_wait3A_615 = tpu.memref_slice %arg14[%dma_wait3A_613, %dma_wait3A_614] : memref<128x128xf32, #tpu.memory_space<vmem>> -> memref<16x128xf32, #tpu.memory_space<vmem>>
    %dma_wait3A_616 = arith.constant 0 : i32
    %dma_wait3A_617 = arith.constant 0 : i32
    %dma_wait3A_618 = tpu.memref_slice %arg6[%dma_wait3A_616, %dma_wait3A_617] : memref<16896x128xf32, #tpu.memory_space<hbm>> -> memref<16896x128xf32, #tpu.memory_space<hbm>>
    tpu.wait_indirect_dma semaphore(%arg19 : memref<!tpu.dma_semaphore, #tpu.memory_space<semaphore_mem>>) src(%dma_wait3A_618 : memref<16896x128xf32, #tpu.memory_space<hbm>>) dst(%dma_wait3A_615 : memref<16x128xf32, #tpu.memory_space<vmem>>)
    %get3A_619 = arith.constant 160 : index
    %get3A_620 = tpu.vector_load %arg16[%get3A_619] {strides = array<i32>} : memref<1040xi32, #tpu.memory_space<vmem>>, vector<16xi32>,
    %dma_start3A_621 = arith.constant 32 : i32
    %dma_start3A_622 = arith.constant 0 : i32
    %dma_start3A_623 = tpu.memref_slice %arg14[%dma_start3A_621, %dma_start3A_622] : memref<128x128xf32, #tpu.memory_space<vmem>> -> memref<16x128xf32, #tpu.memory_space<vmem>>
    %dma_start3A_624 = arith.constant 0 : i32
    %dma_start3A_625 = arith.constant 0 : i32
    %dma_start3A_626 = tpu.memref_slice %arg4[%dma_start3A_624, %dma_start3A_625] : memref<1000000x128xf32, #tpu.memory_space<hbm>> -> memref<1000000x128xf32, #tpu.memory_space<hbm>>
    tpu.enqueue_indirect_dma source(%dma_start3A_623 : memref<16x128xf32, #tpu.memory_space<vmem>>) target(%dma_start3A_626 : memref<1000000x128xf32, #tpu.memory_space<hbm>>) offsets(%get3A_620 : vector<16xi32>) semaphore(%arg20 : memref<!tpu.dma_semaphore, #tpu.memory_space<semaphore_mem>>)
    %dma_wait3A_627 = arith.constant 112 : i32
    %dma_wait3A_628 = arith.constant 0 : i32
    %dma_wait3A_629 = tpu.memref_slice %arg14[%dma_wait3A_627, %dma_wait3A_628] : memref<128x128xf32, #tpu.memory_space<vmem>> -> memref<16x128xf32, #tpu.memory_space<vmem>>
    %dma_wait3A_630 = arith.constant 0 : i32
    %dma_wait3A_631 = arith.constant 0 : i32
    %dma_wait3A_632 = tpu.memref_slice %arg4[%dma_wait3A_630, %dma_wait3A_631] : memref<1000000x128xf32, #tpu.memory_space<hbm>> -> memref<1000000x128xf32, #tpu.memory_space<hbm>>
    tpu.wait_indirect_dma semaphore(%arg20 : memref<!tpu.dma_semaphore, #tpu.memory_space<semaphore_mem>>) src(%dma_wait3A_629 : memref<16x128xf32, #tpu.memory_space<vmem>>) dst(%dma_wait3A_632 : memref<1000000x128xf32, #tpu.memory_space<hbm>>)
    %get3A_633 = arith.constant 240 : index
    %get3A_634 = tpu.vector_load %arg17[%get3A_633] {strides = array<i32>} : memref<1040xi32, #tpu.memory_space<vmem>>, vector<16xi32>,
    %dma_start3A_635 = arith.constant 112 : i32
    %dma_start3A_636 = arith.constant 0 : i32
    %dma_start3A_637 = tpu.memref_slice %arg14[%dma_start3A_635, %dma_start3A_636] : memref<128x128xf32, #tpu.memory_space<vmem>> -> memref<16x128xf32, #tpu.memory_space<vmem>>
    %dma_start3A_638 = arith.constant 0 : i32
    %dma_start3A_639 = arith.constant 0 : i32
    %dma_start3A_640 = tpu.memref_slice %arg6[%dma_start3A_638, %dma_start3A_639] : memref<16896x128xf32, #tpu.memory_space<hbm>> -> memref<16896x128xf32, #tpu.memory_space<hbm>>
    tpu.enqueue_indirect_dma source(%dma_start3A_640 : memref<16896x128xf32, #tpu.memory_space<hbm>>) target(%dma_start3A_637 : memref<16x128xf32, #tpu.memory_space<vmem>>) offsets(%get3A_634 : vector<16xi32>) semaphore(%arg19 : memref<!tpu.dma_semaphore, #tpu.memory_space<semaphore_mem>>)
    %dma_wait3A_641 = arith.constant 48 : i32
    %dma_wait3A_642 = arith.constant 0 : i32
    %dma_wait3A_643 = tpu.memref_slice %arg14[%dma_wait3A_641, %dma_wait3A_642] : memref<128x128xf32, #tpu.memory_space<vmem>> -> memref<16x128xf32, #tpu.memory_space<vmem>>
    %dma_wait3A_644 = arith.constant 0 : i32
    %dma_wait3A_645 = arith.constant 0 : i32
    %dma_wait3A_646 = tpu.memref_slice %arg6[%dma_wait3A_644, %dma_wait3A_645] : memref<16896x128xf32, #tpu.memory_space<hbm>> -> memref<16896x128xf32, #tpu.memory_space<hbm>>
    tpu.wait_indirect_dma semaphore(%arg19 : memref<!tpu.dma_semaphore, #tpu.memory_space<semaphore_mem>>) src(%dma_wait3A_646 : memref<16896x128xf32, #tpu.memory_space<hbm>>) dst(%dma_wait3A_643 : memref<16x128xf32, #tpu.memory_space<vmem>>)
    %get3A_647 = arith.constant 176 : index
    %get3A_648 = tpu.vector_load %arg16[%get3A_647] {strides = array<i32>} : memref<1040xi32, #tpu.memory_space<vmem>>, vector<16xi32>,
    %dma_start3A_649 = arith.constant 48 : i32
    %dma_start3A_650 = arith.constant 0 : i32
    %dma_start3A_651 = tpu.memref_slice %arg14[%dma_start3A_649, %dma_start3A_650] : memref<128x128xf32, #tpu.memory_space<vmem>> -> memref<16x128xf32, #tpu.memory_space<vmem>>
    %dma_start3A_652 = arith.constant 0 : i32
    %dma_start3A_653 = arith.constant 0 : i32
    %dma_start3A_654 = tpu.memref_slice %arg4[%dma_start3A_652, %dma_start3A_653] : memref<1000000x128xf32, #tpu.memory_space<hbm>> -> memref<1000000x128xf32, #tpu.memory_space<hbm>>
    tpu.enqueue_indirect_dma source(%dma_start3A_651 : memref<16x128xf32, #tpu.memory_space<vmem>>) target(%dma_start3A_654 : memref<1000000x128xf32, #tpu.memory_space<hbm>>) offsets(%get3A_648 : vector<16xi32>) semaphore(%arg20 : memref<!tpu.dma_semaphore, #tpu.memory_space<semaphore_mem>>)
    %dma_wait3A_655 = arith.constant 0 : i32
    %dma_wait3A_656 = arith.constant 0 : i32
    %dma_wait3A_657 = tpu.memref_slice %arg14[%dma_wait3A_655, %dma_wait3A_656] : memref<128x128xf32, #tpu.memory_space<vmem>> -> memref<16x128xf32, #tpu.memory_space<vmem>>
    %dma_wait3A_658 = arith.constant 0 : i32
    %dma_wait3A_659 = arith.constant 0 : i32
    %dma_wait3A_660 = tpu.memref_slice %arg4[%dma_wait3A_658, %dma_wait3A_659] : memref<1000000x128xf32, #tpu.memory_space<hbm>> -> memref<1000000x128xf32, #tpu.memory_space<hbm>>
    tpu.wait_indirect_dma semaphore(%arg20 : memref<!tpu.dma_semaphore, #tpu.memory_space<semaphore_mem>>) src(%dma_wait3A_657 : memref<16x128xf32, #tpu.memory_space<vmem>>) dst(%dma_wait3A_660 : memref<1000000x128xf32, #tpu.memory_space<hbm>>)
    %get3A_661 = arith.constant 256 : index
    %get3A_662 = tpu.vector_load %arg17[%get3A_661] {strides = array<i32>} : memref<1040xi32, #tpu.memory_space<vmem>>, vector<16xi32>,
    %dma_start3A_663 = arith.constant 0 : i32
    %dma_start3A_664 = arith.constant 0 : i32
    %dma_start3A_665 = tpu.memref_slice %arg14[%dma_start3A_663, %dma_start3A_664] : memref<128x128xf32, #tpu.memory_space<vmem>> -> memref<16x128xf32, #tpu.memory_space<vmem>>
    %dma_start3A_666 = arith.constant 0 : i32
    %dma_start3A_667 = arith.constant 0 : i32
    %dma_start3A_668 = tpu.memref_slice %arg6[%dma_start3A_666, %dma_start3A_667] : memref<16896x128xf32, #tpu.memory_space<hbm>> -> memref<16896x128xf32, #tpu.memory_space<hbm>>
    tpu.enqueue_indirect_dma source(%dma_start3A_668 : memref<16896x128xf32, #tpu.memory_space<hbm>>) target(%dma_start3A_665 : memref<16x128xf32, #tpu.memory_space<vmem>>) offsets(%get3A_662 : vector<16xi32>) semaphore(%arg19 : memref<!tpu.dma_semaphore, #tpu.memory_space<semaphore_mem>>)
    %dma_wait3A_669 = arith.constant 64 : i32
    %dma_wait3A_670 = arith.constant 0 : i32
    %dma_wait3A_671 = tpu.memref_slice %arg14[%dma_wait3A_669, %dma_wait3A_670] : memref<128x128xf32, #tpu.memory_space<vmem>> -> memref<16x128xf32, #tpu.memory_space<vmem>>
    %dma_wait3A_672 = arith.constant 0 : i32
    %dma_wait3A_673 = arith.constant 0 : i32
    %dma_wait3A_674 = tpu.memref_slice %arg6[%dma_wait3A_672, %dma_wait3A_673] : memref<16896x128xf32, #tpu.memory_space<hbm>> -> memref<16896x128xf32, #tpu.memory_space<hbm>>
    tpu.wait_indirect_dma semaphore(%arg19 : memref<!tpu.dma_semaphore, #tpu.memory_space<semaphore_mem>>) src(%dma_wait3A_674 : memref<16896x128xf32, #tpu.memory_space<hbm>>) dst(%dma_wait3A_671 : memref<16x128xf32, #tpu.memory_space<vmem>>)
    %get3A_675 = arith.constant 192 : index
    %get3A_676 = tpu.vector_load %arg16[%get3A_675] {strides = array<i32>} : memref<1040xi32, #tpu.memory_space<vmem>>, vector<16xi32>,
    %dma_start3A_677 = arith.constant 64 : i32
    %dma_start3A_678 = arith.constant 0 : i32
    %dma_start3A_679 = tpu.memref_slice %arg14[%dma_start3A_677, %dma_start3A_678] : memref<128x128xf32, #tpu.memory_space<vmem>> -> memref<16x128xf32, #tpu.memory_space<vmem>>
    %dma_start3A_680 = arith.constant 0 : i32
    %dma_start3A_681 = arith.constant 0 : i32
    %dma_start3A_682 = tpu.memref_slice %arg4[%dma_start3A_680, %dma_start3A_681] : memref<1000000x128xf32, #tpu.memory_space<hbm>> -> memref<1000000x128xf32, #tpu.memory_space<hbm>>
    tpu.enqueue_indirect_dma source(%dma_start3A_679 : memref<16x128xf32, #tpu.memory_space<vmem>>) target(%dma_start3A_682 : memref<1000000x128xf32, #tpu.memory_space<hbm>>) offsets(%get3A_676 : vector<16xi32>) semaphore(%arg20 : memref<!tpu.dma_semaphore, #tpu.memory_space<semaphore_mem>>)
    %dma_wait3A_683 = arith.constant 16 : i32
    %dma_wait3A_684 = arith.constant 0 : i32
    %dma_wait3A_685 = tpu.memref_slice %arg14[%dma_wait3A_683, %dma_wait3A_684] : memref<128x128xf32, #tpu.memory_space<vmem>> -> memref<16x128xf32, #tpu.memory_space<vmem>>
    %dma_wait3A_686 = arith.constant 0 : i32
    %dma_wait3A_687 = arith.constant 0 : i32
    %dma_wait3A_688 = tpu.memref_slice %arg4[%dma_wait3A_686, %dma_wait3A_687] : memref<1000000x128xf32, #tpu.memory_space<hbm>> -> memref<1000000x128xf32, #tpu.memory_space<hbm>>
    tpu.wait_indirect_dma semaphore(%arg20 : memref<!tpu.dma_semaphore, #tpu.memory_space<semaphore_mem>>) src(%dma_wait3A_685 : memref<16x128xf32, #tpu.memory_space<vmem>>) dst(%dma_wait3A_688 : memref<1000000x128xf32, #tpu.memory_space<hbm>>)
    %get3A_689 = arith.constant 272 : index
    %get3A_690 = tpu.vector_load %arg17[%get3A_689] {strides = array<i32>} : memref<1040xi32, #tpu.memory_space<vmem>>, vector<16xi32>,
    %dma_start3A_691 = arith.constant 16 : i32
    %dma_start3A_692 = arith.constant 0 : i32
    %dma_start3A_693 = tpu.memref_slice %arg14[%dma_start3A_691, %dma_start3A_692] : memref<128x128xf32, #tpu.memory_space<vmem>> -> memref<16x128xf32, #tpu.memory_space<vmem>>
    %dma_start3A_694 = arith.constant 0 : i32
    %dma_start3A_695 = arith.constant 0 : i32
    %dma_start3A_696 = tpu.memref_slice %arg6[%dma_start3A_694, %dma_start3A_695] : memref<16896x128xf32, #tpu.memory_space<hbm>> -> memref<16896x128xf32, #tpu.memory_space<hbm>>
    tpu.enqueue_indirect_dma source(%dma_start3A_696 : memref<16896x128xf32, #tpu.memory_space<hbm>>) target(%dma_start3A_693 : memref<16x128xf32, #tpu.memory_space<vmem>>) offsets(%get3A_690 : vector<16xi32>) semaphore(%arg19 : memref<!tpu.dma_semaphore, #tpu.memory_space<semaphore_mem>>)
    %dma_wait3A_697 = arith.constant 80 : i32
    %dma_wait3A_698 = arith.constant 0 : i32
    %dma_wait3A_699 = tpu.memref_slice %arg14[%dma_wait3A_697, %dma_wait3A_698] : memref<128x128xf32, #tpu.memory_space<vmem>> -> memref<16x128xf32, #tpu.memory_space<vmem>>
    %dma_wait3A_700 = arith.constant 0 : i32
    %dma_wait3A_701 = arith.constant 0 : i32
    %dma_wait3A_702 = tpu.memref_slice %arg6[%dma_wait3A_700, %dma_wait3A_701] : memref<16896x128xf32, #tpu.memory_space<hbm>> -> memref<16896x128xf32, #tpu.memory_space<hbm>>
    tpu.wait_indirect_dma semaphore(%arg19 : memref<!tpu.dma_semaphore, #tpu.memory_space<semaphore_mem>>) src(%dma_wait3A_702 : memref<16896x128xf32, #tpu.memory_space<hbm>>) dst(%dma_wait3A_699 : memref<16x128xf32, #tpu.memory_space<vmem>>)
    %get3A_703 = arith.constant 208 : index
    %get3A_704 = tpu.vector_load %arg16[%get3A_703] {strides = array<i32>} : memref<1040xi32, #tpu.memory_space<vmem>>, vector<16xi32>,
    %dma_start3A_705 = arith.constant 80 : i32
    %dma_start3A_706 = arith.constant 0 : i32
    %dma_start3A_707 = tpu.memref_slice %arg14[%dma_start3A_705, %dma_start3A_706] : memref<128x128xf32, #tpu.memory_space<vmem>> -> memref<16x128xf32, #tpu.memory_space<vmem>>
    %dma_start3A_708 = arith.constant 0 : i32
    %dma_start3A_709 = arith.constant 0 : i32
    %dma_start3A_710 = tpu.memref_slice %arg4[%dma_start3A_708, %dma_start3A_709] : memref<1000000x128xf32, #tpu.memory_space<hbm>> -> memref<1000000x128xf32, #tpu.memory_space<hbm>>
    tpu.enqueue_indirect_dma source(%dma_start3A_707 : memref<16x128xf32, #tpu.memory_space<vmem>>) target(%dma_start3A_710 : memref<1000000x128xf32, #tpu.memory_space<hbm>>) offsets(%get3A_704 : vector<16xi32>) semaphore(%arg20 : memref<!tpu.dma_semaphore, #tpu.memory_space<semaphore_mem>>)
    %dma_wait3A_711 = arith.constant 32 : i32
    %dma_wait3A_712 = arith.constant 0 : i32
    %dma_wait3A_713 = tpu.memref_slice %arg14[%dma_wait3A_711, %dma_wait3A_712] : memref<128x128xf32, #tpu.memory_space<vmem>> -> memref<16x128xf32, #tpu.memory_space<vmem>>
    %dma_wait3A_714 = arith.constant 0 : i32
    %dma_wait3A_715 = arith.constant 0 : i32
    %dma_wait3A_716 = tpu.memref_slice %arg4[%dma_wait3A_714, %dma_wait3A_715] : memref<1000000x128xf32, #tpu.memory_space<hbm>> -> memref<1000000x128xf32, #tpu.memory_space<hbm>>
    tpu.wait_indirect_dma semaphore(%arg20 : memref<!tpu.dma_semaphore, #tpu.memory_space<semaphore_mem>>) src(%dma_wait3A_713 : memref<16x128xf32, #tpu.memory_space<vmem>>) dst(%dma_wait3A_716 : memref<1000000x128xf32, #tpu.memory_space<hbm>>)
    %get3A_717 = arith.constant 288 : index
    %get3A_718 = tpu.vector_load %arg17[%get3A_717] {strides = array<i32>} : memref<1040xi32, #tpu.memory_space<vmem>>, vector<16xi32>,
    %dma_start3A_719 = arith.constant 32 : i32
    %dma_start3A_720 = arith.constant 0 : i32
    %dma_start3A_721 = tpu.memref_slice %arg14[%dma_start3A_719, %dma_start3A_720] : memref<128x128xf32, #tpu.memory_space<vmem>> -> memref<16x128xf32, #tpu.memory_space<vmem>>
    %dma_start3A_722 = arith.constant 0 : i32
    %dma_start3A_723 = arith.constant 0 : i32
    %dma_start3A_724 = tpu.memref_slice %arg6[%dma_start3A_722, %dma_start3A_723] : memref<16896x128xf32, #tpu.memory_space<hbm>> -> memref<16896x128xf32, #tpu.memory_space<hbm>>
    tpu.enqueue_indirect_dma source(%dma_start3A_724 : memref<16896x128xf32, #tpu.memory_space<hbm>>) target(%dma_start3A_721 : memref<16x128xf32, #tpu.memory_space<vmem>>) offsets(%get3A_718 : vector<16xi32>) semaphore(%arg19 : memref<!tpu.dma_semaphore, #tpu.memory_space<semaphore_mem>>)
    %dma_wait3A_725 = arith.constant 96 : i32
    %dma_wait3A_726 = arith.constant 0 : i32
    %dma_wait3A_727 = tpu.memref_slice %arg14[%dma_wait3A_725, %dma_wait3A_726] : memref<128x128xf32, #tpu.memory_space<vmem>> -> memref<16x128xf32, #tpu.memory_space<vmem>>
    %dma_wait3A_728 = arith.constant 0 : i32
    %dma_wait3A_729 = arith.constant 0 : i32
    %dma_wait3A_730 = tpu.memref_slice %arg6[%dma_wait3A_728, %dma_wait3A_729] : memref<16896x128xf32, #tpu.memory_space<hbm>> -> memref<16896x128xf32, #tpu.memory_space<hbm>>
    tpu.wait_indirect_dma semaphore(%arg19 : memref<!tpu.dma_semaphore, #tpu.memory_space<semaphore_mem>>) src(%dma_wait3A_730 : memref<16896x128xf32, #tpu.memory_space<hbm>>) dst(%dma_wait3A_727 : memref<16x128xf32, #tpu.memory_space<vmem>>)
    %get3A_731 = arith.constant 224 : index
    %get3A_732 = tpu.vector_load %arg16[%get3A_731] {strides = array<i32>} : memref<1040xi32, #tpu.memory_space<vmem>>, vector<16xi32>,
    %dma_start3A_733 = arith.constant 96 : i32
    %dma_start3A_734 = arith.constant 0 : i32
    %dma_start3A_735 = tpu.memref_slice %arg14[%dma_start3A_733, %dma_start3A_734] : memref<128x128xf32, #tpu.memory_space<vmem>> -> memref<16x128xf32, #tpu.memory_space<vmem>>
    %dma_start3A_736 = arith.constant 0 : i32
    %dma_start3A_737 = arith.constant 0 : i32
    %dma_start3A_738 = tpu.memref_slice %arg4[%dma_start3A_736, %dma_start3A_737] : memref<1000000x128xf32, #tpu.memory_space<hbm>> -> memref<1000000x128xf32, #tpu.memory_space<hbm>>
    tpu.enqueue_indirect_dma source(%dma_start3A_735 : memref<16x128xf32, #tpu.memory_space<vmem>>) target(%dma_start3A_738 : memref<1000000x128xf32, #tpu.memory_space<hbm>>) offsets(%get3A_732 : vector<16xi32>) semaphore(%arg20 : memref<!tpu.dma_semaphore, #tpu.memory_space<semaphore_mem>>)
    %dma_wait3A_739 = arith.constant 48 : i32
    %dma_wait3A_740 = arith.constant 0 : i32
    %dma_wait3A_741 = tpu.memref_slice %arg14[%dma_wait3A_739, %dma_wait3A_740] : memref<128x128xf32, #tpu.memory_space<vmem>> -> memref<16x128xf32, #tpu.memory_space<vmem>>
    %dma_wait3A_742 = arith.constant 0 : i32
    %dma_wait3A_743 = arith.constant 0 : i32
    %dma_wait3A_744 = tpu.memref_slice %arg4[%dma_wait3A_742, %dma_wait3A_743] : memref<1000000x128xf32, #tpu.memory_space<hbm>> -> memref<1000000x128xf32, #tpu.memory_space<hbm>>
    tpu.wait_indirect_dma semaphore(%arg20 : memref<!tpu.dma_semaphore, #tpu.memory_space<semaphore_mem>>) src(%dma_wait3A_741 : memref<16x128xf32, #tpu.memory_space<vmem>>) dst(%dma_wait3A_744 : memref<1000000x128xf32, #tpu.memory_space<hbm>>)
    %get3A_745 = arith.constant 304 : index
    %get3A_746 = tpu.vector_load %arg17[%get3A_745] {strides = array<i32>} : memref<1040xi32, #tpu.memory_space<vmem>>, vector<16xi32>,
    %dma_start3A_747 = arith.constant 48 : i32
    %dma_start3A_748 = arith.constant 0 : i32
    %dma_start3A_749 = tpu.memref_slice %arg14[%dma_start3A_747, %dma_start3A_748] : memref<128x128xf32, #tpu.memory_space<vmem>> -> memref<16x128xf32, #tpu.memory_space<vmem>>
    %dma_start3A_750 = arith.constant 0 : i32
    %dma_start3A_751 = arith.constant 0 : i32
    %dma_start3A_752 = tpu.memref_slice %arg6[%dma_start3A_750, %dma_start3A_751] : memref<16896x128xf32, #tpu.memory_space<hbm>> -> memref<16896x128xf32, #tpu.memory_space<hbm>>
    tpu.enqueue_indirect_dma source(%dma_start3A_752 : memref<16896x128xf32, #tpu.memory_space<hbm>>) target(%dma_start3A_749 : memref<16x128xf32, #tpu.memory_space<vmem>>) offsets(%get3A_746 : vector<16xi32>) semaphore(%arg19 : memref<!tpu.dma_semaphore, #tpu.memory_space<semaphore_mem>>)
    %dma_wait3A_753 = arith.constant 112 : i32
    %dma_wait3A_754 = arith.constant 0 : i32
    %dma_wait3A_755 = tpu.memref_slice %arg14[%dma_wait3A_753, %dma_wait3A_754] : memref<128x128xf32, #tpu.memory_space<vmem>> -> memref<16x128xf32, #tpu.memory_space<vmem>>
    %dma_wait3A_756 = arith.constant 0 : i32
    %dma_wait3A_757 = arith.constant 0 : i32
    %dma_wait3A_758 = tpu.memref_slice %arg6[%dma_wait3A_756, %dma_wait3A_757] : memref<16896x128xf32, #tpu.memory_space<hbm>> -> memref<16896x128xf32, #tpu.memory_space<hbm>>
    tpu.wait_indirect_dma semaphore(%arg19 : memref<!tpu.dma_semaphore, #tpu.memory_space<semaphore_mem>>) src(%dma_wait3A_758 : memref<16896x128xf32, #tpu.memory_space<hbm>>) dst(%dma_wait3A_755 : memref<16x128xf32, #tpu.memory_space<vmem>>)
    %get3A_759 = arith.constant 240 : index
    %get3A_760 = tpu.vector_load %arg16[%get3A_759] {strides = array<i32>} : memref<1040xi32, #tpu.memory_space<vmem>>, vector<16xi32>,
    %dma_start3A_761 = arith.constant 112 : i32
    %dma_start3A_762 = arith.constant 0 : i32
    %dma_start3A_763 = tpu.memref_slice %arg14[%dma_start3A_761, %dma_start3A_762] : memref<128x128xf32, #tpu.memory_space<vmem>> -> memref<16x128xf32, #tpu.memory_space<vmem>>
    %dma_start3A_764 = arith.constant 0 : i32
    %dma_start3A_765 = arith.constant 0 : i32
    %dma_start3A_766 = tpu.memref_slice %arg4[%dma_start3A_764, %dma_start3A_765] : memref<1000000x128xf32, #tpu.memory_space<hbm>> -> memref<1000000x128xf32, #tpu.memory_space<hbm>>
    tpu.enqueue_indirect_dma source(%dma_start3A_763 : memref<16x128xf32, #tpu.memory_space<vmem>>) target(%dma_start3A_766 : memref<1000000x128xf32, #tpu.memory_space<hbm>>) offsets(%get3A_760 : vector<16xi32>) semaphore(%arg20 : memref<!tpu.dma_semaphore, #tpu.memory_space<semaphore_mem>>)
    %dma_wait3A_767 = arith.constant 64 : i32
    %dma_wait3A_768 = arith.constant 0 : i32
    %dma_wait3A_769 = tpu.memref_slice %arg14[%dma_wait3A_767, %dma_wait3A_768] : memref<128x128xf32, #tpu.memory_space<vmem>> -> memref<16x128xf32, #tpu.memory_space<vmem>>
    %dma_wait3A_770 = arith.constant 0 : i32
    %dma_wait3A_771 = arith.constant 0 : i32
    %dma_wait3A_772 = tpu.memref_slice %arg4[%dma_wait3A_770, %dma_wait3A_771] : memref<1000000x128xf32, #tpu.memory_space<hbm>> -> memref<1000000x128xf32, #tpu.memory_space<hbm>>
    tpu.wait_indirect_dma semaphore(%arg20 : memref<!tpu.dma_semaphore, #tpu.memory_space<semaphore_mem>>) src(%dma_wait3A_769 : memref<16x128xf32, #tpu.memory_space<vmem>>) dst(%dma_wait3A_772 : memref<1000000x128xf32, #tpu.memory_space<hbm>>)
    %get3A_773 = arith.constant 320 : index
    %get3A_774 = tpu.vector_load %arg17[%get3A_773] {strides = array<i32>} : memref<1040xi32, #tpu.memory_space<vmem>>, vector<16xi32>,
    %dma_start3A_775 = arith.constant 64 : i32
    %dma_start3A_776 = arith.constant 0 : i32
    %dma_start3A_777 = tpu.memref_slice %arg14[%dma_start3A_775, %dma_start3A_776] : memref<128x128xf32, #tpu.memory_space<vmem>> -> memref<16x128xf32, #tpu.memory_space<vmem>>
    %dma_start3A_778 = arith.constant 0 : i32
    %dma_start3A_779 = arith.constant 0 : i32
    %dma_start3A_780 = tpu.memref_slice %arg6[%dma_start3A_778, %dma_start3A_779] : memref<16896x128xf32, #tpu.memory_space<hbm>> -> memref<16896x128xf32, #tpu.memory_space<hbm>>
    tpu.enqueue_indirect_dma source(%dma_start3A_780 : memref<16896x128xf32, #tpu.memory_space<hbm>>) target(%dma_start3A_777 : memref<16x128xf32, #tpu.memory_space<vmem>>) offsets(%get3A_774 : vector<16xi32>) semaphore(%arg19 : memref<!tpu.dma_semaphore, #tpu.memory_space<semaphore_mem>>)
    %dma_wait3A_781 = arith.constant 0 : i32
    %dma_wait3A_782 = arith.constant 0 : i32
    %dma_wait3A_783 = tpu.memref_slice %arg14[%dma_wait3A_781, %dma_wait3A_782] : memref<128x128xf32, #tpu.memory_space<vmem>> -> memref<16x128xf32, #tpu.memory_space<vmem>>
    %dma_wait3A_784 = arith.constant 0 : i32
    %dma_wait3A_785 = arith.constant 0 : i32
    %dma_wait3A_786 = tpu.memref_slice %arg6[%dma_wait3A_784, %dma_wait3A_785] : memref<16896x128xf32, #tpu.memory_space<hbm>> -> memref<16896x128xf32, #tpu.memory_space<hbm>>
    tpu.wait_indirect_dma semaphore(%arg19 : memref<!tpu.dma_semaphore, #tpu.memory_space<semaphore_mem>>) src(%dma_wait3A_786 : memref<16896x128xf32, #tpu.memory_space<hbm>>) dst(%dma_wait3A_783 : memref<16x128xf32, #tpu.memory_space<vmem>>)
    %get3A_787 = arith.constant 256 : index
    %get3A_788 = tpu.vector_load %arg16[%get3A_787] {strides = array<i32>} : memref<1040xi32, #tpu.memory_space<vmem>>, vector<16xi32>,
    %dma_start3A_789 = arith.constant 0 : i32
    %dma_start3A_790 = arith.constant 0 : i32
    %dma_start3A_791 = tpu.memref_slice %arg14[%dma_start3A_789, %dma_start3A_790] : memref<128x128xf32, #tpu.memory_space<vmem>> -> memref<16x128xf32, #tpu.memory_space<vmem>>
    %dma_start3A_792 = arith.constant 0 : i32
    %dma_start3A_793 = arith.constant 0 : i32
    %dma_start3A_794 = tpu.memref_slice %arg4[%dma_start3A_792, %dma_start3A_793] : memref<1000000x128xf32, #tpu.memory_space<hbm>> -> memref<1000000x128xf32, #tpu.memory_space<hbm>>
    tpu.enqueue_indirect_dma source(%dma_start3A_791 : memref<16x128xf32, #tpu.memory_space<vmem>>) target(%dma_start3A_794 : memref<1000000x128xf32, #tpu.memory_space<hbm>>) offsets(%get3A_788 : vector<16xi32>) semaphore(%arg20 : memref<!tpu.dma_semaphore, #tpu.memory_space<semaphore_mem>>)
    %dma_wait3A_795 = arith.constant 80 : i32
    %dma_wait3A_796 = arith.constant 0 : i32
    %dma_wait3A_797 = tpu.memref_slice %arg14[%dma_wait3A_795, %dma_wait3A_796] : memref<128x128xf32, #tpu.memory_space<vmem>> -> memref<16x128xf32, #tpu.memory_space<vmem>>
    %dma_wait3A_798 = arith.constant 0 : i32
    %dma_wait3A_799 = arith.constant 0 : i32
    %dma_wait3A_800 = tpu.memref_slice %arg4[%dma_wait3A_798, %dma_wait3A_799] : memref<1000000x128xf32, #tpu.memory_space<hbm>> -> memref<1000000x128xf32, #tpu.memory_space<hbm>>
    tpu.wait_indirect_dma semaphore(%arg20 : memref<!tpu.dma_semaphore, #tpu.memory_space<semaphore_mem>>) src(%dma_wait3A_797 : memref<16x128xf32, #tpu.memory_space<vmem>>) dst(%dma_wait3A_800 : memref<1000000x128xf32, #tpu.memory_space<hbm>>)
    %get3A_801 = arith.constant 336 : index
    %get3A_802 = tpu.vector_load %arg17[%get3A_801] {strides = array<i32>} : memref<1040xi32, #tpu.memory_space<vmem>>, vector<16xi32>,
    %dma_start3A_803 = arith.constant 80 : i32
    %dma_start3A_804 = arith.constant 0 : i32
    %dma_start3A_805 = tpu.memref_slice %arg14[%dma_start3A_803, %dma_start3A_804] : memref<128x128xf32, #tpu.memory_space<vmem>> -> memref<16x128xf32, #tpu.memory_space<vmem>>
    %dma_start3A_806 = arith.constant 0 : i32
    %dma_start3A_807 = arith.constant 0 : i32
    %dma_start3A_808 = tpu.memref_slice %arg6[%dma_start3A_806, %dma_start3A_807] : memref<16896x128xf32, #tpu.memory_space<hbm>> -> memref<16896x128xf32, #tpu.memory_space<hbm>>
    tpu.enqueue_indirect_dma source(%dma_start3A_808 : memref<16896x128xf32, #tpu.memory_space<hbm>>) target(%dma_start3A_805 : memref<16x128xf32, #tpu.memory_space<vmem>>) offsets(%get3A_802 : vector<16xi32>) semaphore(%arg19 : memref<!tpu.dma_semaphore, #tpu.memory_space<semaphore_mem>>)
    %dma_wait3A_809 = arith.constant 16 : i32
    %dma_wait3A_810 = arith.constant 0 : i32
    %dma_wait3A_811 = tpu.memref_slice %arg14[%dma_wait3A_809, %dma_wait3A_810] : memref<128x128xf32, #tpu.memory_space<vmem>> -> memref<16x128xf32, #tpu.memory_space<vmem>>
    %dma_wait3A_812 = arith.constant 0 : i32
    %dma_wait3A_813 = arith.constant 0 : i32
    %dma_wait3A_814 = tpu.memref_slice %arg6[%dma_wait3A_812, %dma_wait3A_813] : memref<16896x128xf32, #tpu.memory_space<hbm>> -> memref<16896x128xf32, #tpu.memory_space<hbm>>
    tpu.wait_indirect_dma semaphore(%arg19 : memref<!tpu.dma_semaphore, #tpu.memory_space<semaphore_mem>>) src(%dma_wait3A_814 : memref<16896x128xf32, #tpu.memory_space<hbm>>) dst(%dma_wait3A_811 : memref<16x128xf32, #tpu.memory_space<vmem>>)
    %get3A_815 = arith.constant 272 : index
    %get3A_816 = tpu.vector_load %arg16[%get3A_815] {strides = array<i32>} : memref<1040xi32, #tpu.memory_space<vmem>>, vector<16xi32>,
    %dma_start3A_817 = arith.constant 16 : i32
    %dma_start3A_818 = arith.constant 0 : i32
    %dma_start3A_819 = tpu.memref_slice %arg14[%dma_start3A_817, %dma_start3A_818] : memref<128x128xf32, #tpu.memory_space<vmem>> -> memref<16x128xf32, #tpu.memory_space<vmem>>
    %dma_start3A_820 = arith.constant 0 : i32
    %dma_start3A_821 = arith.constant 0 : i32
    %dma_start3A_822 = tpu.memref_slice %arg4[%dma_start3A_820, %dma_start3A_821] : memref<1000000x128xf32, #tpu.memory_space<hbm>> -> memref<1000000x128xf32, #tpu.memory_space<hbm>>
    tpu.enqueue_indirect_dma source(%dma_start3A_819 : memref<16x128xf32, #tpu.memory_space<vmem>>) target(%dma_start3A_822 : memref<1000000x128xf32, #tpu.memory_space<hbm>>) offsets(%get3A_816 : vector<16xi32>) semaphore(%arg20 : memref<!tpu.dma_semaphore, #tpu.memory_space<semaphore_mem>>)
    %dma_wait3A_823 = arith.constant 96 : i32
    %dma_wait3A_824 = arith.constant 0 : i32
    %dma_wait3A_825 = tpu.memref_slice %arg14[%dma_wait3A_823, %dma_wait3A_824] : memref<128x128xf32, #tpu.memory_space<vmem>> -> memref<16x128xf32, #tpu.memory_space<vmem>>
    %dma_wait3A_826 = arith.constant 0 : i32
    %dma_wait3A_827 = arith.constant 0 : i32
    %dma_wait3A_828 = tpu.memref_slice %arg4[%dma_wait3A_826, %dma_wait3A_827] : memref<1000000x128xf32, #tpu.memory_space<hbm>> -> memref<1000000x128xf32, #tpu.memory_space<hbm>>
    tpu.wait_indirect_dma semaphore(%arg20 : memref<!tpu.dma_semaphore, #tpu.memory_space<semaphore_mem>>) src(%dma_wait3A_825 : memref<16x128xf32, #tpu.memory_space<vmem>>) dst(%dma_wait3A_828 : memref<1000000x128xf32, #tpu.memory_space<hbm>>)
    %get3A_829 = arith.constant 352 : index
    %get3A_830 = tpu.vector_load %arg17[%get3A_829] {strides = array<i32>} : memref<1040xi32, #tpu.memory_space<vmem>>, vector<16xi32>,
    %dma_start3A_831 = arith.constant 96 : i32
    %dma_start3A_832 = arith.constant 0 : i32
    %dma_start3A_833 = tpu.memref_slice %arg14[%dma_start3A_831, %dma_start3A_832] : memref<128x128xf32, #tpu.memory_space<vmem>> -> memref<16x128xf32, #tpu.memory_space<vmem>>
    %dma_start3A_834 = arith.constant 0 : i32
    %dma_start3A_835 = arith.constant 0 : i32
    %dma_start3A_836 = tpu.memref_slice %arg6[%dma_start3A_834, %dma_start3A_835] : memref<16896x128xf32, #tpu.memory_space<hbm>> -> memref<16896x128xf32, #tpu.memory_space<hbm>>
    tpu.enqueue_indirect_dma source(%dma_start3A_836 : memref<16896x128xf32, #tpu.memory_space<hbm>>) target(%dma_start3A_833 : memref<16x128xf32, #tpu.memory_space<vmem>>) offsets(%get3A_830 : vector<16xi32>) semaphore(%arg19 : memref<!tpu.dma_semaphore, #tpu.memory_space<semaphore_mem>>)
    %dma_wait3A_837 = arith.constant 32 : i32
    %dma_wait3A_838 = arith.constant 0 : i32
    %dma_wait3A_839 = tpu.memref_slice %arg14[%dma_wait3A_837, %dma_wait3A_838] : memref<128x128xf32, #tpu.memory_space<vmem>> -> memref<16x128xf32, #tpu.memory_space<vmem>>
    %dma_wait3A_840 = arith.constant 0 : i32
    %dma_wait3A_841 = arith.constant 0 : i32
    %dma_wait3A_842 = tpu.memref_slice %arg6[%dma_wait3A_840, %dma_wait3A_841] : memref<16896x128xf32, #tpu.memory_space<hbm>> -> memref<16896x128xf32, #tpu.memory_space<hbm>>
    tpu.wait_indirect_dma semaphore(%arg19 : memref<!tpu.dma_semaphore, #tpu.memory_space<semaphore_mem>>) src(%dma_wait3A_842 : memref<16896x128xf32, #tpu.memory_space<hbm>>) dst(%dma_wait3A_839 : memref<16x128xf32, #tpu.memory_space<vmem>>)
    %get3A_843 = arith.constant 288 : index
    %get3A_844 = tpu.vector_load %arg16[%get3A_843] {strides = array<i32>} : memref<1040xi32, #tpu.memory_space<vmem>>, vector<16xi32>,
    %dma_start3A_845 = arith.constant 32 : i32
    %dma_start3A_846 = arith.constant 0 : i32
    %dma_start3A_847 = tpu.memref_slice %arg14[%dma_start3A_845, %dma_start3A_846] : memref<128x128xf32, #tpu.memory_space<vmem>> -> memref<16x128xf32, #tpu.memory_space<vmem>>
    %dma_start3A_848 = arith.constant 0 : i32
    %dma_start3A_849 = arith.constant 0 : i32
    %dma_start3A_850 = tpu.memref_slice %arg4[%dma_start3A_848, %dma_start3A_849] : memref<1000000x128xf32, #tpu.memory_space<hbm>> -> memref<1000000x128xf32, #tpu.memory_space<hbm>>
    tpu.enqueue_indirect_dma source(%dma_start3A_847 : memref<16x128xf32, #tpu.memory_space<vmem>>) target(%dma_start3A_850 : memref<1000000x128xf32, #tpu.memory_space<hbm>>) offsets(%get3A_844 : vector<16xi32>) semaphore(%arg20 : memref<!tpu.dma_semaphore, #tpu.memory_space<semaphore_mem>>)
    %dma_wait3A_851 = arith.constant 112 : i32
    %dma_wait3A_852 = arith.constant 0 : i32
    %dma_wait3A_853 = tpu.memref_slice %arg14[%dma_wait3A_851, %dma_wait3A_852] : memref<128x128xf32, #tpu.memory_space<vmem>> -> memref<16x128xf32, #tpu.memory_space<vmem>>
    %dma_wait3A_854 = arith.constant 0 : i32
    %dma_wait3A_855 = arith.constant 0 : i32
    %dma_wait3A_856 = tpu.memref_slice %arg4[%dma_wait3A_854, %dma_wait3A_855] : memref<1000000x128xf32, #tpu.memory_space<hbm>> -> memref<1000000x128xf32, #tpu.memory_space<hbm>>
    tpu.wait_indirect_dma semaphore(%arg20 : memref<!tpu.dma_semaphore, #tpu.memory_space<semaphore_mem>>) src(%dma_wait3A_853 : memref<16x128xf32, #tpu.memory_space<vmem>>) dst(%dma_wait3A_856 : memref<1000000x128xf32, #tpu.memory_space<hbm>>)
    %get3A_857 = arith.constant 368 : index
    %get3A_858 = tpu.vector_load %arg17[%get3A_857] {strides = array<i32>} : memref<1040xi32, #tpu.memory_space<vmem>>, vector<16xi32>,
    %dma_start3A_859 = arith.constant 112 : i32
    %dma_start3A_860 = arith.constant 0 : i32
    %dma_start3A_861 = tpu.memref_slice %arg14[%dma_start3A_859, %dma_start3A_860] : memref<128x128xf32, #tpu.memory_space<vmem>> -> memref<16x128xf32, #tpu.memory_space<vmem>>
    %dma_start3A_862 = arith.constant 0 : i32
    %dma_start3A_863 = arith.constant 0 : i32
    %dma_start3A_864 = tpu.memref_slice %arg6[%dma_start3A_862, %dma_start3A_863] : memref<16896x128xf32, #tpu.memory_space<hbm>> -> memref<16896x128xf32, #tpu.memory_space<hbm>>
    tpu.enqueue_indirect_dma source(%dma_start3A_864 : memref<16896x128xf32, #tpu.memory_space<hbm>>) target(%dma_start3A_861 : memref<16x128xf32, #tpu.memory_space<vmem>>) offsets(%get3A_858 : vector<16xi32>) semaphore(%arg19 : memref<!tpu.dma_semaphore, #tpu.memory_space<semaphore_mem>>)
    %dma_wait3A_865 = arith.constant 48 : i32
    %dma_wait3A_866 = arith.constant 0 : i32
    %dma_wait3A_867 = tpu.memref_slice %arg14[%dma_wait3A_865, %dma_wait3A_866] : memref<128x128xf32, #tpu.memory_space<vmem>> -> memref<16x128xf32, #tpu.memory_space<vmem>>
    %dma_wait3A_868 = arith.constant 0 : i32
    %dma_wait3A_869 = arith.constant 0 : i32
    %dma_wait3A_870 = tpu.memref_slice %arg6[%dma_wait3A_868, %dma_wait3A_869] : memref<16896x128xf32, #tpu.memory_space<hbm>> -> memref<16896x128xf32, #tpu.memory_space<hbm>>
    tpu.wait_indirect_dma semaphore(%arg19 : memref<!tpu.dma_semaphore, #tpu.memory_space<semaphore_mem>>) src(%dma_wait3A_870 : memref<16896x128xf32, #tpu.memory_space<hbm>>) dst(%dma_wait3A_867 : memref<16x128xf32, #tpu.memory_space<vmem>>)
    %get3A_871 = arith.constant 304 : index
    %get3A_872 = tpu.vector_load %arg16[%get3A_871] {strides = array<i32>} : memref<1040xi32, #tpu.memory_space<vmem>>, vector<16xi32>,
    %dma_start3A_873 = arith.constant 48 : i32
    %dma_start3A_874 = arith.constant 0 : i32
    %dma_start3A_875 = tpu.memref_slice %arg14[%dma_start3A_873, %dma_start3A_874] : memref<128x128xf32, #tpu.memory_space<vmem>> -> memref<16x128xf32, #tpu.memory_space<vmem>>
    %dma_start3A_876 = arith.constant 0 : i32
    %dma_start3A_877 = arith.constant 0 : i32
    %dma_start3A_878 = tpu.memref_slice %arg4[%dma_start3A_876, %dma_start3A_877] : memref<1000000x128xf32, #tpu.memory_space<hbm>> -> memref<1000000x128xf32, #tpu.memory_space<hbm>>
    tpu.enqueue_indirect_dma source(%dma_start3A_875 : memref<16x128xf32, #tpu.memory_space<vmem>>) target(%dma_start3A_878 : memref<1000000x128xf32, #tpu.memory_space<hbm>>) offsets(%get3A_872 : vector<16xi32>) semaphore(%arg20 : memref<!tpu.dma_semaphore, #tpu.memory_space<semaphore_mem>>)
    %dma_wait3A_879 = arith.constant 0 : i32
    %dma_wait3A_880 = arith.constant 0 : i32
    %dma_wait3A_881 = tpu.memref_slice %arg14[%dma_wait3A_879, %dma_wait3A_880] : memref<128x128xf32, #tpu.memory_space<vmem>> -> memref<16x128xf32, #tpu.memory_space<vmem>>
    %dma_wait3A_882 = arith.constant 0 : i32
    %dma_wait3A_883 = arith.constant 0 : i32
    %dma_wait3A_884 = tpu.memref_slice %arg4[%dma_wait3A_882, %dma_wait3A_883] : memref<1000000x128xf32, #tpu.memory_space<hbm>> -> memref<1000000x128xf32, #tpu.memory_space<hbm>>
    tpu.wait_indirect_dma semaphore(%arg20 : memref<!tpu.dma_semaphore, #tpu.memory_space<semaphore_mem>>) src(%dma_wait3A_881 : memref<16x128xf32, #tpu.memory_space<vmem>>) dst(%dma_wait3A_884 : memref<1000000x128xf32, #tpu.memory_space<hbm>>)
    %get3A_885 = arith.constant 384 : index
    %get3A_886 = tpu.vector_load %arg17[%get3A_885] {strides = array<i32>} : memref<1040xi32, #tpu.memory_space<vmem>>, vector<16xi32>,
    %dma_start3A_887 = arith.constant 0 : i32
    %dma_start3A_888 = arith.constant 0 : i32
    %dma_start3A_889 = tpu.memref_slice %arg14[%dma_start3A_887, %dma_start3A_888] : memref<128x128xf32, #tpu.memory_space<vmem>> -> memref<16x128xf32, #tpu.memory_space<vmem>>
    %dma_start3A_890 = arith.constant 0 : i32
    %dma_start3A_891 = arith.constant 0 : i32
    %dma_start3A_892 = tpu.memref_slice %arg6[%dma_start3A_890, %dma_start3A_891] : memref<16896x128xf32, #tpu.memory_space<hbm>> -> memref<16896x128xf32, #tpu.memory_space<hbm>>
    tpu.enqueue_indirect_dma source(%dma_start3A_892 : memref<16896x128xf32, #tpu.memory_space<hbm>>) target(%dma_start3A_889 : memref<16x128xf32, #tpu.memory_space<vmem>>) offsets(%get3A_886 : vector<16xi32>) semaphore(%arg19 : memref<!tpu.dma_semaphore, #tpu.memory_space<semaphore_mem>>)
    %dma_wait3A_893 = arith.constant 64 : i32
    %dma_wait3A_894 = arith.constant 0 : i32
    %dma_wait3A_895 = tpu.memref_slice %arg14[%dma_wait3A_893, %dma_wait3A_894] : memref<128x128xf32, #tpu.memory_space<vmem>> -> memref<16x128xf32, #tpu.memory_space<vmem>>
    %dma_wait3A_896 = arith.constant 0 : i32
    %dma_wait3A_897 = arith.constant 0 : i32
    %dma_wait3A_898 = tpu.memref_slice %arg6[%dma_wait3A_896, %dma_wait3A_897] : memref<16896x128xf32, #tpu.memory_space<hbm>> -> memref<16896x128xf32, #tpu.memory_space<hbm>>
    tpu.wait_indirect_dma semaphore(%arg19 : memref<!tpu.dma_semaphore, #tpu.memory_space<semaphore_mem>>) src(%dma_wait3A_898 : memref<16896x128xf32, #tpu.memory_space<hbm>>) dst(%dma_wait3A_895 : memref<16x128xf32, #tpu.memory_space<vmem>>)
    %get3A_899 = arith.constant 320 : index
    %get3A_900 = tpu.vector_load %arg16[%get3A_899] {strides = array<i32>} : memref<1040xi32, #tpu.memory_space<vmem>>, vector<16xi32>,
    %dma_start3A_901 = arith.constant 64 : i32
    %dma_start3A_902 = arith.constant 0 : i32
    %dma_start3A_903 = tpu.memref_slice %arg14[%dma_start3A_901, %dma_start3A_902] : memref<128x128xf32, #tpu.memory_space<vmem>> -> memref<16x128xf32, #tpu.memory_space<vmem>>
    %dma_start3A_904 = arith.constant 0 : i32
    %dma_start3A_905 = arith.constant 0 : i32
    %dma_start3A_906 = tpu.memref_slice %arg4[%dma_start3A_904, %dma_start3A_905] : memref<1000000x128xf32, #tpu.memory_space<hbm>> -> memref<1000000x128xf32, #tpu.memory_space<hbm>>
    tpu.enqueue_indirect_dma source(%dma_start3A_903 : memref<16x128xf32, #tpu.memory_space<vmem>>) target(%dma_start3A_906 : memref<1000000x128xf32, #tpu.memory_space<hbm>>) offsets(%get3A_900 : vector<16xi32>) semaphore(%arg20 : memref<!tpu.dma_semaphore, #tpu.memory_space<semaphore_mem>>)
    %dma_wait3A_907 = arith.constant 16 : i32
    %dma_wait3A_908 = arith.constant 0 : i32
    %dma_wait3A_909 = tpu.memref_slice %arg14[%dma_wait3A_907, %dma_wait3A_908] : memref<128x128xf32, #tpu.memory_space<vmem>> -> memref<16x128xf32, #tpu.memory_space<vmem>>
    %dma_wait3A_910 = arith.constant 0 : i32
    %dma_wait3A_911 = arith.constant 0 : i32
    %dma_wait3A_912 = tpu.memref_slice %arg4[%dma_wait3A_910, %dma_wait3A_911] : memref<1000000x128xf32, #tpu.memory_space<hbm>> -> memref<1000000x128xf32, #tpu.memory_space<hbm>>
    tpu.wait_indirect_dma semaphore(%arg20 : memref<!tpu.dma_semaphore, #tpu.memory_space<semaphore_mem>>) src(%dma_wait3A_909 : memref<16x128xf32, #tpu.memory_space<vmem>>) dst(%dma_wait3A_912 : memref<1000000x128xf32, #tpu.memory_space<hbm>>)
    %get3A_913 = arith.constant 400 : index
    %get3A_914 = tpu.vector_load %arg17[%get3A_913] {strides = array<i32>} : memref<1040xi32, #tpu.memory_space<vmem>>, vector<16xi32>,
    %dma_start3A_915 = arith.constant 16 : i32
    %dma_start3A_916 = arith.constant 0 : i32
    %dma_start3A_917 = tpu.memref_slice %arg14[%dma_start3A_915, %dma_start3A_916] : memref<128x128xf32, #tpu.memory_space<vmem>> -> memref<16x128xf32, #tpu.memory_space<vmem>>
    %dma_start3A_918 = arith.constant 0 : i32
    %dma_start3A_919 = arith.constant 0 : i32
    %dma_start3A_920 = tpu.memref_slice %arg6[%dma_start3A_918, %dma_start3A_919] : memref<16896x128xf32, #tpu.memory_space<hbm>> -> memref<16896x128xf32, #tpu.memory_space<hbm>>
    tpu.enqueue_indirect_dma source(%dma_start3A_920 : memref<16896x128xf32, #tpu.memory_space<hbm>>) target(%dma_start3A_917 : memref<16x128xf32, #tpu.memory_space<vmem>>) offsets(%get3A_914 : vector<16xi32>) semaphore(%arg19 : memref<!tpu.dma_semaphore, #tpu.memory_space<semaphore_mem>>)
    %dma_wait3A_921 = arith.constant 80 : i32
    %dma_wait3A_922 = arith.constant 0 : i32
    %dma_wait3A_923 = tpu.memref_slice %arg14[%dma_wait3A_921, %dma_wait3A_922] : memref<128x128xf32, #tpu.memory_space<vmem>> -> memref<16x128xf32, #tpu.memory_space<vmem>>
    %dma_wait3A_924 = arith.constant 0 : i32
    %dma_wait3A_925 = arith.constant 0 : i32
    %dma_wait3A_926 = tpu.memref_slice %arg6[%dma_wait3A_924, %dma_wait3A_925] : memref<16896x128xf32, #tpu.memory_space<hbm>> -> memref<16896x128xf32, #tpu.memory_space<hbm>>
    tpu.wait_indirect_dma semaphore(%arg19 : memref<!tpu.dma_semaphore, #tpu.memory_space<semaphore_mem>>) src(%dma_wait3A_926 : memref<16896x128xf32, #tpu.memory_space<hbm>>) dst(%dma_wait3A_923 : memref<16x128xf32, #tpu.memory_space<vmem>>)
    %get3A_927 = arith.constant 336 : index
    %get3A_928 = tpu.vector_load %arg16[%get3A_927] {strides = array<i32>} : memref<1040xi32, #tpu.memory_space<vmem>>, vector<16xi32>,
    %dma_start3A_929 = arith.constant 80 : i32
    %dma_start3A_930 = arith.constant 0 : i32
    %dma_start3A_931 = tpu.memref_slice %arg14[%dma_start3A_929, %dma_start3A_930] : memref<128x128xf32, #tpu.memory_space<vmem>> -> memref<16x128xf32, #tpu.memory_space<vmem>>
    %dma_start3A_932 = arith.constant 0 : i32
    %dma_start3A_933 = arith.constant 0 : i32
    %dma_start3A_934 = tpu.memref_slice %arg4[%dma_start3A_932, %dma_start3A_933] : memref<1000000x128xf32, #tpu.memory_space<hbm>> -> memref<1000000x128xf32, #tpu.memory_space<hbm>>
    tpu.enqueue_indirect_dma source(%dma_start3A_931 : memref<16x128xf32, #tpu.memory_space<vmem>>) target(%dma_start3A_934 : memref<1000000x128xf32, #tpu.memory_space<hbm>>) offsets(%get3A_928 : vector<16xi32>) semaphore(%arg20 : memref<!tpu.dma_semaphore, #tpu.memory_space<semaphore_mem>>)
    %dma_wait3A_935 = arith.constant 32 : i32
    %dma_wait3A_936 = arith.constant 0 : i32
    %dma_wait3A_937 = tpu.memref_slice %arg14[%dma_wait3A_935, %dma_wait3A_936] : memref<128x128xf32, #tpu.memory_space<vmem>> -> memref<16x128xf32, #tpu.memory_space<vmem>>
    %dma_wait3A_938 = arith.constant 0 : i32
    %dma_wait3A_939 = arith.constant 0 : i32
    %dma_wait3A_940 = tpu.memref_slice %arg4[%dma_wait3A_938, %dma_wait3A_939] : memref<1000000x128xf32, #tpu.memory_space<hbm>> -> memref<1000000x128xf32, #tpu.memory_space<hbm>>
    tpu.wait_indirect_dma semaphore(%arg20 : memref<!tpu.dma_semaphore, #tpu.memory_space<semaphore_mem>>) src(%dma_wait3A_937 : memref<16x128xf32, #tpu.memory_space<vmem>>) dst(%dma_wait3A_940 : memref<1000000x128xf32, #tpu.memory_space<hbm>>)
    %get3A_941 = arith.constant 416 : index
    %get3A_942 = tpu.vector_load %arg17[%get3A_941] {strides = array<i32>} : memref<1040xi32, #tpu.memory_space<vmem>>, vector<16xi32>,
    %dma_start3A_943 = arith.constant 32 : i32
    %dma_start3A_944 = arith.constant 0 : i32
    %dma_start3A_945 = tpu.memref_slice %arg14[%dma_start3A_943, %dma_start3A_944] : memref<128x128xf32, #tpu.memory_space<vmem>> -> memref<16x128xf32, #tpu.memory_space<vmem>>
    %dma_start3A_946 = arith.constant 0 : i32
    %dma_start3A_947 = arith.constant 0 : i32
    %dma_start3A_948 = tpu.memref_slice %arg6[%dma_start3A_946, %dma_start3A_947] : memref<16896x128xf32, #tpu.memory_space<hbm>> -> memref<16896x128xf32, #tpu.memory_space<hbm>>
    tpu.enqueue_indirect_dma source(%dma_start3A_948 : memref<16896x128xf32, #tpu.memory_space<hbm>>) target(%dma_start3A_945 : memref<16x128xf32, #tpu.memory_space<vmem>>) offsets(%get3A_942 : vector<16xi32>) semaphore(%arg19 : memref<!tpu.dma_semaphore, #tpu.memory_space<semaphore_mem>>)
    %dma_wait3A_949 = arith.constant 96 : i32
    %dma_wait3A_950 = arith.constant 0 : i32
    %dma_wait3A_951 = tpu.memref_slice %arg14[%dma_wait3A_949, %dma_wait3A_950] : memref<128x128xf32, #tpu.memory_space<vmem>> -> memref<16x128xf32, #tpu.memory_space<vmem>>
    %dma_wait3A_952 = arith.constant 0 : i32
    %dma_wait3A_953 = arith.constant 0 : i32
    %dma_wait3A_954 = tpu.memref_slice %arg6[%dma_wait3A_952, %dma_wait3A_953] : memref<16896x128xf32, #tpu.memory_space<hbm>> -> memref<16896x128xf32, #tpu.memory_space<hbm>>
    tpu.wait_indirect_dma semaphore(%arg19 : memref<!tpu.dma_semaphore, #tpu.memory_space<semaphore_mem>>) src(%dma_wait3A_954 : memref<16896x128xf32, #tpu.memory_space<hbm>>) dst(%dma_wait3A_951 : memref<16x128xf32, #tpu.memory_space<vmem>>)
    %get3A_955 = arith.constant 352 : index
    %get3A_956 = tpu.vector_load %arg16[%get3A_955] {strides = array<i32>} : memref<1040xi32, #tpu.memory_space<vmem>>, vector<16xi32>,
    %dma_start3A_957 = arith.constant 96 : i32
    %dma_start3A_958 = arith.constant 0 : i32
    %dma_start3A_959 = tpu.memref_slice %arg14[%dma_start3A_957, %dma_start3A_958] : memref<128x128xf32, #tpu.memory_space<vmem>> -> memref<16x128xf32, #tpu.memory_space<vmem>>
    %dma_start3A_960 = arith.constant 0 : i32
    %dma_start3A_961 = arith.constant 0 : i32
    %dma_start3A_962 = tpu.memref_slice %arg4[%dma_start3A_960, %dma_start3A_961] : memref<1000000x128xf32, #tpu.memory_space<hbm>> -> memref<1000000x128xf32, #tpu.memory_space<hbm>>
    tpu.enqueue_indirect_dma source(%dma_start3A_959 : memref<16x128xf32, #tpu.memory_space<vmem>>) target(%dma_start3A_962 : memref<1000000x128xf32, #tpu.memory_space<hbm>>) offsets(%get3A_956 : vector<16xi32>) semaphore(%arg20 : memref<!tpu.dma_semaphore, #tpu.memory_space<semaphore_mem>>)
    %dma_wait3A_963 = arith.constant 48 : i32
    %dma_wait3A_964 = arith.constant 0 : i32
    %dma_wait3A_965 = tpu.memref_slice %arg14[%dma_wait3A_963, %dma_wait3A_964] : memref<128x128xf32, #tpu.memory_space<vmem>> -> memref<16x128xf32, #tpu.memory_space<vmem>>
    %dma_wait3A_966 = arith.constant 0 : i32
    %dma_wait3A_967 = arith.constant 0 : i32
    %dma_wait3A_968 = tpu.memref_slice %arg4[%dma_wait3A_966, %dma_wait3A_967] : memref<1000000x128xf32, #tpu.memory_space<hbm>> -> memref<1000000x128xf32, #tpu.memory_space<hbm>>
    tpu.wait_indirect_dma semaphore(%arg20 : memref<!tpu.dma_semaphore, #tpu.memory_space<semaphore_mem>>) src(%dma_wait3A_965 : memref<16x128xf32, #tpu.memory_space<vmem>>) dst(%dma_wait3A_968 : memref<1000000x128xf32, #tpu.memory_space<hbm>>)
    %get3A_969 = arith.constant 432 : index
    %get3A_970 = tpu.vector_load %arg17[%get3A_969] {strides = array<i32>} : memref<1040xi32, #tpu.memory_space<vmem>>, vector<16xi32>,
    %dma_start3A_971 = arith.constant 48 : i32
    %dma_start3A_972 = arith.constant 0 : i32
    %dma_start3A_973 = tpu.memref_slice %arg14[%dma_start3A_971, %dma_start3A_972] : memref<128x128xf32, #tpu.memory_space<vmem>> -> memref<16x128xf32, #tpu.memory_space<vmem>>
    %dma_start3A_974 = arith.constant 0 : i32
    %dma_start3A_975 = arith.constant 0 : i32
    %dma_start3A_976 = tpu.memref_slice %arg6[%dma_start3A_974, %dma_start3A_975] : memref<16896x128xf32, #tpu.memory_space<hbm>> -> memref<16896x128xf32, #tpu.memory_space<hbm>>
    tpu.enqueue_indirect_dma source(%dma_start3A_976 : memref<16896x128xf32, #tpu.memory_space<hbm>>) target(%dma_start3A_973 : memref<16x128xf32, #tpu.memory_space<vmem>>) offsets(%get3A_970 : vector<16xi32>) semaphore(%arg19 : memref<!tpu.dma_semaphore, #tpu.memory_space<semaphore_mem>>)
    %dma_wait3A_977 = arith.constant 112 : i32
    %dma_wait3A_978 = arith.constant 0 : i32
    %dma_wait3A_979 = tpu.memref_slice %arg14[%dma_wait3A_977, %dma_wait3A_978] : memref<128x128xf32, #tpu.memory_space<vmem>> -> memref<16x128xf32, #tpu.memory_space<vmem>>
    %dma_wait3A_980 = arith.constant 0 : i32
    %dma_wait3A_981 = arith.constant 0 : i32
    %dma_wait3A_982 = tpu.memref_slice %arg6[%dma_wait3A_980, %dma_wait3A_981] : memref<16896x128xf32, #tpu.memory_space<hbm>> -> memref<16896x128xf32, #tpu.memory_space<hbm>>
    tpu.wait_indirect_dma semaphore(%arg19 : memref<!tpu.dma_semaphore, #tpu.memory_space<semaphore_mem>>) src(%dma_wait3A_982 : memref<16896x128xf32, #tpu.memory_space<hbm>>) dst(%dma_wait3A_979 : memref<16x128xf32, #tpu.memory_space<vmem>>)
    %get3A_983 = arith.constant 368 : index
    %get3A_984 = tpu.vector_load %arg16[%get3A_983] {strides = array<i32>} : memref<1040xi32, #tpu.memory_space<vmem>>, vector<16xi32>,
    %dma_start3A_985 = arith.constant 112 : i32
    %dma_start3A_986 = arith.constant 0 : i32
    %dma_start3A_987 = tpu.memref_slice %arg14[%dma_start3A_985, %dma_start3A_986] : memref<128x128xf32, #tpu.memory_space<vmem>> -> memref<16x128xf32, #tpu.memory_space<vmem>>
    %dma_start3A_988 = arith.constant 0 : i32
    %dma_start3A_989 = arith.constant 0 : i32
    %dma_start3A_990 = tpu.memref_slice %arg4[%dma_start3A_988, %dma_start3A_989] : memref<1000000x128xf32, #tpu.memory_space<hbm>> -> memref<1000000x128xf32, #tpu.memory_space<hbm>>
    tpu.enqueue_indirect_dma source(%dma_start3A_987 : memref<16x128xf32, #tpu.memory_space<vmem>>) target(%dma_start3A_990 : memref<1000000x128xf32, #tpu.memory_space<hbm>>) offsets(%get3A_984 : vector<16xi32>) semaphore(%arg20 : memref<!tpu.dma_semaphore, #tpu.memory_space<semaphore_mem>>)
    %dma_wait3A_991 = arith.constant 64 : i32
    %dma_wait3A_992 = arith.constant 0 : i32
    %dma_wait3A_993 = tpu.memref_slice %arg14[%dma_wait3A_991, %dma_wait3A_992] : memref<128x128xf32, #tpu.memory_space<vmem>> -> memref<16x128xf32, #tpu.memory_space<vmem>>
    %dma_wait3A_994 = arith.constant 0 : i32
    %dma_wait3A_995 = arith.constant 0 : i32
    %dma_wait3A_996 = tpu.memref_slice %arg4[%dma_wait3A_994, %dma_wait3A_995] : memref<1000000x128xf32, #tpu.memory_space<hbm>> -> memref<1000000x128xf32, #tpu.memory_space<hbm>>
    tpu.wait_indirect_dma semaphore(%arg20 : memref<!tpu.dma_semaphore, #tpu.memory_space<semaphore_mem>>) src(%dma_wait3A_993 : memref<16x128xf32, #tpu.memory_space<vmem>>) dst(%dma_wait3A_996 : memref<1000000x128xf32, #tpu.memory_space<hbm>>)
    %get3A_997 = arith.constant 448 : index
    %get3A_998 = tpu.vector_load %arg17[%get3A_997] {strides = array<i32>} : memref<1040xi32, #tpu.memory_space<vmem>>, vector<16xi32>,
    %dma_start3A_999 = arith.constant 64 : i32
    %dma_start3A_1000 = arith.constant 0 : i32
    %dma_start3A_1001 = tpu.memref_slice %arg14[%dma_start3A_999, %dma_start3A_1000] : memref<128x128xf32, #tpu.memory_space<vmem>> -> memref<16x128xf32, #tpu.memory_space<vmem>>
    %dma_start3A_1002 = arith.constant 0 : i32
    %dma_start3A_1003 = arith.constant 0 : i32
    %dma_start3A_1004 = tpu.memref_slice %arg6[%dma_start3A_1002, %dma_start3A_1003] : memref<16896x128xf32, #tpu.memory_space<hbm>> -> memref<16896x128xf32, #tpu.memory_space<hbm>>
    tpu.enqueue_indirect_dma source(%dma_start3A_1004 : memref<16896x128xf32, #tpu.memory_space<hbm>>) target(%dma_start3A_1001 : memref<16x128xf32, #tpu.memory_space<vmem>>) offsets(%get3A_998 : vector<16xi32>) semaphore(%arg19 : memref<!tpu.dma_semaphore, #tpu.memory_space<semaphore_mem>>)
    %dma_wait3A_1005 = arith.constant 0 : i32
    %dma_wait3A_1006 = arith.constant 0 : i32
    %dma_wait3A_1007 = tpu.memref_slice %arg14[%dma_wait3A_1005, %dma_wait3A_1006] : memref<128x128xf32, #tpu.memory_space<vmem>> -> memref<16x128xf32, #tpu.memory_space<vmem>>
    %dma_wait3A_1008 = arith.constant 0 : i32
    %dma_wait3A_1009 = arith.constant 0 : i32
    %dma_wait3A_1010 = tpu.memref_slice %arg6[%dma_wait3A_1008, %dma_wait3A_1009] : memref<16896x128xf32, #tpu.memory_space<hbm>> -> memref<16896x128xf32, #tpu.memory_space<hbm>>
    tpu.wait_indirect_dma semaphore(%arg19 : memref<!tpu.dma_semaphore, #tpu.memory_space<semaphore_mem>>) src(%dma_wait3A_1010 : memref<16896x128xf32, #tpu.memory_space<hbm>>) dst(%dma_wait3A_1007 : memref<16x128xf32, #tpu.memory_space<vmem>>)
    %get3A_1011 = arith.constant 384 : index
    %get3A_1012 = tpu.vector_load %arg16[%get3A_1011] {strides = array<i32>} : memref<1040xi32, #tpu.memory_space<vmem>>, vector<16xi32>,
    %dma_start3A_1013 = arith.constant 0 : i32
    %dma_start3A_1014 = arith.constant 0 : i32
    %dma_start3A_1015 = tpu.memref_slice %arg14[%dma_start3A_1013, %dma_start3A_1014] : memref<128x128xf32, #tpu.memory_space<vmem>> -> memref<16x128xf32, #tpu.memory_space<vmem>>
    %dma_start3A_1016 = arith.constant 0 : i32
    %dma_start3A_1017 = arith.constant 0 : i32
    %dma_start3A_1018 = tpu.memref_slice %arg4[%dma_start3A_1016, %dma_start3A_1017] : memref<1000000x128xf32, #tpu.memory_space<hbm>> -> memref<1000000x128xf32, #tpu.memory_space<hbm>>
    tpu.enqueue_indirect_dma source(%dma_start3A_1015 : memref<16x128xf32, #tpu.memory_space<vmem>>) target(%dma_start3A_1018 : memref<1000000x128xf32, #tpu.memory_space<hbm>>) offsets(%get3A_1012 : vector<16xi32>) semaphore(%arg20 : memref<!tpu.dma_semaphore, #tpu.memory_space<semaphore_mem>>)
    %dma_wait3A_1019 = arith.constant 80 : i32
    %dma_wait3A_1020 = arith.constant 0 : i32
    %dma_wait3A_1021 = tpu.memref_slice %arg14[%dma_wait3A_1019, %dma_wait3A_1020] : memref<128x128xf32, #tpu.memory_space<vmem>> -> memref<16x128xf32, #tpu.memory_space<vmem>>
    %dma_wait3A_1022 = arith.constant 0 : i32
    %dma_wait3A_1023 = arith.constant 0 : i32
    %dma_wait3A_1024 = tpu.memref_slice %arg4[%dma_wait3A_1022, %dma_wait3A_1023] : memref<1000000x128xf32, #tpu.memory_space<hbm>> -> memref<1000000x128xf32, #tpu.memory_space<hbm>>
    tpu.wait_indirect_dma semaphore(%arg20 : memref<!tpu.dma_semaphore, #tpu.memory_space<semaphore_mem>>) src(%dma_wait3A_1021 : memref<16x128xf32, #tpu.memory_space<vmem>>) dst(%dma_wait3A_1024 : memref<1000000x128xf32, #tpu.memory_space<hbm>>)
    %get3A_1025 = arith.constant 464 : index
    %get3A_1026 = tpu.vector_load %arg17[%get3A_1025] {strides = array<i32>} : memref<1040xi32, #tpu.memory_space<vmem>>, vector<16xi32>,
    %dma_start3A_1027 = arith.constant 80 : i32
    %dma_start3A_1028 = arith.constant 0 : i32
    %dma_start3A_1029 = tpu.memref_slice %arg14[%dma_start3A_1027, %dma_start3A_1028] : memref<128x128xf32, #tpu.memory_space<vmem>> -> memref<16x128xf32, #tpu.memory_space<vmem>>
    %dma_start3A_1030 = arith.constant 0 : i32
    %dma_start3A_1031 = arith.constant 0 : i32
    %dma_start3A_1032 = tpu.memref_slice %arg6[%dma_start3A_1030, %dma_start3A_1031] : memref<16896x128xf32, #tpu.memory_space<hbm>> -> memref<16896x128xf32, #tpu.memory_space<hbm>>
    tpu.enqueue_indirect_dma source(%dma_start3A_1032 : memref<16896x128xf32, #tpu.memory_space<hbm>>) target(%dma_start3A_1029 : memref<16x128xf32, #tpu.memory_space<vmem>>) offsets(%get3A_1026 : vector<16xi32>) semaphore(%arg19 : memref<!tpu.dma_semaphore, #tpu.memory_space<semaphore_mem>>)
    %dma_wait3A_1033 = arith.constant 16 : i32
    %dma_wait3A_1034 = arith.constant 0 : i32
    %dma_wait3A_1035 = tpu.memref_slice %arg14[%dma_wait3A_1033, %dma_wait3A_1034] : memref<128x128xf32, #tpu.memory_space<vmem>> -> memref<16x128xf32, #tpu.memory_space<vmem>>
    %dma_wait3A_1036 = arith.constant 0 : i32
    %dma_wait3A_1037 = arith.constant 0 : i32
    %dma_wait3A_1038 = tpu.memref_slice %arg6[%dma_wait3A_1036, %dma_wait3A_1037] : memref<16896x128xf32, #tpu.memory_space<hbm>> -> memref<16896x128xf32, #tpu.memory_space<hbm>>
    tpu.wait_indirect_dma semaphore(%arg19 : memref<!tpu.dma_semaphore, #tpu.memory_space<semaphore_mem>>) src(%dma_wait3A_1038 : memref<16896x128xf32, #tpu.memory_space<hbm>>) dst(%dma_wait3A_1035 : memref<16x128xf32, #tpu.memory_space<vmem>>)
    %get3A_1039 = arith.constant 400 : index
    %get3A_1040 = tpu.vector_load %arg16[%get3A_1039] {strides = array<i32>} : memref<1040xi32, #tpu.memory_space<vmem>>, vector<16xi32>,
    %dma_start3A_1041 = arith.constant 16 : i32
    %dma_start3A_1042 = arith.constant 0 : i32
    %dma_start3A_1043 = tpu.memref_slice %arg14[%dma_start3A_1041, %dma_start3A_1042] : memref<128x128xf32, #tpu.memory_space<vmem>> -> memref<16x128xf32, #tpu.memory_space<vmem>>
    %dma_start3A_1044 = arith.constant 0 : i32
    %dma_start3A_1045 = arith.constant 0 : i32
    %dma_start3A_1046 = tpu.memref_slice %arg4[%dma_start3A_1044, %dma_start3A_1045] : memref<1000000x128xf32, #tpu.memory_space<hbm>> -> memref<1000000x128xf32, #tpu.memory_space<hbm>>
    tpu.enqueue_indirect_dma source(%dma_start3A_1043 : memref<16x128xf32, #tpu.memory_space<vmem>>) target(%dma_start3A_1046 : memref<1000000x128xf32, #tpu.memory_space<hbm>>) offsets(%get3A_1040 : vector<16xi32>) semaphore(%arg20 : memref<!tpu.dma_semaphore, #tpu.memory_space<semaphore_mem>>)
    %dma_wait3A_1047 = arith.constant 96 : i32
    %dma_wait3A_1048 = arith.constant 0 : i32
    %dma_wait3A_1049 = tpu.memref_slice %arg14[%dma_wait3A_1047, %dma_wait3A_1048] : memref<128x128xf32, #tpu.memory_space<vmem>> -> memref<16x128xf32, #tpu.memory_space<vmem>>
    %dma_wait3A_1050 = arith.constant 0 : i32
    %dma_wait3A_1051 = arith.constant 0 : i32
    %dma_wait3A_1052 = tpu.memref_slice %arg4[%dma_wait3A_1050, %dma_wait3A_1051] : memref<1000000x128xf32, #tpu.memory_space<hbm>> -> memref<1000000x128xf32, #tpu.memory_space<hbm>>
    tpu.wait_indirect_dma semaphore(%arg20 : memref<!tpu.dma_semaphore, #tpu.memory_space<semaphore_mem>>) src(%dma_wait3A_1049 : memref<16x128xf32, #tpu.memory_space<vmem>>) dst(%dma_wait3A_1052 : memref<1000000x128xf32, #tpu.memory_space<hbm>>)
    %get3A_1053 = arith.constant 480 : index
    %get3A_1054 = tpu.vector_load %arg17[%get3A_1053] {strides = array<i32>} : memref<1040xi32, #tpu.memory_space<vmem>>, vector<16xi32>,
    %dma_start3A_1055 = arith.constant 96 : i32
    %dma_start3A_1056 = arith.constant 0 : i32
    %dma_start3A_1057 = tpu.memref_slice %arg14[%dma_start3A_1055, %dma_start3A_1056] : memref<128x128xf32, #tpu.memory_space<vmem>> -> memref<16x128xf32, #tpu.memory_space<vmem>>
    %dma_start3A_1058 = arith.constant 0 : i32
    %dma_start3A_1059 = arith.constant 0 : i32
    %dma_start3A_1060 = tpu.memref_slice %arg6[%dma_start3A_1058, %dma_start3A_1059] : memref<16896x128xf32, #tpu.memory_space<hbm>> -> memref<16896x128xf32, #tpu.memory_space<hbm>>
    tpu.enqueue_indirect_dma source(%dma_start3A_1060 : memref<16896x128xf32, #tpu.memory_space<hbm>>) target(%dma_start3A_1057 : memref<16x128xf32, #tpu.memory_space<vmem>>) offsets(%get3A_1054 : vector<16xi32>) semaphore(%arg19 : memref<!tpu.dma_semaphore, #tpu.memory_space<semaphore_mem>>)
    %dma_wait3A_1061 = arith.constant 32 : i32
    %dma_wait3A_1062 = arith.constant 0 : i32
    %dma_wait3A_1063 = tpu.memref_slice %arg14[%dma_wait3A_1061, %dma_wait3A_1062] : memref<128x128xf32, #tpu.memory_space<vmem>> -> memref<16x128xf32, #tpu.memory_space<vmem>>
    %dma_wait3A_1064 = arith.constant 0 : i32
    %dma_wait3A_1065 = arith.constant 0 : i32
    %dma_wait3A_1066 = tpu.memref_slice %arg6[%dma_wait3A_1064, %dma_wait3A_1065] : memref<16896x128xf32, #tpu.memory_space<hbm>> -> memref<16896x128xf32, #tpu.memory_space<hbm>>
    tpu.wait_indirect_dma semaphore(%arg19 : memref<!tpu.dma_semaphore, #tpu.memory_space<semaphore_mem>>) src(%dma_wait3A_1066 : memref<16896x128xf32, #tpu.memory_space<hbm>>) dst(%dma_wait3A_1063 : memref<16x128xf32, #tpu.memory_space<vmem>>)
    %get3A_1067 = arith.constant 416 : index
    %get3A_1068 = tpu.vector_load %arg16[%get3A_1067] {strides = array<i32>} : memref<1040xi32, #tpu.memory_space<vmem>>, vector<16xi32>,
    %dma_start3A_1069 = arith.constant 32 : i32
    %dma_start3A_1070 = arith.constant 0 : i32
    %dma_start3A_1071 = tpu.memref_slice %arg14[%dma_start3A_1069, %dma_start3A_1070] : memref<128x128xf32, #tpu.memory_space<vmem>> -> memref<16x128xf32, #tpu.memory_space<vmem>>
    %dma_start3A_1072 = arith.constant 0 : i32
    %dma_start3A_1073 = arith.constant 0 : i32
    %dma_start3A_1074 = tpu.memref_slice %arg4[%dma_start3A_1072, %dma_start3A_1073] : memref<1000000x128xf32, #tpu.memory_space<hbm>> -> memref<1000000x128xf32, #tpu.memory_space<hbm>>
    tpu.enqueue_indirect_dma source(%dma_start3A_1071 : memref<16x128xf32, #tpu.memory_space<vmem>>) target(%dma_start3A_1074 : memref<1000000x128xf32, #tpu.memory_space<hbm>>) offsets(%get3A_1068 : vector<16xi32>) semaphore(%arg20 : memref<!tpu.dma_semaphore, #tpu.memory_space<semaphore_mem>>)
    %dma_wait3A_1075 = arith.constant 112 : i32
    %dma_wait3A_1076 = arith.constant 0 : i32
    %dma_wait3A_1077 = tpu.memref_slice %arg14[%dma_wait3A_1075, %dma_wait3A_1076] : memref<128x128xf32, #tpu.memory_space<vmem>> -> memref<16x128xf32, #tpu.memory_space<vmem>>
    %dma_wait3A_1078 = arith.constant 0 : i32
    %dma_wait3A_1079 = arith.constant 0 : i32
    %dma_wait3A_1080 = tpu.memref_slice %arg4[%dma_wait3A_1078, %dma_wait3A_1079] : memref<1000000x128xf32, #tpu.memory_space<hbm>> -> memref<1000000x128xf32, #tpu.memory_space<hbm>>
    tpu.wait_indirect_dma semaphore(%arg20 : memref<!tpu.dma_semaphore, #tpu.memory_space<semaphore_mem>>) src(%dma_wait3A_1077 : memref<16x128xf32, #tpu.memory_space<vmem>>) dst(%dma_wait3A_1080 : memref<1000000x128xf32, #tpu.memory_space<hbm>>)
    %get3A_1081 = arith.constant 496 : index
    %get3A_1082 = tpu.vector_load %arg17[%get3A_1081] {strides = array<i32>} : memref<1040xi32, #tpu.memory_space<vmem>>, vector<16xi32>,
    %dma_start3A_1083 = arith.constant 112 : i32
    %dma_start3A_1084 = arith.constant 0 : i32
    %dma_start3A_1085 = tpu.memref_slice %arg14[%dma_start3A_1083, %dma_start3A_1084] : memref<128x128xf32, #tpu.memory_space<vmem>> -> memref<16x128xf32, #tpu.memory_space<vmem>>
    %dma_start3A_1086 = arith.constant 0 : i32
    %dma_start3A_1087 = arith.constant 0 : i32
    %dma_start3A_1088 = tpu.memref_slice %arg6[%dma_start3A_1086, %dma_start3A_1087] : memref<16896x128xf32, #tpu.memory_space<hbm>> -> memref<16896x128xf32, #tpu.memory_space<hbm>>
    tpu.enqueue_indirect_dma source(%dma_start3A_1088 : memref<16896x128xf32, #tpu.memory_space<hbm>>) target(%dma_start3A_1085 : memref<16x128xf32, #tpu.memory_space<vmem>>) offsets(%get3A_1082 : vector<16xi32>) semaphore(%arg19 : memref<!tpu.dma_semaphore, #tpu.memory_space<semaphore_mem>>)
    %dma_wait3A_1089 = arith.constant 48 : i32
    %dma_wait3A_1090 = arith.constant 0 : i32
    %dma_wait3A_1091 = tpu.memref_slice %arg14[%dma_wait3A_1089, %dma_wait3A_1090] : memref<128x128xf32, #tpu.memory_space<vmem>> -> memref<16x128xf32, #tpu.memory_space<vmem>>
    %dma_wait3A_1092 = arith.constant 0 : i32
    %dma_wait3A_1093 = arith.constant 0 : i32
    %dma_wait3A_1094 = tpu.memref_slice %arg6[%dma_wait3A_1092, %dma_wait3A_1093] : memref<16896x128xf32, #tpu.memory_space<hbm>> -> memref<16896x128xf32, #tpu.memory_space<hbm>>
    tpu.wait_indirect_dma semaphore(%arg19 : memref<!tpu.dma_semaphore, #tpu.memory_space<semaphore_mem>>) src(%dma_wait3A_1094 : memref<16896x128xf32, #tpu.memory_space<hbm>>) dst(%dma_wait3A_1091 : memref<16x128xf32, #tpu.memory_space<vmem>>)
    %get3A_1095 = arith.constant 432 : index
    %get3A_1096 = tpu.vector_load %arg16[%get3A_1095] {strides = array<i32>} : memref<1040xi32, #tpu.memory_space<vmem>>, vector<16xi32>,
    %dma_start3A_1097 = arith.constant 48 : i32
    %dma_start3A_1098 = arith.constant 0 : i32
    %dma_start3A_1099 = tpu.memref_slice %arg14[%dma_start3A_1097, %dma_start3A_1098] : memref<128x128xf32, #tpu.memory_space<vmem>> -> memref<16x128xf32, #tpu.memory_space<vmem>>
    %dma_start3A_1100 = arith.constant 0 : i32
    %dma_start3A_1101 = arith.constant 0 : i32
    %dma_start3A_1102 = tpu.memref_slice %arg4[%dma_start3A_1100, %dma_start3A_1101] : memref<1000000x128xf32, #tpu.memory_space<hbm>> -> memref<1000000x128xf32, #tpu.memory_space<hbm>>
    tpu.enqueue_indirect_dma source(%dma_start3A_1099 : memref<16x128xf32, #tpu.memory_space<vmem>>) target(%dma_start3A_1102 : memref<1000000x128xf32, #tpu.memory_space<hbm>>) offsets(%get3A_1096 : vector<16xi32>) semaphore(%arg20 : memref<!tpu.dma_semaphore, #tpu.memory_space<semaphore_mem>>)
    %dma_wait3A_1103 = arith.constant 0 : i32
    %dma_wait3A_1104 = arith.constant 0 : i32
    %dma_wait3A_1105 = tpu.memref_slice %arg14[%dma_wait3A_1103, %dma_wait3A_1104] : memref<128x128xf32, #tpu.memory_space<vmem>> -> memref<16x128xf32, #tpu.memory_space<vmem>>
    %dma_wait3A_1106 = arith.constant 0 : i32
    %dma_wait3A_1107 = arith.constant 0 : i32
    %dma_wait3A_1108 = tpu.memref_slice %arg4[%dma_wait3A_1106, %dma_wait3A_1107] : memref<1000000x128xf32, #tpu.memory_space<hbm>> -> memref<1000000x128xf32, #tpu.memory_space<hbm>>
    tpu.wait_indirect_dma semaphore(%arg20 : memref<!tpu.dma_semaphore, #tpu.memory_space<semaphore_mem>>) src(%dma_wait3A_1105 : memref<16x128xf32, #tpu.memory_space<vmem>>) dst(%dma_wait3A_1108 : memref<1000000x128xf32, #tpu.memory_space<hbm>>)
    %get3A_1109 = arith.constant 512 : index
    %get3A_1110 = tpu.vector_load %arg17[%get3A_1109] {strides = array<i32>} : memref<1040xi32, #tpu.memory_space<vmem>>, vector<16xi32>,
    %dma_start3A_1111 = arith.constant 0 : i32
    %dma_start3A_1112 = arith.constant 0 : i32
    %dma_start3A_1113 = tpu.memref_slice %arg14[%dma_start3A_1111, %dma_start3A_1112] : memref<128x128xf32, #tpu.memory_space<vmem>> -> memref<16x128xf32, #tpu.memory_space<vmem>>
    %dma_start3A_1114 = arith.constant 0 : i32
    %dma_start3A_1115 = arith.constant 0 : i32
    %dma_start3A_1116 = tpu.memref_slice %arg6[%dma_start3A_1114, %dma_start3A_1115] : memref<16896x128xf32, #tpu.memory_space<hbm>> -> memref<16896x128xf32, #tpu.memory_space<hbm>>
    tpu.enqueue_indirect_dma source(%dma_start3A_1116 : memref<16896x128xf32, #tpu.memory_space<hbm>>) target(%dma_start3A_1113 : memref<16x128xf32, #tpu.memory_space<vmem>>) offsets(%get3A_1110 : vector<16xi32>) semaphore(%arg19 : memref<!tpu.dma_semaphore, #tpu.memory_space<semaphore_mem>>)
    %dma_wait3A_1117 = arith.constant 64 : i32
    %dma_wait3A_1118 = arith.constant 0 : i32
    %dma_wait3A_1119 = tpu.memref_slice %arg14[%dma_wait3A_1117, %dma_wait3A_1118] : memref<128x128xf32, #tpu.memory_space<vmem>> -> memref<16x128xf32, #tpu.memory_space<vmem>>
    %dma_wait3A_1120 = arith.constant 0 : i32
    %dma_wait3A_1121 = arith.constant 0 : i32
    %dma_wait3A_1122 = tpu.memref_slice %arg6[%dma_wait3A_1120, %dma_wait3A_1121] : memref<16896x128xf32, #tpu.memory_space<hbm>> -> memref<16896x128xf32, #tpu.memory_space<hbm>>
    tpu.wait_indirect_dma semaphore(%arg19 : memref<!tpu.dma_semaphore, #tpu.memory_space<semaphore_mem>>) src(%dma_wait3A_1122 : memref<16896x128xf32, #tpu.memory_space<hbm>>) dst(%dma_wait3A_1119 : memref<16x128xf32, #tpu.memory_space<vmem>>)
    %get3A_1123 = arith.constant 448 : index
    %get3A_1124 = tpu.vector_load %arg16[%get3A_1123] {strides = array<i32>} : memref<1040xi32, #tpu.memory_space<vmem>>, vector<16xi32>,
    %dma_start3A_1125 = arith.constant 64 : i32
    %dma_start3A_1126 = arith.constant 0 : i32
    %dma_start3A_1127 = tpu.memref_slice %arg14[%dma_start3A_1125, %dma_start3A_1126] : memref<128x128xf32, #tpu.memory_space<vmem>> -> memref<16x128xf32, #tpu.memory_space<vmem>>
    %dma_start3A_1128 = arith.constant 0 : i32
    %dma_start3A_1129 = arith.constant 0 : i32
    %dma_start3A_1130 = tpu.memref_slice %arg4[%dma_start3A_1128, %dma_start3A_1129] : memref<1000000x128xf32, #tpu.memory_space<hbm>> -> memref<1000000x128xf32, #tpu.memory_space<hbm>>
    tpu.enqueue_indirect_dma source(%dma_start3A_1127 : memref<16x128xf32, #tpu.memory_space<vmem>>) target(%dma_start3A_1130 : memref<1000000x128xf32, #tpu.memory_space<hbm>>) offsets(%get3A_1124 : vector<16xi32>) semaphore(%arg20 : memref<!tpu.dma_semaphore, #tpu.memory_space<semaphore_mem>>)
    %dma_wait3A_1131 = arith.constant 16 : i32
    %dma_wait3A_1132 = arith.constant 0 : i32
    %dma_wait3A_1133 = tpu.memref_slice %arg14[%dma_wait3A_1131, %dma_wait3A_1132] : memref<128x128xf32, #tpu.memory_space<vmem>> -> memref<16x128xf32, #tpu.memory_space<vmem>>
    %dma_wait3A_1134 = arith.constant 0 : i32
    %dma_wait3A_1135 = arith.constant 0 : i32
    %dma_wait3A_1136 = tpu.memref_slice %arg4[%dma_wait3A_1134, %dma_wait3A_1135] : memref<1000000x128xf32, #tpu.memory_space<hbm>> -> memref<1000000x128xf32, #tpu.memory_space<hbm>>
    tpu.wait_indirect_dma semaphore(%arg20 : memref<!tpu.dma_semaphore, #tpu.memory_space<semaphore_mem>>) src(%dma_wait3A_1133 : memref<16x128xf32, #tpu.memory_space<vmem>>) dst(%dma_wait3A_1136 : memref<1000000x128xf32, #tpu.memory_space<hbm>>)
    %get3A_1137 = arith.constant 528 : index
    %get3A_1138 = tpu.vector_load %arg17[%get3A_1137] {strides = array<i32>} : memref<1040xi32, #tpu.memory_space<vmem>>, vector<16xi32>,
    %dma_start3A_1139 = arith.constant 16 : i32
    %dma_start3A_1140 = arith.constant 0 : i32
    %dma_start3A_1141 = tpu.memref_slice %arg14[%dma_start3A_1139, %dma_start3A_1140] : memref<128x128xf32, #tpu.memory_space<vmem>> -> memref<16x128xf32, #tpu.memory_space<vmem>>
    %dma_start3A_1142 = arith.constant 0 : i32
    %dma_start3A_1143 = arith.constant 0 : i32
    %dma_start3A_1144 = tpu.memref_slice %arg6[%dma_start3A_1142, %dma_start3A_1143] : memref<16896x128xf32, #tpu.memory_space<hbm>> -> memref<16896x128xf32, #tpu.memory_space<hbm>>
    tpu.enqueue_indirect_dma source(%dma_start3A_1144 : memref<16896x128xf32, #tpu.memory_space<hbm>>) target(%dma_start3A_1141 : memref<16x128xf32, #tpu.memory_space<vmem>>) offsets(%get3A_1138 : vector<16xi32>) semaphore(%arg19 : memref<!tpu.dma_semaphore, #tpu.memory_space<semaphore_mem>>)
    %dma_wait3A_1145 = arith.constant 80 : i32
    %dma_wait3A_1146 = arith.constant 0 : i32
    %dma_wait3A_1147 = tpu.memref_slice %arg14[%dma_wait3A_1145, %dma_wait3A_1146] : memref<128x128xf32, #tpu.memory_space<vmem>> -> memref<16x128xf32, #tpu.memory_space<vmem>>
    %dma_wait3A_1148 = arith.constant 0 : i32
    %dma_wait3A_1149 = arith.constant 0 : i32
    %dma_wait3A_1150 = tpu.memref_slice %arg6[%dma_wait3A_1148, %dma_wait3A_1149] : memref<16896x128xf32, #tpu.memory_space<hbm>> -> memref<16896x128xf32, #tpu.memory_space<hbm>>
    tpu.wait_indirect_dma semaphore(%arg19 : memref<!tpu.dma_semaphore, #tpu.memory_space<semaphore_mem>>) src(%dma_wait3A_1150 : memref<16896x128xf32, #tpu.memory_space<hbm>>) dst(%dma_wait3A_1147 : memref<16x128xf32, #tpu.memory_space<vmem>>)
    %get3A_1151 = arith.constant 464 : index
    %get3A_1152 = tpu.vector_load %arg16[%get3A_1151] {strides = array<i32>} : memref<1040xi32, #tpu.memory_space<vmem>>, vector<16xi32>,
    %dma_start3A_1153 = arith.constant 80 : i32
    %dma_start3A_1154 = arith.constant 0 : i32
    %dma_start3A_1155 = tpu.memref_slice %arg14[%dma_start3A_1153, %dma_start3A_1154] : memref<128x128xf32, #tpu.memory_space<vmem>> -> memref<16x128xf32, #tpu.memory_space<vmem>>
    %dma_start3A_1156 = arith.constant 0 : i32
    %dma_start3A_1157 = arith.constant 0 : i32
    %dma_start3A_1158 = tpu.memref_slice %arg4[%dma_start3A_1156, %dma_start3A_1157] : memref<1000000x128xf32, #tpu.memory_space<hbm>> -> memref<1000000x128xf32, #tpu.memory_space<hbm>>
    tpu.enqueue_indirect_dma source(%dma_start3A_1155 : memref<16x128xf32, #tpu.memory_space<vmem>>) target(%dma_start3A_1158 : memref<1000000x128xf32, #tpu.memory_space<hbm>>) offsets(%get3A_1152 : vector<16xi32>) semaphore(%arg20 : memref<!tpu.dma_semaphore, #tpu.memory_space<semaphore_mem>>)
    %dma_wait3A_1159 = arith.constant 32 : i32
    %dma_wait3A_1160 = arith.constant 0 : i32
    %dma_wait3A_1161 = tpu.memref_slice %arg14[%dma_wait3A_1159, %dma_wait3A_1160] : memref<128x128xf32, #tpu.memory_space<vmem>> -> memref<16x128xf32, #tpu.memory_space<vmem>>
    %dma_wait3A_1162 = arith.constant 0 : i32
    %dma_wait3A_1163 = arith.constant 0 : i32
    %dma_wait3A_1164 = tpu.memref_slice %arg4[%dma_wait3A_1162, %dma_wait3A_1163] : memref<1000000x128xf32, #tpu.memory_space<hbm>> -> memref<1000000x128xf32, #tpu.memory_space<hbm>>
    tpu.wait_indirect_dma semaphore(%arg20 : memref<!tpu.dma_semaphore, #tpu.memory_space<semaphore_mem>>) src(%dma_wait3A_1161 : memref<16x128xf32, #tpu.memory_space<vmem>>) dst(%dma_wait3A_1164 : memref<1000000x128xf32, #tpu.memory_space<hbm>>)
    %get3A_1165 = arith.constant 544 : index
    %get3A_1166 = tpu.vector_load %arg17[%get3A_1165] {strides = array<i32>} : memref<1040xi32, #tpu.memory_space<vmem>>, vector<16xi32>,
    %dma_start3A_1167 = arith.constant 32 : i32
    %dma_start3A_1168 = arith.constant 0 : i32
    %dma_start3A_1169 = tpu.memref_slice %arg14[%dma_start3A_1167, %dma_start3A_1168] : memref<128x128xf32, #tpu.memory_space<vmem>> -> memref<16x128xf32, #tpu.memory_space<vmem>>
    %dma_start3A_1170 = arith.constant 0 : i32
    %dma_start3A_1171 = arith.constant 0 : i32
    %dma_start3A_1172 = tpu.memref_slice %arg6[%dma_start3A_1170, %dma_start3A_1171] : memref<16896x128xf32, #tpu.memory_space<hbm>> -> memref<16896x128xf32, #tpu.memory_space<hbm>>
    tpu.enqueue_indirect_dma source(%dma_start3A_1172 : memref<16896x128xf32, #tpu.memory_space<hbm>>) target(%dma_start3A_1169 : memref<16x128xf32, #tpu.memory_space<vmem>>) offsets(%get3A_1166 : vector<16xi32>) semaphore(%arg19 : memref<!tpu.dma_semaphore, #tpu.memory_space<semaphore_mem>>)
    %dma_wait3A_1173 = arith.constant 96 : i32
    %dma_wait3A_1174 = arith.constant 0 : i32
    %dma_wait3A_1175 = tpu.memref_slice %arg14[%dma_wait3A_1173, %dma_wait3A_1174] : memref<128x128xf32, #tpu.memory_space<vmem>> -> memref<16x128xf32, #tpu.memory_space<vmem>>
    %dma_wait3A_1176 = arith.constant 0 : i32
    %dma_wait3A_1177 = arith.constant 0 : i32
    %dma_wait3A_1178 = tpu.memref_slice %arg6[%dma_wait3A_1176, %dma_wait3A_1177] : memref<16896x128xf32, #tpu.memory_space<hbm>> -> memref<16896x128xf32, #tpu.memory_space<hbm>>
    tpu.wait_indirect_dma semaphore(%arg19 : memref<!tpu.dma_semaphore, #tpu.memory_space<semaphore_mem>>) src(%dma_wait3A_1178 : memref<16896x128xf32, #tpu.memory_space<hbm>>) dst(%dma_wait3A_1175 : memref<16x128xf32, #tpu.memory_space<vmem>>)
    %get3A_1179 = arith.constant 480 : index
    %get3A_1180 = tpu.vector_load %arg16[%get3A_1179] {strides = array<i32>} : memref<1040xi32, #tpu.memory_space<vmem>>, vector<16xi32>,
    %dma_start3A_1181 = arith.constant 96 : i32
    %dma_start3A_1182 = arith.constant 0 : i32
    %dma_start3A_1183 = tpu.memref_slice %arg14[%dma_start3A_1181, %dma_start3A_1182] : memref<128x128xf32, #tpu.memory_space<vmem>> -> memref<16x128xf32, #tpu.memory_space<vmem>>
    %dma_start3A_1184 = arith.constant 0 : i32
    %dma_start3A_1185 = arith.constant 0 : i32
    %dma_start3A_1186 = tpu.memref_slice %arg4[%dma_start3A_1184, %dma_start3A_1185] : memref<1000000x128xf32, #tpu.memory_space<hbm>> -> memref<1000000x128xf32, #tpu.memory_space<hbm>>
    tpu.enqueue_indirect_dma source(%dma_start3A_1183 : memref<16x128xf32, #tpu.memory_space<vmem>>) target(%dma_start3A_1186 : memref<1000000x128xf32, #tpu.memory_space<hbm>>) offsets(%get3A_1180 : vector<16xi32>) semaphore(%arg20 : memref<!tpu.dma_semaphore, #tpu.memory_space<semaphore_mem>>)
    %dma_wait3A_1187 = arith.constant 48 : i32
    %dma_wait3A_1188 = arith.constant 0 : i32
    %dma_wait3A_1189 = tpu.memref_slice %arg14[%dma_wait3A_1187, %dma_wait3A_1188] : memref<128x128xf32, #tpu.memory_space<vmem>> -> memref<16x128xf32, #tpu.memory_space<vmem>>
    %dma_wait3A_1190 = arith.constant 0 : i32
    %dma_wait3A_1191 = arith.constant 0 : i32
    %dma_wait3A_1192 = tpu.memref_slice %arg4[%dma_wait3A_1190, %dma_wait3A_1191] : memref<1000000x128xf32, #tpu.memory_space<hbm>> -> memref<1000000x128xf32, #tpu.memory_space<hbm>>
    tpu.wait_indirect_dma semaphore(%arg20 : memref<!tpu.dma_semaphore, #tpu.memory_space<semaphore_mem>>) src(%dma_wait3A_1189 : memref<16x128xf32, #tpu.memory_space<vmem>>) dst(%dma_wait3A_1192 : memref<1000000x128xf32, #tpu.memory_space<hbm>>)
    %get3A_1193 = arith.constant 560 : index
    %get3A_1194 = tpu.vector_load %arg17[%get3A_1193] {strides = array<i32>} : memref<1040xi32, #tpu.memory_space<vmem>>, vector<16xi32>,
    %dma_start3A_1195 = arith.constant 48 : i32
    %dma_start3A_1196 = arith.constant 0 : i32
    %dma_start3A_1197 = tpu.memref_slice %arg14[%dma_start3A_1195, %dma_start3A_1196] : memref<128x128xf32, #tpu.memory_space<vmem>> -> memref<16x128xf32, #tpu.memory_space<vmem>>
    %dma_start3A_1198 = arith.constant 0 : i32
    %dma_start3A_1199 = arith.constant 0 : i32
    %dma_start3A_1200 = tpu.memref_slice %arg6[%dma_start3A_1198, %dma_start3A_1199] : memref<16896x128xf32, #tpu.memory_space<hbm>> -> memref<16896x128xf32, #tpu.memory_space<hbm>>
    tpu.enqueue_indirect_dma source(%dma_start3A_1200 : memref<16896x128xf32, #tpu.memory_space<hbm>>) target(%dma_start3A_1197 : memref<16x128xf32, #tpu.memory_space<vmem>>) offsets(%get3A_1194 : vector<16xi32>) semaphore(%arg19 : memref<!tpu.dma_semaphore, #tpu.memory_space<semaphore_mem>>)
    %dma_wait3A_1201 = arith.constant 112 : i32
    %dma_wait3A_1202 = arith.constant 0 : i32
    %dma_wait3A_1203 = tpu.memref_slice %arg14[%dma_wait3A_1201, %dma_wait3A_1202] : memref<128x128xf32, #tpu.memory_space<vmem>> -> memref<16x128xf32, #tpu.memory_space<vmem>>
    %dma_wait3A_1204 = arith.constant 0 : i32
    %dma_wait3A_1205 = arith.constant 0 : i32
    %dma_wait3A_1206 = tpu.memref_slice %arg6[%dma_wait3A_1204, %dma_wait3A_1205] : memref<16896x128xf32, #tpu.memory_space<hbm>> -> memref<16896x128xf32, #tpu.memory_space<hbm>>
    tpu.wait_indirect_dma semaphore(%arg19 : memref<!tpu.dma_semaphore, #tpu.memory_space<semaphore_mem>>) src(%dma_wait3A_1206 : memref<16896x128xf32, #tpu.memory_space<hbm>>) dst(%dma_wait3A_1203 : memref<16x128xf32, #tpu.memory_space<vmem>>)
    %get3A_1207 = arith.constant 496 : index
    %get3A_1208 = tpu.vector_load %arg16[%get3A_1207] {strides = array<i32>} : memref<1040xi32, #tpu.memory_space<vmem>>, vector<16xi32>,
    %dma_start3A_1209 = arith.constant 112 : i32
    %dma_start3A_1210 = arith.constant 0 : i32
    %dma_start3A_1211 = tpu.memref_slice %arg14[%dma_start3A_1209, %dma_start3A_1210] : memref<128x128xf32, #tpu.memory_space<vmem>> -> memref<16x128xf32, #tpu.memory_space<vmem>>
    %dma_start3A_1212 = arith.constant 0 : i32
    %dma_start3A_1213 = arith.constant 0 : i32
    %dma_start3A_1214 = tpu.memref_slice %arg4[%dma_start3A_1212, %dma_start3A_1213] : memref<1000000x128xf32, #tpu.memory_space<hbm>> -> memref<1000000x128xf32, #tpu.memory_space<hbm>>
    tpu.enqueue_indirect_dma source(%dma_start3A_1211 : memref<16x128xf32, #tpu.memory_space<vmem>>) target(%dma_start3A_1214 : memref<1000000x128xf32, #tpu.memory_space<hbm>>) offsets(%get3A_1208 : vector<16xi32>) semaphore(%arg20 : memref<!tpu.dma_semaphore, #tpu.memory_space<semaphore_mem>>)
    %dma_wait3A_1215 = arith.constant 64 : i32
    %dma_wait3A_1216 = arith.constant 0 : i32
    %dma_wait3A_1217 = tpu.memref_slice %arg14[%dma_wait3A_1215, %dma_wait3A_1216] : memref<128x128xf32, #tpu.memory_space<vmem>> -> memref<16x128xf32, #tpu.memory_space<vmem>>
    %dma_wait3A_1218 = arith.constant 0 : i32
    %dma_wait3A_1219 = arith.constant 0 : i32
    %dma_wait3A_1220 = tpu.memref_slice %arg4[%dma_wait3A_1218, %dma_wait3A_1219] : memref<1000000x128xf32, #tpu.memory_space<hbm>> -> memref<1000000x128xf32, #tpu.memory_space<hbm>>
    tpu.wait_indirect_dma semaphore(%arg20 : memref<!tpu.dma_semaphore, #tpu.memory_space<semaphore_mem>>) src(%dma_wait3A_1217 : memref<16x128xf32, #tpu.memory_space<vmem>>) dst(%dma_wait3A_1220 : memref<1000000x128xf32, #tpu.memory_space<hbm>>)
    %get3A_1221 = arith.constant 576 : index
    %get3A_1222 = tpu.vector_load %arg17[%get3A_1221] {strides = array<i32>} : memref<1040xi32, #tpu.memory_space<vmem>>, vector<16xi32>,
    %dma_start3A_1223 = arith.constant 64 : i32
    %dma_start3A_1224 = arith.constant 0 : i32
    %dma_start3A_1225 = tpu.memref_slice %arg14[%dma_start3A_1223, %dma_start3A_1224] : memref<128x128xf32, #tpu.memory_space<vmem>> -> memref<16x128xf32, #tpu.memory_space<vmem>>
    %dma_start3A_1226 = arith.constant 0 : i32
    %dma_start3A_1227 = arith.constant 0 : i32
    %dma_start3A_1228 = tpu.memref_slice %arg6[%dma_start3A_1226, %dma_start3A_1227] : memref<16896x128xf32, #tpu.memory_space<hbm>> -> memref<16896x128xf32, #tpu.memory_space<hbm>>
    tpu.enqueue_indirect_dma source(%dma_start3A_1228 : memref<16896x128xf32, #tpu.memory_space<hbm>>) target(%dma_start3A_1225 : memref<16x128xf32, #tpu.memory_space<vmem>>) offsets(%get3A_1222 : vector<16xi32>) semaphore(%arg19 : memref<!tpu.dma_semaphore, #tpu.memory_space<semaphore_mem>>)
    %dma_wait3A_1229 = arith.constant 0 : i32
    %dma_wait3A_1230 = arith.constant 0 : i32
    %dma_wait3A_1231 = tpu.memref_slice %arg14[%dma_wait3A_1229, %dma_wait3A_1230] : memref<128x128xf32, #tpu.memory_space<vmem>> -> memref<16x128xf32, #tpu.memory_space<vmem>>
    %dma_wait3A_1232 = arith.constant 0 : i32
    %dma_wait3A_1233 = arith.constant 0 : i32
    %dma_wait3A_1234 = tpu.memref_slice %arg6[%dma_wait3A_1232, %dma_wait3A_1233] : memref<16896x128xf32, #tpu.memory_space<hbm>> -> memref<16896x128xf32, #tpu.memory_space<hbm>>
    tpu.wait_indirect_dma semaphore(%arg19 : memref<!tpu.dma_semaphore, #tpu.memory_space<semaphore_mem>>) src(%dma_wait3A_1234 : memref<16896x128xf32, #tpu.memory_space<hbm>>) dst(%dma_wait3A_1231 : memref<16x128xf32, #tpu.memory_space<vmem>>)
    %get3A_1235 = arith.constant 512 : index
    %get3A_1236 = tpu.vector_load %arg16[%get3A_1235] {strides = array<i32>} : memref<1040xi32, #tpu.memory_space<vmem>>, vector<16xi32>,
    %dma_start3A_1237 = arith.constant 0 : i32
    %dma_start3A_1238 = arith.constant 0 : i32
    %dma_start3A_1239 = tpu.memref_slice %arg14[%dma_start3A_1237, %dma_start3A_1238] : memref<128x128xf32, #tpu.memory_space<vmem>> -> memref<16x128xf32, #tpu.memory_space<vmem>>
    %dma_start3A_1240 = arith.constant 0 : i32
    %dma_start3A_1241 = arith.constant 0 : i32
    %dma_start3A_1242 = tpu.memref_slice %arg4[%dma_start3A_1240, %dma_start3A_1241] : memref<1000000x128xf32, #tpu.memory_space<hbm>> -> memref<1000000x128xf32, #tpu.memory_space<hbm>>
    tpu.enqueue_indirect_dma source(%dma_start3A_1239 : memref<16x128xf32, #tpu.memory_space<vmem>>) target(%dma_start3A_1242 : memref<1000000x128xf32, #tpu.memory_space<hbm>>) offsets(%get3A_1236 : vector<16xi32>) semaphore(%arg20 : memref<!tpu.dma_semaphore, #tpu.memory_space<semaphore_mem>>)
    %dma_wait3A_1243 = arith.constant 80 : i32
    %dma_wait3A_1244 = arith.constant 0 : i32
    %dma_wait3A_1245 = tpu.memref_slice %arg14[%dma_wait3A_1243, %dma_wait3A_1244] : memref<128x128xf32, #tpu.memory_space<vmem>> -> memref<16x128xf32, #tpu.memory_space<vmem>>
    %dma_wait3A_1246 = arith.constant 0 : i32
    %dma_wait3A_1247 = arith.constant 0 : i32
    %dma_wait3A_1248 = tpu.memref_slice %arg4[%dma_wait3A_1246, %dma_wait3A_1247] : memref<1000000x128xf32, #tpu.memory_space<hbm>> -> memref<1000000x128xf32, #tpu.memory_space<hbm>>
    tpu.wait_indirect_dma semaphore(%arg20 : memref<!tpu.dma_semaphore, #tpu.memory_space<semaphore_mem>>) src(%dma_wait3A_1245 : memref<16x128xf32, #tpu.memory_space<vmem>>) dst(%dma_wait3A_1248 : memref<1000000x128xf32, #tpu.memory_space<hbm>>)
    %get3A_1249 = arith.constant 592 : index
    %get3A_1250 = tpu.vector_load %arg17[%get3A_1249] {strides = array<i32>} : memref<1040xi32, #tpu.memory_space<vmem>>, vector<16xi32>,
    %dma_start3A_1251 = arith.constant 80 : i32
    %dma_start3A_1252 = arith.constant 0 : i32
    %dma_start3A_1253 = tpu.memref_slice %arg14[%dma_start3A_1251, %dma_start3A_1252] : memref<128x128xf32, #tpu.memory_space<vmem>> -> memref<16x128xf32, #tpu.memory_space<vmem>>
    %dma_start3A_1254 = arith.constant 0 : i32
    %dma_start3A_1255 = arith.constant 0 : i32
    %dma_start3A_1256 = tpu.memref_slice %arg6[%dma_start3A_1254, %dma_start3A_1255] : memref<16896x128xf32, #tpu.memory_space<hbm>> -> memref<16896x128xf32, #tpu.memory_space<hbm>>
    tpu.enqueue_indirect_dma source(%dma_start3A_1256 : memref<16896x128xf32, #tpu.memory_space<hbm>>) target(%dma_start3A_1253 : memref<16x128xf32, #tpu.memory_space<vmem>>) offsets(%get3A_1250 : vector<16xi32>) semaphore(%arg19 : memref<!tpu.dma_semaphore, #tpu.memory_space<semaphore_mem>>)
    %dma_wait3A_1257 = arith.constant 16 : i32
    %dma_wait3A_1258 = arith.constant 0 : i32
    %dma_wait3A_1259 = tpu.memref_slice %arg14[%dma_wait3A_1257, %dma_wait3A_1258] : memref<128x128xf32, #tpu.memory_space<vmem>> -> memref<16x128xf32, #tpu.memory_space<vmem>>
    %dma_wait3A_1260 = arith.constant 0 : i32
    %dma_wait3A_1261 = arith.constant 0 : i32
    %dma_wait3A_1262 = tpu.memref_slice %arg6[%dma_wait3A_1260, %dma_wait3A_1261] : memref<16896x128xf32, #tpu.memory_space<hbm>> -> memref<16896x128xf32, #tpu.memory_space<hbm>>
    tpu.wait_indirect_dma semaphore(%arg19 : memref<!tpu.dma_semaphore, #tpu.memory_space<semaphore_mem>>) src(%dma_wait3A_1262 : memref<16896x128xf32, #tpu.memory_space<hbm>>) dst(%dma_wait3A_1259 : memref<16x128xf32, #tpu.memory_space<vmem>>)
    %get3A_1263 = arith.constant 528 : index
    %get3A_1264 = tpu.vector_load %arg16[%get3A_1263] {strides = array<i32>} : memref<1040xi32, #tpu.memory_space<vmem>>, vector<16xi32>,
    %dma_start3A_1265 = arith.constant 16 : i32
    %dma_start3A_1266 = arith.constant 0 : i32
    %dma_start3A_1267 = tpu.memref_slice %arg14[%dma_start3A_1265, %dma_start3A_1266] : memref<128x128xf32, #tpu.memory_space<vmem>> -> memref<16x128xf32, #tpu.memory_space<vmem>>
    %dma_start3A_1268 = arith.constant 0 : i32
    %dma_start3A_1269 = arith.constant 0 : i32
    %dma_start3A_1270 = tpu.memref_slice %arg4[%dma_start3A_1268, %dma_start3A_1269] : memref<1000000x128xf32, #tpu.memory_space<hbm>> -> memref<1000000x128xf32, #tpu.memory_space<hbm>>
    tpu.enqueue_indirect_dma source(%dma_start3A_1267 : memref<16x128xf32, #tpu.memory_space<vmem>>) target(%dma_start3A_1270 : memref<1000000x128xf32, #tpu.memory_space<hbm>>) offsets(%get3A_1264 : vector<16xi32>) semaphore(%arg20 : memref<!tpu.dma_semaphore, #tpu.memory_space<semaphore_mem>>)
    %dma_wait3A_1271 = arith.constant 96 : i32
    %dma_wait3A_1272 = arith.constant 0 : i32
    %dma_wait3A_1273 = tpu.memref_slice %arg14[%dma_wait3A_1271, %dma_wait3A_1272] : memref<128x128xf32, #tpu.memory_space<vmem>> -> memref<16x128xf32, #tpu.memory_space<vmem>>
    %dma_wait3A_1274 = arith.constant 0 : i32
    %dma_wait3A_1275 = arith.constant 0 : i32
    %dma_wait3A_1276 = tpu.memref_slice %arg4[%dma_wait3A_1274, %dma_wait3A_1275] : memref<1000000x128xf32, #tpu.memory_space<hbm>> -> memref<1000000x128xf32, #tpu.memory_space<hbm>>
    tpu.wait_indirect_dma semaphore(%arg20 : memref<!tpu.dma_semaphore, #tpu.memory_space<semaphore_mem>>) src(%dma_wait3A_1273 : memref<16x128xf32, #tpu.memory_space<vmem>>) dst(%dma_wait3A_1276 : memref<1000000x128xf32, #tpu.memory_space<hbm>>)
    %get3A_1277 = arith.constant 608 : index
    %get3A_1278 = tpu.vector_load %arg17[%get3A_1277] {strides = array<i32>} : memref<1040xi32, #tpu.memory_space<vmem>>, vector<16xi32>,
    %dma_start3A_1279 = arith.constant 96 : i32
    %dma_start3A_1280 = arith.constant 0 : i32
    %dma_start3A_1281 = tpu.memref_slice %arg14[%dma_start3A_1279, %dma_start3A_1280] : memref<128x128xf32, #tpu.memory_space<vmem>> -> memref<16x128xf32, #tpu.memory_space<vmem>>
    %dma_start3A_1282 = arith.constant 0 : i32
    %dma_start3A_1283 = arith.constant 0 : i32
    %dma_start3A_1284 = tpu.memref_slice %arg6[%dma_start3A_1282, %dma_start3A_1283] : memref<16896x128xf32, #tpu.memory_space<hbm>> -> memref<16896x128xf32, #tpu.memory_space<hbm>>
    tpu.enqueue_indirect_dma source(%dma_start3A_1284 : memref<16896x128xf32, #tpu.memory_space<hbm>>) target(%dma_start3A_1281 : memref<16x128xf32, #tpu.memory_space<vmem>>) offsets(%get3A_1278 : vector<16xi32>) semaphore(%arg19 : memref<!tpu.dma_semaphore, #tpu.memory_space<semaphore_mem>>)
    %dma_wait3A_1285 = arith.constant 32 : i32
    %dma_wait3A_1286 = arith.constant 0 : i32
    %dma_wait3A_1287 = tpu.memref_slice %arg14[%dma_wait3A_1285, %dma_wait3A_1286] : memref<128x128xf32, #tpu.memory_space<vmem>> -> memref<16x128xf32, #tpu.memory_space<vmem>>
    %dma_wait3A_1288 = arith.constant 0 : i32
    %dma_wait3A_1289 = arith.constant 0 : i32
    %dma_wait3A_1290 = tpu.memref_slice %arg6[%dma_wait3A_1288, %dma_wait3A_1289] : memref<16896x128xf32, #tpu.memory_space<hbm>> -> memref<16896x128xf32, #tpu.memory_space<hbm>>
    tpu.wait_indirect_dma semaphore(%arg19 : memref<!tpu.dma_semaphore, #tpu.memory_space<semaphore_mem>>) src(%dma_wait3A_1290 : memref<16896x128xf32, #tpu.memory_space<hbm>>) dst(%dma_wait3A_1287 : memref<16x128xf32, #tpu.memory_space<vmem>>)
    %get3A_1291 = arith.constant 544 : index
    %get3A_1292 = tpu.vector_load %arg16[%get3A_1291] {strides = array<i32>} : memref<1040xi32, #tpu.memory_space<vmem>>, vector<16xi32>,
    %dma_start3A_1293 = arith.constant 32 : i32
    %dma_start3A_1294 = arith.constant 0 : i32
    %dma_start3A_1295 = tpu.memref_slice %arg14[%dma_start3A_1293, %dma_start3A_1294] : memref<128x128xf32, #tpu.memory_space<vmem>> -> memref<16x128xf32, #tpu.memory_space<vmem>>
    %dma_start3A_1296 = arith.constant 0 : i32
    %dma_start3A_1297 = arith.constant 0 : i32
    %dma_start3A_1298 = tpu.memref_slice %arg4[%dma_start3A_1296, %dma_start3A_1297] : memref<1000000x128xf32, #tpu.memory_space<hbm>> -> memref<1000000x128xf32, #tpu.memory_space<hbm>>
    tpu.enqueue_indirect_dma source(%dma_start3A_1295 : memref<16x128xf32, #tpu.memory_space<vmem>>) target(%dma_start3A_1298 : memref<1000000x128xf32, #tpu.memory_space<hbm>>) offsets(%get3A_1292 : vector<16xi32>) semaphore(%arg20 : memref<!tpu.dma_semaphore, #tpu.memory_space<semaphore_mem>>)
    %dma_wait3A_1299 = arith.constant 112 : i32
    %dma_wait3A_1300 = arith.constant 0 : i32
    %dma_wait3A_1301 = tpu.memref_slice %arg14[%dma_wait3A_1299, %dma_wait3A_1300] : memref<128x128xf32, #tpu.memory_space<vmem>> -> memref<16x128xf32, #tpu.memory_space<vmem>>
    %dma_wait3A_1302 = arith.constant 0 : i32
    %dma_wait3A_1303 = arith.constant 0 : i32
    %dma_wait3A_1304 = tpu.memref_slice %arg4[%dma_wait3A_1302, %dma_wait3A_1303] : memref<1000000x128xf32, #tpu.memory_space<hbm>> -> memref<1000000x128xf32, #tpu.memory_space<hbm>>
    tpu.wait_indirect_dma semaphore(%arg20 : memref<!tpu.dma_semaphore, #tpu.memory_space<semaphore_mem>>) src(%dma_wait3A_1301 : memref<16x128xf32, #tpu.memory_space<vmem>>) dst(%dma_wait3A_1304 : memref<1000000x128xf32, #tpu.memory_space<hbm>>)
    %get3A_1305 = arith.constant 624 : index
    %get3A_1306 = tpu.vector_load %arg17[%get3A_1305] {strides = array<i32>} : memref<1040xi32, #tpu.memory_space<vmem>>, vector<16xi32>,
    %dma_start3A_1307 = arith.constant 112 : i32
    %dma_start3A_1308 = arith.constant 0 : i32
    %dma_start3A_1309 = tpu.memref_slice %arg14[%dma_start3A_1307, %dma_start3A_1308] : memref<128x128xf32, #tpu.memory_space<vmem>> -> memref<16x128xf32, #tpu.memory_space<vmem>>
    %dma_start3A_1310 = arith.constant 0 : i32
    %dma_start3A_1311 = arith.constant 0 : i32
    %dma_start3A_1312 = tpu.memref_slice %arg6[%dma_start3A_1310, %dma_start3A_1311] : memref<16896x128xf32, #tpu.memory_space<hbm>> -> memref<16896x128xf32, #tpu.memory_space<hbm>>
    tpu.enqueue_indirect_dma source(%dma_start3A_1312 : memref<16896x128xf32, #tpu.memory_space<hbm>>) target(%dma_start3A_1309 : memref<16x128xf32, #tpu.memory_space<vmem>>) offsets(%get3A_1306 : vector<16xi32>) semaphore(%arg19 : memref<!tpu.dma_semaphore, #tpu.memory_space<semaphore_mem>>)
    %dma_wait3A_1313 = arith.constant 48 : i32
    %dma_wait3A_1314 = arith.constant 0 : i32
    %dma_wait3A_1315 = tpu.memref_slice %arg14[%dma_wait3A_1313, %dma_wait3A_1314] : memref<128x128xf32, #tpu.memory_space<vmem>> -> memref<16x128xf32, #tpu.memory_space<vmem>>
    %dma_wait3A_1316 = arith.constant 0 : i32
    %dma_wait3A_1317 = arith.constant 0 : i32
    %dma_wait3A_1318 = tpu.memref_slice %arg6[%dma_wait3A_1316, %dma_wait3A_1317] : memref<16896x128xf32, #tpu.memory_space<hbm>> -> memref<16896x128xf32, #tpu.memory_space<hbm>>
    tpu.wait_indirect_dma semaphore(%arg19 : memref<!tpu.dma_semaphore, #tpu.memory_space<semaphore_mem>>) src(%dma_wait3A_1318 : memref<16896x128xf32, #tpu.memory_space<hbm>>) dst(%dma_wait3A_1315 : memref<16x128xf32, #tpu.memory_space<vmem>>)
    %get3A_1319 = arith.constant 560 : index
    %get3A_1320 = tpu.vector_load %arg16[%get3A_1319] {strides = array<i32>} : memref<1040xi32, #tpu.memory_space<vmem>>, vector<16xi32>,
    %dma_start3A_1321 = arith.constant 48 : i32
    %dma_start3A_1322 = arith.constant 0 : i32
    %dma_start3A_1323 = tpu.memref_slice %arg14[%dma_start3A_1321, %dma_start3A_1322] : memref<128x128xf32, #tpu.memory_space<vmem>> -> memref<16x128xf32, #tpu.memory_space<vmem>>
    %dma_start3A_1324 = arith.constant 0 : i32
    %dma_start3A_1325 = arith.constant 0 : i32
    %dma_start3A_1326 = tpu.memref_slice %arg4[%dma_start3A_1324, %dma_start3A_1325] : memref<1000000x128xf32, #tpu.memory_space<hbm>> -> memref<1000000x128xf32, #tpu.memory_space<hbm>>
    tpu.enqueue_indirect_dma source(%dma_start3A_1323 : memref<16x128xf32, #tpu.memory_space<vmem>>) target(%dma_start3A_1326 : memref<1000000x128xf32, #tpu.memory_space<hbm>>) offsets(%get3A_1320 : vector<16xi32>) semaphore(%arg20 : memref<!tpu.dma_semaphore, #tpu.memory_space<semaphore_mem>>)
    %dma_wait3A_1327 = arith.constant 0 : i32
    %dma_wait3A_1328 = arith.constant 0 : i32
    %dma_wait3A_1329 = tpu.memref_slice %arg14[%dma_wait3A_1327, %dma_wait3A_1328] : memref<128x128xf32, #tpu.memory_space<vmem>> -> memref<16x128xf32, #tpu.memory_space<vmem>>
    %dma_wait3A_1330 = arith.constant 0 : i32
    %dma_wait3A_1331 = arith.constant 0 : i32
    %dma_wait3A_1332 = tpu.memref_slice %arg4[%dma_wait3A_1330, %dma_wait3A_1331] : memref<1000000x128xf32, #tpu.memory_space<hbm>> -> memref<1000000x128xf32, #tpu.memory_space<hbm>>
    tpu.wait_indirect_dma semaphore(%arg20 : memref<!tpu.dma_semaphore, #tpu.memory_space<semaphore_mem>>) src(%dma_wait3A_1329 : memref<16x128xf32, #tpu.memory_space<vmem>>) dst(%dma_wait3A_1332 : memref<1000000x128xf32, #tpu.memory_space<hbm>>)
    %get3A_1333 = arith.constant 640 : index
    %get3A_1334 = tpu.vector_load %arg17[%get3A_1333] {strides = array<i32>} : memref<1040xi32, #tpu.memory_space<vmem>>, vector<16xi32>,
    %dma_start3A_1335 = arith.constant 0 : i32
    %dma_start3A_1336 = arith.constant 0 : i32
    %dma_start3A_1337 = tpu.memref_slice %arg14[%dma_start3A_1335, %dma_start3A_1336] : memref<128x128xf32, #tpu.memory_space<vmem>> -> memref<16x128xf32, #tpu.memory_space<vmem>>
    %dma_start3A_1338 = arith.constant 0 : i32
    %dma_start3A_1339 = arith.constant 0 : i32
    %dma_start3A_1340 = tpu.memref_slice %arg6[%dma_start3A_1338, %dma_start3A_1339] : memref<16896x128xf32, #tpu.memory_space<hbm>> -> memref<16896x128xf32, #tpu.memory_space<hbm>>
    tpu.enqueue_indirect_dma source(%dma_start3A_1340 : memref<16896x128xf32, #tpu.memory_space<hbm>>) target(%dma_start3A_1337 : memref<16x128xf32, #tpu.memory_space<vmem>>) offsets(%get3A_1334 : vector<16xi32>) semaphore(%arg19 : memref<!tpu.dma_semaphore, #tpu.memory_space<semaphore_mem>>)
    %dma_wait3A_1341 = arith.constant 64 : i32
    %dma_wait3A_1342 = arith.constant 0 : i32
    %dma_wait3A_1343 = tpu.memref_slice %arg14[%dma_wait3A_1341, %dma_wait3A_1342] : memref<128x128xf32, #tpu.memory_space<vmem>> -> memref<16x128xf32, #tpu.memory_space<vmem>>
    %dma_wait3A_1344 = arith.constant 0 : i32
    %dma_wait3A_1345 = arith.constant 0 : i32
    %dma_wait3A_1346 = tpu.memref_slice %arg6[%dma_wait3A_1344, %dma_wait3A_1345] : memref<16896x128xf32, #tpu.memory_space<hbm>> -> memref<16896x128xf32, #tpu.memory_space<hbm>>
    tpu.wait_indirect_dma semaphore(%arg19 : memref<!tpu.dma_semaphore, #tpu.memory_space<semaphore_mem>>) src(%dma_wait3A_1346 : memref<16896x128xf32, #tpu.memory_space<hbm>>) dst(%dma_wait3A_1343 : memref<16x128xf32, #tpu.memory_space<vmem>>)
    %get3A_1347 = arith.constant 576 : index
    %get3A_1348 = tpu.vector_load %arg16[%get3A_1347] {strides = array<i32>} : memref<1040xi32, #tpu.memory_space<vmem>>, vector<16xi32>,
    %dma_start3A_1349 = arith.constant 64 : i32
    %dma_start3A_1350 = arith.constant 0 : i32
    %dma_start3A_1351 = tpu.memref_slice %arg14[%dma_start3A_1349, %dma_start3A_1350] : memref<128x128xf32, #tpu.memory_space<vmem>> -> memref<16x128xf32, #tpu.memory_space<vmem>>
    %dma_start3A_1352 = arith.constant 0 : i32
    %dma_start3A_1353 = arith.constant 0 : i32
    %dma_start3A_1354 = tpu.memref_slice %arg4[%dma_start3A_1352, %dma_start3A_1353] : memref<1000000x128xf32, #tpu.memory_space<hbm>> -> memref<1000000x128xf32, #tpu.memory_space<hbm>>
    tpu.enqueue_indirect_dma source(%dma_start3A_1351 : memref<16x128xf32, #tpu.memory_space<vmem>>) target(%dma_start3A_1354 : memref<1000000x128xf32, #tpu.memory_space<hbm>>) offsets(%get3A_1348 : vector<16xi32>) semaphore(%arg20 : memref<!tpu.dma_semaphore, #tpu.memory_space<semaphore_mem>>)
    %dma_wait3A_1355 = arith.constant 16 : i32
    %dma_wait3A_1356 = arith.constant 0 : i32
    %dma_wait3A_1357 = tpu.memref_slice %arg14[%dma_wait3A_1355, %dma_wait3A_1356] : memref<128x128xf32, #tpu.memory_space<vmem>> -> memref<16x128xf32, #tpu.memory_space<vmem>>
    %dma_wait3A_1358 = arith.constant 0 : i32
    %dma_wait3A_1359 = arith.constant 0 : i32
    %dma_wait3A_1360 = tpu.memref_slice %arg4[%dma_wait3A_1358, %dma_wait3A_1359] : memref<1000000x128xf32, #tpu.memory_space<hbm>> -> memref<1000000x128xf32, #tpu.memory_space<hbm>>
    tpu.wait_indirect_dma semaphore(%arg20 : memref<!tpu.dma_semaphore, #tpu.memory_space<semaphore_mem>>) src(%dma_wait3A_1357 : memref<16x128xf32, #tpu.memory_space<vmem>>) dst(%dma_wait3A_1360 : memref<1000000x128xf32, #tpu.memory_space<hbm>>)
    %get3A_1361 = arith.constant 656 : index
    %get3A_1362 = tpu.vector_load %arg17[%get3A_1361] {strides = array<i32>} : memref<1040xi32, #tpu.memory_space<vmem>>, vector<16xi32>,
    %dma_start3A_1363 = arith.constant 16 : i32
    %dma_start3A_1364 = arith.constant 0 : i32
    %dma_start3A_1365 = tpu.memref_slice %arg14[%dma_start3A_1363, %dma_start3A_1364] : memref<128x128xf32, #tpu.memory_space<vmem>> -> memref<16x128xf32, #tpu.memory_space<vmem>>
    %dma_start3A_1366 = arith.constant 0 : i32
    %dma_start3A_1367 = arith.constant 0 : i32
    %dma_start3A_1368 = tpu.memref_slice %arg6[%dma_start3A_1366, %dma_start3A_1367] : memref<16896x128xf32, #tpu.memory_space<hbm>> -> memref<16896x128xf32, #tpu.memory_space<hbm>>
    tpu.enqueue_indirect_dma source(%dma_start3A_1368 : memref<16896x128xf32, #tpu.memory_space<hbm>>) target(%dma_start3A_1365 : memref<16x128xf32, #tpu.memory_space<vmem>>) offsets(%get3A_1362 : vector<16xi32>) semaphore(%arg19 : memref<!tpu.dma_semaphore, #tpu.memory_space<semaphore_mem>>)
    %dma_wait3A_1369 = arith.constant 80 : i32
    %dma_wait3A_1370 = arith.constant 0 : i32
    %dma_wait3A_1371 = tpu.memref_slice %arg14[%dma_wait3A_1369, %dma_wait3A_1370] : memref<128x128xf32, #tpu.memory_space<vmem>> -> memref<16x128xf32, #tpu.memory_space<vmem>>
    %dma_wait3A_1372 = arith.constant 0 : i32
    %dma_wait3A_1373 = arith.constant 0 : i32
    %dma_wait3A_1374 = tpu.memref_slice %arg6[%dma_wait3A_1372, %dma_wait3A_1373] : memref<16896x128xf32, #tpu.memory_space<hbm>> -> memref<16896x128xf32, #tpu.memory_space<hbm>>
    tpu.wait_indirect_dma semaphore(%arg19 : memref<!tpu.dma_semaphore, #tpu.memory_space<semaphore_mem>>) src(%dma_wait3A_1374 : memref<16896x128xf32, #tpu.memory_space<hbm>>) dst(%dma_wait3A_1371 : memref<16x128xf32, #tpu.memory_space<vmem>>)
    %get3A_1375 = arith.constant 592 : index
    %get3A_1376 = tpu.vector_load %arg16[%get3A_1375] {strides = array<i32>} : memref<1040xi32, #tpu.memory_space<vmem>>, vector<16xi32>,
    %dma_start3A_1377 = arith.constant 80 : i32
    %dma_start3A_1378 = arith.constant 0 : i32
    %dma_start3A_1379 = tpu.memref_slice %arg14[%dma_start3A_1377, %dma_start3A_1378] : memref<128x128xf32, #tpu.memory_space<vmem>> -> memref<16x128xf32, #tpu.memory_space<vmem>>
    %dma_start3A_1380 = arith.constant 0 : i32
    %dma_start3A_1381 = arith.constant 0 : i32
    %dma_start3A_1382 = tpu.memref_slice %arg4[%dma_start3A_1380, %dma_start3A_1381] : memref<1000000x128xf32, #tpu.memory_space<hbm>> -> memref<1000000x128xf32, #tpu.memory_space<hbm>>
    tpu.enqueue_indirect_dma source(%dma_start3A_1379 : memref<16x128xf32, #tpu.memory_space<vmem>>) target(%dma_start3A_1382 : memref<1000000x128xf32, #tpu.memory_space<hbm>>) offsets(%get3A_1376 : vector<16xi32>) semaphore(%arg20 : memref<!tpu.dma_semaphore, #tpu.memory_space<semaphore_mem>>)
    %dma_wait3A_1383 = arith.constant 32 : i32
    %dma_wait3A_1384 = arith.constant 0 : i32
    %dma_wait3A_1385 = tpu.memref_slice %arg14[%dma_wait3A_1383, %dma_wait3A_1384] : memref<128x128xf32, #tpu.memory_space<vmem>> -> memref<16x128xf32, #tpu.memory_space<vmem>>
    %dma_wait3A_1386 = arith.constant 0 : i32
    %dma_wait3A_1387 = arith.constant 0 : i32
    %dma_wait3A_1388 = tpu.memref_slice %arg4[%dma_wait3A_1386, %dma_wait3A_1387] : memref<1000000x128xf32, #tpu.memory_space<hbm>> -> memref<1000000x128xf32, #tpu.memory_space<hbm>>
    tpu.wait_indirect_dma semaphore(%arg20 : memref<!tpu.dma_semaphore, #tpu.memory_space<semaphore_mem>>) src(%dma_wait3A_1385 : memref<16x128xf32, #tpu.memory_space<vmem>>) dst(%dma_wait3A_1388 : memref<1000000x128xf32, #tpu.memory_space<hbm>>)
    %get3A_1389 = arith.constant 672 : index
    %get3A_1390 = tpu.vector_load %arg17[%get3A_1389] {strides = array<i32>} : memref<1040xi32, #tpu.memory_space<vmem>>, vector<16xi32>,
    %dma_start3A_1391 = arith.constant 32 : i32
    %dma_start3A_1392 = arith.constant 0 : i32
    %dma_start3A_1393 = tpu.memref_slice %arg14[%dma_start3A_1391, %dma_start3A_1392] : memref<128x128xf32, #tpu.memory_space<vmem>> -> memref<16x128xf32, #tpu.memory_space<vmem>>
    %dma_start3A_1394 = arith.constant 0 : i32
    %dma_start3A_1395 = arith.constant 0 : i32
    %dma_start3A_1396 = tpu.memref_slice %arg6[%dma_start3A_1394, %dma_start3A_1395] : memref<16896x128xf32, #tpu.memory_space<hbm>> -> memref<16896x128xf32, #tpu.memory_space<hbm>>
    tpu.enqueue_indirect_dma source(%dma_start3A_1396 : memref<16896x128xf32, #tpu.memory_space<hbm>>) target(%dma_start3A_1393 : memref<16x128xf32, #tpu.memory_space<vmem>>) offsets(%get3A_1390 : vector<16xi32>) semaphore(%arg19 : memref<!tpu.dma_semaphore, #tpu.memory_space<semaphore_mem>>)
    %dma_wait3A_1397 = arith.constant 96 : i32
    %dma_wait3A_1398 = arith.constant 0 : i32
    %dma_wait3A_1399 = tpu.memref_slice %arg14[%dma_wait3A_1397, %dma_wait3A_1398] : memref<128x128xf32, #tpu.memory_space<vmem>> -> memref<16x128xf32, #tpu.memory_space<vmem>>
    %dma_wait3A_1400 = arith.constant 0 : i32
    %dma_wait3A_1401 = arith.constant 0 : i32
    %dma_wait3A_1402 = tpu.memref_slice %arg6[%dma_wait3A_1400, %dma_wait3A_1401] : memref<16896x128xf32, #tpu.memory_space<hbm>> -> memref<16896x128xf32, #tpu.memory_space<hbm>>
    tpu.wait_indirect_dma semaphore(%arg19 : memref<!tpu.dma_semaphore, #tpu.memory_space<semaphore_mem>>) src(%dma_wait3A_1402 : memref<16896x128xf32, #tpu.memory_space<hbm>>) dst(%dma_wait3A_1399 : memref<16x128xf32, #tpu.memory_space<vmem>>)
    %get3A_1403 = arith.constant 608 : index
    %get3A_1404 = tpu.vector_load %arg16[%get3A_1403] {strides = array<i32>} : memref<1040xi32, #tpu.memory_space<vmem>>, vector<16xi32>,
    %dma_start3A_1405 = arith.constant 96 : i32
    %dma_start3A_1406 = arith.constant 0 : i32
    %dma_start3A_1407 = tpu.memref_slice %arg14[%dma_start3A_1405, %dma_start3A_1406] : memref<128x128xf32, #tpu.memory_space<vmem>> -> memref<16x128xf32, #tpu.memory_space<vmem>>
    %dma_start3A_1408 = arith.constant 0 : i32
    %dma_start3A_1409 = arith.constant 0 : i32
    %dma_start3A_1410 = tpu.memref_slice %arg4[%dma_start3A_1408, %dma_start3A_1409] : memref<1000000x128xf32, #tpu.memory_space<hbm>> -> memref<1000000x128xf32, #tpu.memory_space<hbm>>
    tpu.enqueue_indirect_dma source(%dma_start3A_1407 : memref<16x128xf32, #tpu.memory_space<vmem>>) target(%dma_start3A_1410 : memref<1000000x128xf32, #tpu.memory_space<hbm>>) offsets(%get3A_1404 : vector<16xi32>) semaphore(%arg20 : memref<!tpu.dma_semaphore, #tpu.memory_space<semaphore_mem>>)
    %dma_wait3A_1411 = arith.constant 48 : i32
    %dma_wait3A_1412 = arith.constant 0 : i32
    %dma_wait3A_1413 = tpu.memref_slice %arg14[%dma_wait3A_1411, %dma_wait3A_1412] : memref<128x128xf32, #tpu.memory_space<vmem>> -> memref<16x128xf32, #tpu.memory_space<vmem>>
    %dma_wait3A_1414 = arith.constant 0 : i32
    %dma_wait3A_1415 = arith.constant 0 : i32
    %dma_wait3A_1416 = tpu.memref_slice %arg4[%dma_wait3A_1414, %dma_wait3A_1415] : memref<1000000x128xf32, #tpu.memory_space<hbm>> -> memref<1000000x128xf32, #tpu.memory_space<hbm>>
    tpu.wait_indirect_dma semaphore(%arg20 : memref<!tpu.dma_semaphore, #tpu.memory_space<semaphore_mem>>) src(%dma_wait3A_1413 : memref<16x128xf32, #tpu.memory_space<vmem>>) dst(%dma_wait3A_1416 : memref<1000000x128xf32, #tpu.memory_space<hbm>>)
    %get3A_1417 = arith.constant 688 : index
    %get3A_1418 = tpu.vector_load %arg17[%get3A_1417] {strides = array<i32>} : memref<1040xi32, #tpu.memory_space<vmem>>, vector<16xi32>,
    %dma_start3A_1419 = arith.constant 48 : i32
    %dma_start3A_1420 = arith.constant 0 : i32
    %dma_start3A_1421 = tpu.memref_slice %arg14[%dma_start3A_1419, %dma_start3A_1420] : memref<128x128xf32, #tpu.memory_space<vmem>> -> memref<16x128xf32, #tpu.memory_space<vmem>>
    %dma_start3A_1422 = arith.constant 0 : i32
    %dma_start3A_1423 = arith.constant 0 : i32
    %dma_start3A_1424 = tpu.memref_slice %arg6[%dma_start3A_1422, %dma_start3A_1423] : memref<16896x128xf32, #tpu.memory_space<hbm>> -> memref<16896x128xf32, #tpu.memory_space<hbm>>
    tpu.enqueue_indirect_dma source(%dma_start3A_1424 : memref<16896x128xf32, #tpu.memory_space<hbm>>) target(%dma_start3A_1421 : memref<16x128xf32, #tpu.memory_space<vmem>>) offsets(%get3A_1418 : vector<16xi32>) semaphore(%arg19 : memref<!tpu.dma_semaphore, #tpu.memory_space<semaphore_mem>>)
    %dma_wait3A_1425 = arith.constant 112 : i32
    %dma_wait3A_1426 = arith.constant 0 : i32
    %dma_wait3A_1427 = tpu.memref_slice %arg14[%dma_wait3A_1425, %dma_wait3A_1426] : memref<128x128xf32, #tpu.memory_space<vmem>> -> memref<16x128xf32, #tpu.memory_space<vmem>>
    %dma_wait3A_1428 = arith.constant 0 : i32
    %dma_wait3A_1429 = arith.constant 0 : i32
    %dma_wait3A_1430 = tpu.memref_slice %arg6[%dma_wait3A_1428, %dma_wait3A_1429] : memref<16896x128xf32, #tpu.memory_space<hbm>> -> memref<16896x128xf32, #tpu.memory_space<hbm>>
    tpu.wait_indirect_dma semaphore(%arg19 : memref<!tpu.dma_semaphore, #tpu.memory_space<semaphore_mem>>) src(%dma_wait3A_1430 : memref<16896x128xf32, #tpu.memory_space<hbm>>) dst(%dma_wait3A_1427 : memref<16x128xf32, #tpu.memory_space<vmem>>)
    %get3A_1431 = arith.constant 624 : index
    %get3A_1432 = tpu.vector_load %arg16[%get3A_1431] {strides = array<i32>} : memref<1040xi32, #tpu.memory_space<vmem>>, vector<16xi32>,
    %dma_start3A_1433 = arith.constant 112 : i32
    %dma_start3A_1434 = arith.constant 0 : i32
    %dma_start3A_1435 = tpu.memref_slice %arg14[%dma_start3A_1433, %dma_start3A_1434] : memref<128x128xf32, #tpu.memory_space<vmem>> -> memref<16x128xf32, #tpu.memory_space<vmem>>
    %dma_start3A_1436 = arith.constant 0 : i32
    %dma_start3A_1437 = arith.constant 0 : i32
    %dma_start3A_1438 = tpu.memref_slice %arg4[%dma_start3A_1436, %dma_start3A_1437] : memref<1000000x128xf32, #tpu.memory_space<hbm>> -> memref<1000000x128xf32, #tpu.memory_space<hbm>>
    tpu.enqueue_indirect_dma source(%dma_start3A_1435 : memref<16x128xf32, #tpu.memory_space<vmem>>) target(%dma_start3A_1438 : memref<1000000x128xf32, #tpu.memory_space<hbm>>) offsets(%get3A_1432 : vector<16xi32>) semaphore(%arg20 : memref<!tpu.dma_semaphore, #tpu.memory_space<semaphore_mem>>)
    %dma_wait3A_1439 = arith.constant 64 : i32
    %dma_wait3A_1440 = arith.constant 0 : i32
    %dma_wait3A_1441 = tpu.memref_slice %arg14[%dma_wait3A_1439, %dma_wait3A_1440] : memref<128x128xf32, #tpu.memory_space<vmem>> -> memref<16x128xf32, #tpu.memory_space<vmem>>
    %dma_wait3A_1442 = arith.constant 0 : i32
    %dma_wait3A_1443 = arith.constant 0 : i32
    %dma_wait3A_1444 = tpu.memref_slice %arg4[%dma_wait3A_1442, %dma_wait3A_1443] : memref<1000000x128xf32, #tpu.memory_space<hbm>> -> memref<1000000x128xf32, #tpu.memory_space<hbm>>
    tpu.wait_indirect_dma semaphore(%arg20 : memref<!tpu.dma_semaphore, #tpu.memory_space<semaphore_mem>>) src(%dma_wait3A_1441 : memref<16x128xf32, #tpu.memory_space<vmem>>) dst(%dma_wait3A_1444 : memref<1000000x128xf32, #tpu.memory_space<hbm>>)
    %get3A_1445 = arith.constant 704 : index
    %get3A_1446 = tpu.vector_load %arg17[%get3A_1445] {strides = array<i32>} : memref<1040xi32, #tpu.memory_space<vmem>>, vector<16xi32>,
    %dma_start3A_1447 = arith.constant 64 : i32
    %dma_start3A_1448 = arith.constant 0 : i32
    %dma_start3A_1449 = tpu.memref_slice %arg14[%dma_start3A_1447, %dma_start3A_1448] : memref<128x128xf32, #tpu.memory_space<vmem>> -> memref<16x128xf32, #tpu.memory_space<vmem>>
    %dma_start3A_1450 = arith.constant 0 : i32
    %dma_start3A_1451 = arith.constant 0 : i32
    %dma_start3A_1452 = tpu.memref_slice %arg6[%dma_start3A_1450, %dma_start3A_1451] : memref<16896x128xf32, #tpu.memory_space<hbm>> -> memref<16896x128xf32, #tpu.memory_space<hbm>>
    tpu.enqueue_indirect_dma source(%dma_start3A_1452 : memref<16896x128xf32, #tpu.memory_space<hbm>>) target(%dma_start3A_1449 : memref<16x128xf32, #tpu.memory_space<vmem>>) offsets(%get3A_1446 : vector<16xi32>) semaphore(%arg19 : memref<!tpu.dma_semaphore, #tpu.memory_space<semaphore_mem>>)
    %dma_wait3A_1453 = arith.constant 0 : i32
    %dma_wait3A_1454 = arith.constant 0 : i32
    %dma_wait3A_1455 = tpu.memref_slice %arg14[%dma_wait3A_1453, %dma_wait3A_1454] : memref<128x128xf32, #tpu.memory_space<vmem>> -> memref<16x128xf32, #tpu.memory_space<vmem>>
    %dma_wait3A_1456 = arith.constant 0 : i32
    %dma_wait3A_1457 = arith.constant 0 : i32
    %dma_wait3A_1458 = tpu.memref_slice %arg6[%dma_wait3A_1456, %dma_wait3A_1457] : memref<16896x128xf32, #tpu.memory_space<hbm>> -> memref<16896x128xf32, #tpu.memory_space<hbm>>
    tpu.wait_indirect_dma semaphore(%arg19 : memref<!tpu.dma_semaphore, #tpu.memory_space<semaphore_mem>>) src(%dma_wait3A_1458 : memref<16896x128xf32, #tpu.memory_space<hbm>>) dst(%dma_wait3A_1455 : memref<16x128xf32, #tpu.memory_space<vmem>>)
    %get3A_1459 = arith.constant 640 : index
    %get3A_1460 = tpu.vector_load %arg16[%get3A_1459] {strides = array<i32>} : memref<1040xi32, #tpu.memory_space<vmem>>, vector<16xi32>,
    %dma_start3A_1461 = arith.constant 0 : i32
    %dma_start3A_1462 = arith.constant 0 : i32
    %dma_start3A_1463 = tpu.memref_slice %arg14[%dma_start3A_1461, %dma_start3A_1462] : memref<128x128xf32, #tpu.memory_space<vmem>> -> memref<16x128xf32, #tpu.memory_space<vmem>>
    %dma_start3A_1464 = arith.constant 0 : i32
    %dma_start3A_1465 = arith.constant 0 : i32
    %dma_start3A_1466 = tpu.memref_slice %arg4[%dma_start3A_1464, %dma_start3A_1465] : memref<1000000x128xf32, #tpu.memory_space<hbm>> -> memref<1000000x128xf32, #tpu.memory_space<hbm>>
    tpu.enqueue_indirect_dma source(%dma_start3A_1463 : memref<16x128xf32, #tpu.memory_space<vmem>>) target(%dma_start3A_1466 : memref<1000000x128xf32, #tpu.memory_space<hbm>>) offsets(%get3A_1460 : vector<16xi32>) semaphore(%arg20 : memref<!tpu.dma_semaphore, #tpu.memory_space<semaphore_mem>>)
    %dma_wait3A_1467 = arith.constant 80 : i32
    %dma_wait3A_1468 = arith.constant 0 : i32
    %dma_wait3A_1469 = tpu.memref_slice %arg14[%dma_wait3A_1467, %dma_wait3A_1468] : memref<128x128xf32, #tpu.memory_space<vmem>> -> memref<16x128xf32, #tpu.memory_space<vmem>>
    %dma_wait3A_1470 = arith.constant 0 : i32
    %dma_wait3A_1471 = arith.constant 0 : i32
    %dma_wait3A_1472 = tpu.memref_slice %arg4[%dma_wait3A_1470, %dma_wait3A_1471] : memref<1000000x128xf32, #tpu.memory_space<hbm>> -> memref<1000000x128xf32, #tpu.memory_space<hbm>>
    tpu.wait_indirect_dma semaphore(%arg20 : memref<!tpu.dma_semaphore, #tpu.memory_space<semaphore_mem>>) src(%dma_wait3A_1469 : memref<16x128xf32, #tpu.memory_space<vmem>>) dst(%dma_wait3A_1472 : memref<1000000x128xf32, #tpu.memory_space<hbm>>)
    %get3A_1473 = arith.constant 720 : index
    %get3A_1474 = tpu.vector_load %arg17[%get3A_1473] {strides = array<i32>} : memref<1040xi32, #tpu.memory_space<vmem>>, vector<16xi32>,
    %dma_start3A_1475 = arith.constant 80 : i32
    %dma_start3A_1476 = arith.constant 0 : i32
    %dma_start3A_1477 = tpu.memref_slice %arg14[%dma_start3A_1475, %dma_start3A_1476] : memref<128x128xf32, #tpu.memory_space<vmem>> -> memref<16x128xf32, #tpu.memory_space<vmem>>
    %dma_start3A_1478 = arith.constant 0 : i32
    %dma_start3A_1479 = arith.constant 0 : i32
    %dma_start3A_1480 = tpu.memref_slice %arg6[%dma_start3A_1478, %dma_start3A_1479] : memref<16896x128xf32, #tpu.memory_space<hbm>> -> memref<16896x128xf32, #tpu.memory_space<hbm>>
    tpu.enqueue_indirect_dma source(%dma_start3A_1480 : memref<16896x128xf32, #tpu.memory_space<hbm>>) target(%dma_start3A_1477 : memref<16x128xf32, #tpu.memory_space<vmem>>) offsets(%get3A_1474 : vector<16xi32>) semaphore(%arg19 : memref<!tpu.dma_semaphore, #tpu.memory_space<semaphore_mem>>)
    %dma_wait3A_1481 = arith.constant 16 : i32
    %dma_wait3A_1482 = arith.constant 0 : i32
    %dma_wait3A_1483 = tpu.memref_slice %arg14[%dma_wait3A_1481, %dma_wait3A_1482] : memref<128x128xf32, #tpu.memory_space<vmem>> -> memref<16x128xf32, #tpu.memory_space<vmem>>
    %dma_wait3A_1484 = arith.constant 0 : i32
    %dma_wait3A_1485 = arith.constant 0 : i32
    %dma_wait3A_1486 = tpu.memref_slice %arg6[%dma_wait3A_1484, %dma_wait3A_1485] : memref<16896x128xf32, #tpu.memory_space<hbm>> -> memref<16896x128xf32, #tpu.memory_space<hbm>>
    tpu.wait_indirect_dma semaphore(%arg19 : memref<!tpu.dma_semaphore, #tpu.memory_space<semaphore_mem>>) src(%dma_wait3A_1486 : memref<16896x128xf32, #tpu.memory_space<hbm>>) dst(%dma_wait3A_1483 : memref<16x128xf32, #tpu.memory_space<vmem>>)
    %get3A_1487 = arith.constant 656 : index
    %get3A_1488 = tpu.vector_load %arg16[%get3A_1487] {strides = array<i32>} : memref<1040xi32, #tpu.memory_space<vmem>>, vector<16xi32>,
    %dma_start3A_1489 = arith.constant 16 : i32
    %dma_start3A_1490 = arith.constant 0 : i32
    %dma_start3A_1491 = tpu.memref_slice %arg14[%dma_start3A_1489, %dma_start3A_1490] : memref<128x128xf32, #tpu.memory_space<vmem>> -> memref<16x128xf32, #tpu.memory_space<vmem>>
    %dma_start3A_1492 = arith.constant 0 : i32
    %dma_start3A_1493 = arith.constant 0 : i32
    %dma_start3A_1494 = tpu.memref_slice %arg4[%dma_start3A_1492, %dma_start3A_1493] : memref<1000000x128xf32, #tpu.memory_space<hbm>> -> memref<1000000x128xf32, #tpu.memory_space<hbm>>
    tpu.enqueue_indirect_dma source(%dma_start3A_1491 : memref<16x128xf32, #tpu.memory_space<vmem>>) target(%dma_start3A_1494 : memref<1000000x128xf32, #tpu.memory_space<hbm>>) offsets(%get3A_1488 : vector<16xi32>) semaphore(%arg20 : memref<!tpu.dma_semaphore, #tpu.memory_space<semaphore_mem>>)
    %dma_wait3A_1495 = arith.constant 96 : i32
    %dma_wait3A_1496 = arith.constant 0 : i32
    %dma_wait3A_1497 = tpu.memref_slice %arg14[%dma_wait3A_1495, %dma_wait3A_1496] : memref<128x128xf32, #tpu.memory_space<vmem>> -> memref<16x128xf32, #tpu.memory_space<vmem>>
    %dma_wait3A_1498 = arith.constant 0 : i32
    %dma_wait3A_1499 = arith.constant 0 : i32
    %dma_wait3A_1500 = tpu.memref_slice %arg4[%dma_wait3A_1498, %dma_wait3A_1499] : memref<1000000x128xf32, #tpu.memory_space<hbm>> -> memref<1000000x128xf32, #tpu.memory_space<hbm>>
    tpu.wait_indirect_dma semaphore(%arg20 : memref<!tpu.dma_semaphore, #tpu.memory_space<semaphore_mem>>) src(%dma_wait3A_1497 : memref<16x128xf32, #tpu.memory_space<vmem>>) dst(%dma_wait3A_1500 : memref<1000000x128xf32, #tpu.memory_space<hbm>>)
    %get3A_1501 = arith.constant 736 : index
    %get3A_1502 = tpu.vector_load %arg17[%get3A_1501] {strides = array<i32>} : memref<1040xi32, #tpu.memory_space<vmem>>, vector<16xi32>,
    %dma_start3A_1503 = arith.constant 96 : i32
    %dma_start3A_1504 = arith.constant 0 : i32
    %dma_start3A_1505 = tpu.memref_slice %arg14[%dma_start3A_1503, %dma_start3A_1504] : memref<128x128xf32, #tpu.memory_space<vmem>> -> memref<16x128xf32, #tpu.memory_space<vmem>>
    %dma_start3A_1506 = arith.constant 0 : i32
    %dma_start3A_1507 = arith.constant 0 : i32
    %dma_start3A_1508 = tpu.memref_slice %arg6[%dma_start3A_1506, %dma_start3A_1507] : memref<16896x128xf32, #tpu.memory_space<hbm>> -> memref<16896x128xf32, #tpu.memory_space<hbm>>
    tpu.enqueue_indirect_dma source(%dma_start3A_1508 : memref<16896x128xf32, #tpu.memory_space<hbm>>) target(%dma_start3A_1505 : memref<16x128xf32, #tpu.memory_space<vmem>>) offsets(%get3A_1502 : vector<16xi32>) semaphore(%arg19 : memref<!tpu.dma_semaphore, #tpu.memory_space<semaphore_mem>>)
    %dma_wait3A_1509 = arith.constant 32 : i32
    %dma_wait3A_1510 = arith.constant 0 : i32
    %dma_wait3A_1511 = tpu.memref_slice %arg14[%dma_wait3A_1509, %dma_wait3A_1510] : memref<128x128xf32, #tpu.memory_space<vmem>> -> memref<16x128xf32, #tpu.memory_space<vmem>>
    %dma_wait3A_1512 = arith.constant 0 : i32
    %dma_wait3A_1513 = arith.constant 0 : i32
    %dma_wait3A_1514 = tpu.memref_slice %arg6[%dma_wait3A_1512, %dma_wait3A_1513] : memref<16896x128xf32, #tpu.memory_space<hbm>> -> memref<16896x128xf32, #tpu.memory_space<hbm>>
    tpu.wait_indirect_dma semaphore(%arg19 : memref<!tpu.dma_semaphore, #tpu.memory_space<semaphore_mem>>) src(%dma_wait3A_1514 : memref<16896x128xf32, #tpu.memory_space<hbm>>) dst(%dma_wait3A_1511 : memref<16x128xf32, #tpu.memory_space<vmem>>)
    %get3A_1515 = arith.constant 672 : index
    %get3A_1516 = tpu.vector_load %arg16[%get3A_1515] {strides = array<i32>} : memref<1040xi32, #tpu.memory_space<vmem>>, vector<16xi32>,
    %dma_start3A_1517 = arith.constant 32 : i32
    %dma_start3A_1518 = arith.constant 0 : i32
    %dma_start3A_1519 = tpu.memref_slice %arg14[%dma_start3A_1517, %dma_start3A_1518] : memref<128x128xf32, #tpu.memory_space<vmem>> -> memref<16x128xf32, #tpu.memory_space<vmem>>
    %dma_start3A_1520 = arith.constant 0 : i32
    %dma_start3A_1521 = arith.constant 0 : i32
    %dma_start3A_1522 = tpu.memref_slice %arg4[%dma_start3A_1520, %dma_start3A_1521] : memref<1000000x128xf32, #tpu.memory_space<hbm>> -> memref<1000000x128xf32, #tpu.memory_space<hbm>>
    tpu.enqueue_indirect_dma source(%dma_start3A_1519 : memref<16x128xf32, #tpu.memory_space<vmem>>) target(%dma_start3A_1522 : memref<1000000x128xf32, #tpu.memory_space<hbm>>) offsets(%get3A_1516 : vector<16xi32>) semaphore(%arg20 : memref<!tpu.dma_semaphore, #tpu.memory_space<semaphore_mem>>)
    %dma_wait3A_1523 = arith.constant 112 : i32
    %dma_wait3A_1524 = arith.constant 0 : i32
    %dma_wait3A_1525 = tpu.memref_slice %arg14[%dma_wait3A_1523, %dma_wait3A_1524] : memref<128x128xf32, #tpu.memory_space<vmem>> -> memref<16x128xf32, #tpu.memory_space<vmem>>
    %dma_wait3A_1526 = arith.constant 0 : i32
    %dma_wait3A_1527 = arith.constant 0 : i32
    %dma_wait3A_1528 = tpu.memref_slice %arg4[%dma_wait3A_1526, %dma_wait3A_1527] : memref<1000000x128xf32, #tpu.memory_space<hbm>> -> memref<1000000x128xf32, #tpu.memory_space<hbm>>
    tpu.wait_indirect_dma semaphore(%arg20 : memref<!tpu.dma_semaphore, #tpu.memory_space<semaphore_mem>>) src(%dma_wait3A_1525 : memref<16x128xf32, #tpu.memory_space<vmem>>) dst(%dma_wait3A_1528 : memref<1000000x128xf32, #tpu.memory_space<hbm>>)
    %get3A_1529 = arith.constant 752 : index
    %get3A_1530 = tpu.vector_load %arg17[%get3A_1529] {strides = array<i32>} : memref<1040xi32, #tpu.memory_space<vmem>>, vector<16xi32>,
    %dma_start3A_1531 = arith.constant 112 : i32
    %dma_start3A_1532 = arith.constant 0 : i32
    %dma_start3A_1533 = tpu.memref_slice %arg14[%dma_start3A_1531, %dma_start3A_1532] : memref<128x128xf32, #tpu.memory_space<vmem>> -> memref<16x128xf32, #tpu.memory_space<vmem>>
    %dma_start3A_1534 = arith.constant 0 : i32
    %dma_start3A_1535 = arith.constant 0 : i32
    %dma_start3A_1536 = tpu.memref_slice %arg6[%dma_start3A_1534, %dma_start3A_1535] : memref<16896x128xf32, #tpu.memory_space<hbm>> -> memref<16896x128xf32, #tpu.memory_space<hbm>>
    tpu.enqueue_indirect_dma source(%dma_start3A_1536 : memref<16896x128xf32, #tpu.memory_space<hbm>>) target(%dma_start3A_1533 : memref<16x128xf32, #tpu.memory_space<vmem>>) offsets(%get3A_1530 : vector<16xi32>) semaphore(%arg19 : memref<!tpu.dma_semaphore, #tpu.memory_space<semaphore_mem>>)
    %dma_wait3A_1537 = arith.constant 48 : i32
    %dma_wait3A_1538 = arith.constant 0 : i32
    %dma_wait3A_1539 = tpu.memref_slice %arg14[%dma_wait3A_1537, %dma_wait3A_1538] : memref<128x128xf32, #tpu.memory_space<vmem>> -> memref<16x128xf32, #tpu.memory_space<vmem>>
    %dma_wait3A_1540 = arith.constant 0 : i32
    %dma_wait3A_1541 = arith.constant 0 : i32
    %dma_wait3A_1542 = tpu.memref_slice %arg6[%dma_wait3A_1540, %dma_wait3A_1541] : memref<16896x128xf32, #tpu.memory_space<hbm>> -> memref<16896x128xf32, #tpu.memory_space<hbm>>
    tpu.wait_indirect_dma semaphore(%arg19 : memref<!tpu.dma_semaphore, #tpu.memory_space<semaphore_mem>>) src(%dma_wait3A_1542 : memref<16896x128xf32, #tpu.memory_space<hbm>>) dst(%dma_wait3A_1539 : memref<16x128xf32, #tpu.memory_space<vmem>>)
    %get3A_1543 = arith.constant 688 : index
    %get3A_1544 = tpu.vector_load %arg16[%get3A_1543] {strides = array<i32>} : memref<1040xi32, #tpu.memory_space<vmem>>, vector<16xi32>,
    %dma_start3A_1545 = arith.constant 48 : i32
    %dma_start3A_1546 = arith.constant 0 : i32
    %dma_start3A_1547 = tpu.memref_slice %arg14[%dma_start3A_1545, %dma_start3A_1546] : memref<128x128xf32, #tpu.memory_space<vmem>> -> memref<16x128xf32, #tpu.memory_space<vmem>>
    %dma_start3A_1548 = arith.constant 0 : i32
    %dma_start3A_1549 = arith.constant 0 : i32
    %dma_start3A_1550 = tpu.memref_slice %arg4[%dma_start3A_1548, %dma_start3A_1549] : memref<1000000x128xf32, #tpu.memory_space<hbm>> -> memref<1000000x128xf32, #tpu.memory_space<hbm>>
    tpu.enqueue_indirect_dma source(%dma_start3A_1547 : memref<16x128xf32, #tpu.memory_space<vmem>>) target(%dma_start3A_1550 : memref<1000000x128xf32, #tpu.memory_space<hbm>>) offsets(%get3A_1544 : vector<16xi32>) semaphore(%arg20 : memref<!tpu.dma_semaphore, #tpu.memory_space<semaphore_mem>>)
    %dma_wait3A_1551 = arith.constant 0 : i32
    %dma_wait3A_1552 = arith.constant 0 : i32
    %dma_wait3A_1553 = tpu.memref_slice %arg14[%dma_wait3A_1551, %dma_wait3A_1552] : memref<128x128xf32, #tpu.memory_space<vmem>> -> memref<16x128xf32, #tpu.memory_space<vmem>>
    %dma_wait3A_1554 = arith.constant 0 : i32
    %dma_wait3A_1555 = arith.constant 0 : i32
    %dma_wait3A_1556 = tpu.memref_slice %arg4[%dma_wait3A_1554, %dma_wait3A_1555] : memref<1000000x128xf32, #tpu.memory_space<hbm>> -> memref<1000000x128xf32, #tpu.memory_space<hbm>>
    tpu.wait_indirect_dma semaphore(%arg20 : memref<!tpu.dma_semaphore, #tpu.memory_space<semaphore_mem>>) src(%dma_wait3A_1553 : memref<16x128xf32, #tpu.memory_space<vmem>>) dst(%dma_wait3A_1556 : memref<1000000x128xf32, #tpu.memory_space<hbm>>)
    %get3A_1557 = arith.constant 768 : index
    %get3A_1558 = tpu.vector_load %arg17[%get3A_1557] {strides = array<i32>} : memref<1040xi32, #tpu.memory_space<vmem>>, vector<16xi32>,
    %dma_start3A_1559 = arith.constant 0 : i32
    %dma_start3A_1560 = arith.constant 0 : i32
    %dma_start3A_1561 = tpu.memref_slice %arg14[%dma_start3A_1559, %dma_start3A_1560] : memref<128x128xf32, #tpu.memory_space<vmem>> -> memref<16x128xf32, #tpu.memory_space<vmem>>
    %dma_start3A_1562 = arith.constant 0 : i32
    %dma_start3A_1563 = arith.constant 0 : i32
    %dma_start3A_1564 = tpu.memref_slice %arg6[%dma_start3A_1562, %dma_start3A_1563] : memref<16896x128xf32, #tpu.memory_space<hbm>> -> memref<16896x128xf32, #tpu.memory_space<hbm>>
    tpu.enqueue_indirect_dma source(%dma_start3A_1564 : memref<16896x128xf32, #tpu.memory_space<hbm>>) target(%dma_start3A_1561 : memref<16x128xf32, #tpu.memory_space<vmem>>) offsets(%get3A_1558 : vector<16xi32>) semaphore(%arg19 : memref<!tpu.dma_semaphore, #tpu.memory_space<semaphore_mem>>)
    %dma_wait3A_1565 = arith.constant 64 : i32
    %dma_wait3A_1566 = arith.constant 0 : i32
    %dma_wait3A_1567 = tpu.memref_slice %arg14[%dma_wait3A_1565, %dma_wait3A_1566] : memref<128x128xf32, #tpu.memory_space<vmem>> -> memref<16x128xf32, #tpu.memory_space<vmem>>
    %dma_wait3A_1568 = arith.constant 0 : i32
    %dma_wait3A_1569 = arith.constant 0 : i32
    %dma_wait3A_1570 = tpu.memref_slice %arg6[%dma_wait3A_1568, %dma_wait3A_1569] : memref<16896x128xf32, #tpu.memory_space<hbm>> -> memref<16896x128xf32, #tpu.memory_space<hbm>>
    tpu.wait_indirect_dma semaphore(%arg19 : memref<!tpu.dma_semaphore, #tpu.memory_space<semaphore_mem>>) src(%dma_wait3A_1570 : memref<16896x128xf32, #tpu.memory_space<hbm>>) dst(%dma_wait3A_1567 : memref<16x128xf32, #tpu.memory_space<vmem>>)
    %get3A_1571 = arith.constant 704 : index
    %get3A_1572 = tpu.vector_load %arg16[%get3A_1571] {strides = array<i32>} : memref<1040xi32, #tpu.memory_space<vmem>>, vector<16xi32>,
    %dma_start3A_1573 = arith.constant 64 : i32
    %dma_start3A_1574 = arith.constant 0 : i32
    %dma_start3A_1575 = tpu.memref_slice %arg14[%dma_start3A_1573, %dma_start3A_1574] : memref<128x128xf32, #tpu.memory_space<vmem>> -> memref<16x128xf32, #tpu.memory_space<vmem>>
    %dma_start3A_1576 = arith.constant 0 : i32
    %dma_start3A_1577 = arith.constant 0 : i32
    %dma_start3A_1578 = tpu.memref_slice %arg4[%dma_start3A_1576, %dma_start3A_1577] : memref<1000000x128xf32, #tpu.memory_space<hbm>> -> memref<1000000x128xf32, #tpu.memory_space<hbm>>
    tpu.enqueue_indirect_dma source(%dma_start3A_1575 : memref<16x128xf32, #tpu.memory_space<vmem>>) target(%dma_start3A_1578 : memref<1000000x128xf32, #tpu.memory_space<hbm>>) offsets(%get3A_1572 : vector<16xi32>) semaphore(%arg20 : memref<!tpu.dma_semaphore, #tpu.memory_space<semaphore_mem>>)
    %dma_wait3A_1579 = arith.constant 16 : i32
    %dma_wait3A_1580 = arith.constant 0 : i32
    %dma_wait3A_1581 = tpu.memref_slice %arg14[%dma_wait3A_1579, %dma_wait3A_1580] : memref<128x128xf32, #tpu.memory_space<vmem>> -> memref<16x128xf32, #tpu.memory_space<vmem>>
    %dma_wait3A_1582 = arith.constant 0 : i32
    %dma_wait3A_1583 = arith.constant 0 : i32
    %dma_wait3A_1584 = tpu.memref_slice %arg4[%dma_wait3A_1582, %dma_wait3A_1583] : memref<1000000x128xf32, #tpu.memory_space<hbm>> -> memref<1000000x128xf32, #tpu.memory_space<hbm>>
    tpu.wait_indirect_dma semaphore(%arg20 : memref<!tpu.dma_semaphore, #tpu.memory_space<semaphore_mem>>) src(%dma_wait3A_1581 : memref<16x128xf32, #tpu.memory_space<vmem>>) dst(%dma_wait3A_1584 : memref<1000000x128xf32, #tpu.memory_space<hbm>>)
    %get3A_1585 = arith.constant 784 : index
    %get3A_1586 = tpu.vector_load %arg17[%get3A_1585] {strides = array<i32>} : memref<1040xi32, #tpu.memory_space<vmem>>, vector<16xi32>,
    %dma_start3A_1587 = arith.constant 16 : i32
    %dma_start3A_1588 = arith.constant 0 : i32
    %dma_start3A_1589 = tpu.memref_slice %arg14[%dma_start3A_1587, %dma_start3A_1588] : memref<128x128xf32, #tpu.memory_space<vmem>> -> memref<16x128xf32, #tpu.memory_space<vmem>>
    %dma_start3A_1590 = arith.constant 0 : i32
    %dma_start3A_1591 = arith.constant 0 : i32
    %dma_start3A_1592 = tpu.memref_slice %arg6[%dma_start3A_1590, %dma_start3A_1591] : memref<16896x128xf32, #tpu.memory_space<hbm>> -> memref<16896x128xf32, #tpu.memory_space<hbm>>
    tpu.enqueue_indirect_dma source(%dma_start3A_1592 : memref<16896x128xf32, #tpu.memory_space<hbm>>) target(%dma_start3A_1589 : memref<16x128xf32, #tpu.memory_space<vmem>>) offsets(%get3A_1586 : vector<16xi32>) semaphore(%arg19 : memref<!tpu.dma_semaphore, #tpu.memory_space<semaphore_mem>>)
    %dma_wait3A_1593 = arith.constant 80 : i32
    %dma_wait3A_1594 = arith.constant 0 : i32
    %dma_wait3A_1595 = tpu.memref_slice %arg14[%dma_wait3A_1593, %dma_wait3A_1594] : memref<128x128xf32, #tpu.memory_space<vmem>> -> memref<16x128xf32, #tpu.memory_space<vmem>>
    %dma_wait3A_1596 = arith.constant 0 : i32
    %dma_wait3A_1597 = arith.constant 0 : i32
    %dma_wait3A_1598 = tpu.memref_slice %arg6[%dma_wait3A_1596, %dma_wait3A_1597] : memref<16896x128xf32, #tpu.memory_space<hbm>> -> memref<16896x128xf32, #tpu.memory_space<hbm>>
    tpu.wait_indirect_dma semaphore(%arg19 : memref<!tpu.dma_semaphore, #tpu.memory_space<semaphore_mem>>) src(%dma_wait3A_1598 : memref<16896x128xf32, #tpu.memory_space<hbm>>) dst(%dma_wait3A_1595 : memref<16x128xf32, #tpu.memory_space<vmem>>)
    %get3A_1599 = arith.constant 720 : index
    %get3A_1600 = tpu.vector_load %arg16[%get3A_1599] {strides = array<i32>} : memref<1040xi32, #tpu.memory_space<vmem>>, vector<16xi32>,
    %dma_start3A_1601 = arith.constant 80 : i32
    %dma_start3A_1602 = arith.constant 0 : i32
    %dma_start3A_1603 = tpu.memref_slice %arg14[%dma_start3A_1601, %dma_start3A_1602] : memref<128x128xf32, #tpu.memory_space<vmem>> -> memref<16x128xf32, #tpu.memory_space<vmem>>
    %dma_start3A_1604 = arith.constant 0 : i32
    %dma_start3A_1605 = arith.constant 0 : i32
    %dma_start3A_1606 = tpu.memref_slice %arg4[%dma_start3A_1604, %dma_start3A_1605] : memref<1000000x128xf32, #tpu.memory_space<hbm>> -> memref<1000000x128xf32, #tpu.memory_space<hbm>>
    tpu.enqueue_indirect_dma source(%dma_start3A_1603 : memref<16x128xf32, #tpu.memory_space<vmem>>) target(%dma_start3A_1606 : memref<1000000x128xf32, #tpu.memory_space<hbm>>) offsets(%get3A_1600 : vector<16xi32>) semaphore(%arg20 : memref<!tpu.dma_semaphore, #tpu.memory_space<semaphore_mem>>)
    %dma_wait3A_1607 = arith.constant 32 : i32
    %dma_wait3A_1608 = arith.constant 0 : i32
    %dma_wait3A_1609 = tpu.memref_slice %arg14[%dma_wait3A_1607, %dma_wait3A_1608] : memref<128x128xf32, #tpu.memory_space<vmem>> -> memref<16x128xf32, #tpu.memory_space<vmem>>
    %dma_wait3A_1610 = arith.constant 0 : i32
    %dma_wait3A_1611 = arith.constant 0 : i32
    %dma_wait3A_1612 = tpu.memref_slice %arg4[%dma_wait3A_1610, %dma_wait3A_1611] : memref<1000000x128xf32, #tpu.memory_space<hbm>> -> memref<1000000x128xf32, #tpu.memory_space<hbm>>
    tpu.wait_indirect_dma semaphore(%arg20 : memref<!tpu.dma_semaphore, #tpu.memory_space<semaphore_mem>>) src(%dma_wait3A_1609 : memref<16x128xf32, #tpu.memory_space<vmem>>) dst(%dma_wait3A_1612 : memref<1000000x128xf32, #tpu.memory_space<hbm>>)
    %get3A_1613 = arith.constant 800 : index
    %get3A_1614 = tpu.vector_load %arg17[%get3A_1613] {strides = array<i32>} : memref<1040xi32, #tpu.memory_space<vmem>>, vector<16xi32>,
    %dma_start3A_1615 = arith.constant 32 : i32
    %dma_start3A_1616 = arith.constant 0 : i32
    %dma_start3A_1617 = tpu.memref_slice %arg14[%dma_start3A_1615, %dma_start3A_1616] : memref<128x128xf32, #tpu.memory_space<vmem>> -> memref<16x128xf32, #tpu.memory_space<vmem>>
    %dma_start3A_1618 = arith.constant 0 : i32
    %dma_start3A_1619 = arith.constant 0 : i32
    %dma_start3A_1620 = tpu.memref_slice %arg6[%dma_start3A_1618, %dma_start3A_1619] : memref<16896x128xf32, #tpu.memory_space<hbm>> -> memref<16896x128xf32, #tpu.memory_space<hbm>>
    tpu.enqueue_indirect_dma source(%dma_start3A_1620 : memref<16896x128xf32, #tpu.memory_space<hbm>>) target(%dma_start3A_1617 : memref<16x128xf32, #tpu.memory_space<vmem>>) offsets(%get3A_1614 : vector<16xi32>) semaphore(%arg19 : memref<!tpu.dma_semaphore, #tpu.memory_space<semaphore_mem>>)
    %dma_wait3A_1621 = arith.constant 96 : i32
    %dma_wait3A_1622 = arith.constant 0 : i32
    %dma_wait3A_1623 = tpu.memref_slice %arg14[%dma_wait3A_1621, %dma_wait3A_1622] : memref<128x128xf32, #tpu.memory_space<vmem>> -> memref<16x128xf32, #tpu.memory_space<vmem>>
    %dma_wait3A_1624 = arith.constant 0 : i32
    %dma_wait3A_1625 = arith.constant 0 : i32
    %dma_wait3A_1626 = tpu.memref_slice %arg6[%dma_wait3A_1624, %dma_wait3A_1625] : memref<16896x128xf32, #tpu.memory_space<hbm>> -> memref<16896x128xf32, #tpu.memory_space<hbm>>
    tpu.wait_indirect_dma semaphore(%arg19 : memref<!tpu.dma_semaphore, #tpu.memory_space<semaphore_mem>>) src(%dma_wait3A_1626 : memref<16896x128xf32, #tpu.memory_space<hbm>>) dst(%dma_wait3A_1623 : memref<16x128xf32, #tpu.memory_space<vmem>>)
    %get3A_1627 = arith.constant 736 : index
    %get3A_1628 = tpu.vector_load %arg16[%get3A_1627] {strides = array<i32>} : memref<1040xi32, #tpu.memory_space<vmem>>, vector<16xi32>,
    %dma_start3A_1629 = arith.constant 96 : i32
    %dma_start3A_1630 = arith.constant 0 : i32
    %dma_start3A_1631 = tpu.memref_slice %arg14[%dma_start3A_1629, %dma_start3A_1630] : memref<128x128xf32, #tpu.memory_space<vmem>> -> memref<16x128xf32, #tpu.memory_space<vmem>>
    %dma_start3A_1632 = arith.constant 0 : i32
    %dma_start3A_1633 = arith.constant 0 : i32
    %dma_start3A_1634 = tpu.memref_slice %arg4[%dma_start3A_1632, %dma_start3A_1633] : memref<1000000x128xf32, #tpu.memory_space<hbm>> -> memref<1000000x128xf32, #tpu.memory_space<hbm>>
    tpu.enqueue_indirect_dma source(%dma_start3A_1631 : memref<16x128xf32, #tpu.memory_space<vmem>>) target(%dma_start3A_1634 : memref<1000000x128xf32, #tpu.memory_space<hbm>>) offsets(%get3A_1628 : vector<16xi32>) semaphore(%arg20 : memref<!tpu.dma_semaphore, #tpu.memory_space<semaphore_mem>>)
    %dma_wait3A_1635 = arith.constant 48 : i32
    %dma_wait3A_1636 = arith.constant 0 : i32
    %dma_wait3A_1637 = tpu.memref_slice %arg14[%dma_wait3A_1635, %dma_wait3A_1636] : memref<128x128xf32, #tpu.memory_space<vmem>> -> memref<16x128xf32, #tpu.memory_space<vmem>>
    %dma_wait3A_1638 = arith.constant 0 : i32
    %dma_wait3A_1639 = arith.constant 0 : i32
    %dma_wait3A_1640 = tpu.memref_slice %arg4[%dma_wait3A_1638, %dma_wait3A_1639] : memref<1000000x128xf32, #tpu.memory_space<hbm>> -> memref<1000000x128xf32, #tpu.memory_space<hbm>>
    tpu.wait_indirect_dma semaphore(%arg20 : memref<!tpu.dma_semaphore, #tpu.memory_space<semaphore_mem>>) src(%dma_wait3A_1637 : memref<16x128xf32, #tpu.memory_space<vmem>>) dst(%dma_wait3A_1640 : memref<1000000x128xf32, #tpu.memory_space<hbm>>)
    %get3A_1641 = arith.constant 816 : index
    %get3A_1642 = tpu.vector_load %arg17[%get3A_1641] {strides = array<i32>} : memref<1040xi32, #tpu.memory_space<vmem>>, vector<16xi32>,
    %dma_start3A_1643 = arith.constant 48 : i32
    %dma_start3A_1644 = arith.constant 0 : i32
    %dma_start3A_1645 = tpu.memref_slice %arg14[%dma_start3A_1643, %dma_start3A_1644] : memref<128x128xf32, #tpu.memory_space<vmem>> -> memref<16x128xf32, #tpu.memory_space<vmem>>
    %dma_start3A_1646 = arith.constant 0 : i32
    %dma_start3A_1647 = arith.constant 0 : i32
    %dma_start3A_1648 = tpu.memref_slice %arg6[%dma_start3A_1646, %dma_start3A_1647] : memref<16896x128xf32, #tpu.memory_space<hbm>> -> memref<16896x128xf32, #tpu.memory_space<hbm>>
    tpu.enqueue_indirect_dma source(%dma_start3A_1648 : memref<16896x128xf32, #tpu.memory_space<hbm>>) target(%dma_start3A_1645 : memref<16x128xf32, #tpu.memory_space<vmem>>) offsets(%get3A_1642 : vector<16xi32>) semaphore(%arg19 : memref<!tpu.dma_semaphore, #tpu.memory_space<semaphore_mem>>)
    %dma_wait3A_1649 = arith.constant 112 : i32
    %dma_wait3A_1650 = arith.constant 0 : i32
    %dma_wait3A_1651 = tpu.memref_slice %arg14[%dma_wait3A_1649, %dma_wait3A_1650] : memref<128x128xf32, #tpu.memory_space<vmem>> -> memref<16x128xf32, #tpu.memory_space<vmem>>
    %dma_wait3A_1652 = arith.constant 0 : i32
    %dma_wait3A_1653 = arith.constant 0 : i32
    %dma_wait3A_1654 = tpu.memref_slice %arg6[%dma_wait3A_1652, %dma_wait3A_1653] : memref<16896x128xf32, #tpu.memory_space<hbm>> -> memref<16896x128xf32, #tpu.memory_space<hbm>>
    tpu.wait_indirect_dma semaphore(%arg19 : memref<!tpu.dma_semaphore, #tpu.memory_space<semaphore_mem>>) src(%dma_wait3A_1654 : memref<16896x128xf32, #tpu.memory_space<hbm>>) dst(%dma_wait3A_1651 : memref<16x128xf32, #tpu.memory_space<vmem>>)
    %get3A_1655 = arith.constant 752 : index
    %get3A_1656 = tpu.vector_load %arg16[%get3A_1655] {strides = array<i32>} : memref<1040xi32, #tpu.memory_space<vmem>>, vector<16xi32>,
    %dma_start3A_1657 = arith.constant 112 : i32
    %dma_start3A_1658 = arith.constant 0 : i32
    %dma_start3A_1659 = tpu.memref_slice %arg14[%dma_start3A_1657, %dma_start3A_1658] : memref<128x128xf32, #tpu.memory_space<vmem>> -> memref<16x128xf32, #tpu.memory_space<vmem>>
    %dma_start3A_1660 = arith.constant 0 : i32
    %dma_start3A_1661 = arith.constant 0 : i32
    %dma_start3A_1662 = tpu.memref_slice %arg4[%dma_start3A_1660, %dma_start3A_1661] : memref<1000000x128xf32, #tpu.memory_space<hbm>> -> memref<1000000x128xf32, #tpu.memory_space<hbm>>
    tpu.enqueue_indirect_dma source(%dma_start3A_1659 : memref<16x128xf32, #tpu.memory_space<vmem>>) target(%dma_start3A_1662 : memref<1000000x128xf32, #tpu.memory_space<hbm>>) offsets(%get3A_1656 : vector<16xi32>) semaphore(%arg20 : memref<!tpu.dma_semaphore, #tpu.memory_space<semaphore_mem>>)
    %dma_wait3A_1663 = arith.constant 64 : i32
    %dma_wait3A_1664 = arith.constant 0 : i32
    %dma_wait3A_1665 = tpu.memref_slice %arg14[%dma_wait3A_1663, %dma_wait3A_1664] : memref<128x128xf32, #tpu.memory_space<vmem>> -> memref<16x128xf32, #tpu.memory_space<vmem>>
    %dma_wait3A_1666 = arith.constant 0 : i32
    %dma_wait3A_1667 = arith.constant 0 : i32
    %dma_wait3A_1668 = tpu.memref_slice %arg4[%dma_wait3A_1666, %dma_wait3A_1667] : memref<1000000x128xf32, #tpu.memory_space<hbm>> -> memref<1000000x128xf32, #tpu.memory_space<hbm>>
    tpu.wait_indirect_dma semaphore(%arg20 : memref<!tpu.dma_semaphore, #tpu.memory_space<semaphore_mem>>) src(%dma_wait3A_1665 : memref<16x128xf32, #tpu.memory_space<vmem>>) dst(%dma_wait3A_1668 : memref<1000000x128xf32, #tpu.memory_space<hbm>>)
    %get3A_1669 = arith.constant 832 : index
    %get3A_1670 = tpu.vector_load %arg17[%get3A_1669] {strides = array<i32>} : memref<1040xi32, #tpu.memory_space<vmem>>, vector<16xi32>,
    %dma_start3A_1671 = arith.constant 64 : i32
    %dma_start3A_1672 = arith.constant 0 : i32
    %dma_start3A_1673 = tpu.memref_slice %arg14[%dma_start3A_1671, %dma_start3A_1672] : memref<128x128xf32, #tpu.memory_space<vmem>> -> memref<16x128xf32, #tpu.memory_space<vmem>>
    %dma_start3A_1674 = arith.constant 0 : i32
    %dma_start3A_1675 = arith.constant 0 : i32
    %dma_start3A_1676 = tpu.memref_slice %arg6[%dma_start3A_1674, %dma_start3A_1675] : memref<16896x128xf32, #tpu.memory_space<hbm>> -> memref<16896x128xf32, #tpu.memory_space<hbm>>
    tpu.enqueue_indirect_dma source(%dma_start3A_1676 : memref<16896x128xf32, #tpu.memory_space<hbm>>) target(%dma_start3A_1673 : memref<16x128xf32, #tpu.memory_space<vmem>>) offsets(%get3A_1670 : vector<16xi32>) semaphore(%arg19 : memref<!tpu.dma_semaphore, #tpu.memory_space<semaphore_mem>>)
    %dma_wait3A_1677 = arith.constant 0 : i32
    %dma_wait3A_1678 = arith.constant 0 : i32
    %dma_wait3A_1679 = tpu.memref_slice %arg14[%dma_wait3A_1677, %dma_wait3A_1678] : memref<128x128xf32, #tpu.memory_space<vmem>> -> memref<16x128xf32, #tpu.memory_space<vmem>>
    %dma_wait3A_1680 = arith.constant 0 : i32
    %dma_wait3A_1681 = arith.constant 0 : i32
    %dma_wait3A_1682 = tpu.memref_slice %arg6[%dma_wait3A_1680, %dma_wait3A_1681] : memref<16896x128xf32, #tpu.memory_space<hbm>> -> memref<16896x128xf32, #tpu.memory_space<hbm>>
    tpu.wait_indirect_dma semaphore(%arg19 : memref<!tpu.dma_semaphore, #tpu.memory_space<semaphore_mem>>) src(%dma_wait3A_1682 : memref<16896x128xf32, #tpu.memory_space<hbm>>) dst(%dma_wait3A_1679 : memref<16x128xf32, #tpu.memory_space<vmem>>)
    %get3A_1683 = arith.constant 768 : index
    %get3A_1684 = tpu.vector_load %arg16[%get3A_1683] {strides = array<i32>} : memref<1040xi32, #tpu.memory_space<vmem>>, vector<16xi32>,
    %dma_start3A_1685 = arith.constant 0 : i32
    %dma_start3A_1686 = arith.constant 0 : i32
    %dma_start3A_1687 = tpu.memref_slice %arg14[%dma_start3A_1685, %dma_start3A_1686] : memref<128x128xf32, #tpu.memory_space<vmem>> -> memref<16x128xf32, #tpu.memory_space<vmem>>
    %dma_start3A_1688 = arith.constant 0 : i32
    %dma_start3A_1689 = arith.constant 0 : i32
    %dma_start3A_1690 = tpu.memref_slice %arg4[%dma_start3A_1688, %dma_start3A_1689] : memref<1000000x128xf32, #tpu.memory_space<hbm>> -> memref<1000000x128xf32, #tpu.memory_space<hbm>>
    tpu.enqueue_indirect_dma source(%dma_start3A_1687 : memref<16x128xf32, #tpu.memory_space<vmem>>) target(%dma_start3A_1690 : memref<1000000x128xf32, #tpu.memory_space<hbm>>) offsets(%get3A_1684 : vector<16xi32>) semaphore(%arg20 : memref<!tpu.dma_semaphore, #tpu.memory_space<semaphore_mem>>)
    %dma_wait3A_1691 = arith.constant 80 : i32
    %dma_wait3A_1692 = arith.constant 0 : i32
    %dma_wait3A_1693 = tpu.memref_slice %arg14[%dma_wait3A_1691, %dma_wait3A_1692] : memref<128x128xf32, #tpu.memory_space<vmem>> -> memref<16x128xf32, #tpu.memory_space<vmem>>
    %dma_wait3A_1694 = arith.constant 0 : i32
    %dma_wait3A_1695 = arith.constant 0 : i32
    %dma_wait3A_1696 = tpu.memref_slice %arg4[%dma_wait3A_1694, %dma_wait3A_1695] : memref<1000000x128xf32, #tpu.memory_space<hbm>> -> memref<1000000x128xf32, #tpu.memory_space<hbm>>
    tpu.wait_indirect_dma semaphore(%arg20 : memref<!tpu.dma_semaphore, #tpu.memory_space<semaphore_mem>>) src(%dma_wait3A_1693 : memref<16x128xf32, #tpu.memory_space<vmem>>) dst(%dma_wait3A_1696 : memref<1000000x128xf32, #tpu.memory_space<hbm>>)
    %get3A_1697 = arith.constant 848 : index
    %get3A_1698 = tpu.vector_load %arg17[%get3A_1697] {strides = array<i32>} : memref<1040xi32, #tpu.memory_space<vmem>>, vector<16xi32>,
    %dma_start3A_1699 = arith.constant 80 : i32
    %dma_start3A_1700 = arith.constant 0 : i32
    %dma_start3A_1701 = tpu.memref_slice %arg14[%dma_start3A_1699, %dma_start3A_1700] : memref<128x128xf32, #tpu.memory_space<vmem>> -> memref<16x128xf32, #tpu.memory_space<vmem>>
    %dma_start3A_1702 = arith.constant 0 : i32
    %dma_start3A_1703 = arith.constant 0 : i32
    %dma_start3A_1704 = tpu.memref_slice %arg6[%dma_start3A_1702, %dma_start3A_1703] : memref<16896x128xf32, #tpu.memory_space<hbm>> -> memref<16896x128xf32, #tpu.memory_space<hbm>>
    tpu.enqueue_indirect_dma source(%dma_start3A_1704 : memref<16896x128xf32, #tpu.memory_space<hbm>>) target(%dma_start3A_1701 : memref<16x128xf32, #tpu.memory_space<vmem>>) offsets(%get3A_1698 : vector<16xi32>) semaphore(%arg19 : memref<!tpu.dma_semaphore, #tpu.memory_space<semaphore_mem>>)
    %dma_wait3A_1705 = arith.constant 16 : i32
    %dma_wait3A_1706 = arith.constant 0 : i32
    %dma_wait3A_1707 = tpu.memref_slice %arg14[%dma_wait3A_1705, %dma_wait3A_1706] : memref<128x128xf32, #tpu.memory_space<vmem>> -> memref<16x128xf32, #tpu.memory_space<vmem>>
    %dma_wait3A_1708 = arith.constant 0 : i32
    %dma_wait3A_1709 = arith.constant 0 : i32
    %dma_wait3A_1710 = tpu.memref_slice %arg6[%dma_wait3A_1708, %dma_wait3A_1709] : memref<16896x128xf32, #tpu.memory_space<hbm>> -> memref<16896x128xf32, #tpu.memory_space<hbm>>
    tpu.wait_indirect_dma semaphore(%arg19 : memref<!tpu.dma_semaphore, #tpu.memory_space<semaphore_mem>>) src(%dma_wait3A_1710 : memref<16896x128xf32, #tpu.memory_space<hbm>>) dst(%dma_wait3A_1707 : memref<16x128xf32, #tpu.memory_space<vmem>>)
    %get3A_1711 = arith.constant 784 : index
    %get3A_1712 = tpu.vector_load %arg16[%get3A_1711] {strides = array<i32>} : memref<1040xi32, #tpu.memory_space<vmem>>, vector<16xi32>,
    %dma_start3A_1713 = arith.constant 16 : i32
    %dma_start3A_1714 = arith.constant 0 : i32
    %dma_start3A_1715 = tpu.memref_slice %arg14[%dma_start3A_1713, %dma_start3A_1714] : memref<128x128xf32, #tpu.memory_space<vmem>> -> memref<16x128xf32, #tpu.memory_space<vmem>>
    %dma_start3A_1716 = arith.constant 0 : i32
    %dma_start3A_1717 = arith.constant 0 : i32
    %dma_start3A_1718 = tpu.memref_slice %arg4[%dma_start3A_1716, %dma_start3A_1717] : memref<1000000x128xf32, #tpu.memory_space<hbm>> -> memref<1000000x128xf32, #tpu.memory_space<hbm>>
    tpu.enqueue_indirect_dma source(%dma_start3A_1715 : memref<16x128xf32, #tpu.memory_space<vmem>>) target(%dma_start3A_1718 : memref<1000000x128xf32, #tpu.memory_space<hbm>>) offsets(%get3A_1712 : vector<16xi32>) semaphore(%arg20 : memref<!tpu.dma_semaphore, #tpu.memory_space<semaphore_mem>>)
    %dma_wait3A_1719 = arith.constant 96 : i32
    %dma_wait3A_1720 = arith.constant 0 : i32
    %dma_wait3A_1721 = tpu.memref_slice %arg14[%dma_wait3A_1719, %dma_wait3A_1720] : memref<128x128xf32, #tpu.memory_space<vmem>> -> memref<16x128xf32, #tpu.memory_space<vmem>>
    %dma_wait3A_1722 = arith.constant 0 : i32
    %dma_wait3A_1723 = arith.constant 0 : i32
    %dma_wait3A_1724 = tpu.memref_slice %arg4[%dma_wait3A_1722, %dma_wait3A_1723] : memref<1000000x128xf32, #tpu.memory_space<hbm>> -> memref<1000000x128xf32, #tpu.memory_space<hbm>>
    tpu.wait_indirect_dma semaphore(%arg20 : memref<!tpu.dma_semaphore, #tpu.memory_space<semaphore_mem>>) src(%dma_wait3A_1721 : memref<16x128xf32, #tpu.memory_space<vmem>>) dst(%dma_wait3A_1724 : memref<1000000x128xf32, #tpu.memory_space<hbm>>)
    %get3A_1725 = arith.constant 864 : index
    %get3A_1726 = tpu.vector_load %arg17[%get3A_1725] {strides = array<i32>} : memref<1040xi32, #tpu.memory_space<vmem>>, vector<16xi32>,
    %dma_start3A_1727 = arith.constant 96 : i32
    %dma_start3A_1728 = arith.constant 0 : i32
    %dma_start3A_1729 = tpu.memref_slice %arg14[%dma_start3A_1727, %dma_start3A_1728] : memref<128x128xf32, #tpu.memory_space<vmem>> -> memref<16x128xf32, #tpu.memory_space<vmem>>
    %dma_start3A_1730 = arith.constant 0 : i32
    %dma_start3A_1731 = arith.constant 0 : i32
    %dma_start3A_1732 = tpu.memref_slice %arg6[%dma_start3A_1730, %dma_start3A_1731] : memref<16896x128xf32, #tpu.memory_space<hbm>> -> memref<16896x128xf32, #tpu.memory_space<hbm>>
    tpu.enqueue_indirect_dma source(%dma_start3A_1732 : memref<16896x128xf32, #tpu.memory_space<hbm>>) target(%dma_start3A_1729 : memref<16x128xf32, #tpu.memory_space<vmem>>) offsets(%get3A_1726 : vector<16xi32>) semaphore(%arg19 : memref<!tpu.dma_semaphore, #tpu.memory_space<semaphore_mem>>)
    %dma_wait3A_1733 = arith.constant 32 : i32
    %dma_wait3A_1734 = arith.constant 0 : i32
    %dma_wait3A_1735 = tpu.memref_slice %arg14[%dma_wait3A_1733, %dma_wait3A_1734] : memref<128x128xf32, #tpu.memory_space<vmem>> -> memref<16x128xf32, #tpu.memory_space<vmem>>
    %dma_wait3A_1736 = arith.constant 0 : i32
    %dma_wait3A_1737 = arith.constant 0 : i32
    %dma_wait3A_1738 = tpu.memref_slice %arg6[%dma_wait3A_1736, %dma_wait3A_1737] : memref<16896x128xf32, #tpu.memory_space<hbm>> -> memref<16896x128xf32, #tpu.memory_space<hbm>>
    tpu.wait_indirect_dma semaphore(%arg19 : memref<!tpu.dma_semaphore, #tpu.memory_space<semaphore_mem>>) src(%dma_wait3A_1738 : memref<16896x128xf32, #tpu.memory_space<hbm>>) dst(%dma_wait3A_1735 : memref<16x128xf32, #tpu.memory_space<vmem>>)
    %get3A_1739 = arith.constant 800 : index
    %get3A_1740 = tpu.vector_load %arg16[%get3A_1739] {strides = array<i32>} : memref<1040xi32, #tpu.memory_space<vmem>>, vector<16xi32>,
    %dma_start3A_1741 = arith.constant 32 : i32
    %dma_start3A_1742 = arith.constant 0 : i32
    %dma_start3A_1743 = tpu.memref_slice %arg14[%dma_start3A_1741, %dma_start3A_1742] : memref<128x128xf32, #tpu.memory_space<vmem>> -> memref<16x128xf32, #tpu.memory_space<vmem>>
    %dma_start3A_1744 = arith.constant 0 : i32
    %dma_start3A_1745 = arith.constant 0 : i32
    %dma_start3A_1746 = tpu.memref_slice %arg4[%dma_start3A_1744, %dma_start3A_1745] : memref<1000000x128xf32, #tpu.memory_space<hbm>> -> memref<1000000x128xf32, #tpu.memory_space<hbm>>
    tpu.enqueue_indirect_dma source(%dma_start3A_1743 : memref<16x128xf32, #tpu.memory_space<vmem>>) target(%dma_start3A_1746 : memref<1000000x128xf32, #tpu.memory_space<hbm>>) offsets(%get3A_1740 : vector<16xi32>) semaphore(%arg20 : memref<!tpu.dma_semaphore, #tpu.memory_space<semaphore_mem>>)
    %dma_wait3A_1747 = arith.constant 112 : i32
    %dma_wait3A_1748 = arith.constant 0 : i32
    %dma_wait3A_1749 = tpu.memref_slice %arg14[%dma_wait3A_1747, %dma_wait3A_1748] : memref<128x128xf32, #tpu.memory_space<vmem>> -> memref<16x128xf32, #tpu.memory_space<vmem>>
    %dma_wait3A_1750 = arith.constant 0 : i32
    %dma_wait3A_1751 = arith.constant 0 : i32
    %dma_wait3A_1752 = tpu.memref_slice %arg4[%dma_wait3A_1750, %dma_wait3A_1751] : memref<1000000x128xf32, #tpu.memory_space<hbm>> -> memref<1000000x128xf32, #tpu.memory_space<hbm>>
    tpu.wait_indirect_dma semaphore(%arg20 : memref<!tpu.dma_semaphore, #tpu.memory_space<semaphore_mem>>) src(%dma_wait3A_1749 : memref<16x128xf32, #tpu.memory_space<vmem>>) dst(%dma_wait3A_1752 : memref<1000000x128xf32, #tpu.memory_space<hbm>>)
    %get3A_1753 = arith.constant 880 : index
    %get3A_1754 = tpu.vector_load %arg17[%get3A_1753] {strides = array<i32>} : memref<1040xi32, #tpu.memory_space<vmem>>, vector<16xi32>,
    %dma_start3A_1755 = arith.constant 112 : i32
    %dma_start3A_1756 = arith.constant 0 : i32
    %dma_start3A_1757 = tpu.memref_slice %arg14[%dma_start3A_1755, %dma_start3A_1756] : memref<128x128xf32, #tpu.memory_space<vmem>> -> memref<16x128xf32, #tpu.memory_space<vmem>>
    %dma_start3A_1758 = arith.constant 0 : i32
    %dma_start3A_1759 = arith.constant 0 : i32
    %dma_start3A_1760 = tpu.memref_slice %arg6[%dma_start3A_1758, %dma_start3A_1759] : memref<16896x128xf32, #tpu.memory_space<hbm>> -> memref<16896x128xf32, #tpu.memory_space<hbm>>
    tpu.enqueue_indirect_dma source(%dma_start3A_1760 : memref<16896x128xf32, #tpu.memory_space<hbm>>) target(%dma_start3A_1757 : memref<16x128xf32, #tpu.memory_space<vmem>>) offsets(%get3A_1754 : vector<16xi32>) semaphore(%arg19 : memref<!tpu.dma_semaphore, #tpu.memory_space<semaphore_mem>>)
    %dma_wait3A_1761 = arith.constant 48 : i32
    %dma_wait3A_1762 = arith.constant 0 : i32
    %dma_wait3A_1763 = tpu.memref_slice %arg14[%dma_wait3A_1761, %dma_wait3A_1762] : memref<128x128xf32, #tpu.memory_space<vmem>> -> memref<16x128xf32, #tpu.memory_space<vmem>>
    %dma_wait3A_1764 = arith.constant 0 : i32
    %dma_wait3A_1765 = arith.constant 0 : i32
    %dma_wait3A_1766 = tpu.memref_slice %arg6[%dma_wait3A_1764, %dma_wait3A_1765] : memref<16896x128xf32, #tpu.memory_space<hbm>> -> memref<16896x128xf32, #tpu.memory_space<hbm>>
    tpu.wait_indirect_dma semaphore(%arg19 : memref<!tpu.dma_semaphore, #tpu.memory_space<semaphore_mem>>) src(%dma_wait3A_1766 : memref<16896x128xf32, #tpu.memory_space<hbm>>) dst(%dma_wait3A_1763 : memref<16x128xf32, #tpu.memory_space<vmem>>)
    %get3A_1767 = arith.constant 816 : index
    %get3A_1768 = tpu.vector_load %arg16[%get3A_1767] {strides = array<i32>} : memref<1040xi32, #tpu.memory_space<vmem>>, vector<16xi32>,
    %dma_start3A_1769 = arith.constant 48 : i32
    %dma_start3A_1770 = arith.constant 0 : i32
    %dma_start3A_1771 = tpu.memref_slice %arg14[%dma_start3A_1769, %dma_start3A_1770] : memref<128x128xf32, #tpu.memory_space<vmem>> -> memref<16x128xf32, #tpu.memory_space<vmem>>
    %dma_start3A_1772 = arith.constant 0 : i32
    %dma_start3A_1773 = arith.constant 0 : i32
    %dma_start3A_1774 = tpu.memref_slice %arg4[%dma_start3A_1772, %dma_start3A_1773] : memref<1000000x128xf32, #tpu.memory_space<hbm>> -> memref<1000000x128xf32, #tpu.memory_space<hbm>>
    tpu.enqueue_indirect_dma source(%dma_start3A_1771 : memref<16x128xf32, #tpu.memory_space<vmem>>) target(%dma_start3A_1774 : memref<1000000x128xf32, #tpu.memory_space<hbm>>) offsets(%get3A_1768 : vector<16xi32>) semaphore(%arg20 : memref<!tpu.dma_semaphore, #tpu.memory_space<semaphore_mem>>)
    %dma_wait3A_1775 = arith.constant 0 : i32
    %dma_wait3A_1776 = arith.constant 0 : i32
    %dma_wait3A_1777 = tpu.memref_slice %arg14[%dma_wait3A_1775, %dma_wait3A_1776] : memref<128x128xf32, #tpu.memory_space<vmem>> -> memref<16x128xf32, #tpu.memory_space<vmem>>
    %dma_wait3A_1778 = arith.constant 0 : i32
    %dma_wait3A_1779 = arith.constant 0 : i32
    %dma_wait3A_1780 = tpu.memref_slice %arg4[%dma_wait3A_1778, %dma_wait3A_1779] : memref<1000000x128xf32, #tpu.memory_space<hbm>> -> memref<1000000x128xf32, #tpu.memory_space<hbm>>
    tpu.wait_indirect_dma semaphore(%arg20 : memref<!tpu.dma_semaphore, #tpu.memory_space<semaphore_mem>>) src(%dma_wait3A_1777 : memref<16x128xf32, #tpu.memory_space<vmem>>) dst(%dma_wait3A_1780 : memref<1000000x128xf32, #tpu.memory_space<hbm>>)
    %get3A_1781 = arith.constant 896 : index
    %get3A_1782 = tpu.vector_load %arg17[%get3A_1781] {strides = array<i32>} : memref<1040xi32, #tpu.memory_space<vmem>>, vector<16xi32>,
    %dma_start3A_1783 = arith.constant 0 : i32
    %dma_start3A_1784 = arith.constant 0 : i32
    %dma_start3A_1785 = tpu.memref_slice %arg14[%dma_start3A_1783, %dma_start3A_1784] : memref<128x128xf32, #tpu.memory_space<vmem>> -> memref<16x128xf32, #tpu.memory_space<vmem>>
    %dma_start3A_1786 = arith.constant 0 : i32
    %dma_start3A_1787 = arith.constant 0 : i32
    %dma_start3A_1788 = tpu.memref_slice %arg6[%dma_start3A_1786, %dma_start3A_1787] : memref<16896x128xf32, #tpu.memory_space<hbm>> -> memref<16896x128xf32, #tpu.memory_space<hbm>>
    tpu.enqueue_indirect_dma source(%dma_start3A_1788 : memref<16896x128xf32, #tpu.memory_space<hbm>>) target(%dma_start3A_1785 : memref<16x128xf32, #tpu.memory_space<vmem>>) offsets(%get3A_1782 : vector<16xi32>) semaphore(%arg19 : memref<!tpu.dma_semaphore, #tpu.memory_space<semaphore_mem>>)
    %dma_wait3A_1789 = arith.constant 64 : i32
    %dma_wait3A_1790 = arith.constant 0 : i32
    %dma_wait3A_1791 = tpu.memref_slice %arg14[%dma_wait3A_1789, %dma_wait3A_1790] : memref<128x128xf32, #tpu.memory_space<vmem>> -> memref<16x128xf32, #tpu.memory_space<vmem>>
    %dma_wait3A_1792 = arith.constant 0 : i32
    %dma_wait3A_1793 = arith.constant 0 : i32
    %dma_wait3A_1794 = tpu.memref_slice %arg6[%dma_wait3A_1792, %dma_wait3A_1793] : memref<16896x128xf32, #tpu.memory_space<hbm>> -> memref<16896x128xf32, #tpu.memory_space<hbm>>
    tpu.wait_indirect_dma semaphore(%arg19 : memref<!tpu.dma_semaphore, #tpu.memory_space<semaphore_mem>>) src(%dma_wait3A_1794 : memref<16896x128xf32, #tpu.memory_space<hbm>>) dst(%dma_wait3A_1791 : memref<16x128xf32, #tpu.memory_space<vmem>>)
    %get3A_1795 = arith.constant 832 : index
    %get3A_1796 = tpu.vector_load %arg16[%get3A_1795] {strides = array<i32>} : memref<1040xi32, #tpu.memory_space<vmem>>, vector<16xi32>,
    %dma_start3A_1797 = arith.constant 64 : i32
    %dma_start3A_1798 = arith.constant 0 : i32
    %dma_start3A_1799 = tpu.memref_slice %arg14[%dma_start3A_1797, %dma_start3A_1798] : memref<128x128xf32, #tpu.memory_space<vmem>> -> memref<16x128xf32, #tpu.memory_space<vmem>>
    %dma_start3A_1800 = arith.constant 0 : i32
    %dma_start3A_1801 = arith.constant 0 : i32
    %dma_start3A_1802 = tpu.memref_slice %arg4[%dma_start3A_1800, %dma_start3A_1801] : memref<1000000x128xf32, #tpu.memory_space<hbm>> -> memref<1000000x128xf32, #tpu.memory_space<hbm>>
    tpu.enqueue_indirect_dma source(%dma_start3A_1799 : memref<16x128xf32, #tpu.memory_space<vmem>>) target(%dma_start3A_1802 : memref<1000000x128xf32, #tpu.memory_space<hbm>>) offsets(%get3A_1796 : vector<16xi32>) semaphore(%arg20 : memref<!tpu.dma_semaphore, #tpu.memory_space<semaphore_mem>>)
    %dma_wait3A_1803 = arith.constant 16 : i32
    %dma_wait3A_1804 = arith.constant 0 : i32
    %dma_wait3A_1805 = tpu.memref_slice %arg14[%dma_wait3A_1803, %dma_wait3A_1804] : memref<128x128xf32, #tpu.memory_space<vmem>> -> memref<16x128xf32, #tpu.memory_space<vmem>>
    %dma_wait3A_1806 = arith.constant 0 : i32
    %dma_wait3A_1807 = arith.constant 0 : i32
    %dma_wait3A_1808 = tpu.memref_slice %arg4[%dma_wait3A_1806, %dma_wait3A_1807] : memref<1000000x128xf32, #tpu.memory_space<hbm>> -> memref<1000000x128xf32, #tpu.memory_space<hbm>>
    tpu.wait_indirect_dma semaphore(%arg20 : memref<!tpu.dma_semaphore, #tpu.memory_space<semaphore_mem>>) src(%dma_wait3A_1805 : memref<16x128xf32, #tpu.memory_space<vmem>>) dst(%dma_wait3A_1808 : memref<1000000x128xf32, #tpu.memory_space<hbm>>)
    %get3A_1809 = arith.constant 912 : index
    %get3A_1810 = tpu.vector_load %arg17[%get3A_1809] {strides = array<i32>} : memref<1040xi32, #tpu.memory_space<vmem>>, vector<16xi32>,
    %dma_start3A_1811 = arith.constant 16 : i32
    %dma_start3A_1812 = arith.constant 0 : i32
    %dma_start3A_1813 = tpu.memref_slice %arg14[%dma_start3A_1811, %dma_start3A_1812] : memref<128x128xf32, #tpu.memory_space<vmem>> -> memref<16x128xf32, #tpu.memory_space<vmem>>
    %dma_start3A_1814 = arith.constant 0 : i32
    %dma_start3A_1815 = arith.constant 0 : i32
    %dma_start3A_1816 = tpu.memref_slice %arg6[%dma_start3A_1814, %dma_start3A_1815] : memref<16896x128xf32, #tpu.memory_space<hbm>> -> memref<16896x128xf32, #tpu.memory_space<hbm>>
    tpu.enqueue_indirect_dma source(%dma_start3A_1816 : memref<16896x128xf32, #tpu.memory_space<hbm>>) target(%dma_start3A_1813 : memref<16x128xf32, #tpu.memory_space<vmem>>) offsets(%get3A_1810 : vector<16xi32>) semaphore(%arg19 : memref<!tpu.dma_semaphore, #tpu.memory_space<semaphore_mem>>)
    %dma_wait3A_1817 = arith.constant 80 : i32
    %dma_wait3A_1818 = arith.constant 0 : i32
    %dma_wait3A_1819 = tpu.memref_slice %arg14[%dma_wait3A_1817, %dma_wait3A_1818] : memref<128x128xf32, #tpu.memory_space<vmem>> -> memref<16x128xf32, #tpu.memory_space<vmem>>
    %dma_wait3A_1820 = arith.constant 0 : i32
    %dma_wait3A_1821 = arith.constant 0 : i32
    %dma_wait3A_1822 = tpu.memref_slice %arg6[%dma_wait3A_1820, %dma_wait3A_1821] : memref<16896x128xf32, #tpu.memory_space<hbm>> -> memref<16896x128xf32, #tpu.memory_space<hbm>>
    tpu.wait_indirect_dma semaphore(%arg19 : memref<!tpu.dma_semaphore, #tpu.memory_space<semaphore_mem>>) src(%dma_wait3A_1822 : memref<16896x128xf32, #tpu.memory_space<hbm>>) dst(%dma_wait3A_1819 : memref<16x128xf32, #tpu.memory_space<vmem>>)
    %get3A_1823 = arith.constant 848 : index
    %get3A_1824 = tpu.vector_load %arg16[%get3A_1823] {strides = array<i32>} : memref<1040xi32, #tpu.memory_space<vmem>>, vector<16xi32>,
    %dma_start3A_1825 = arith.constant 80 : i32
    %dma_start3A_1826 = arith.constant 0 : i32
    %dma_start3A_1827 = tpu.memref_slice %arg14[%dma_start3A_1825, %dma_start3A_1826] : memref<128x128xf32, #tpu.memory_space<vmem>> -> memref<16x128xf32, #tpu.memory_space<vmem>>
    %dma_start3A_1828 = arith.constant 0 : i32
    %dma_start3A_1829 = arith.constant 0 : i32
    %dma_start3A_1830 = tpu.memref_slice %arg4[%dma_start3A_1828, %dma_start3A_1829] : memref<1000000x128xf32, #tpu.memory_space<hbm>> -> memref<1000000x128xf32, #tpu.memory_space<hbm>>
    tpu.enqueue_indirect_dma source(%dma_start3A_1827 : memref<16x128xf32, #tpu.memory_space<vmem>>) target(%dma_start3A_1830 : memref<1000000x128xf32, #tpu.memory_space<hbm>>) offsets(%get3A_1824 : vector<16xi32>) semaphore(%arg20 : memref<!tpu.dma_semaphore, #tpu.memory_space<semaphore_mem>>)
    %dma_wait3A_1831 = arith.constant 32 : i32
    %dma_wait3A_1832 = arith.constant 0 : i32
    %dma_wait3A_1833 = tpu.memref_slice %arg14[%dma_wait3A_1831, %dma_wait3A_1832] : memref<128x128xf32, #tpu.memory_space<vmem>> -> memref<16x128xf32, #tpu.memory_space<vmem>>
    %dma_wait3A_1834 = arith.constant 0 : i32
    %dma_wait3A_1835 = arith.constant 0 : i32
    %dma_wait3A_1836 = tpu.memref_slice %arg4[%dma_wait3A_1834, %dma_wait3A_1835] : memref<1000000x128xf32, #tpu.memory_space<hbm>> -> memref<1000000x128xf32, #tpu.memory_space<hbm>>
    tpu.wait_indirect_dma semaphore(%arg20 : memref<!tpu.dma_semaphore, #tpu.memory_space<semaphore_mem>>) src(%dma_wait3A_1833 : memref<16x128xf32, #tpu.memory_space<vmem>>) dst(%dma_wait3A_1836 : memref<1000000x128xf32, #tpu.memory_space<hbm>>)
    %get3A_1837 = arith.constant 928 : index
    %get3A_1838 = tpu.vector_load %arg17[%get3A_1837] {strides = array<i32>} : memref<1040xi32, #tpu.memory_space<vmem>>, vector<16xi32>,
    %dma_start3A_1839 = arith.constant 32 : i32
    %dma_start3A_1840 = arith.constant 0 : i32
    %dma_start3A_1841 = tpu.memref_slice %arg14[%dma_start3A_1839, %dma_start3A_1840] : memref<128x128xf32, #tpu.memory_space<vmem>> -> memref<16x128xf32, #tpu.memory_space<vmem>>
    %dma_start3A_1842 = arith.constant 0 : i32
    %dma_start3A_1843 = arith.constant 0 : i32
    %dma_start3A_1844 = tpu.memref_slice %arg6[%dma_start3A_1842, %dma_start3A_1843] : memref<16896x128xf32, #tpu.memory_space<hbm>> -> memref<16896x128xf32, #tpu.memory_space<hbm>>
    tpu.enqueue_indirect_dma source(%dma_start3A_1844 : memref<16896x128xf32, #tpu.memory_space<hbm>>) target(%dma_start3A_1841 : memref<16x128xf32, #tpu.memory_space<vmem>>) offsets(%get3A_1838 : vector<16xi32>) semaphore(%arg19 : memref<!tpu.dma_semaphore, #tpu.memory_space<semaphore_mem>>)
    %dma_wait3A_1845 = arith.constant 96 : i32
    %dma_wait3A_1846 = arith.constant 0 : i32
    %dma_wait3A_1847 = tpu.memref_slice %arg14[%dma_wait3A_1845, %dma_wait3A_1846] : memref<128x128xf32, #tpu.memory_space<vmem>> -> memref<16x128xf32, #tpu.memory_space<vmem>>
    %dma_wait3A_1848 = arith.constant 0 : i32
    %dma_wait3A_1849 = arith.constant 0 : i32
    %dma_wait3A_1850 = tpu.memref_slice %arg6[%dma_wait3A_1848, %dma_wait3A_1849] : memref<16896x128xf32, #tpu.memory_space<hbm>> -> memref<16896x128xf32, #tpu.memory_space<hbm>>
    tpu.wait_indirect_dma semaphore(%arg19 : memref<!tpu.dma_semaphore, #tpu.memory_space<semaphore_mem>>) src(%dma_wait3A_1850 : memref<16896x128xf32, #tpu.memory_space<hbm>>) dst(%dma_wait3A_1847 : memref<16x128xf32, #tpu.memory_space<vmem>>)
    %get3A_1851 = arith.constant 864 : index
    %get3A_1852 = tpu.vector_load %arg16[%get3A_1851] {strides = array<i32>} : memref<1040xi32, #tpu.memory_space<vmem>>, vector<16xi32>,
    %dma_start3A_1853 = arith.constant 96 : i32
    %dma_start3A_1854 = arith.constant 0 : i32
    %dma_start3A_1855 = tpu.memref_slice %arg14[%dma_start3A_1853, %dma_start3A_1854] : memref<128x128xf32, #tpu.memory_space<vmem>> -> memref<16x128xf32, #tpu.memory_space<vmem>>
    %dma_start3A_1856 = arith.constant 0 : i32
    %dma_start3A_1857 = arith.constant 0 : i32
    %dma_start3A_1858 = tpu.memref_slice %arg4[%dma_start3A_1856, %dma_start3A_1857] : memref<1000000x128xf32, #tpu.memory_space<hbm>> -> memref<1000000x128xf32, #tpu.memory_space<hbm>>
    tpu.enqueue_indirect_dma source(%dma_start3A_1855 : memref<16x128xf32, #tpu.memory_space<vmem>>) target(%dma_start3A_1858 : memref<1000000x128xf32, #tpu.memory_space<hbm>>) offsets(%get3A_1852 : vector<16xi32>) semaphore(%arg20 : memref<!tpu.dma_semaphore, #tpu.memory_space<semaphore_mem>>)
    %dma_wait3A_1859 = arith.constant 48 : i32
    %dma_wait3A_1860 = arith.constant 0 : i32
    %dma_wait3A_1861 = tpu.memref_slice %arg14[%dma_wait3A_1859, %dma_wait3A_1860] : memref<128x128xf32, #tpu.memory_space<vmem>> -> memref<16x128xf32, #tpu.memory_space<vmem>>
    %dma_wait3A_1862 = arith.constant 0 : i32
    %dma_wait3A_1863 = arith.constant 0 : i32
    %dma_wait3A_1864 = tpu.memref_slice %arg4[%dma_wait3A_1862, %dma_wait3A_1863] : memref<1000000x128xf32, #tpu.memory_space<hbm>> -> memref<1000000x128xf32, #tpu.memory_space<hbm>>
    tpu.wait_indirect_dma semaphore(%arg20 : memref<!tpu.dma_semaphore, #tpu.memory_space<semaphore_mem>>) src(%dma_wait3A_1861 : memref<16x128xf32, #tpu.memory_space<vmem>>) dst(%dma_wait3A_1864 : memref<1000000x128xf32, #tpu.memory_space<hbm>>)
    %get3A_1865 = arith.constant 944 : index
    %get3A_1866 = tpu.vector_load %arg17[%get3A_1865] {strides = array<i32>} : memref<1040xi32, #tpu.memory_space<vmem>>, vector<16xi32>,
    %dma_start3A_1867 = arith.constant 48 : i32
    %dma_start3A_1868 = arith.constant 0 : i32
    %dma_start3A_1869 = tpu.memref_slice %arg14[%dma_start3A_1867, %dma_start3A_1868] : memref<128x128xf32, #tpu.memory_space<vmem>> -> memref<16x128xf32, #tpu.memory_space<vmem>>
    %dma_start3A_1870 = arith.constant 0 : i32
    %dma_start3A_1871 = arith.constant 0 : i32
    %dma_start3A_1872 = tpu.memref_slice %arg6[%dma_start3A_1870, %dma_start3A_1871] : memref<16896x128xf32, #tpu.memory_space<hbm>> -> memref<16896x128xf32, #tpu.memory_space<hbm>>
    tpu.enqueue_indirect_dma source(%dma_start3A_1872 : memref<16896x128xf32, #tpu.memory_space<hbm>>) target(%dma_start3A_1869 : memref<16x128xf32, #tpu.memory_space<vmem>>) offsets(%get3A_1866 : vector<16xi32>) semaphore(%arg19 : memref<!tpu.dma_semaphore, #tpu.memory_space<semaphore_mem>>)
    %dma_wait3A_1873 = arith.constant 112 : i32
    %dma_wait3A_1874 = arith.constant 0 : i32
    %dma_wait3A_1875 = tpu.memref_slice %arg14[%dma_wait3A_1873, %dma_wait3A_1874] : memref<128x128xf32, #tpu.memory_space<vmem>> -> memref<16x128xf32, #tpu.memory_space<vmem>>
    %dma_wait3A_1876 = arith.constant 0 : i32
    %dma_wait3A_1877 = arith.constant 0 : i32
    %dma_wait3A_1878 = tpu.memref_slice %arg6[%dma_wait3A_1876, %dma_wait3A_1877] : memref<16896x128xf32, #tpu.memory_space<hbm>> -> memref<16896x128xf32, #tpu.memory_space<hbm>>
    tpu.wait_indirect_dma semaphore(%arg19 : memref<!tpu.dma_semaphore, #tpu.memory_space<semaphore_mem>>) src(%dma_wait3A_1878 : memref<16896x128xf32, #tpu.memory_space<hbm>>) dst(%dma_wait3A_1875 : memref<16x128xf32, #tpu.memory_space<vmem>>)
    %get3A_1879 = arith.constant 880 : index
    %get3A_1880 = tpu.vector_load %arg16[%get3A_1879] {strides = array<i32>} : memref<1040xi32, #tpu.memory_space<vmem>>, vector<16xi32>,
    %dma_start3A_1881 = arith.constant 112 : i32
    %dma_start3A_1882 = arith.constant 0 : i32
    %dma_start3A_1883 = tpu.memref_slice %arg14[%dma_start3A_1881, %dma_start3A_1882] : memref<128x128xf32, #tpu.memory_space<vmem>> -> memref<16x128xf32, #tpu.memory_space<vmem>>
    %dma_start3A_1884 = arith.constant 0 : i32
    %dma_start3A_1885 = arith.constant 0 : i32
    %dma_start3A_1886 = tpu.memref_slice %arg4[%dma_start3A_1884, %dma_start3A_1885] : memref<1000000x128xf32, #tpu.memory_space<hbm>> -> memref<1000000x128xf32, #tpu.memory_space<hbm>>
    tpu.enqueue_indirect_dma source(%dma_start3A_1883 : memref<16x128xf32, #tpu.memory_space<vmem>>) target(%dma_start3A_1886 : memref<1000000x128xf32, #tpu.memory_space<hbm>>) offsets(%get3A_1880 : vector<16xi32>) semaphore(%arg20 : memref<!tpu.dma_semaphore, #tpu.memory_space<semaphore_mem>>)
    %dma_wait3A_1887 = arith.constant 64 : i32
    %dma_wait3A_1888 = arith.constant 0 : i32
    %dma_wait3A_1889 = tpu.memref_slice %arg14[%dma_wait3A_1887, %dma_wait3A_1888] : memref<128x128xf32, #tpu.memory_space<vmem>> -> memref<16x128xf32, #tpu.memory_space<vmem>>
    %dma_wait3A_1890 = arith.constant 0 : i32
    %dma_wait3A_1891 = arith.constant 0 : i32
    %dma_wait3A_1892 = tpu.memref_slice %arg4[%dma_wait3A_1890, %dma_wait3A_1891] : memref<1000000x128xf32, #tpu.memory_space<hbm>> -> memref<1000000x128xf32, #tpu.memory_space<hbm>>
    tpu.wait_indirect_dma semaphore(%arg20 : memref<!tpu.dma_semaphore, #tpu.memory_space<semaphore_mem>>) src(%dma_wait3A_1889 : memref<16x128xf32, #tpu.memory_space<vmem>>) dst(%dma_wait3A_1892 : memref<1000000x128xf32, #tpu.memory_space<hbm>>)
    %get3A_1893 = arith.constant 960 : index
    %get3A_1894 = tpu.vector_load %arg17[%get3A_1893] {strides = array<i32>} : memref<1040xi32, #tpu.memory_space<vmem>>, vector<16xi32>,
    %dma_start3A_1895 = arith.constant 64 : i32
    %dma_start3A_1896 = arith.constant 0 : i32
    %dma_start3A_1897 = tpu.memref_slice %arg14[%dma_start3A_1895, %dma_start3A_1896] : memref<128x128xf32, #tpu.memory_space<vmem>> -> memref<16x128xf32, #tpu.memory_space<vmem>>
    %dma_start3A_1898 = arith.constant 0 : i32
    %dma_start3A_1899 = arith.constant 0 : i32
    %dma_start3A_1900 = tpu.memref_slice %arg6[%dma_start3A_1898, %dma_start3A_1899] : memref<16896x128xf32, #tpu.memory_space<hbm>> -> memref<16896x128xf32, #tpu.memory_space<hbm>>
    tpu.enqueue_indirect_dma source(%dma_start3A_1900 : memref<16896x128xf32, #tpu.memory_space<hbm>>) target(%dma_start3A_1897 : memref<16x128xf32, #tpu.memory_space<vmem>>) offsets(%get3A_1894 : vector<16xi32>) semaphore(%arg19 : memref<!tpu.dma_semaphore, #tpu.memory_space<semaphore_mem>>)
    %dma_wait3A_1901 = arith.constant 0 : i32
    %dma_wait3A_1902 = arith.constant 0 : i32
    %dma_wait3A_1903 = tpu.memref_slice %arg14[%dma_wait3A_1901, %dma_wait3A_1902] : memref<128x128xf32, #tpu.memory_space<vmem>> -> memref<16x128xf32, #tpu.memory_space<vmem>>
    %dma_wait3A_1904 = arith.constant 0 : i32
    %dma_wait3A_1905 = arith.constant 0 : i32
    %dma_wait3A_1906 = tpu.memref_slice %arg6[%dma_wait3A_1904, %dma_wait3A_1905] : memref<16896x128xf32, #tpu.memory_space<hbm>> -> memref<16896x128xf32, #tpu.memory_space<hbm>>
    tpu.wait_indirect_dma semaphore(%arg19 : memref<!tpu.dma_semaphore, #tpu.memory_space<semaphore_mem>>) src(%dma_wait3A_1906 : memref<16896x128xf32, #tpu.memory_space<hbm>>) dst(%dma_wait3A_1903 : memref<16x128xf32, #tpu.memory_space<vmem>>)
    %get3A_1907 = arith.constant 896 : index
    %get3A_1908 = tpu.vector_load %arg16[%get3A_1907] {strides = array<i32>} : memref<1040xi32, #tpu.memory_space<vmem>>, vector<16xi32>,
    %dma_start3A_1909 = arith.constant 0 : i32
    %dma_start3A_1910 = arith.constant 0 : i32
    %dma_start3A_1911 = tpu.memref_slice %arg14[%dma_start3A_1909, %dma_start3A_1910] : memref<128x128xf32, #tpu.memory_space<vmem>> -> memref<16x128xf32, #tpu.memory_space<vmem>>
    %dma_start3A_1912 = arith.constant 0 : i32
    %dma_start3A_1913 = arith.constant 0 : i32
    %dma_start3A_1914 = tpu.memref_slice %arg4[%dma_start3A_1912, %dma_start3A_1913] : memref<1000000x128xf32, #tpu.memory_space<hbm>> -> memref<1000000x128xf32, #tpu.memory_space<hbm>>
    tpu.enqueue_indirect_dma source(%dma_start3A_1911 : memref<16x128xf32, #tpu.memory_space<vmem>>) target(%dma_start3A_1914 : memref<1000000x128xf32, #tpu.memory_space<hbm>>) offsets(%get3A_1908 : vector<16xi32>) semaphore(%arg20 : memref<!tpu.dma_semaphore, #tpu.memory_space<semaphore_mem>>)
    %dma_wait3A_1915 = arith.constant 80 : i32
    %dma_wait3A_1916 = arith.constant 0 : i32
    %dma_wait3A_1917 = tpu.memref_slice %arg14[%dma_wait3A_1915, %dma_wait3A_1916] : memref<128x128xf32, #tpu.memory_space<vmem>> -> memref<16x128xf32, #tpu.memory_space<vmem>>
    %dma_wait3A_1918 = arith.constant 0 : i32
    %dma_wait3A_1919 = arith.constant 0 : i32
    %dma_wait3A_1920 = tpu.memref_slice %arg4[%dma_wait3A_1918, %dma_wait3A_1919] : memref<1000000x128xf32, #tpu.memory_space<hbm>> -> memref<1000000x128xf32, #tpu.memory_space<hbm>>
    tpu.wait_indirect_dma semaphore(%arg20 : memref<!tpu.dma_semaphore, #tpu.memory_space<semaphore_mem>>) src(%dma_wait3A_1917 : memref<16x128xf32, #tpu.memory_space<vmem>>) dst(%dma_wait3A_1920 : memref<1000000x128xf32, #tpu.memory_space<hbm>>)
    %get3A_1921 = arith.constant 976 : index
    %get3A_1922 = tpu.vector_load %arg17[%get3A_1921] {strides = array<i32>} : memref<1040xi32, #tpu.memory_space<vmem>>, vector<16xi32>,
    %dma_start3A_1923 = arith.constant 80 : i32
    %dma_start3A_1924 = arith.constant 0 : i32
    %dma_start3A_1925 = tpu.memref_slice %arg14[%dma_start3A_1923, %dma_start3A_1924] : memref<128x128xf32, #tpu.memory_space<vmem>> -> memref<16x128xf32, #tpu.memory_space<vmem>>
    %dma_start3A_1926 = arith.constant 0 : i32
    %dma_start3A_1927 = arith.constant 0 : i32
    %dma_start3A_1928 = tpu.memref_slice %arg6[%dma_start3A_1926, %dma_start3A_1927] : memref<16896x128xf32, #tpu.memory_space<hbm>> -> memref<16896x128xf32, #tpu.memory_space<hbm>>
    tpu.enqueue_indirect_dma source(%dma_start3A_1928 : memref<16896x128xf32, #tpu.memory_space<hbm>>) target(%dma_start3A_1925 : memref<16x128xf32, #tpu.memory_space<vmem>>) offsets(%get3A_1922 : vector<16xi32>) semaphore(%arg19 : memref<!tpu.dma_semaphore, #tpu.memory_space<semaphore_mem>>)
    %dma_wait3A_1929 = arith.constant 16 : i32
    %dma_wait3A_1930 = arith.constant 0 : i32
    %dma_wait3A_1931 = tpu.memref_slice %arg14[%dma_wait3A_1929, %dma_wait3A_1930] : memref<128x128xf32, #tpu.memory_space<vmem>> -> memref<16x128xf32, #tpu.memory_space<vmem>>
    %dma_wait3A_1932 = arith.constant 0 : i32
    %dma_wait3A_1933 = arith.constant 0 : i32
    %dma_wait3A_1934 = tpu.memref_slice %arg6[%dma_wait3A_1932, %dma_wait3A_1933] : memref<16896x128xf32, #tpu.memory_space<hbm>> -> memref<16896x128xf32, #tpu.memory_space<hbm>>
    tpu.wait_indirect_dma semaphore(%arg19 : memref<!tpu.dma_semaphore, #tpu.memory_space<semaphore_mem>>) src(%dma_wait3A_1934 : memref<16896x128xf32, #tpu.memory_space<hbm>>) dst(%dma_wait3A_1931 : memref<16x128xf32, #tpu.memory_space<vmem>>)
    %get3A_1935 = arith.constant 912 : index
    %get3A_1936 = tpu.vector_load %arg16[%get3A_1935] {strides = array<i32>} : memref<1040xi32, #tpu.memory_space<vmem>>, vector<16xi32>,
    %dma_start3A_1937 = arith.constant 16 : i32
    %dma_start3A_1938 = arith.constant 0 : i32
    %dma_start3A_1939 = tpu.memref_slice %arg14[%dma_start3A_1937, %dma_start3A_1938] : memref<128x128xf32, #tpu.memory_space<vmem>> -> memref<16x128xf32, #tpu.memory_space<vmem>>
    %dma_start3A_1940 = arith.constant 0 : i32
    %dma_start3A_1941 = arith.constant 0 : i32
    %dma_start3A_1942 = tpu.memref_slice %arg4[%dma_start3A_1940, %dma_start3A_1941] : memref<1000000x128xf32, #tpu.memory_space<hbm>> -> memref<1000000x128xf32, #tpu.memory_space<hbm>>
    tpu.enqueue_indirect_dma source(%dma_start3A_1939 : memref<16x128xf32, #tpu.memory_space<vmem>>) target(%dma_start3A_1942 : memref<1000000x128xf32, #tpu.memory_space<hbm>>) offsets(%get3A_1936 : vector<16xi32>) semaphore(%arg20 : memref<!tpu.dma_semaphore, #tpu.memory_space<semaphore_mem>>)
    %dma_wait3A_1943 = arith.constant 96 : i32
    %dma_wait3A_1944 = arith.constant 0 : i32
    %dma_wait3A_1945 = tpu.memref_slice %arg14[%dma_wait3A_1943, %dma_wait3A_1944] : memref<128x128xf32, #tpu.memory_space<vmem>> -> memref<16x128xf32, #tpu.memory_space<vmem>>
    %dma_wait3A_1946 = arith.constant 0 : i32
    %dma_wait3A_1947 = arith.constant 0 : i32
    %dma_wait3A_1948 = tpu.memref_slice %arg4[%dma_wait3A_1946, %dma_wait3A_1947] : memref<1000000x128xf32, #tpu.memory_space<hbm>> -> memref<1000000x128xf32, #tpu.memory_space<hbm>>
    tpu.wait_indirect_dma semaphore(%arg20 : memref<!tpu.dma_semaphore, #tpu.memory_space<semaphore_mem>>) src(%dma_wait3A_1945 : memref<16x128xf32, #tpu.memory_space<vmem>>) dst(%dma_wait3A_1948 : memref<1000000x128xf32, #tpu.memory_space<hbm>>)
    %get3A_1949 = arith.constant 992 : index
    %get3A_1950 = tpu.vector_load %arg17[%get3A_1949] {strides = array<i32>} : memref<1040xi32, #tpu.memory_space<vmem>>, vector<16xi32>,
    %dma_start3A_1951 = arith.constant 96 : i32
    %dma_start3A_1952 = arith.constant 0 : i32
    %dma_start3A_1953 = tpu.memref_slice %arg14[%dma_start3A_1951, %dma_start3A_1952] : memref<128x128xf32, #tpu.memory_space<vmem>> -> memref<16x128xf32, #tpu.memory_space<vmem>>
    %dma_start3A_1954 = arith.constant 0 : i32
    %dma_start3A_1955 = arith.constant 0 : i32
    %dma_start3A_1956 = tpu.memref_slice %arg6[%dma_start3A_1954, %dma_start3A_1955] : memref<16896x128xf32, #tpu.memory_space<hbm>> -> memref<16896x128xf32, #tpu.memory_space<hbm>>
    tpu.enqueue_indirect_dma source(%dma_start3A_1956 : memref<16896x128xf32, #tpu.memory_space<hbm>>) target(%dma_start3A_1953 : memref<16x128xf32, #tpu.memory_space<vmem>>) offsets(%get3A_1950 : vector<16xi32>) semaphore(%arg19 : memref<!tpu.dma_semaphore, #tpu.memory_space<semaphore_mem>>)
    %dma_wait3A_1957 = arith.constant 32 : i32
    %dma_wait3A_1958 = arith.constant 0 : i32
    %dma_wait3A_1959 = tpu.memref_slice %arg14[%dma_wait3A_1957, %dma_wait3A_1958] : memref<128x128xf32, #tpu.memory_space<vmem>> -> memref<16x128xf32, #tpu.memory_space<vmem>>
    %dma_wait3A_1960 = arith.constant 0 : i32
    %dma_wait3A_1961 = arith.constant 0 : i32
    %dma_wait3A_1962 = tpu.memref_slice %arg6[%dma_wait3A_1960, %dma_wait3A_1961] : memref<16896x128xf32, #tpu.memory_space<hbm>> -> memref<16896x128xf32, #tpu.memory_space<hbm>>
    tpu.wait_indirect_dma semaphore(%arg19 : memref<!tpu.dma_semaphore, #tpu.memory_space<semaphore_mem>>) src(%dma_wait3A_1962 : memref<16896x128xf32, #tpu.memory_space<hbm>>) dst(%dma_wait3A_1959 : memref<16x128xf32, #tpu.memory_space<vmem>>)
    %get3A_1963 = arith.constant 928 : index
    %get3A_1964 = tpu.vector_load %arg16[%get3A_1963] {strides = array<i32>} : memref<1040xi32, #tpu.memory_space<vmem>>, vector<16xi32>,
    %dma_start3A_1965 = arith.constant 32 : i32
    %dma_start3A_1966 = arith.constant 0 : i32
    %dma_start3A_1967 = tpu.memref_slice %arg14[%dma_start3A_1965, %dma_start3A_1966] : memref<128x128xf32, #tpu.memory_space<vmem>> -> memref<16x128xf32, #tpu.memory_space<vmem>>
    %dma_start3A_1968 = arith.constant 0 : i32
    %dma_start3A_1969 = arith.constant 0 : i32
    %dma_start3A_1970 = tpu.memref_slice %arg4[%dma_start3A_1968, %dma_start3A_1969] : memref<1000000x128xf32, #tpu.memory_space<hbm>> -> memref<1000000x128xf32, #tpu.memory_space<hbm>>
    tpu.enqueue_indirect_dma source(%dma_start3A_1967 : memref<16x128xf32, #tpu.memory_space<vmem>>) target(%dma_start3A_1970 : memref<1000000x128xf32, #tpu.memory_space<hbm>>) offsets(%get3A_1964 : vector<16xi32>) semaphore(%arg20 : memref<!tpu.dma_semaphore, #tpu.memory_space<semaphore_mem>>)
    %dma_wait3A_1971 = arith.constant 112 : i32
    %dma_wait3A_1972 = arith.constant 0 : i32
    %dma_wait3A_1973 = tpu.memref_slice %arg14[%dma_wait3A_1971, %dma_wait3A_1972] : memref<128x128xf32, #tpu.memory_space<vmem>> -> memref<16x128xf32, #tpu.memory_space<vmem>>
    %dma_wait3A_1974 = arith.constant 0 : i32
    %dma_wait3A_1975 = arith.constant 0 : i32
    %dma_wait3A_1976 = tpu.memref_slice %arg4[%dma_wait3A_1974, %dma_wait3A_1975] : memref<1000000x128xf32, #tpu.memory_space<hbm>> -> memref<1000000x128xf32, #tpu.memory_space<hbm>>
    tpu.wait_indirect_dma semaphore(%arg20 : memref<!tpu.dma_semaphore, #tpu.memory_space<semaphore_mem>>) src(%dma_wait3A_1973 : memref<16x128xf32, #tpu.memory_space<vmem>>) dst(%dma_wait3A_1976 : memref<1000000x128xf32, #tpu.memory_space<hbm>>)
    %get3A_1977 = arith.constant 1008 : index
    %get3A_1978 = tpu.vector_load %arg17[%get3A_1977] {strides = array<i32>} : memref<1040xi32, #tpu.memory_space<vmem>>, vector<16xi32>,
    %dma_start3A_1979 = arith.constant 112 : i32
    %dma_start3A_1980 = arith.constant 0 : i32
    %dma_start3A_1981 = tpu.memref_slice %arg14[%dma_start3A_1979, %dma_start3A_1980] : memref<128x128xf32, #tpu.memory_space<vmem>> -> memref<16x128xf32, #tpu.memory_space<vmem>>
    %dma_start3A_1982 = arith.constant 0 : i32
    %dma_start3A_1983 = arith.constant 0 : i32
    %dma_start3A_1984 = tpu.memref_slice %arg6[%dma_start3A_1982, %dma_start3A_1983] : memref<16896x128xf32, #tpu.memory_space<hbm>> -> memref<16896x128xf32, #tpu.memory_space<hbm>>
    tpu.enqueue_indirect_dma source(%dma_start3A_1984 : memref<16896x128xf32, #tpu.memory_space<hbm>>) target(%dma_start3A_1981 : memref<16x128xf32, #tpu.memory_space<vmem>>) offsets(%get3A_1978 : vector<16xi32>) semaphore(%arg19 : memref<!tpu.dma_semaphore, #tpu.memory_space<semaphore_mem>>)
    %dma_wait3A_1985 = arith.constant 48 : i32
    %dma_wait3A_1986 = arith.constant 0 : i32
    %dma_wait3A_1987 = tpu.memref_slice %arg14[%dma_wait3A_1985, %dma_wait3A_1986] : memref<128x128xf32, #tpu.memory_space<vmem>> -> memref<16x128xf32, #tpu.memory_space<vmem>>
    %dma_wait3A_1988 = arith.constant 0 : i32
    %dma_wait3A_1989 = arith.constant 0 : i32
    %dma_wait3A_1990 = tpu.memref_slice %arg6[%dma_wait3A_1988, %dma_wait3A_1989] : memref<16896x128xf32, #tpu.memory_space<hbm>> -> memref<16896x128xf32, #tpu.memory_space<hbm>>
    tpu.wait_indirect_dma semaphore(%arg19 : memref<!tpu.dma_semaphore, #tpu.memory_space<semaphore_mem>>) src(%dma_wait3A_1990 : memref<16896x128xf32, #tpu.memory_space<hbm>>) dst(%dma_wait3A_1987 : memref<16x128xf32, #tpu.memory_space<vmem>>)
    %get3A_1991 = arith.constant 944 : index
    %get3A_1992 = tpu.vector_load %arg16[%get3A_1991] {strides = array<i32>} : memref<1040xi32, #tpu.memory_space<vmem>>, vector<16xi32>,
    %dma_start3A_1993 = arith.constant 48 : i32
    %dma_start3A_1994 = arith.constant 0 : i32
    %dma_start3A_1995 = tpu.memref_slice %arg14[%dma_start3A_1993, %dma_start3A_1994] : memref<128x128xf32, #tpu.memory_space<vmem>> -> memref<16x128xf32, #tpu.memory_space<vmem>>
    %dma_start3A_1996 = arith.constant 0 : i32
    %dma_start3A_1997 = arith.constant 0 : i32
    %dma_start3A_1998 = tpu.memref_slice %arg4[%dma_start3A_1996, %dma_start3A_1997] : memref<1000000x128xf32, #tpu.memory_space<hbm>> -> memref<1000000x128xf32, #tpu.memory_space<hbm>>
    tpu.enqueue_indirect_dma source(%dma_start3A_1995 : memref<16x128xf32, #tpu.memory_space<vmem>>) target(%dma_start3A_1998 : memref<1000000x128xf32, #tpu.memory_space<hbm>>) offsets(%get3A_1992 : vector<16xi32>) semaphore(%arg20 : memref<!tpu.dma_semaphore, #tpu.memory_space<semaphore_mem>>)
    %dma_wait3A_1999 = arith.constant 64 : i32
    %dma_wait3A_2000 = arith.constant 0 : i32
    %dma_wait3A_2001 = tpu.memref_slice %arg14[%dma_wait3A_1999, %dma_wait3A_2000] : memref<128x128xf32, #tpu.memory_space<vmem>> -> memref<16x128xf32, #tpu.memory_space<vmem>>
    %dma_wait3A_2002 = arith.constant 0 : i32
    %dma_wait3A_2003 = arith.constant 0 : i32
    %dma_wait3A_2004 = tpu.memref_slice %arg6[%dma_wait3A_2002, %dma_wait3A_2003] : memref<16896x128xf32, #tpu.memory_space<hbm>> -> memref<16896x128xf32, #tpu.memory_space<hbm>>
    tpu.wait_indirect_dma semaphore(%arg19 : memref<!tpu.dma_semaphore, #tpu.memory_space<semaphore_mem>>) src(%dma_wait3A_2004 : memref<16896x128xf32, #tpu.memory_space<hbm>>) dst(%dma_wait3A_2001 : memref<16x128xf32, #tpu.memory_space<vmem>>)
    %get3A_2005 = arith.constant 960 : index
    %get3A_2006 = tpu.vector_load %arg16[%get3A_2005] {strides = array<i32>} : memref<1040xi32, #tpu.memory_space<vmem>>, vector<16xi32>,
    %dma_start3A_2007 = arith.constant 64 : i32
    %dma_start3A_2008 = arith.constant 0 : i32
    %dma_start3A_2009 = tpu.memref_slice %arg14[%dma_start3A_2007, %dma_start3A_2008] : memref<128x128xf32, #tpu.memory_space<vmem>> -> memref<16x128xf32, #tpu.memory_space<vmem>>
    %dma_start3A_2010 = arith.constant 0 : i32
    %dma_start3A_2011 = arith.constant 0 : i32
    %dma_start3A_2012 = tpu.memref_slice %arg4[%dma_start3A_2010, %dma_start3A_2011] : memref<1000000x128xf32, #tpu.memory_space<hbm>> -> memref<1000000x128xf32, #tpu.memory_space<hbm>>
    tpu.enqueue_indirect_dma source(%dma_start3A_2009 : memref<16x128xf32, #tpu.memory_space<vmem>>) target(%dma_start3A_2012 : memref<1000000x128xf32, #tpu.memory_space<hbm>>) offsets(%get3A_2006 : vector<16xi32>) semaphore(%arg20 : memref<!tpu.dma_semaphore, #tpu.memory_space<semaphore_mem>>)
    %dma_wait3A_2013 = arith.constant 80 : i32
    %dma_wait3A_2014 = arith.constant 0 : i32
    %dma_wait3A_2015 = tpu.memref_slice %arg14[%dma_wait3A_2013, %dma_wait3A_2014] : memref<128x128xf32, #tpu.memory_space<vmem>> -> memref<16x128xf32, #tpu.memory_space<vmem>>
    %dma_wait3A_2016 = arith.constant 0 : i32
    %dma_wait3A_2017 = arith.constant 0 : i32
    %dma_wait3A_2018 = tpu.memref_slice %arg6[%dma_wait3A_2016, %dma_wait3A_2017] : memref<16896x128xf32, #tpu.memory_space<hbm>> -> memref<16896x128xf32, #tpu.memory_space<hbm>>
    tpu.wait_indirect_dma semaphore(%arg19 : memref<!tpu.dma_semaphore, #tpu.memory_space<semaphore_mem>>) src(%dma_wait3A_2018 : memref<16896x128xf32, #tpu.memory_space<hbm>>) dst(%dma_wait3A_2015 : memref<16x128xf32, #tpu.memory_space<vmem>>)
    %get3A_2019 = arith.constant 976 : index
    %get3A_2020 = tpu.vector_load %arg16[%get3A_2019] {strides = array<i32>} : memref<1040xi32, #tpu.memory_space<vmem>>, vector<16xi32>,
    %dma_start3A_2021 = arith.constant 80 : i32
    %dma_start3A_2022 = arith.constant 0 : i32
    %dma_start3A_2023 = tpu.memref_slice %arg14[%dma_start3A_2021, %dma_start3A_2022] : memref<128x128xf32, #tpu.memory_space<vmem>> -> memref<16x128xf32, #tpu.memory_space<vmem>>
    %dma_start3A_2024 = arith.constant 0 : i32
    %dma_start3A_2025 = arith.constant 0 : i32
    %dma_start3A_2026 = tpu.memref_slice %arg4[%dma_start3A_2024, %dma_start3A_2025] : memref<1000000x128xf32, #tpu.memory_space<hbm>> -> memref<1000000x128xf32, #tpu.memory_space<hbm>>
    tpu.enqueue_indirect_dma source(%dma_start3A_2023 : memref<16x128xf32, #tpu.memory_space<vmem>>) target(%dma_start3A_2026 : memref<1000000x128xf32, #tpu.memory_space<hbm>>) offsets(%get3A_2020 : vector<16xi32>) semaphore(%arg20 : memref<!tpu.dma_semaphore, #tpu.memory_space<semaphore_mem>>)
    %dma_wait3A_2027 = arith.constant 96 : i32
    %dma_wait3A_2028 = arith.constant 0 : i32
    %dma_wait3A_2029 = tpu.memref_slice %arg14[%dma_wait3A_2027, %dma_wait3A_2028] : memref<128x128xf32, #tpu.memory_space<vmem>> -> memref<16x128xf32, #tpu.memory_space<vmem>>
    %dma_wait3A_2030 = arith.constant 0 : i32
    %dma_wait3A_2031 = arith.constant 0 : i32
    %dma_wait3A_2032 = tpu.memref_slice %arg6[%dma_wait3A_2030, %dma_wait3A_2031] : memref<16896x128xf32, #tpu.memory_space<hbm>> -> memref<16896x128xf32, #tpu.memory_space<hbm>>
    tpu.wait_indirect_dma semaphore(%arg19 : memref<!tpu.dma_semaphore, #tpu.memory_space<semaphore_mem>>) src(%dma_wait3A_2032 : memref<16896x128xf32, #tpu.memory_space<hbm>>) dst(%dma_wait3A_2029 : memref<16x128xf32, #tpu.memory_space<vmem>>)
    %get3A_2033 = arith.constant 992 : index
    %get3A_2034 = tpu.vector_load %arg16[%get3A_2033] {strides = array<i32>} : memref<1040xi32, #tpu.memory_space<vmem>>, vector<16xi32>,
    %dma_start3A_2035 = arith.constant 96 : i32
    %dma_start3A_2036 = arith.constant 0 : i32
    %dma_start3A_2037 = tpu.memref_slice %arg14[%dma_start3A_2035, %dma_start3A_2036] : memref<128x128xf32, #tpu.memory_space<vmem>> -> memref<16x128xf32, #tpu.memory_space<vmem>>
    %dma_start3A_2038 = arith.constant 0 : i32
    %dma_start3A_2039 = arith.constant 0 : i32
    %dma_start3A_2040 = tpu.memref_slice %arg4[%dma_start3A_2038, %dma_start3A_2039] : memref<1000000x128xf32, #tpu.memory_space<hbm>> -> memref<1000000x128xf32, #tpu.memory_space<hbm>>
    tpu.enqueue_indirect_dma source(%dma_start3A_2037 : memref<16x128xf32, #tpu.memory_space<vmem>>) target(%dma_start3A_2040 : memref<1000000x128xf32, #tpu.memory_space<hbm>>) offsets(%get3A_2034 : vector<16xi32>) semaphore(%arg20 : memref<!tpu.dma_semaphore, #tpu.memory_space<semaphore_mem>>)
    %dma_wait3A_2041 = arith.constant 112 : i32
    %dma_wait3A_2042 = arith.constant 0 : i32
    %dma_wait3A_2043 = tpu.memref_slice %arg14[%dma_wait3A_2041, %dma_wait3A_2042] : memref<128x128xf32, #tpu.memory_space<vmem>> -> memref<16x128xf32, #tpu.memory_space<vmem>>
    %dma_wait3A_2044 = arith.constant 0 : i32
    %dma_wait3A_2045 = arith.constant 0 : i32
    %dma_wait3A_2046 = tpu.memref_slice %arg6[%dma_wait3A_2044, %dma_wait3A_2045] : memref<16896x128xf32, #tpu.memory_space<hbm>> -> memref<16896x128xf32, #tpu.memory_space<hbm>>
    tpu.wait_indirect_dma semaphore(%arg19 : memref<!tpu.dma_semaphore, #tpu.memory_space<semaphore_mem>>) src(%dma_wait3A_2046 : memref<16896x128xf32, #tpu.memory_space<hbm>>) dst(%dma_wait3A_2043 : memref<16x128xf32, #tpu.memory_space<vmem>>)
    %get3A_2047 = arith.constant 1008 : index
    %get3A_2048 = tpu.vector_load %arg16[%get3A_2047] {strides = array<i32>} : memref<1040xi32, #tpu.memory_space<vmem>>, vector<16xi32>,
    %dma_start3A_2049 = arith.constant 112 : i32
    %dma_start3A_2050 = arith.constant 0 : i32
    %dma_start3A_2051 = tpu.memref_slice %arg14[%dma_start3A_2049, %dma_start3A_2050] : memref<128x128xf32, #tpu.memory_space<vmem>> -> memref<16x128xf32, #tpu.memory_space<vmem>>
    %dma_start3A_2052 = arith.constant 0 : i32
    %dma_start3A_2053 = arith.constant 0 : i32
    %dma_start3A_2054 = tpu.memref_slice %arg4[%dma_start3A_2052, %dma_start3A_2053] : memref<1000000x128xf32, #tpu.memory_space<hbm>> -> memref<1000000x128xf32, #tpu.memory_space<hbm>>
    tpu.enqueue_indirect_dma source(%dma_start3A_2051 : memref<16x128xf32, #tpu.memory_space<vmem>>) target(%dma_start3A_2054 : memref<1000000x128xf32, #tpu.memory_space<hbm>>) offsets(%get3A_2048 : vector<16xi32>) semaphore(%arg20 : memref<!tpu.dma_semaphore, #tpu.memory_space<semaphore_mem>>)
    %dma_wait3A_2055 = arith.constant 0 : i32
    %dma_wait3A_2056 = arith.constant 0 : i32
    %dma_wait3A_2057 = tpu.memref_slice %arg14[%dma_wait3A_2055, %dma_wait3A_2056] : memref<128x128xf32, #tpu.memory_space<vmem>> -> memref<16x128xf32, #tpu.memory_space<vmem>>
    %dma_wait3A_2058 = arith.constant 0 : i32
    %dma_wait3A_2059 = arith.constant 0 : i32
    %dma_wait3A_2060 = tpu.memref_slice %arg4[%dma_wait3A_2058, %dma_wait3A_2059] : memref<1000000x128xf32, #tpu.memory_space<hbm>> -> memref<1000000x128xf32, #tpu.memory_space<hbm>>
    tpu.wait_indirect_dma semaphore(%arg20 : memref<!tpu.dma_semaphore, #tpu.memory_space<semaphore_mem>>) src(%dma_wait3A_2057 : memref<16x128xf32, #tpu.memory_space<vmem>>) dst(%dma_wait3A_2060 : memref<1000000x128xf32, #tpu.memory_space<hbm>>)
    %dma_wait3A_2061 = arith.constant 16 : i32
    %dma_wait3A_2062 = arith.constant 0 : i32
    %dma_wait3A_2063 = tpu.memref_slice %arg14[%dma_wait3A_2061, %dma_wait3A_2062] : memref<128x128xf32, #tpu.memory_space<vmem>> -> memref<16x128xf32, #tpu.memory_space<vmem>>
    %dma_wait3A_2064 = arith.constant 0 : i32
    %dma_wait3A_2065 = arith.constant 0 : i32
    %dma_wait3A_2066 = tpu.memref_slice %arg4[%dma_wait3A_2064, %dma_wait3A_2065] : memref<1000000x128xf32, #tpu.memory_space<hbm>> -> memref<1000000x128xf32, #tpu.memory_space<hbm>>
    tpu.wait_indirect_dma semaphore(%arg20 : memref<!tpu.dma_semaphore, #tpu.memory_space<semaphore_mem>>) src(%dma_wait3A_2063 : memref<16x128xf32, #tpu.memory_space<vmem>>) dst(%dma_wait3A_2066 : memref<1000000x128xf32, #tpu.memory_space<hbm>>)
    %dma_wait3A_2067 = arith.constant 32 : i32
    %dma_wait3A_2068 = arith.constant 0 : i32
    %dma_wait3A_2069 = tpu.memref_slice %arg14[%dma_wait3A_2067, %dma_wait3A_2068] : memref<128x128xf32, #tpu.memory_space<vmem>> -> memref<16x128xf32, #tpu.memory_space<vmem>>
    %dma_wait3A_2070 = arith.constant 0 : i32
    %dma_wait3A_2071 = arith.constant 0 : i32
    %dma_wait3A_2072 = tpu.memref_slice %arg4[%dma_wait3A_2070, %dma_wait3A_2071] : memref<1000000x128xf32, #tpu.memory_space<hbm>> -> memref<1000000x128xf32, #tpu.memory_space<hbm>>
    tpu.wait_indirect_dma semaphore(%arg20 : memref<!tpu.dma_semaphore, #tpu.memory_space<semaphore_mem>>) src(%dma_wait3A_2069 : memref<16x128xf32, #tpu.memory_space<vmem>>) dst(%dma_wait3A_2072 : memref<1000000x128xf32, #tpu.memory_space<hbm>>)
    %dma_wait3A_2073 = arith.constant 48 : i32
    %dma_wait3A_2074 = arith.constant 0 : i32
    %dma_wait3A_2075 = tpu.memref_slice %arg14[%dma_wait3A_2073, %dma_wait3A_2074] : memref<128x128xf32, #tpu.memory_space<vmem>> -> memref<16x128xf32, #tpu.memory_space<vmem>>
    %dma_wait3A_2076 = arith.constant 0 : i32
    %dma_wait3A_2077 = arith.constant 0 : i32
    %dma_wait3A_2078 = tpu.memref_slice %arg4[%dma_wait3A_2076, %dma_wait3A_2077] : memref<1000000x128xf32, #tpu.memory_space<hbm>> -> memref<1000000x128xf32, #tpu.memory_space<hbm>>
    tpu.wait_indirect_dma semaphore(%arg20 : memref<!tpu.dma_semaphore, #tpu.memory_space<semaphore_mem>>) src(%dma_wait3A_2075 : memref<16x128xf32, #tpu.memory_space<vmem>>) dst(%dma_wait3A_2078 : memref<1000000x128xf32, #tpu.memory_space<hbm>>)
    %dma_wait3A_2079 = arith.constant 64 : i32
    %dma_wait3A_2080 = arith.constant 0 : i32
    %dma_wait3A_2081 = tpu.memref_slice %arg14[%dma_wait3A_2079, %dma_wait3A_2080] : memref<128x128xf32, #tpu.memory_space<vmem>> -> memref<16x128xf32, #tpu.memory_space<vmem>>
    %dma_wait3A_2082 = arith.constant 0 : i32
    %dma_wait3A_2083 = arith.constant 0 : i32
    %dma_wait3A_2084 = tpu.memref_slice %arg4[%dma_wait3A_2082, %dma_wait3A_2083] : memref<1000000x128xf32, #tpu.memory_space<hbm>> -> memref<1000000x128xf32, #tpu.memory_space<hbm>>
    tpu.wait_indirect_dma semaphore(%arg20 : memref<!tpu.dma_semaphore, #tpu.memory_space<semaphore_mem>>) src(%dma_wait3A_2081 : memref<16x128xf32, #tpu.memory_space<vmem>>) dst(%dma_wait3A_2084 : memref<1000000x128xf32, #tpu.memory_space<hbm>>)
    %dma_wait3A_2085 = arith.constant 80 : i32
    %dma_wait3A_2086 = arith.constant 0 : i32
    %dma_wait3A_2087 = tpu.memref_slice %arg14[%dma_wait3A_2085, %dma_wait3A_2086] : memref<128x128xf32, #tpu.memory_space<vmem>> -> memref<16x128xf32, #tpu.memory_space<vmem>>
    %dma_wait3A_2088 = arith.constant 0 : i32
    %dma_wait3A_2089 = arith.constant 0 : i32
    %dma_wait3A_2090 = tpu.memref_slice %arg4[%dma_wait3A_2088, %dma_wait3A_2089] : memref<1000000x128xf32, #tpu.memory_space<hbm>> -> memref<1000000x128xf32, #tpu.memory_space<hbm>>
    tpu.wait_indirect_dma semaphore(%arg20 : memref<!tpu.dma_semaphore, #tpu.memory_space<semaphore_mem>>) src(%dma_wait3A_2087 : memref<16x128xf32, #tpu.memory_space<vmem>>) dst(%dma_wait3A_2090 : memref<1000000x128xf32, #tpu.memory_space<hbm>>)
    %dma_wait3A_2091 = arith.constant 96 : i32
    %dma_wait3A_2092 = arith.constant 0 : i32
    %dma_wait3A_2093 = tpu.memref_slice %arg14[%dma_wait3A_2091, %dma_wait3A_2092] : memref<128x128xf32, #tpu.memory_space<vmem>> -> memref<16x128xf32, #tpu.memory_space<vmem>>
    %dma_wait3A_2094 = arith.constant 0 : i32
    %dma_wait3A_2095 = arith.constant 0 : i32
    %dma_wait3A_2096 = tpu.memref_slice %arg4[%dma_wait3A_2094, %dma_wait3A_2095] : memref<1000000x128xf32, #tpu.memory_space<hbm>> -> memref<1000000x128xf32, #tpu.memory_space<hbm>>
    tpu.wait_indirect_dma semaphore(%arg20 : memref<!tpu.dma_semaphore, #tpu.memory_space<semaphore_mem>>) src(%dma_wait3A_2093 : memref<16x128xf32, #tpu.memory_space<vmem>>) dst(%dma_wait3A_2096 : memref<1000000x128xf32, #tpu.memory_space<hbm>>)
    %dma_wait3A_2097 = arith.constant 112 : i32
    %dma_wait3A_2098 = arith.constant 0 : i32
    %dma_wait3A_2099 = tpu.memref_slice %arg14[%dma_wait3A_2097, %dma_wait3A_2098] : memref<128x128xf32, #tpu.memory_space<vmem>> -> memref<16x128xf32, #tpu.memory_space<vmem>>
    %dma_wait3A_2100 = arith.constant 0 : i32
    %dma_wait3A_2101 = arith.constant 0 : i32
    %dma_wait3A_2102 = tpu.memref_slice %arg4[%dma_wait3A_2100, %dma_wait3A_2101] : memref<1000000x128xf32, #tpu.memory_space<hbm>> -> memref<1000000x128xf32, #tpu.memory_space<hbm>>
    tpu.wait_indirect_dma semaphore(%arg20 : memref<!tpu.dma_semaphore, #tpu.memory_space<semaphore_mem>>) src(%dma_wait3A_2099 : memref<16x128xf32, #tpu.memory_space<vmem>>) dst(%dma_wait3A_2102 : memref<1000000x128xf32, #tpu.memory_space<hbm>>)
    %not3A_2103 = arith.constant true
    %not3A_2104 = arith.xori %eq3A_3, %not3A_2103 : i1
    %convert_element_type3A_2105 = arith.extui %not3A_2104 : i1 to i32
    %cond3A_2106 = arith.constant 0 : i32
    %cond3A_2107 = arith.cmpi ne, %convert_element_type3A_2105, %cond3A_2106 : i32
    scf.if %cond3A_2107 {
      %dma_wait3A_2111 = arith.constant 0 : i32
      %dma_wait3A_2112 = tpu.memref_slice %arg13[%dma_wait3A_2111] : memref<31264xi32, #tpu.memory_space<vmem>> -> memref<31264xi32, #tpu.memory_space<vmem>>
      %dma_wait3A_2113 = tpu.memref_slice %arg5[%mul3A_2] : memref<1000000xi32, #tpu.memory_space<hbm>> -> memref<31264xi32, #tpu.memory_space<hbm>>
      %dma_wait3A_2114 = tpu.memref_slice %arg5[%mul3A_2] : memref<1000000xi32, #tpu.memory_space<hbm>> -> memref<31264xi32, #tpu.memory_space<hbm>>
      %dma_wait3A_2115 = arith.constant 0 : i32
      %dma_wait3A_2116 = tpu.memref_slice %arg13[%dma_wait3A_2115] : memref<31264xi32, #tpu.memory_space<vmem>> -> memref<31264xi32, #tpu.memory_space<vmem>>
      tpu.wait_dma2 semaphore(%arg18 : memref<!tpu.dma_semaphore, #tpu.memory_space<semaphore_mem>>) src(%dma_wait3A_2116 : memref<31264xi32, #tpu.memory_space<vmem>>) dst(%dma_wait3A_2114 : memref<31264xi32, #tpu.memory_space<hbm>>)
    } else {
    }
    %convert_element_type3A_2108 = arith.extui %eq3A_3 : i1 to i32
    %cond3A_2109 = arith.constant 0 : i32
    %cond3A_2110 = arith.cmpi ne, %convert_element_type3A_2108, %cond3A_2109 : i32
    scf.if %cond3A_2110 {
      %dma_wait3A_2111 = arith.constant 0 : i32
      %dma_wait3A_2112 = tpu.memref_slice %arg13[%dma_wait3A_2111] : memref<31264xi32, #tpu.memory_space<vmem>> -> memref<30816xi32, #tpu.memory_space<vmem>>
      %dma_wait3A_2113 = tpu.memref_slice %arg5[%mul3A_2] : memref<1000000xi32, #tpu.memory_space<hbm>> -> memref<30816xi32, #tpu.memory_space<hbm>>
      %dma_wait3A_2114 = tpu.memref_slice %arg5[%mul3A_2] : memref<1000000xi32, #tpu.memory_space<hbm>> -> memref<30816xi32, #tpu.memory_space<hbm>>
      %dma_wait3A_2115 = arith.constant 0 : i32
      %dma_wait3A_2116 = tpu.memref_slice %arg13[%dma_wait3A_2115] : memref<31264xi32, #tpu.memory_space<vmem>> -> memref<30816xi32, #tpu.memory_space<vmem>>
      tpu.wait_dma2 semaphore(%arg18 : memref<!tpu.dma_semaphore, #tpu.memory_space<semaphore_mem>>) src(%dma_wait3A_2116 : memref<30816xi32, #tpu.memory_space<vmem>>) dst(%dma_wait3A_2114 : memref<30816xi32, #tpu.memory_space<hbm>>)
    } else {
    }
    return
  }
}

</mosaic_0001>

<sc_bundles>
// kernel: kernel.3.cloned.1.call-start
scs
__scs_entry_jumppad:
0x0: {  	(pc) =	sbr.rel $0x88, $3  }
0x1: {  	(tag) =	ssettag $0x0;
	lr =	simm.s32 $0x1  }
0x2: {  	[smem:$0x3F9C] =	sst lr;
	_ =	strace $0xD0000000  }
0x3: {  	_ = 	snop  }
0x4: {  	_ = 	snop  }
0x5: {  	_ = 	snop  }
0x6: {  	_ = 	snop  }
0x7: {  	_ = 	snop  }
__scs_overlays_trampoline_lowered:
0x8: {  	[smem:$0x3FAB] =	sst s0  }
0x9: {  	[smem:$0x3FAC] =	sst s1  }
0xa: {  	[smem:$0x3FAD] =	sst s2  }
0xb: {  	[smem:$0x3FAE] =	sst s3  }
0xc: {  	[smem:$0x3FAF] =	sst s4  }
0xd: {  	[smem:$0x3FB0] =	sst s5  }
0xe: {  	[smem:$0x3FB1] =	sst s6  }
0xf: {  	[smem:$0x3FB2] =	sst s7  }
0x10: {  	[smem:$0x3FB3] =	sst s8  }
0x11: {  	[smem:$0x3FB4] =	sst s9;
	s0 =	simm.s32 @!p0 $0x0  }
0x12: {  	s1 =	sld [smem:$0x3F9A];
	s0 =	simm.s32 @p0 $0x1  }
0x13: {  	[smem:$0x3FB5] =	sst s0;
	s0 =	simm.s32 @!p1 $0x0  }
0x14: {  	s2 =	sld [smem:$0x3F99];
	s0 =	simm.s32 @p1 $0x1  }
0x15: {  	[smem:$0x3FB6] =	sst s0;
	s0 =	simm.s32 @!p2 $0x0  }
0x16: {  	s3 =	sld [smem:$0x3FDB];
	s0 =	simm.s32 @p2 $0x1  }
0x17: {  	s4 =	simm.s32 $0x1BF5;
	[smem:$0x3FB8] =	sst s0  }
0x18: {  	s0 =	sld [smem:$0x3F9B];
	_ =	swait.ge [sflag:s4], $0x0  }
0x19: {  	s7 =	sld [smem:$0x3F9C]  }
0x1a: {  	s8 =	sadd.s32 $0xFFFFE003, lr  }
0x1b: {  	s9 =	sadd.s32 $0xFFFFFEF7, lr;
	s5 =	simm.s32 $0xFFFFFFFF;
	p2 =	slt.u32 s8, $0xFFFFF086  }
0x1c: {  	p1 =	slt.u32 s9, $0xF7A;
	s5 =	simm.s32 @!p2 $0x0  }
0x1d: {  	s5 =	simm.s32 @p1 $0x1;
	p0 =	seq.s32 s7, s2  }
0x1e: {  	s7 =	smul.u32 @!p0 $0xF7A, s2;
	p2 =	seq.s32 @!p0 s5, $0x0  }
0x1f: {  	s9 =	smul.u32 $0xF7A, s1;
	s8 =	simm.s32 @!p0 $0x1BF5;
	p2 =	por !p2, p0  }
0x20: {  	[sflag:s8] =	ssyncset.s32 @!p0 $0xFFFFF086;
	s6 =	sadd.s32 @!p0 s3, s7;
	s7 =	simm.s32 @!p0 $0x108  }
0x21: {  	s3 =	sadd.s32 s3, s9;
	s6 =	sadd.s32 @!p0 $0x88, s6;
	s7 =	simm.s32 @p2 $0x1082  }
0x22: {  	[simem:s7], [sflag:s8] =	dma.local @!p0 [hbm:s6], $0xF7A  }
0x23: {  	s9 =	sor.u32 $0xD0000000, s2;
	s6 =	simm.s32 $0x108;
	_ =	swait.ge @!p0 [sflag:s8], $0x0  }
0x24: {  	s3 =	sadd.s32 $0x88, s3;
	s6 =	simm.s32 @!p1 $0x1082;
	[sflag:s4] =	ssyncset.s32 $0xFFFFF086  }
0x25: {  	[simem:s6], [sflag:s4] =	dma.local [hbm:s3], $0xF7A  }
0x26: {  	[smem:$0x3F9C] =	sst s1;
	(tag) =	ssettag s2;
	_ =	strace s9  }
0x27: {  	s1 =	sld [smem:$0x3FAC]  }
0x28: {  	s2 =	sld [smem:$0x3FAD]  }
0x29: {  	s4 =	sld [smem:$0x3FAF]  }
0x2a: {  	p0 =	seq.s32 s5, $0x0;
	s5 =	sld [smem:$0x3FB0]  }
0x2b: {  	s6 =	sld [smem:$0x3FB1]  }
0x2c: {  	s7 =	sld [smem:$0x3FB2]  }
0x2d: {  	s3 =	simm.s32 $0x108;
	s8 =	sld [smem:$0x3FB3]  }
0x2e: {  	s3 =	simm.s32 @!p0 $0x1082;
	s9 =	sld [smem:$0x3FB4]  }
0x2f: {  	lr =	sadd.s32 s0, s3;
	s0 =	sld [smem:$0x3FAB]  }
0x30: {  	s3 =	sld [smem:$0x3FAE]  }
0x31: {  	[smem:$0x3FB7] =	sst s10  }
0x32: {  	s10 =	sld [smem:$0x3FB5];
	_ =	sdelay $0x3  }
0x33: {  	p0 =	seq.s32 s10, $0x1;
	s10 =	sld [smem:$0x3FB7];
	_ =	sdelay $0x3  }
0x34: {  	[smem:$0x3FB7] =	sst s10  }
0x35: {  	s10 =	sld [smem:$0x3FB6];
	_ =	sdelay $0x3  }
0x36: {  	p1 =	seq.s32 s10, $0x1;
	s10 =	sld [smem:$0x3FB7];
	_ =	sdelay $0x3  }
0x37: {  	[smem:$0x3FB7] =	sst s10  }
0x38: {  	s10 =	sld [smem:$0x3FB8]  }
0x39: {  	_ = 	snop;
	(pc) =	sbr.ind lr, $3  }
0x3a: {  	_ = 	snop  }
0x3b: {  	_ = 	snop  }
0x3c: {  	p2 =	seq.s32 s10, $0x1;
	s10 =	sld [smem:$0x3FB7]  }
0x3d: {  	_ =	shalt  }
0x3e: {  	_ =	shalt  }
0x3f: {  	_ =	shalt  }
0x40: {  	_ =	shalt  }
0x41: {  	_ =	shalt  }
0x42: {  	_ =	shalt  }
0x43: {  	_ =	shalt  }
0x44: {  	_ =	shalt  }
0x45: {  	_ =	shalt  }
0x46: {  	_ =	shalt  }
0x47: {  	_ =	shalt  }
0x48: {  	_ =	shalt  }
0x49: {  	_ =	shalt  }
0x4a: {  	_ =	shalt  }
0x4b: {  	_ =	shalt  }
0x4c: {  	_ =	shalt  }
0x4d: {  	_ =	shalt  }
0x4e: {  	_ =	shalt  }
0x4f: {  	_ =	shalt  }
0x50: {  	_ =	shalt  }
0x51: {  	_ =	shalt  }
0x52: {  	_ =	shalt  }
0x53: {  	_ =	shalt  }
0x54: {  	_ =	shalt  }
0x55: {  	_ =	shalt  }
0x56: {  	_ =	shalt  }
0x57: {  	_ =	shalt  }
0x58: {  	_ =	shalt  }
0x59: {  	_ =	shalt  }
0x5a: {  	_ =	shalt  }
0x5b: {  	_ =	shalt  }
0x5c: {  	_ =	shalt  }
0x5d: {  	_ =	shalt  }
0x5e: {  	_ =	shalt  }
0x5f: {  	_ =	shalt  }
0x60: {  	_ =	shalt  }
0x61: {  	_ =	shalt  }
0x62: {  	_ =	shalt  }
0x63: {  	_ =	shalt  }
0x64: {  	_ =	shalt  }
0x65: {  	_ =	shalt  }
0x66: {  	_ =	shalt  }
0x67: {  	_ =	shalt  }
0x68: {  	_ =	shalt  }
0x69: {  	_ =	shalt  }
0x6a: {  	_ =	shalt  }
0x6b: {  	_ =	shalt  }
0x6c: {  	_ =	shalt  }
0x6d: {  	_ =	shalt  }
0x6e: {  	_ =	shalt  }
0x6f: {  	_ =	shalt  }
0x70: {  	_ =	shalt  }
0x71: {  	_ =	shalt  }
0x72: {  	_ =	shalt  }
0x73: {  	_ =	shalt  }
0x74: {  	_ =	shalt  }
0x75: {  	_ =	shalt  }
0x76: {  	_ =	shalt  }
0x77: {  	_ =	shalt  }
0x78: {  	_ =	shalt  }
0x79: {  	_ =	shalt  }
0x7a: {  	_ =	shalt  }
0x7b: {  	_ =	shalt  }
0x7c: {  	_ =	shalt  }
0x7d: {  	_ =	shalt  }
0x7e: {  	_ =	shalt  }
0x7f: {  	_ =	shalt  }
0x80: {  	_ =	shalt  }
0x81: {  	_ =	shalt  }
0x82: {  	_ =	shalt  }
0x83: {  	_ =	shalt  }
0x84: {  	_ =	shalt  }
0x85: {  	_ =	shalt  }
0x86: {  	_ =	shalt  }
0x87: {  	_ =	shalt  }
.Lfunc_end0:
.L_simem_size_0:
called_computation.1_lowered:
.L_overlay_start_0:
0x88: {  	s2 =	sld [smem:$0x3FD9]  }
0x89: {  	s3 =	sld [smem:$0x3FFE];
	_ =	sdelay $0x1  }
0x8a: {  	s1 =	srdreg.scid  }
0x8b: {  	s0 =	sand.u32 $0x1, s1  }
0x8c: {  	s14 =	sshll.u32 s0, $0xA;
	s2 =	sadd.s32 s3, s2  }
0x8d: {  	s2 =	sadd.s32 s2, s14  }
0x8e: {  	[smem:$0x3FC3] =	sst s2  }
0x8f: {  	_ = 	snop  }
0x90: {  	s2 =	sld [smem:$0x3FD0];
	_ =	sdelay $0x1  }
0x91: {  	s15 =	sld [smem:$0x3FC7]  }
0x92: {  	s5 =	simm.s32 $0xA;
	s6 =	simm.s32 $0x10;
	s4 =	sld [smem:$0x3FC5]  }
0x93: {  	[smem:s6], [sflag:s5] =	dma.local [hbm:s2], $0x1  }
0x94: {  	_ =	swait.eq [sflag:s5], $0x1  }
0x95: {  	[sflag:s5] =	ssyncset.done $0x0  }
0x96: {  	s16 =	sld [smem:$0x10];
	[sflag:s5] =	ssyncadd.s32 $0xFFFFFFFF  }
0x97: {  	s17 =	sld [smem:$0x11];
	(tm) =	ssettm $0x1  }
0x98: {  	s18 =	sld [smem:$0x3FFB];
	_ =	sdelay $0x3  }
0x99: {  	_ =	strace s18  }
0x9a: {  	s6 =	sld [smem:$0x3FFC];
	_ =	sdelay $0x3  }
0x9b: {  	_ =	strace s6  }
0x9c: {  	s6 =	sld [smem:$0x3FFD];
	_ =	sdelay $0x3  }
0x9d: {  	_ =	strace s6  }
0x9e: {  	_ =	strace $0x8FFFFFFF  }
0x9f: {  	s19 =	sld [smem:$0x3FDB];
	_ =	sdelay $0x1  }
0xa0: {  	s7 =	simm.s32 $_scs_section_size  }
0xa1: {  	s8 =	simm.s32 $_size__tile_overlayer_lowered;
	s9 =	simm.s32 $_tile_overlayer_lowered  }
0xa2: {  	s22 =	simm.s32 $0x1BFF;
	s21 =	sshll.u32 s9, $0x1;
	s6 =	sadd.s32 s7, s19  }
0xa3: {  	s10 =	simm.s32 $0x0;
	s20 =	sshll.u32 s8, $0x1;
	s8 =	sadd.s32 s21, s6  }
0xa4: {  	[timem:s10], [sflag:s22] =	dma.local [hbm:s8], s20  }
0xa5: {  	_ =	swait.ge [sflag:s22], s20  }
0xa6: {  	s7 =	ssub.s32 $0x0, s20;
	[sflag:s22] =	ssyncset.done $0x0  }
0xa7: {  	[sflag:s22] =	ssyncadd.s32 s7;
	_ =	sdelay $0x1  }
0xa8: {  	s23 =	simm.s32 $0x1B8B  }
0xa9: {  	_ =	swait.ge [sflag:s23], $0x1  }
0xaa: {  	[sflag:s23] =	ssyncset.done $0x0  }
0xab: {  	s25 =	simm.s32 $0x1B8E;
	s24 =	sld [smem:$0x3FFE];
	[sflag:s23] =	ssyncadd.s32 $0xFFFFFFFF  }
0xac: {  	s26 =	simm.s32 $execute0_lowered;
	[smem:$0x3FD2] =	sst s25  }
0xad: {  	s8 =	sshll.u32 s26, $0x1;
	_ =	strace $0x80000046;
	[dreg:$0x1] =	wrdreg $0xFFFFFFFF  }
0xae: {  	s28 =	simm.s32 $_size_execute0_lowered;
	s6 =	sadd.s32 s6, s8;
	[dreg:$0x0] =	wrdreg $0x0  }
0xaf: {  	s8 =	sshll.u32 s28, $0x1;
	[dreg:$0x2] =	wrdreg s6  }
0xb0: {  	[dreg:$0x3] =	wrdreg s8  }
0xb1: {  	[dreg:$0x4] =	wrdreg $0xC0  }
0xb2: {  	_ =	task [dreg:s10], $0x5FFFF  }
0xb3: {  	[dreg:$0x1] =	wrdreg $0xFFFFFFFF  }
0xb4: {  	[dreg:$0x0] =	wrdreg $0x60  }
0xb5: {  	[dreg:$0x2] =	wrdreg s15  }
0xb6: {  	[dreg:$0x3] =	wrdreg s4  }
0xb7: {  	[dreg:$0x4] =	wrdreg s24  }
0xb8: {  	[dreg:$0x5] =	wrdreg s17  }
0xb9: {  	[dreg:$0x6] =	wrdreg s16  }
0xba: {  	[dreg:$0x7] =	wrdreg $0x9  }
0xbb: {  	_ =	task.clear_ibuf [dreg:s10], $0x8FFFF;
	_ =	strace $0x90000046  }
0xbc: {  	s29 =	simm.s32 $0x9;
	_ =	strace $0x80000048  }
0xbd: {  	_ =	swait.ge [sflag:s29], $0x1  }
0xbe: {  	[sflag:s29] =	ssyncadd.s32 $0xFFFFFFFF  }
0xbf: {  	_ =	strace $0x90000048  }
0xc0: {  	_ =	sfence  }
0xc1: {  	s30 =	sld [smem:$0x0];
	_ =	sdelay $0x2  }
0xc2: {  	s31 =	sshll.u32 s1, $0xD;
	s1 =	sshrl.u32 s1, $0x2  }
0xc3: {  	s3 =	sand.u32 $0x4000, s31;
	s1 =	sadd.s32 s1, s30  }
0xc4: {  	s0 =	sor.u32 s3, s0;
	s1 =	sshll.u32 s1, $0x11  }
0xc5: {  	s0 =	sor.u32 s1, s0  }
0xc6: {  	s0 =	sadd.s32 $0x8F2B, s0  }
0xc7: {  	[sflag:s0] =	ssyncadd.remote.s32 $0x1  }
0xc8: {  	_ =	sfence.sel $0xFFFF  }
0xc9: {  	[dreg:$0x0] =	wrdreg $0xFFFFFFFF;
	(pc) =	sbr.abs _section_cstart, $3  }
0xca: {  	[dreg:$0x1] =	wrdreg $0xFFFFFFFF  }
0xcb: {  	_ =	task.clear_ibuf [dreg:s10], $0x2FFFF;
	_ =	strace $0x9FFFFFFF  }
0xcc: {  	(tm) =	ssettm $0x7FFFFFFF  }
0xcd: {  	_ =	shalt  }
tec
execute0_lowered:
.L_overlay_start_1:
0x0: {  	(tag) =	ssettag $0x1  }
0x1: {  	s0 =	rddreg [dreg:$0x0]  }
0x2: {  	s1 =	rddreg [dreg:$0x1]  }
0x3: {  	s6 =	rddreg [dreg:$0x2]  }
0x4: {  	s2 =	srdreg.scid;
	s8 =	rddreg [dreg:$0x3]  }
0x5: {  	s4 =	rddreg [dreg:$0x4];
	s3 =	stileid.u32;
	s5 =	simm.s32 $0x0  }
0x6: {  	s12 =	simm.s32 $0x4;
	s13 =	simm.s32 $0x4000;
	s14 =	simm.s32 $0x1B440  }
0x7: {  	s15 =	simm.s32 $0x8000;
	s16 =	simm.s32 $0xFA20;
	s17 =	simm.s32 $0x17440  }
0x8: {  	s18 =	simm.s32 $0x17C40;
	s19 =	simm.s32 $0x18440;
	s20 =	simm.s32 $0x18C40  }
0x9: {  	s21 =	simm.s32 $0x19440;
	s25 =	simm.s32 $0x1AC40;
	s26 =	simm.s32 $0x3  }
0xa: {  	s28 =	simm.s32 $0x0;
	s7 =	sand.u32 $0x1, s2;
	[smem:$0x7FF] =	sst s5  }
0xb: {  	s6 =	sadd.s32 $0xF43400, s6;
	s9 =	sshll.u32 s7, $0x4;
	s7 =	ssub.s32 $0x2, s7  }
0xc: {  	_ =	strace $0x80000047;
	s9 =	sor.u32 s3, s9;
	s10 =	sshrl.u32 s7, $0x1  }
0xd: {  	s22 =	smul.u32 $0x7A20, s9;
	s11 =	ssub.s32 s7, s10;
	s29 =	sshll.u32 s9, $0x4  }
0xe: {  	p0 =	seq.s32 s9, $0x1F;
	s9 =	smul.u32 $0x7A200, s9;
	s24 =	sor.u32 $0x4000, s29  }
0xf: {  	v1 =	vlaneseq.u32;
	s11 =	smax.u32 s11, $0x1;
	s23 =	sadd.s32 $0x7A20, s22;
	s30 =	sshrl.u32 s22, $0x3  }
0x10: {  	s9 =	sadd.s32 s6, s9;
	s31 =	sshll.u32 s24, $0x4;
	v0 =	vmov s22;
	v3 =	vor.u32 s22, v1;
	s22 =	simm.s32 $0x2  }
0x11: {  	v5 =	vimm.s32 $0xFFFFFFFF;
	v4 =	vor.u32 s24, v1;
	s24 =	simm.s32 $0x1A440;
	s23 =	simm.s32 @p0 $0xF4240;
	s7 =	sadd.s32 s8, s30  }
0x12: {  	v6 =	vimm.s32 $0x0;
	vm0 =	vmmov $0xffff;
	s8 =	sadd.s32 $0x1D93C, s8;
	s10 =	sadd.s32 s4, s31;
	v2 =	vmov s23;
	s23 =	simm.s32 $0x19C40  }
.LBB2_1:
0x13: {  	s29 =	simm.s32 @p0 $0x0;
	s30 =	simm.s32 @p0 $0xFA20  }
0x14: {  	[tilespmem:s30], [sflag:$0x1] =	stream.linear.gather @p0 [hbm4b:s8+s29], $0x7860, $0x38;
	[tilespmem:$0x1C460] =	vst v63  }
0x15: {  	s29 =	simm.s32 @!p0 $0x0;
	s30 =	simm.s32 @!p0 $0xFA20  }
0x16: {  	[tilespmem:s30], [sflag:$0x1] =	stream.linear.gather @!p0 [hbm4b:s7+s29], $0x7A20, $0x38;
	[tilespmem:$0x1C460] =	vst v63  }
0x17: {  	_ = 	snop  }
0x18: {  	[tilespmem:s5], [sflag:$0x4] =	stream.linear.gather [hbm4b:s0+s5], $0x4000, $0x38;
	[tilespmem:$0x1C460] =	vst v63  }
0x19: {  	_ =	swait.ge [sflag:s12], $0x4000  }
0x1a: {  	[sflag:s12] =	ssyncset.done $0x0  }
0x1b: {  	[sflag:s12] =	ssyncadd.s32 $0xFFFFC000  }
0x1c: {  	[tilespmem:s13], [sflag:$0x4] =	stream.linear.gather [hbm4b:s1+s5], $0x4000, $0x38;
	[tilespmem:$0x1C460] =	vst v63  }
0x1d: {  	_ =	swait.ge [sflag:s12], $0x4000  }
0x1e: {  	[sflag:s12] =	ssyncset.done $0x0  }
0x1f: {  	[sflag:s12] =	ssyncadd.s32 $0xFFFFC000  }
0x20: {  	[tilespmem:s14], [sflag:$0x4] =	stream.linear.gather [hbm4b:s9+s5], $0x800, $0x38;
	[tilespmem:$0x1C460] =	vst v63  }
0x21: {  	_ =	swait.ge [sflag:s12], $0x800  }
0x22: {  	[sflag:s12] =	ssyncset.done $0x0  }
0x23: {  	[sflag:s12] =	ssyncadd.s32 $0xFFFFF800  }
0x24: {  	[hbm4b:s10+s5] =	stream.linear.scatter [tilespmem:s14], [sflag:$0x4], $0x800, $0x38;
	[tilespmem:$0x1C460] =	vst v63  }
0x25: {  	_ =	swait.ge [sflag:s12], $0x800  }
0x26: {  	[sflag:s12] =	ssyncset.done $0x0  }
0x27: {  	[sflag:s12] =	ssyncadd.s32 $0xFFFFF800  }
0x28: {  	[tilespmem:$0x8000] =	vst v5  }
0x29: {  	s31 =	simm.s32 $0x0;
	s30 =	simm.s32 $0x10;
	s29 =	simm.s32 $0x0;
	v7 =	vld [tilespmem:s5+$0x0]  }
.LBB2_2:
0x2a: {  	p1 =	sne.s32 s30, $0x3FF0;
	_ =	sdelay $0x3  }
0x2b: {  	vm1 =	vge.s32 v7, v0;
	vm2 =	vlt.s32 v7, v2  }
0x2c: {  	v7 =	vsub.s32 v7, v0;
	vm1 =	vmand vm1, vm2  }
0x2d: {  	v7 =	vnsel vm1, $0x0, v7;
	_ =	sdelay $0x1  }
.Ltmp0:
0x2e: {  	(pc) =	sbr.rel @p1 .LBB2_2-.Ltmp0, $4  }
0x2f: {  	_ = 	snop  }
0x30: {  	v8 =	vor.u32 s29, v1;
	s29 =	smov.u32 s30  }
0x31: {  	s31 =	sadd.s32 $0x10, s31;
	[tilespmem:v7+s15+$0x0] =	vst.idx.msk vm1, v8  }
0x32: {  	s30 =	sadd.s32 $0x10, s30;
	v7 =	vld [tilespmem:s31+$0x0]  }
0x33: {  	_ =	sdelay $0x3  }
0x34: {  	vm1 =	vge.s32 v7, v0;
	vm2 =	vlt.s32 v7, v2  }
0x35: {  	v7 =	vsub.s32 v7, v0;
	vm1 =	vmand vm1, vm2  }
0x36: {  	v7 =	vnsel vm1, $0x0, v7;
	_ =	sdelay $0x3  }
0x37: {  	v8 =	vor.u32 s29, v1  }
0x38: {  	[tilespmem:v7+s15+$0x0] =	vst.idx.msk vm1, v8  }
0x39: {  	[tilespmem:$0x1BC40] =	vst v3  }
0x3a: {  	[tilespmem:$0x1BC50] =	vst v3  }
0x3b: {  	[tilespmem:$0x1BC60] =	vst v3  }
0x3c: {  	[tilespmem:$0x1BC70] =	vst v3  }
0x3d: {  	[tilespmem:$0x1BC80] =	vst v3  }
0x3e: {  	[tilespmem:$0x1BC90] =	vst v3  }
0x3f: {  	[tilespmem:$0x1BCA0] =	vst v3  }
0x40: {  	[tilespmem:$0x1BCB0] =	vst v3  }
0x41: {  	[tilespmem:$0x1BCC0] =	vst v3  }
0x42: {  	[tilespmem:$0x1BCD0] =	vst v3  }
0x43: {  	[tilespmem:$0x1BCE0] =	vst v3  }
0x44: {  	[tilespmem:$0x1BCF0] =	vst v3  }
0x45: {  	[tilespmem:$0x1BD00] =	vst v3  }
0x46: {  	[tilespmem:$0x1BD10] =	vst v3  }
0x47: {  	[tilespmem:$0x1BD20] =	vst v3  }
0x48: {  	[tilespmem:$0x1BD30] =	vst v3  }
0x49: {  	[tilespmem:$0x1BD40] =	vst v3  }
0x4a: {  	[tilespmem:$0x1BD50] =	vst v3  }
0x4b: {  	[tilespmem:$0x1BD60] =	vst v3  }
0x4c: {  	[tilespmem:$0x1BD70] =	vst v3  }
0x4d: {  	[tilespmem:$0x1BD80] =	vst v3  }
0x4e: {  	[tilespmem:$0x1BD90] =	vst v3  }
0x4f: {  	[tilespmem:$0x1BDA0] =	vst v3  }
0x50: {  	[tilespmem:$0x1BDB0] =	vst v3  }
0x51: {  	[tilespmem:$0x1BDC0] =	vst v3  }
0x52: {  	[tilespmem:$0x1BDD0] =	vst v3  }
0x53: {  	[tilespmem:$0x1BDE0] =	vst v3  }
0x54: {  	[tilespmem:$0x1BDF0] =	vst v3  }
0x55: {  	[tilespmem:$0x1BE00] =	vst v3  }
0x56: {  	[tilespmem:$0x1BE10] =	vst v3  }
0x57: {  	[tilespmem:$0x1BE20] =	vst v3  }
0x58: {  	[tilespmem:$0x1BE30] =	vst v3  }
0x59: {  	[tilespmem:$0x1BE40] =	vst v3  }
0x5a: {  	[tilespmem:$0x1BE50] =	vst v3  }
0x5b: {  	[tilespmem:$0x1BE60] =	vst v3  }
0x5c: {  	[tilespmem:$0x1BE70] =	vst v3  }
0x5d: {  	[tilespmem:$0x1BE80] =	vst v3  }
0x5e: {  	[tilespmem:$0x1BE90] =	vst v3  }
0x5f: {  	[tilespmem:$0x1BEA0] =	vst v3  }
0x60: {  	[tilespmem:$0x1BEB0] =	vst v3  }
0x61: {  	[tilespmem:$0x1BEC0] =	vst v3  }
0x62: {  	[tilespmem:$0x1BED0] =	vst v3  }
0x63: {  	[tilespmem:$0x1BEE0] =	vst v3  }
0x64: {  	[tilespmem:$0x1BEF0] =	vst v3  }
0x65: {  	[tilespmem:$0x1BF00] =	vst v3  }
0x66: {  	[tilespmem:$0x1BF10] =	vst v3  }
0x67: {  	[tilespmem:$0x1BF20] =	vst v3  }
0x68: {  	[tilespmem:$0x1BF30] =	vst v3  }
0x69: {  	[tilespmem:$0x1BF40] =	vst v3  }
0x6a: {  	[tilespmem:$0x1BF50] =	vst v3  }
0x6b: {  	[tilespmem:$0x1BF60] =	vst v3  }
0x6c: {  	[tilespmem:$0x1BF70] =	vst v3  }
0x6d: {  	[tilespmem:$0x1BF80] =	vst v3  }
0x6e: {  	[tilespmem:$0x1BF90] =	vst v3  }
0x6f: {  	[tilespmem:$0x1BFA0] =	vst v3  }
0x70: {  	[tilespmem:$0x1BFB0] =	vst v3  }
0x71: {  	[tilespmem:$0x1BFC0] =	vst v3  }
0x72: {  	[tilespmem:$0x1BFD0] =	vst v3  }
0x73: {  	v7 =	vld [tilespmem:$0x8000];
	[tilespmem:$0x1BFE0] =	vst v3  }
0x74: {  	[tilespmem:$0x1BFF0] =	vst v3  }
0x75: {  	[tilespmem:$0x1C000] =	vst v3  }
0x76: {  	[tilespmem:$0x1C010] =	vst v3  }
0x77: {  	[tilespmem:$0x1C020] =	vst v3  }
0x78: {  	[tilespmem:$0x1C030] =	vst v3;
	vm1 =	vlt.s32 v7, $0x0  }
0x79: {  	[tilespmem:$0x1C040] =	vst v3;
	v7 =	vsel vm1, v4, v7  }
0x7a: {  	[tilespmem:$0x1C050] =	vst v7  }
0x7b: {  	[tilespmem:$0x1C060] =	vst v7  }
0x7c: {  	[tilespmem:$0x1C070] =	vst v7  }
0x7d: {  	[tilespmem:$0x1C080] =	vst v7  }
0x7e: {  	[tilespmem:$0x1C090] =	vst v7  }
0x7f: {  	[tilespmem:$0x1C0A0] =	vst v7  }
0x80: {  	[tilespmem:$0x1C0B0] =	vst v7  }
0x81: {  	[tilespmem:$0x1C0C0] =	vst v7  }
0x82: {  	[tilespmem:$0x1C0D0] =	vst v7  }
0x83: {  	[tilespmem:$0x1C0E0] =	vst v7  }
0x84: {  	[tilespmem:$0x1C0F0] =	vst v7  }
0x85: {  	[tilespmem:$0x1C100] =	vst v7  }
0x86: {  	[tilespmem:$0x1C110] =	vst v7  }
0x87: {  	[tilespmem:$0x1C120] =	vst v7  }
0x88: {  	[tilespmem:$0x1C130] =	vst v7  }
0x89: {  	[tilespmem:$0x1C140] =	vst v7  }
0x8a: {  	[tilespmem:$0x1C150] =	vst v7  }
0x8b: {  	[tilespmem:$0x1C160] =	vst v7  }
0x8c: {  	[tilespmem:$0x1C170] =	vst v7  }
0x8d: {  	[tilespmem:$0x1C180] =	vst v7  }
0x8e: {  	[tilespmem:$0x1C190] =	vst v7  }
0x8f: {  	[tilespmem:$0x1C1A0] =	vst v7  }
0x90: {  	[tilespmem:$0x1C1B0] =	vst v7  }
0x91: {  	[tilespmem:$0x1C1C0] =	vst v7  }
0x92: {  	[tilespmem:$0x1C1D0] =	vst v7  }
0x93: {  	[tilespmem:$0x1C1E0] =	vst v7  }
0x94: {  	[tilespmem:$0x1C1F0] =	vst v7  }
0x95: {  	[tilespmem:$0x1C200] =	vst v7  }
0x96: {  	[tilespmem:$0x1C210] =	vst v7  }
0x97: {  	[tilespmem:$0x1C220] =	vst v7  }
0x98: {  	[tilespmem:$0x1C230] =	vst v7  }
0x99: {  	[tilespmem:$0x1C240] =	vst v7  }
0x9a: {  	[tilespmem:$0x1C250] =	vst v7  }
0x9b: {  	[tilespmem:$0x1C260] =	vst v7  }
0x9c: {  	[tilespmem:$0x1C270] =	vst v7  }
0x9d: {  	[tilespmem:$0x1C280] =	vst v7  }
0x9e: {  	[tilespmem:$0x1C290] =	vst v7  }
0x9f: {  	[tilespmem:$0x1C2A0] =	vst v7  }
0xa0: {  	[tilespmem:$0x1C2B0] =	vst v7  }
0xa1: {  	[tilespmem:$0x1C2C0] =	vst v7  }
0xa2: {  	[tilespmem:$0x1C2D0] =	vst v7  }
0xa3: {  	[tilespmem:$0x1C2E0] =	vst v7  }
0xa4: {  	[tilespmem:$0x1C2F0] =	vst v7  }
0xa5: {  	[tilespmem:$0x1C300] =	vst v7  }
0xa6: {  	[tilespmem:$0x1C310] =	vst v7  }
0xa7: {  	[tilespmem:$0x1C320] =	vst v7  }
0xa8: {  	[tilespmem:$0x1C330] =	vst v7  }
0xa9: {  	[tilespmem:$0x1C340] =	vst v7  }
0xaa: {  	[tilespmem:$0x1C350] =	vst v7  }
0xab: {  	[tilespmem:$0x1C360] =	vst v7  }
0xac: {  	[tilespmem:$0x1C370] =	vst v7  }
0xad: {  	[tilespmem:$0x1C380] =	vst v7  }
0xae: {  	[tilespmem:$0x1C390] =	vst v7  }
0xaf: {  	[tilespmem:$0x1C3A0] =	vst v7  }
0xb0: {  	[tilespmem:$0x1C3B0] =	vst v7  }
0xb1: {  	[tilespmem:$0x1C3C0] =	vst v7  }
0xb2: {  	[tilespmem:$0x1C3D0] =	vst v7  }
0xb3: {  	[tilespmem:$0x1C3E0] =	vst v7  }
0xb4: {  	[tilespmem:$0x1C3F0] =	vst v7  }
0xb5: {  	[tilespmem:$0x1C400] =	vst v7  }
0xb6: {  	[tilespmem:$0x1C410] =	vst v7  }
0xb7: {  	[tilespmem:$0x1C420] =	vst v7  }
0xb8: {  	[tilespmem:$0x1C430] =	vst v7  }
0xb9: {  	[tilespmem:$0x1C440] =	vst v7  }
0xba: {  	s29 =	simm.s32 @p0 $0x1;
	[tilespmem:$0x1C450] =	vst v7  }
0xbb: {  	_ =	swait.ge @p0 [sflag:s29], $0x7860  }
0xbc: {  	[sflag:s29] =	ssyncset.done @p0 $0x0  }
0xbd: {  	[sflag:s29] =	ssyncadd.s32 @p0 $0xFFFF87A0;
	s29 =	simm.s32 @!p0 $0x1  }
0xbe: {  	_ =	swait.ge @!p0 [sflag:s29], $0x7A20  }
0xbf: {  	[sflag:s29] =	ssyncset.done @!p0 $0x0  }
0xc0: {  	[sflag:s29] =	ssyncadd.s32 @!p0 $0xFFFF85E0;
	s29 =	simm.s32 $0x0  }
0xc1: {  	v7 =	vld [tilespmem:s29+$0x0];
	_ =	sdelay $0x4  }
0xc2: {  	vm1 =	vge.s32 v7, v0;
	vm2 =	vlt.s32 v7, v2  }
0xc3: {  	vm1 =	vmand vm1, vm2  }
0xc4: {  	v8 =	vsel vm1, $0x1, v6  }
0xc5: {  	(xrf0) =	vadd.scan.msk.s32 $0xffff, v8  }
0xc6: {  	v8 =	vsub.s32 v7, v0  }
0xc7: {  	v8 =	vnsel vm1, $0x0, v8;
	_ =	sdelay $0x3  }
0xc8: {  	v9, _, _ =	vpop (xrf0)  }
0xc9: {  	v11 =	vld.idx.msk [tilespmem:v8+s15+$0x0], vm1;
	v10 =	vxor.u32 $0x80000000, v9  }
0xca: {  	v10 =	vnsel vm1, $0x80000000, v10  }
0xcb: {  	(xrf0) =	vmax.scan.msk.u32 $0xffff, v10;
	_ =	sdelay $0x2  }
0xcc: {  	v10 =	vnsel vm1, $0x0, v11;
	_ =	sdelay $0x2  }
0xcd: {  	v11, _, _ =	vpop (xrf0)  }
0xce: {  	(v2sf) =	vpush v11, $0xF  }
0xcf: {  	v11 =	vld.idx.msk [tilespmem:v10+s13+$0x0], $0xffff;
	_ =	sdelay $0x1  }
0xd0: {  	s29 =	simm.s32 $0x0  }
0xd1: {  	v9 =	vadd.s32 s29, v9  }
0xd2: {  	vm2 =	vlt.s32 v9, $0x401  }
0xd3: {  	[tilespmem:v8+s16+$0x0] =	vst.idx.msk vm1, v11;
	vm1 =	vmand vm1, vm2  }
0xd4: {  	[tilespmem:s29+$0x1BC40] =	vst.msk vm1, v7  }
0xd5: {  	s30 =	simm.s32 $0x10;
	[tilespmem:s29+$0x1C050] =	vst.msk vm1, v10  }
0xd6: {  	v7 =	vld [tilespmem:s30+$0x0];
	_ =	sdelay $0x4  }
0xd7: {  	vm1 =	vge.s32 v7, v0;
	vm2 =	vlt.s32 v7, v2  }
0xd8: {  	v8 =	vsub.s32 v7, v0;
	vm1 =	vmand vm1, vm2;
	s30 =	spop (v2sf)  }
0xd9: {  	v9 =	vsel vm1, $0x1, v6;
	v8 =	vnsel vm1, $0x0, v8;
	s2 =	sxor.u32 $0x80000000, s30  }
0xda: {  	s31 =	simm.s32 $0x400;
	(xrf0) =	vadd.scan.msk.s32 $0xffff, v9;
	p1 =	slt.s32 s2, $0x400  }
0xdb: {  	s30 =	simm.s32 $0x80;
	s31 =	smov.u32 @p1 s2  }
.LBB2_4:
0xdc: {  	p1 =	sne.s32 s30, $0xFFC0  }
0xdd: {  	s29 =	sadd.s32 s29, s31;
	s2 =	smov.u32 s30;
	s30 =	sadd.s32 $0x40, s30  }
0xde: {  	v9 =	vld.idx.msk [tilespmem:v8+s15+$0x0], vm1;
	_ =	sdelay $0x1  }
0xdf: {  	v10, _, _ =	vpop (xrf0)  }
0xe0: {  	v11 =	vadd.s32 s29, v10;
	v10 =	vxor.u32 $0x80000000, v10  }
0xe1: {  	vm2 =	vlt.s32 v11, $0x401;
	v10 =	vnsel vm1, $0x80000000, v10  }
0xe2: {  	(xrf0) =	vmax.scan.msk.u32 $0xffff, v10  }
0xe3: {  	v9 =	vnsel vm1, $0x0, v9;
	_ =	sdelay $0x4  }
0xe4: {  	v10 =	vld.idx.msk [tilespmem:v9+s13+$0x0], $0xffff;
	v11, _, _ =	vpop (xrf0)  }
0xe5: {  	(v2sf) =	vpush v11, $0xF;
	_ =	sdelay $0x4  }
0xe6: {  	[tilespmem:v8+s16+$0x0] =	vst.idx.msk vm1, v10;
	vm1 =	vmand vm1, vm2  }
0xe7: {  	[tilespmem:s29+$0x1BC40] =	vst.msk vm1, v7  }
0xe8: {  	s2 =	sshra.s32 s2, $0x2;
	[tilespmem:s29+$0x1C050] =	vst.msk vm1, v9  }
0xe9: {  	v7 =	vld [tilespmem:s2+$0x0];
	_ =	sdelay $0x4  }
0xea: {  	vm1 =	vge.s32 v7, v0;
	vm2 =	vlt.s32 v7, v2  }
.Ltmp1:
0xeb: {  	v8 =	vsub.s32 v7, v0;
	vm1 =	vmand vm1, vm2;
	(pc) =	sbr.rel @p1 .LBB2_4-.Ltmp1, $4  }
0xec: {  	v8 =	vnsel vm1, $0x0, v8;
	v9 =	vsel vm1, $0x1, v6;
	s2 =	spop (v2sf)  }
0xed: {  	s31 =	ssub.s32 $0x400, s29;
	(xrf0) =	vadd.scan.msk.s32 $0xffff, v9;
	s2 =	sxor.u32 $0x80000000, s2  }
0xee: {  	p2 =	slt.s32 s2, s31  }
0xef: {  	s31 =	smov.u32 @p2 s2  }
0xf0: {  	_ =	sdelay $0x4  }
0xf1: {  	v9 =	vld.idx.msk [tilespmem:v8+s15+$0x0], vm1;
	_ =	sdelay $0x4  }
0xf2: {  	v9 =	vnsel vm1, $0x0, v9;
	_ =	sdelay $0x4  }
0xf3: {  	v10 =	vld.idx.msk [tilespmem:v9+s13+$0x0], $0xffff;
	_ =	sdelay $0x1  }
0xf4: {  	s2 =	sadd.s32 s29, s31;
	v11, _, _ =	vpop (xrf0)  }
0xf5: {  	v12 =	vadd.s32 s2, v11  }
0xf6: {  	vm2 =	vlt.s32 v12, $0x401  }
0xf7: {  	vm2 =	vmand vm1, vm2;
	[tilespmem:v8+s16+$0x0] =	vst.idx.msk vm1, v10  }
0xf8: {  	[tilespmem:s2+$0x1BC40] =	vst.msk vm2, v7  }
0xf9: {  	s29 =	simm.s32 @p0 $0xFA20;
	[tilespmem:s2+$0x1C050] =	vst.msk vm2, v9;
	s2 =	simm.s32 @p0 $0x0  }
0xfa: {  	[hbm4b:s8+s2] =	stream.linear.scatter @p0 [tilespmem:s29], [sflag:$0x1], $0x7860, $0x38;
	[tilespmem:$0x1C460] =	vst v63  }
0xfb: {  	s2 =	simm.s32 @!p0 $0x0;
	s29 =	simm.s32 @!p0 $0xFA20  }
0xfc: {  	[hbm4b:s7+s2] =	stream.linear.scatter @!p0 [tilespmem:s29], [sflag:$0x1], $0x7A20, $0x38;
	[tilespmem:$0x1C460] =	vst v63  }
0xfd: {  	v7 =	vld [tilespmem:$0x1C050];
	_ =	sdelay $0x7  }
0xfe: {  	[tilespmem:s17], [sflag:$0x2] =	stream.indirect_vreg.gather [hbm4b:s4+s5], $0x80, v7, vm0, $0xb8;
	[tilespmem:$0x1C460] =	vst v63  }
0xff: {  	v7 =	vld [tilespmem:$0x1C060];
	_ =	sdelay $0x7  }
0x100: {  	[tilespmem:s18], [sflag:$0x2] =	stream.indirect_vreg.gather [hbm4b:s4+s5], $0x80, v7, vm0, $0xb8;
	[tilespmem:$0x1C460] =	vst v63  }
0x101: {  	v7 =	vld [tilespmem:$0x1C070]  }
0x102: {  	v8 =	vxor.u32 $0x80000000, v11  }
0x103: {  	v8 =	vnsel vm1, $0x80000000, v8  }
0x104: {  	(xrf0) =	vmax.scan.msk.u32 $0xffff, v8;
	_ =	sdelay $0x4  }
0x105: {  	[tilespmem:s19], [sflag:$0x2] =	stream.indirect_vreg.gather [hbm4b:s4+s5], $0x80, v7, vm0, $0xb8;
	[tilespmem:$0x1C460] =	vst v63  }
0x106: {  	v7, _, _ =	vpop (xrf0);
	v8 =	vld [tilespmem:$0x1C080]  }
0x107: {  	(v2sf) =	vpush v7, $0xF;
	_ =	sdelay $0x6  }
0x108: {  	[tilespmem:s20], [sflag:$0x2] =	stream.indirect_vreg.gather [hbm4b:s4+s5], $0x80, v8, vm0, $0xb8;
	[tilespmem:$0x1C460] =	vst v63  }
0x109: {  	v7 =	vld [tilespmem:$0x1C090];
	_ =	sdelay $0x6  }
0x10a: {  	s31 =	spop (v2sf)  }
0x10b: {  	[tilespmem:s21], [sflag:$0x2] =	stream.indirect_vreg.gather [hbm4b:s4+s5], $0x80, v7, vm0, $0xb8;
	[tilespmem:$0x1C460] =	vst v63  }
0x10c: {  	_ =	swait.ge [sflag:s22], $0x800  }
0x10d: {  	[sflag:s22] =	ssyncset.done $0x0  }
0x10e: {  	[sflag:s22] =	ssyncadd.s32 $0xFFFFF800  }
0x10f: {  	v7 =	vld [tilespmem:$0x1BC40];
	_ =	sdelay $0x7  }
0x110: {  	[hbm4b:s6+s5] =	stream.indirect_vreg.scatter [tilespmem:s17], [sflag:$0x3], $0x80, v7, vm0, $0xb8;
	[tilespmem:$0x1C460] =	vst v63  }
0x111: {  	v7 =	vld [tilespmem:$0x1C0A0];
	_ =	sdelay $0x7  }
0x112: {  	[tilespmem:s23], [sflag:$0x2] =	stream.indirect_vreg.gather [hbm4b:s4+s5], $0x80, v7, vm0, $0xb8;
	[tilespmem:$0x1C460] =	vst v63  }
0x113: {  	_ =	swait.ge [sflag:s22], $0x800  }
0x114: {  	[sflag:s22] =	ssyncset.done $0x0  }
0x115: {  	[sflag:s22] =	ssyncadd.s32 $0xFFFFF800  }
0x116: {  	v7 =	vld [tilespmem:$0x1BC50];
	_ =	sdelay $0x7  }
0x117: {  	[hbm4b:s6+s5] =	stream.indirect_vreg.scatter [tilespmem:s18], [sflag:$0x3], $0x80, v7, vm0, $0xb8;
	[tilespmem:$0x1C460] =	vst v63  }
0x118: {  	v7 =	vld [tilespmem:$0x1C0B0];
	_ =	sdelay $0x7  }
0x119: {  	[tilespmem:s24], [sflag:$0x2] =	stream.indirect_vreg.gather [hbm4b:s4+s5], $0x80, v7, vm0, $0xb8;
	[tilespmem:$0x1C460] =	vst v63  }
0x11a: {  	_ =	swait.ge [sflag:s22], $0x800  }
0x11b: {  	[sflag:s22] =	ssyncset.done $0x0  }
0x11c: {  	[sflag:s22] =	ssyncadd.s32 $0xFFFFF800  }
0x11d: {  	v7 =	vld [tilespmem:$0x1BC60];
	_ =	sdelay $0x7  }
0x11e: {  	[hbm4b:s6+s5] =	stream.indirect_vreg.scatter [tilespmem:s19], [sflag:$0x3], $0x80, v7, vm0, $0xb8;
	[tilespmem:$0x1C460] =	vst v63  }
0x11f: {  	v7 =	vld [tilespmem:$0x1C0C0];
	_ =	sdelay $0x7  }
0x120: {  	[tilespmem:s25], [sflag:$0x2] =	stream.indirect_vreg.gather [hbm4b:s4+s5], $0x80, v7, vm0, $0xb8;
	[tilespmem:$0x1C460] =	vst v63  }
0x121: {  	_ =	swait.ge [sflag:s22], $0x800  }
0x122: {  	[sflag:s22] =	ssyncset.done $0x0  }
0x123: {  	[sflag:s22] =	ssyncadd.s32 $0xFFFFF800  }
0x124: {  	v7 =	vld [tilespmem:$0x1BC70];
	_ =	sdelay $0x7  }
0x125: {  	[hbm4b:s6+s5] =	stream.indirect_vreg.scatter [tilespmem:s20], [sflag:$0x3], $0x80, v7, vm0, $0xb8;
	[tilespmem:$0x1C460] =	vst v63  }
0x126: {  	_ =	swait.ge [sflag:s26], $0x800  }
0x127: {  	[sflag:s26] =	ssyncset.done $0x0  }
0x128: {  	[sflag:s26] =	ssyncadd.s32 $0xFFFFF800  }
0x129: {  	v7 =	vld [tilespmem:$0x1C0D0];
	_ =	sdelay $0x7  }
0x12a: {  	[tilespmem:s17], [sflag:$0x2] =	stream.indirect_vreg.gather [hbm4b:s4+s5], $0x80, v7, vm0, $0xb8;
	[tilespmem:$0x1C460] =	vst v63  }
0x12b: {  	_ =	swait.ge [sflag:s22], $0x800  }
0x12c: {  	[sflag:s22] =	ssyncset.done $0x0  }
0x12d: {  	[sflag:s22] =	ssyncadd.s32 $0xFFFFF800  }
0x12e: {  	v7 =	vld [tilespmem:$0x1BC80];
	_ =	sdelay $0x7  }
0x12f: {  	[hbm4b:s6+s5] =	stream.indirect_vreg.scatter [tilespmem:s21], [sflag:$0x3], $0x80, v7, vm0, $0xb8;
	[tilespmem:$0x1C460] =	vst v63  }
0x130: {  	_ =	swait.ge [sflag:s26], $0x800  }
0x131: {  	[sflag:s26] =	ssyncset.done $0x0  }
0x132: {  	[sflag:s26] =	ssyncadd.s32 $0xFFFFF800  }
0x133: {  	v7 =	vld [tilespmem:$0x1C0E0];
	_ =	sdelay $0x7  }
0x134: {  	[tilespmem:s18], [sflag:$0x2] =	stream.indirect_vreg.gather [hbm4b:s4+s5], $0x80, v7, vm0, $0xb8;
	[tilespmem:$0x1C460] =	vst v63  }
0x135: {  	_ =	swait.ge [sflag:s22], $0x800  }
0x136: {  	[sflag:s22] =	ssyncset.done $0x0  }
0x137: {  	[sflag:s22] =	ssyncadd.s32 $0xFFFFF800  }
0x138: {  	v7 =	vld [tilespmem:$0x1BC90];
	_ =	sdelay $0x7  }
0x139: {  	[hbm4b:s6+s5] =	stream.indirect_vreg.scatter [tilespmem:s23], [sflag:$0x3], $0x80, v7, vm0, $0xb8;
	[tilespmem:$0x1C460] =	vst v63  }
0x13a: {  	_ =	swait.ge [sflag:s26], $0x800  }
0x13b: {  	[sflag:s26] =	ssyncset.done $0x0  }
0x13c: {  	[sflag:s26] =	ssyncadd.s32 $0xFFFFF800  }
0x13d: {  	v7 =	vld [tilespmem:$0x1C0F0];
	_ =	sdelay $0x7  }
0x13e: {  	[tilespmem:s19], [sflag:$0x2] =	stream.indirect_vreg.gather [hbm4b:s4+s5], $0x80, v7, vm0, $0xb8;
	[tilespmem:$0x1C460] =	vst v63  }
0x13f: {  	_ =	swait.ge [sflag:s22], $0x800  }
0x140: {  	[sflag:s22] =	ssyncset.done $0x0  }
0x141: {  	[sflag:s22] =	ssyncadd.s32 $0xFFFFF800  }
0x142: {  	v7 =	vld [tilespmem:$0x1BCA0];
	_ =	sdelay $0x7  }
0x143: {  	[hbm4b:s6+s5] =	stream.indirect_vreg.scatter [tilespmem:s24], [sflag:$0x3], $0x80, v7, vm0, $0xb8;
	[tilespmem:$0x1C460] =	vst v63  }
0x144: {  	_ =	swait.ge [sflag:s26], $0x800  }
0x145: {  	[sflag:s26] =	ssyncset.done $0x0  }
0x146: {  	[sflag:s26] =	ssyncadd.s32 $0xFFFFF800  }
0x147: {  	v7 =	vld [tilespmem:$0x1C100];
	_ =	sdelay $0x7  }
0x148: {  	[tilespmem:s20], [sflag:$0x2] =	stream.indirect_vreg.gather [hbm4b:s4+s5], $0x80, v7, vm0, $0xb8;
	[tilespmem:$0x1C460] =	vst v63  }
0x149: {  	_ =	swait.ge [sflag:s22], $0x800  }
0x14a: {  	[sflag:s22] =	ssyncset.done $0x0  }
0x14b: {  	[sflag:s22] =	ssyncadd.s32 $0xFFFFF800  }
0x14c: {  	v7 =	vld [tilespmem:$0x1BCB0];
	_ =	sdelay $0x7  }
0x14d: {  	[hbm4b:s6+s5] =	stream.indirect_vreg.scatter [tilespmem:s25], [sflag:$0x3], $0x80, v7, vm0, $0xb8;
	[tilespmem:$0x1C460] =	vst v63  }
0x14e: {  	_ =	swait.ge [sflag:s26], $0x800  }
0x14f: {  	[sflag:s26] =	ssyncset.done $0x0  }
0x150: {  	[sflag:s26] =	ssyncadd.s32 $0xFFFFF800  }
0x151: {  	v7 =	vld [tilespmem:$0x1C110];
	_ =	sdelay $0x7  }
0x152: {  	[tilespmem:s21], [sflag:$0x2] =	stream.indirect_vreg.gather [hbm4b:s4+s5], $0x80, v7, vm0, $0xb8;
	[tilespmem:$0x1C460] =	vst v63  }
0x153: {  	_ =	swait.ge [sflag:s22], $0x800  }
0x154: {  	[sflag:s22] =	ssyncset.done $0x0  }
0x155: {  	[sflag:s22] =	ssyncadd.s32 $0xFFFFF800  }
0x156: {  	v7 =	vld [tilespmem:$0x1BCC0];
	_ =	sdelay $0x7  }
0x157: {  	[hbm4b:s6+s5] =	stream.indirect_vreg.scatter [tilespmem:s17], [sflag:$0x3], $0x80, v7, vm0, $0xb8;
	[tilespmem:$0x1C460] =	vst v63  }
0x158: {  	_ =	swait.ge [sflag:s26], $0x800  }
0x159: {  	[sflag:s26] =	ssyncset.done $0x0  }
0x15a: {  	[sflag:s26] =	ssyncadd.s32 $0xFFFFF800  }
0x15b: {  	v7 =	vld [tilespmem:$0x1C120];
	_ =	sdelay $0x7  }
0x15c: {  	[tilespmem:s23], [sflag:$0x2] =	stream.indirect_vreg.gather [hbm4b:s4+s5], $0x80, v7, vm0, $0xb8;
	[tilespmem:$0x1C460] =	vst v63  }
0x15d: {  	_ =	swait.ge [sflag:s22], $0x800  }
0x15e: {  	[sflag:s22] =	ssyncset.done $0x0  }
0x15f: {  	[sflag:s22] =	ssyncadd.s32 $0xFFFFF800  }
0x160: {  	v7 =	vld [tilespmem:$0x1BCD0];
	_ =	sdelay $0x7  }
0x161: {  	[hbm4b:s6+s5] =	stream.indirect_vreg.scatter [tilespmem:s18], [sflag:$0x3], $0x80, v7, vm0, $0xb8;
	[tilespmem:$0x1C460] =	vst v63  }
0x162: {  	_ =	swait.ge [sflag:s26], $0x800  }
0x163: {  	[sflag:s26] =	ssyncset.done $0x0  }
0x164: {  	[sflag:s26] =	ssyncadd.s32 $0xFFFFF800  }
0x165: {  	v7 =	vld [tilespmem:$0x1C130];
	_ =	sdelay $0x7  }
0x166: {  	[tilespmem:s24], [sflag:$0x2] =	stream.indirect_vreg.gather [hbm4b:s4+s5], $0x80, v7, vm0, $0xb8;
	[tilespmem:$0x1C460] =	vst v63  }
0x167: {  	_ =	swait.ge [sflag:s22], $0x800  }
0x168: {  	[sflag:s22] =	ssyncset.done $0x0  }
0x169: {  	[sflag:s22] =	ssyncadd.s32 $0xFFFFF800  }
0x16a: {  	v7 =	vld [tilespmem:$0x1BCE0];
	_ =	sdelay $0x7  }
0x16b: {  	[hbm4b:s6+s5] =	stream.indirect_vreg.scatter [tilespmem:s19], [sflag:$0x3], $0x80, v7, vm0, $0xb8;
	[tilespmem:$0x1C460] =	vst v63  }
0x16c: {  	_ =	swait.ge [sflag:s26], $0x800  }
0x16d: {  	[sflag:s26] =	ssyncset.done $0x0  }
0x16e: {  	[sflag:s26] =	ssyncadd.s32 $0xFFFFF800  }
0x16f: {  	v7 =	vld [tilespmem:$0x1C140];
	_ =	sdelay $0x7  }
0x170: {  	[tilespmem:s25], [sflag:$0x2] =	stream.indirect_vreg.gather [hbm4b:s4+s5], $0x80, v7, vm0, $0xb8;
	[tilespmem:$0x1C460] =	vst v63  }
0x171: {  	_ =	swait.ge [sflag:s22], $0x800  }
0x172: {  	[sflag:s22] =	ssyncset.done $0x0  }
0x173: {  	[sflag:s22] =	ssyncadd.s32 $0xFFFFF800  }
0x174: {  	v7 =	vld [tilespmem:$0x1BCF0];
	_ =	sdelay $0x7  }
0x175: {  	[hbm4b:s6+s5] =	stream.indirect_vreg.scatter [tilespmem:s20], [sflag:$0x3], $0x80, v7, vm0, $0xb8;
	[tilespmem:$0x1C460] =	vst v63  }
0x176: {  	_ =	swait.ge [sflag:s26], $0x800  }
0x177: {  	[sflag:s26] =	ssyncset.done $0x0  }
0x178: {  	[sflag:s26] =	ssyncadd.s32 $0xFFFFF800  }
0x179: {  	v7 =	vld [tilespmem:$0x1C150];
	_ =	sdelay $0x7  }
0x17a: {  	[tilespmem:s17], [sflag:$0x2] =	stream.indirect_vreg.gather [hbm4b:s4+s5], $0x80, v7, vm0, $0xb8;
	[tilespmem:$0x1C460] =	vst v63  }
0x17b: {  	_ =	swait.ge [sflag:s22], $0x800  }
0x17c: {  	[sflag:s22] =	ssyncset.done $0x0  }
0x17d: {  	[sflag:s22] =	ssyncadd.s32 $0xFFFFF800  }
0x17e: {  	v7 =	vld [tilespmem:$0x1BD00];
	_ =	sdelay $0x7  }
0x17f: {  	[hbm4b:s6+s5] =	stream.indirect_vreg.scatter [tilespmem:s21], [sflag:$0x3], $0x80, v7, vm0, $0xb8;
	[tilespmem:$0x1C460] =	vst v63  }
0x180: {  	_ =	swait.ge [sflag:s26], $0x800  }
0x181: {  	[sflag:s26] =	ssyncset.done $0x0  }
0x182: {  	[sflag:s26] =	ssyncadd.s32 $0xFFFFF800  }
0x183: {  	v7 =	vld [tilespmem:$0x1C160];
	_ =	sdelay $0x7  }
0x184: {  	[tilespmem:s18], [sflag:$0x2] =	stream.indirect_vreg.gather [hbm4b:s4+s5], $0x80, v7, vm0, $0xb8;
	[tilespmem:$0x1C460] =	vst v63  }
0x185: {  	_ =	swait.ge [sflag:s22], $0x800  }
0x186: {  	[sflag:s22] =	ssyncset.done $0x0  }
0x187: {  	[sflag:s22] =	ssyncadd.s32 $0xFFFFF800  }
0x188: {  	v7 =	vld [tilespmem:$0x1BD10];
	_ =	sdelay $0x7  }
0x189: {  	[hbm4b:s6+s5] =	stream.indirect_vreg.scatter [tilespmem:s23], [sflag:$0x3], $0x80, v7, vm0, $0xb8;
	[tilespmem:$0x1C460] =	vst v63  }
0x18a: {  	_ =	swait.ge [sflag:s26], $0x800  }
0x18b: {  	[sflag:s26] =	ssyncset.done $0x0  }
0x18c: {  	[sflag:s26] =	ssyncadd.s32 $0xFFFFF800  }
0x18d: {  	v7 =	vld [tilespmem:$0x1C170];
	_ =	sdelay $0x7  }
0x18e: {  	[tilespmem:s19], [sflag:$0x2] =	stream.indirect_vreg.gather [hbm4b:s4+s5], $0x80, v7, vm0, $0xb8;
	[tilespmem:$0x1C460] =	vst v63  }
0x18f: {  	_ =	swait.ge [sflag:s22], $0x800  }
0x190: {  	[sflag:s22] =	ssyncset.done $0x0  }
0x191: {  	[sflag:s22] =	ssyncadd.s32 $0xFFFFF800  }
0x192: {  	v7 =	vld [tilespmem:$0x1BD20];
	_ =	sdelay $0x7  }
0x193: {  	[hbm4b:s6+s5] =	stream.indirect_vreg.scatter [tilespmem:s24], [sflag:$0x3], $0x80, v7, vm0, $0xb8;
	[tilespmem:$0x1C460] =	vst v63  }
0x194: {  	_ =	swait.ge [sflag:s26], $0x800  }
0x195: {  	[sflag:s26] =	ssyncset.done $0x0  }
0x196: {  	[sflag:s26] =	ssyncadd.s32 $0xFFFFF800  }
0x197: {  	v7 =	vld [tilespmem:$0x1C180];
	_ =	sdelay $0x7  }
0x198: {  	[tilespmem:s20], [sflag:$0x2] =	stream.indirect_vreg.gather [hbm4b:s4+s5], $0x80, v7, vm0, $0xb8;
	[tilespmem:$0x1C460] =	vst v63  }
0x199: {  	_ =	swait.ge [sflag:s22], $0x800  }
0x19a: {  	[sflag:s22] =	ssyncset.done $0x0  }
0x19b: {  	[sflag:s22] =	ssyncadd.s32 $0xFFFFF800  }
0x19c: {  	v7 =	vld [tilespmem:$0x1BD30];
	_ =	sdelay $0x7  }
0x19d: {  	[hbm4b:s6+s5] =	stream.indirect_vreg.scatter [tilespmem:s25], [sflag:$0x3], $0x80, v7, vm0, $0xb8;
	[tilespmem:$0x1C460] =	vst v63  }
0x19e: {  	_ =	swait.ge [sflag:s26], $0x800  }
0x19f: {  	[sflag:s26] =	ssyncset.done $0x0  }
0x1a0: {  	[sflag:s26] =	ssyncadd.s32 $0xFFFFF800  }
0x1a1: {  	v7 =	vld [tilespmem:$0x1C190];
	_ =	sdelay $0x7  }
0x1a2: {  	[tilespmem:s21], [sflag:$0x2] =	stream.indirect_vreg.gather [hbm4b:s4+s5], $0x80, v7, vm0, $0xb8;
	[tilespmem:$0x1C460] =	vst v63  }
0x1a3: {  	_ =	swait.ge [sflag:s22], $0x800  }
0x1a4: {  	[sflag:s22] =	ssyncset.done $0x0  }
0x1a5: {  	[sflag:s22] =	ssyncadd.s32 $0xFFFFF800  }
0x1a6: {  	v7 =	vld [tilespmem:$0x1BD40];
	_ =	sdelay $0x7  }
0x1a7: {  	[hbm4b:s6+s5] =	stream.indirect_vreg.scatter [tilespmem:s17], [sflag:$0x3], $0x80, v7, vm0, $0xb8;
	[tilespmem:$0x1C460] =	vst v63  }
0x1a8: {  	_ =	swait.ge [sflag:s26], $0x800  }
0x1a9: {  	[sflag:s26] =	ssyncset.done $0x0  }
0x1aa: {  	[sflag:s26] =	ssyncadd.s32 $0xFFFFF800  }
0x1ab: {  	v7 =	vld [tilespmem:$0x1C1A0];
	_ =	sdelay $0x7  }
0x1ac: {  	[tilespmem:s23], [sflag:$0x2] =	stream.indirect_vreg.gather [hbm4b:s4+s5], $0x80, v7, vm0, $0xb8;
	[tilespmem:$0x1C460] =	vst v63  }
0x1ad: {  	_ =	swait.ge [sflag:s22], $0x800  }
0x1ae: {  	[sflag:s22] =	ssyncset.done $0x0  }
0x1af: {  	[sflag:s22] =	ssyncadd.s32 $0xFFFFF800  }
0x1b0: {  	v7 =	vld [tilespmem:$0x1BD50];
	_ =	sdelay $0x7  }
0x1b1: {  	[hbm4b:s6+s5] =	stream.indirect_vreg.scatter [tilespmem:s18], [sflag:$0x3], $0x80, v7, vm0, $0xb8;
	[tilespmem:$0x1C460] =	vst v63  }
0x1b2: {  	_ =	swait.ge [sflag:s26], $0x800  }
0x1b3: {  	[sflag:s26] =	ssyncset.done $0x0  }
0x1b4: {  	[sflag:s26] =	ssyncadd.s32 $0xFFFFF800  }
0x1b5: {  	v7 =	vld [tilespmem:$0x1C1B0];
	_ =	sdelay $0x7  }
0x1b6: {  	[tilespmem:s24], [sflag:$0x2] =	stream.indirect_vreg.gather [hbm4b:s4+s5], $0x80, v7, vm0, $0xb8;
	[tilespmem:$0x1C460] =	vst v63  }
0x1b7: {  	_ =	swait.ge [sflag:s22], $0x800  }
0x1b8: {  	[sflag:s22] =	ssyncset.done $0x0  }
0x1b9: {  	[sflag:s22] =	ssyncadd.s32 $0xFFFFF800  }
0x1ba: {  	v7 =	vld [tilespmem:$0x1BD60];
	_ =	sdelay $0x7  }
0x1bb: {  	[hbm4b:s6+s5] =	stream.indirect_vreg.scatter [tilespmem:s19], [sflag:$0x3], $0x80, v7, vm0, $0xb8;
	[tilespmem:$0x1C460] =	vst v63  }
0x1bc: {  	_ =	swait.ge [sflag:s26], $0x800  }
0x1bd: {  	[sflag:s26] =	ssyncset.done $0x0  }
0x1be: {  	[sflag:s26] =	ssyncadd.s32 $0xFFFFF800  }
0x1bf: {  	v7 =	vld [tilespmem:$0x1C1C0];
	_ =	sdelay $0x7  }
0x1c0: {  	[tilespmem:s25], [sflag:$0x2] =	stream.indirect_vreg.gather [hbm4b:s4+s5], $0x80, v7, vm0, $0xb8;
	[tilespmem:$0x1C460] =	vst v63  }
0x1c1: {  	_ =	swait.ge [sflag:s22], $0x800  }
0x1c2: {  	[sflag:s22] =	ssyncset.done $0x0  }
0x1c3: {  	[sflag:s22] =	ssyncadd.s32 $0xFFFFF800  }
0x1c4: {  	v7 =	vld [tilespmem:$0x1BD70];
	_ =	sdelay $0x7  }
0x1c5: {  	[hbm4b:s6+s5] =	stream.indirect_vreg.scatter [tilespmem:s20], [sflag:$0x3], $0x80, v7, vm0, $0xb8;
	[tilespmem:$0x1C460] =	vst v63  }
0x1c6: {  	_ =	swait.ge [sflag:s26], $0x800  }
0x1c7: {  	[sflag:s26] =	ssyncset.done $0x0  }
0x1c8: {  	[sflag:s26] =	ssyncadd.s32 $0xFFFFF800  }
0x1c9: {  	v7 =	vld [tilespmem:$0x1C1D0];
	_ =	sdelay $0x7  }
0x1ca: {  	[tilespmem:s17], [sflag:$0x2] =	stream.indirect_vreg.gather [hbm4b:s4+s5], $0x80, v7, vm0, $0xb8;
	[tilespmem:$0x1C460] =	vst v63  }
0x1cb: {  	_ =	swait.ge [sflag:s22], $0x800  }
0x1cc: {  	[sflag:s22] =	ssyncset.done $0x0  }
0x1cd: {  	[sflag:s22] =	ssyncadd.s32 $0xFFFFF800  }
0x1ce: {  	v7 =	vld [tilespmem:$0x1BD80];
	_ =	sdelay $0x7  }
0x1cf: {  	[hbm4b:s6+s5] =	stream.indirect_vreg.scatter [tilespmem:s21], [sflag:$0x3], $0x80, v7, vm0, $0xb8;
	[tilespmem:$0x1C460] =	vst v63  }
0x1d0: {  	_ =	swait.ge [sflag:s26], $0x800  }
0x1d1: {  	[sflag:s26] =	ssyncset.done $0x0  }
0x1d2: {  	[sflag:s26] =	ssyncadd.s32 $0xFFFFF800  }
0x1d3: {  	v7 =	vld [tilespmem:$0x1C1E0];
	_ =	sdelay $0x7  }
0x1d4: {  	[tilespmem:s18], [sflag:$0x2] =	stream.indirect_vreg.gather [hbm4b:s4+s5], $0x80, v7, vm0, $0xb8;
	[tilespmem:$0x1C460] =	vst v63  }
0x1d5: {  	_ =	swait.ge [sflag:s22], $0x800  }
0x1d6: {  	[sflag:s22] =	ssyncset.done $0x0  }
0x1d7: {  	[sflag:s22] =	ssyncadd.s32 $0xFFFFF800  }
0x1d8: {  	v7 =	vld [tilespmem:$0x1BD90];
	_ =	sdelay $0x7  }
0x1d9: {  	[hbm4b:s6+s5] =	stream.indirect_vreg.scatter [tilespmem:s23], [sflag:$0x3], $0x80, v7, vm0, $0xb8;
	[tilespmem:$0x1C460] =	vst v63  }
0x1da: {  	_ =	swait.ge [sflag:s26], $0x800  }
0x1db: {  	[sflag:s26] =	ssyncset.done $0x0  }
0x1dc: {  	[sflag:s26] =	ssyncadd.s32 $0xFFFFF800  }
0x1dd: {  	v7 =	vld [tilespmem:$0x1C1F0];
	_ =	sdelay $0x7  }
0x1de: {  	[tilespmem:s19], [sflag:$0x2] =	stream.indirect_vreg.gather [hbm4b:s4+s5], $0x80, v7, vm0, $0xb8;
	[tilespmem:$0x1C460] =	vst v63  }
0x1df: {  	_ =	swait.ge [sflag:s22], $0x800  }
0x1e0: {  	[sflag:s22] =	ssyncset.done $0x0  }
0x1e1: {  	[sflag:s22] =	ssyncadd.s32 $0xFFFFF800  }
0x1e2: {  	v7 =	vld [tilespmem:$0x1BDA0];
	_ =	sdelay $0x7  }
0x1e3: {  	[hbm4b:s6+s5] =	stream.indirect_vreg.scatter [tilespmem:s24], [sflag:$0x3], $0x80, v7, vm0, $0xb8;
	[tilespmem:$0x1C460] =	vst v63  }
0x1e4: {  	_ =	swait.ge [sflag:s26], $0x800  }
0x1e5: {  	[sflag:s26] =	ssyncset.done $0x0  }
0x1e6: {  	[sflag:s26] =	ssyncadd.s32 $0xFFFFF800  }
0x1e7: {  	v7 =	vld [tilespmem:$0x1C200];
	_ =	sdelay $0x7  }
0x1e8: {  	[tilespmem:s20], [sflag:$0x2] =	stream.indirect_vreg.gather [hbm4b:s4+s5], $0x80, v7, vm0, $0xb8;
	[tilespmem:$0x1C460] =	vst v63  }
0x1e9: {  	_ =	swait.ge [sflag:s22], $0x800  }
0x1ea: {  	[sflag:s22] =	ssyncset.done $0x0  }
0x1eb: {  	[sflag:s22] =	ssyncadd.s32 $0xFFFFF800  }
0x1ec: {  	v7 =	vld [tilespmem:$0x1BDB0];
	_ =	sdelay $0x7  }
0x1ed: {  	[hbm4b:s6+s5] =	stream.indirect_vreg.scatter [tilespmem:s25], [sflag:$0x3], $0x80, v7, vm0, $0xb8;
	[tilespmem:$0x1C460] =	vst v63  }
0x1ee: {  	_ =	swait.ge [sflag:s26], $0x800  }
0x1ef: {  	[sflag:s26] =	ssyncset.done $0x0  }
0x1f0: {  	[sflag:s26] =	ssyncadd.s32 $0xFFFFF800  }
0x1f1: {  	v7 =	vld [tilespmem:$0x1C210];
	_ =	sdelay $0x7  }
0x1f2: {  	[tilespmem:s21], [sflag:$0x2] =	stream.indirect_vreg.gather [hbm4b:s4+s5], $0x80, v7, vm0, $0xb8;
	[tilespmem:$0x1C460] =	vst v63  }
0x1f3: {  	_ =	swait.ge [sflag:s22], $0x800  }
0x1f4: {  	[sflag:s22] =	ssyncset.done $0x0  }
0x1f5: {  	[sflag:s22] =	ssyncadd.s32 $0xFFFFF800  }
0x1f6: {  	v7 =	vld [tilespmem:$0x1BDC0];
	_ =	sdelay $0x7  }
0x1f7: {  	[hbm4b:s6+s5] =	stream.indirect_vreg.scatter [tilespmem:s17], [sflag:$0x3], $0x80, v7, vm0, $0xb8;
	[tilespmem:$0x1C460] =	vst v63  }
0x1f8: {  	_ =	swait.ge [sflag:s26], $0x800  }
0x1f9: {  	[sflag:s26] =	ssyncset.done $0x0  }
0x1fa: {  	[sflag:s26] =	ssyncadd.s32 $0xFFFFF800  }
0x1fb: {  	v7 =	vld [tilespmem:$0x1C220];
	_ =	sdelay $0x7  }
0x1fc: {  	[tilespmem:s23], [sflag:$0x2] =	stream.indirect_vreg.gather [hbm4b:s4+s5], $0x80, v7, vm0, $0xb8;
	[tilespmem:$0x1C460] =	vst v63  }
0x1fd: {  	_ =	swait.ge [sflag:s22], $0x800  }
0x1fe: {  	[sflag:s22] =	ssyncset.done $0x0  }
0x1ff: {  	[sflag:s22] =	ssyncadd.s32 $0xFFFFF800  }
0x200: {  	v7 =	vld [tilespmem:$0x1BDD0];
	_ =	sdelay $0x7  }
0x201: {  	[hbm4b:s6+s5] =	stream.indirect_vreg.scatter [tilespmem:s18], [sflag:$0x3], $0x80, v7, vm0, $0xb8;
	[tilespmem:$0x1C460] =	vst v63  }
0x202: {  	_ =	swait.ge [sflag:s26], $0x800  }
0x203: {  	[sflag:s26] =	ssyncset.done $0x0  }
0x204: {  	[sflag:s26] =	ssyncadd.s32 $0xFFFFF800  }
0x205: {  	v7 =	vld [tilespmem:$0x1C230];
	_ =	sdelay $0x7  }
0x206: {  	[tilespmem:s24], [sflag:$0x2] =	stream.indirect_vreg.gather [hbm4b:s4+s5], $0x80, v7, vm0, $0xb8;
	[tilespmem:$0x1C460] =	vst v63  }
0x207: {  	_ =	swait.ge [sflag:s22], $0x800  }
0x208: {  	[sflag:s22] =	ssyncset.done $0x0  }
0x209: {  	[sflag:s22] =	ssyncadd.s32 $0xFFFFF800  }
0x20a: {  	v7 =	vld [tilespmem:$0x1BDE0];
	_ =	sdelay $0x7  }
0x20b: {  	[hbm4b:s6+s5] =	stream.indirect_vreg.scatter [tilespmem:s19], [sflag:$0x3], $0x80, v7, vm0, $0xb8;
	[tilespmem:$0x1C460] =	vst v63  }
0x20c: {  	_ =	swait.ge [sflag:s26], $0x800  }
0x20d: {  	[sflag:s26] =	ssyncset.done $0x0  }
0x20e: {  	[sflag:s26] =	ssyncadd.s32 $0xFFFFF800  }
0x20f: {  	v7 =	vld [tilespmem:$0x1C240];
	_ =	sdelay $0x7  }
0x210: {  	[tilespmem:s25], [sflag:$0x2] =	stream.indirect_vreg.gather [hbm4b:s4+s5], $0x80, v7, vm0, $0xb8;
	[tilespmem:$0x1C460] =	vst v63  }
0x211: {  	_ =	swait.ge [sflag:s22], $0x800  }
0x212: {  	[sflag:s22] =	ssyncset.done $0x0  }
0x213: {  	[sflag:s22] =	ssyncadd.s32 $0xFFFFF800  }
0x214: {  	v7 =	vld [tilespmem:$0x1BDF0];
	_ =	sdelay $0x7  }
0x215: {  	[hbm4b:s6+s5] =	stream.indirect_vreg.scatter [tilespmem:s20], [sflag:$0x3], $0x80, v7, vm0, $0xb8;
	[tilespmem:$0x1C460] =	vst v63  }
0x216: {  	_ =	swait.ge [sflag:s26], $0x800  }
0x217: {  	[sflag:s26] =	ssyncset.done $0x0  }
0x218: {  	[sflag:s26] =	ssyncadd.s32 $0xFFFFF800  }
0x219: {  	v7 =	vld [tilespmem:$0x1C250];
	_ =	sdelay $0x7  }
0x21a: {  	[tilespmem:s17], [sflag:$0x2] =	stream.indirect_vreg.gather [hbm4b:s4+s5], $0x80, v7, vm0, $0xb8;
	[tilespmem:$0x1C460] =	vst v63  }
0x21b: {  	_ =	swait.ge [sflag:s22], $0x800  }
0x21c: {  	[sflag:s22] =	ssyncset.done $0x0  }
0x21d: {  	[sflag:s22] =	ssyncadd.s32 $0xFFFFF800  }
0x21e: {  	v7 =	vld [tilespmem:$0x1BE00];
	_ =	sdelay $0x7  }
0x21f: {  	[hbm4b:s6+s5] =	stream.indirect_vreg.scatter [tilespmem:s21], [sflag:$0x3], $0x80, v7, vm0, $0xb8;
	[tilespmem:$0x1C460] =	vst v63  }
0x220: {  	_ =	swait.ge [sflag:s26], $0x800  }
0x221: {  	[sflag:s26] =	ssyncset.done $0x0  }
0x222: {  	[sflag:s26] =	ssyncadd.s32 $0xFFFFF800  }
0x223: {  	v7 =	vld [tilespmem:$0x1C260];
	_ =	sdelay $0x7  }
0x224: {  	[tilespmem:s18], [sflag:$0x2] =	stream.indirect_vreg.gather [hbm4b:s4+s5], $0x80, v7, vm0, $0xb8;
	[tilespmem:$0x1C460] =	vst v63  }
0x225: {  	_ =	swait.ge [sflag:s22], $0x800  }
0x226: {  	[sflag:s22] =	ssyncset.done $0x0  }
0x227: {  	[sflag:s22] =	ssyncadd.s32 $0xFFFFF800  }
0x228: {  	v7 =	vld [tilespmem:$0x1BE10];
	_ =	sdelay $0x7  }
0x229: {  	[hbm4b:s6+s5] =	stream.indirect_vreg.scatter [tilespmem:s23], [sflag:$0x3], $0x80, v7, vm0, $0xb8;
	[tilespmem:$0x1C460] =	vst v63  }
0x22a: {  	_ =	swait.ge [sflag:s26], $0x800  }
0x22b: {  	[sflag:s26] =	ssyncset.done $0x0  }
0x22c: {  	[sflag:s26] =	ssyncadd.s32 $0xFFFFF800  }
0x22d: {  	v7 =	vld [tilespmem:$0x1C270];
	_ =	sdelay $0x7  }
0x22e: {  	[tilespmem:s19], [sflag:$0x2] =	stream.indirect_vreg.gather [hbm4b:s4+s5], $0x80, v7, vm0, $0xb8;
	[tilespmem:$0x1C460] =	vst v63  }
0x22f: {  	_ =	swait.ge [sflag:s22], $0x800  }
0x230: {  	[sflag:s22] =	ssyncset.done $0x0  }
0x231: {  	[sflag:s22] =	ssyncadd.s32 $0xFFFFF800  }
0x232: {  	v7 =	vld [tilespmem:$0x1BE20];
	_ =	sdelay $0x7  }
0x233: {  	[hbm4b:s6+s5] =	stream.indirect_vreg.scatter [tilespmem:s24], [sflag:$0x3], $0x80, v7, vm0, $0xb8;
	[tilespmem:$0x1C460] =	vst v63  }
0x234: {  	_ =	swait.ge [sflag:s26], $0x800  }
0x235: {  	[sflag:s26] =	ssyncset.done $0x0  }
0x236: {  	[sflag:s26] =	ssyncadd.s32 $0xFFFFF800  }
0x237: {  	v7 =	vld [tilespmem:$0x1C280];
	_ =	sdelay $0x7  }
0x238: {  	[tilespmem:s20], [sflag:$0x2] =	stream.indirect_vreg.gather [hbm4b:s4+s5], $0x80, v7, vm0, $0xb8;
	[tilespmem:$0x1C460] =	vst v63  }
0x239: {  	_ =	swait.ge [sflag:s22], $0x800  }
0x23a: {  	[sflag:s22] =	ssyncset.done $0x0  }
0x23b: {  	[sflag:s22] =	ssyncadd.s32 $0xFFFFF800  }
0x23c: {  	v7 =	vld [tilespmem:$0x1BE30];
	_ =	sdelay $0x7  }
0x23d: {  	[hbm4b:s6+s5] =	stream.indirect_vreg.scatter [tilespmem:s25], [sflag:$0x3], $0x80, v7, vm0, $0xb8;
	[tilespmem:$0x1C460] =	vst v63  }
0x23e: {  	_ =	swait.ge [sflag:s26], $0x800  }
0x23f: {  	[sflag:s26] =	ssyncset.done $0x0  }
0x240: {  	[sflag:s26] =	ssyncadd.s32 $0xFFFFF800  }
0x241: {  	v7 =	vld [tilespmem:$0x1C290];
	_ =	sdelay $0x7  }
0x242: {  	[tilespmem:s21], [sflag:$0x2] =	stream.indirect_vreg.gather [hbm4b:s4+s5], $0x80, v7, vm0, $0xb8;
	[tilespmem:$0x1C460] =	vst v63  }
0x243: {  	_ =	swait.ge [sflag:s22], $0x800  }
0x244: {  	[sflag:s22] =	ssyncset.done $0x0  }
0x245: {  	[sflag:s22] =	ssyncadd.s32 $0xFFFFF800  }
0x246: {  	v7 =	vld [tilespmem:$0x1BE40];
	_ =	sdelay $0x7  }
0x247: {  	[hbm4b:s6+s5] =	stream.indirect_vreg.scatter [tilespmem:s17], [sflag:$0x3], $0x80, v7, vm0, $0xb8;
	[tilespmem:$0x1C460] =	vst v63  }
0x248: {  	_ =	swait.ge [sflag:s26], $0x800  }
0x249: {  	[sflag:s26] =	ssyncset.done $0x0  }
0x24a: {  	[sflag:s26] =	ssyncadd.s32 $0xFFFFF800  }
0x24b: {  	v7 =	vld [tilespmem:$0x1C2A0];
	_ =	sdelay $0x7  }
0x24c: {  	[tilespmem:s23], [sflag:$0x2] =	stream.indirect_vreg.gather [hbm4b:s4+s5], $0x80, v7, vm0, $0xb8;
	[tilespmem:$0x1C460] =	vst v63  }
0x24d: {  	_ =	swait.ge [sflag:s22], $0x800  }
0x24e: {  	[sflag:s22] =	ssyncset.done $0x0  }
0x24f: {  	[sflag:s22] =	ssyncadd.s32 $0xFFFFF800  }
0x250: {  	v7 =	vld [tilespmem:$0x1BE50];
	_ =	sdelay $0x7  }
0x251: {  	[hbm4b:s6+s5] =	stream.indirect_vreg.scatter [tilespmem:s18], [sflag:$0x3], $0x80, v7, vm0, $0xb8;
	[tilespmem:$0x1C460] =	vst v63  }
0x252: {  	_ =	swait.ge [sflag:s26], $0x800  }
0x253: {  	[sflag:s26] =	ssyncset.done $0x0  }
0x254: {  	[sflag:s26] =	ssyncadd.s32 $0xFFFFF800  }
0x255: {  	v7 =	vld [tilespmem:$0x1C2B0];
	_ =	sdelay $0x7  }
0x256: {  	[tilespmem:s24], [sflag:$0x2] =	stream.indirect_vreg.gather [hbm4b:s4+s5], $0x80, v7, vm0, $0xb8;
	[tilespmem:$0x1C460] =	vst v63  }
0x257: {  	_ =	swait.ge [sflag:s22], $0x800  }
0x258: {  	[sflag:s22] =	ssyncset.done $0x0  }
0x259: {  	[sflag:s22] =	ssyncadd.s32 $0xFFFFF800  }
0x25a: {  	v7 =	vld [tilespmem:$0x1BE60];
	_ =	sdelay $0x7  }
0x25b: {  	[hbm4b:s6+s5] =	stream.indirect_vreg.scatter [tilespmem:s19], [sflag:$0x3], $0x80, v7, vm0, $0xb8;
	[tilespmem:$0x1C460] =	vst v63  }
0x25c: {  	_ =	swait.ge [sflag:s26], $0x800  }
0x25d: {  	[sflag:s26] =	ssyncset.done $0x0  }
0x25e: {  	[sflag:s26] =	ssyncadd.s32 $0xFFFFF800  }
0x25f: {  	v7 =	vld [tilespmem:$0x1C2C0];
	_ =	sdelay $0x7  }
0x260: {  	[tilespmem:s25], [sflag:$0x2] =	stream.indirect_vreg.gather [hbm4b:s4+s5], $0x80, v7, vm0, $0xb8;
	[tilespmem:$0x1C460] =	vst v63  }
0x261: {  	_ =	swait.ge [sflag:s22], $0x800  }
0x262: {  	[sflag:s22] =	ssyncset.done $0x0  }
0x263: {  	[sflag:s22] =	ssyncadd.s32 $0xFFFFF800  }
0x264: {  	v7 =	vld [tilespmem:$0x1BE70];
	_ =	sdelay $0x7  }
0x265: {  	[hbm4b:s6+s5] =	stream.indirect_vreg.scatter [tilespmem:s20], [sflag:$0x3], $0x80, v7, vm0, $0xb8;
	[tilespmem:$0x1C460] =	vst v63  }
0x266: {  	_ =	swait.ge [sflag:s26], $0x800  }
0x267: {  	[sflag:s26] =	ssyncset.done $0x0  }
0x268: {  	[sflag:s26] =	ssyncadd.s32 $0xFFFFF800  }
0x269: {  	v7 =	vld [tilespmem:$0x1C2D0];
	_ =	sdelay $0x7  }
0x26a: {  	[tilespmem:s17], [sflag:$0x2] =	stream.indirect_vreg.gather [hbm4b:s4+s5], $0x80, v7, vm0, $0xb8;
	[tilespmem:$0x1C460] =	vst v63  }
0x26b: {  	_ =	swait.ge [sflag:s22], $0x800  }
0x26c: {  	[sflag:s22] =	ssyncset.done $0x0  }
0x26d: {  	[sflag:s22] =	ssyncadd.s32 $0xFFFFF800  }
0x26e: {  	v7 =	vld [tilespmem:$0x1BE80];
	_ =	sdelay $0x7  }
0x26f: {  	[hbm4b:s6+s5] =	stream.indirect_vreg.scatter [tilespmem:s21], [sflag:$0x3], $0x80, v7, vm0, $0xb8;
	[tilespmem:$0x1C460] =	vst v63  }
0x270: {  	_ =	swait.ge [sflag:s26], $0x800  }
0x271: {  	[sflag:s26] =	ssyncset.done $0x0  }
0x272: {  	[sflag:s26] =	ssyncadd.s32 $0xFFFFF800  }
0x273: {  	v7 =	vld [tilespmem:$0x1C2E0];
	_ =	sdelay $0x7  }
0x274: {  	[tilespmem:s18], [sflag:$0x2] =	stream.indirect_vreg.gather [hbm4b:s4+s5], $0x80, v7, vm0, $0xb8;
	[tilespmem:$0x1C460] =	vst v63  }
0x275: {  	_ =	swait.ge [sflag:s22], $0x800  }
0x276: {  	[sflag:s22] =	ssyncset.done $0x0  }
0x277: {  	[sflag:s22] =	ssyncadd.s32 $0xFFFFF800  }
0x278: {  	v7 =	vld [tilespmem:$0x1BE90];
	_ =	sdelay $0x7  }
0x279: {  	[hbm4b:s6+s5] =	stream.indirect_vreg.scatter [tilespmem:s23], [sflag:$0x3], $0x80, v7, vm0, $0xb8;
	[tilespmem:$0x1C460] =	vst v63  }
0x27a: {  	_ =	swait.ge [sflag:s26], $0x800  }
0x27b: {  	[sflag:s26] =	ssyncset.done $0x0  }
0x27c: {  	[sflag:s26] =	ssyncadd.s32 $0xFFFFF800  }
0x27d: {  	v7 =	vld [tilespmem:$0x1C2F0];
	_ =	sdelay $0x7  }
0x27e: {  	[tilespmem:s19], [sflag:$0x2] =	stream.indirect_vreg.gather [hbm4b:s4+s5], $0x80, v7, vm0, $0xb8;
	[tilespmem:$0x1C460] =	vst v63  }
0x27f: {  	_ =	swait.ge [sflag:s22], $0x800  }
0x280: {  	[sflag:s22] =	ssyncset.done $0x0  }
0x281: {  	[sflag:s22] =	ssyncadd.s32 $0xFFFFF800  }
0x282: {  	v7 =	vld [tilespmem:$0x1BEA0];
	_ =	sdelay $0x7  }
0x283: {  	[hbm4b:s6+s5] =	stream.indirect_vreg.scatter [tilespmem:s24], [sflag:$0x3], $0x80, v7, vm0, $0xb8;
	[tilespmem:$0x1C460] =	vst v63  }
0x284: {  	_ =	swait.ge [sflag:s26], $0x800  }
0x285: {  	[sflag:s26] =	ssyncset.done $0x0  }
0x286: {  	[sflag:s26] =	ssyncadd.s32 $0xFFFFF800  }
0x287: {  	v7 =	vld [tilespmem:$0x1C300];
	_ =	sdelay $0x7  }
0x288: {  	[tilespmem:s20], [sflag:$0x2] =	stream.indirect_vreg.gather [hbm4b:s4+s5], $0x80, v7, vm0, $0xb8;
	[tilespmem:$0x1C460] =	vst v63  }
0x289: {  	_ =	swait.ge [sflag:s22], $0x800  }
0x28a: {  	[sflag:s22] =	ssyncset.done $0x0  }
0x28b: {  	[sflag:s22] =	ssyncadd.s32 $0xFFFFF800  }
0x28c: {  	v7 =	vld [tilespmem:$0x1BEB0];
	_ =	sdelay $0x7  }
0x28d: {  	[hbm4b:s6+s5] =	stream.indirect_vreg.scatter [tilespmem:s25], [sflag:$0x3], $0x80, v7, vm0, $0xb8;
	[tilespmem:$0x1C460] =	vst v63  }
0x28e: {  	_ =	swait.ge [sflag:s26], $0x800  }
0x28f: {  	[sflag:s26] =	ssyncset.done $0x0  }
0x290: {  	[sflag:s26] =	ssyncadd.s32 $0xFFFFF800  }
0x291: {  	v7 =	vld [tilespmem:$0x1C310];
	_ =	sdelay $0x7  }
0x292: {  	[tilespmem:s21], [sflag:$0x2] =	stream.indirect_vreg.gather [hbm4b:s4+s5], $0x80, v7, vm0, $0xb8;
	[tilespmem:$0x1C460] =	vst v63  }
0x293: {  	_ =	swait.ge [sflag:s22], $0x800  }
0x294: {  	[sflag:s22] =	ssyncset.done $0x0  }
0x295: {  	[sflag:s22] =	ssyncadd.s32 $0xFFFFF800  }
0x296: {  	v7 =	vld [tilespmem:$0x1BEC0];
	_ =	sdelay $0x7  }
0x297: {  	[hbm4b:s6+s5] =	stream.indirect_vreg.scatter [tilespmem:s17], [sflag:$0x3], $0x80, v7, vm0, $0xb8;
	[tilespmem:$0x1C460] =	vst v63  }
0x298: {  	_ =	swait.ge [sflag:s26], $0x800  }
0x299: {  	[sflag:s26] =	ssyncset.done $0x0  }
0x29a: {  	[sflag:s26] =	ssyncadd.s32 $0xFFFFF800  }
0x29b: {  	v7 =	vld [tilespmem:$0x1C320];
	_ =	sdelay $0x7  }
0x29c: {  	[tilespmem:s23], [sflag:$0x2] =	stream.indirect_vreg.gather [hbm4b:s4+s5], $0x80, v7, vm0, $0xb8;
	[tilespmem:$0x1C460] =	vst v63  }
0x29d: {  	_ =	swait.ge [sflag:s22], $0x800  }
0x29e: {  	[sflag:s22] =	ssyncset.done $0x0  }
0x29f: {  	[sflag:s22] =	ssyncadd.s32 $0xFFFFF800  }
0x2a0: {  	v7 =	vld [tilespmem:$0x1BED0];
	_ =	sdelay $0x7  }
0x2a1: {  	[hbm4b:s6+s5] =	stream.indirect_vreg.scatter [tilespmem:s18], [sflag:$0x3], $0x80, v7, vm0, $0xb8;
	[tilespmem:$0x1C460] =	vst v63  }
0x2a2: {  	_ =	swait.ge [sflag:s26], $0x800  }
0x2a3: {  	[sflag:s26] =	ssyncset.done $0x0  }
0x2a4: {  	[sflag:s26] =	ssyncadd.s32 $0xFFFFF800  }
0x2a5: {  	v7 =	vld [tilespmem:$0x1C330];
	_ =	sdelay $0x7  }
0x2a6: {  	[tilespmem:s24], [sflag:$0x2] =	stream.indirect_vreg.gather [hbm4b:s4+s5], $0x80, v7, vm0, $0xb8;
	[tilespmem:$0x1C460] =	vst v63  }
0x2a7: {  	_ =	swait.ge [sflag:s22], $0x800  }
0x2a8: {  	[sflag:s22] =	ssyncset.done $0x0  }
0x2a9: {  	[sflag:s22] =	ssyncadd.s32 $0xFFFFF800  }
0x2aa: {  	v7 =	vld [tilespmem:$0x1BEE0];
	_ =	sdelay $0x7  }
0x2ab: {  	[hbm4b:s6+s5] =	stream.indirect_vreg.scatter [tilespmem:s19], [sflag:$0x3], $0x80, v7, vm0, $0xb8;
	[tilespmem:$0x1C460] =	vst v63  }
0x2ac: {  	_ =	swait.ge [sflag:s26], $0x800  }
0x2ad: {  	[sflag:s26] =	ssyncset.done $0x0  }
0x2ae: {  	[sflag:s26] =	ssyncadd.s32 $0xFFFFF800  }
0x2af: {  	v7 =	vld [tilespmem:$0x1C340];
	_ =	sdelay $0x7  }
0x2b0: {  	[tilespmem:s25], [sflag:$0x2] =	stream.indirect_vreg.gather [hbm4b:s4+s5], $0x80, v7, vm0, $0xb8;
	[tilespmem:$0x1C460] =	vst v63  }
0x2b1: {  	_ =	swait.ge [sflag:s22], $0x800  }
0x2b2: {  	[sflag:s22] =	ssyncset.done $0x0  }
0x2b3: {  	[sflag:s22] =	ssyncadd.s32 $0xFFFFF800  }
0x2b4: {  	v7 =	vld [tilespmem:$0x1BEF0];
	_ =	sdelay $0x7  }
0x2b5: {  	[hbm4b:s6+s5] =	stream.indirect_vreg.scatter [tilespmem:s20], [sflag:$0x3], $0x80, v7, vm0, $0xb8;
	[tilespmem:$0x1C460] =	vst v63  }
0x2b6: {  	_ =	swait.ge [sflag:s26], $0x800  }
0x2b7: {  	[sflag:s26] =	ssyncset.done $0x0  }
0x2b8: {  	[sflag:s26] =	ssyncadd.s32 $0xFFFFF800  }
0x2b9: {  	v7 =	vld [tilespmem:$0x1C350];
	_ =	sdelay $0x7  }
0x2ba: {  	[tilespmem:s17], [sflag:$0x2] =	stream.indirect_vreg.gather [hbm4b:s4+s5], $0x80, v7, vm0, $0xb8;
	[tilespmem:$0x1C460] =	vst v63  }
0x2bb: {  	_ =	swait.ge [sflag:s22], $0x800  }
0x2bc: {  	[sflag:s22] =	ssyncset.done $0x0  }
0x2bd: {  	[sflag:s22] =	ssyncadd.s32 $0xFFFFF800  }
0x2be: {  	v7 =	vld [tilespmem:$0x1BF00];
	_ =	sdelay $0x7  }
0x2bf: {  	[hbm4b:s6+s5] =	stream.indirect_vreg.scatter [tilespmem:s21], [sflag:$0x3], $0x80, v7, vm0, $0xb8;
	[tilespmem:$0x1C460] =	vst v63  }
0x2c0: {  	_ =	swait.ge [sflag:s26], $0x800  }
0x2c1: {  	[sflag:s26] =	ssyncset.done $0x0  }
0x2c2: {  	[sflag:s26] =	ssyncadd.s32 $0xFFFFF800  }
0x2c3: {  	v7 =	vld [tilespmem:$0x1C360];
	_ =	sdelay $0x7  }
0x2c4: {  	[tilespmem:s18], [sflag:$0x2] =	stream.indirect_vreg.gather [hbm4b:s4+s5], $0x80, v7, vm0, $0xb8;
	[tilespmem:$0x1C460] =	vst v63  }
0x2c5: {  	_ =	swait.ge [sflag:s22], $0x800  }
0x2c6: {  	[sflag:s22] =	ssyncset.done $0x0  }
0x2c7: {  	[sflag:s22] =	ssyncadd.s32 $0xFFFFF800  }
0x2c8: {  	v7 =	vld [tilespmem:$0x1BF10];
	_ =	sdelay $0x7  }
0x2c9: {  	[hbm4b:s6+s5] =	stream.indirect_vreg.scatter [tilespmem:s23], [sflag:$0x3], $0x80, v7, vm0, $0xb8;
	[tilespmem:$0x1C460] =	vst v63  }
0x2ca: {  	_ =	swait.ge [sflag:s26], $0x800  }
0x2cb: {  	[sflag:s26] =	ssyncset.done $0x0  }
0x2cc: {  	[sflag:s26] =	ssyncadd.s32 $0xFFFFF800  }
0x2cd: {  	v7 =	vld [tilespmem:$0x1C370];
	_ =	sdelay $0x7  }
0x2ce: {  	[tilespmem:s19], [sflag:$0x2] =	stream.indirect_vreg.gather [hbm4b:s4+s5], $0x80, v7, vm0, $0xb8;
	[tilespmem:$0x1C460] =	vst v63  }
0x2cf: {  	_ =	swait.ge [sflag:s22], $0x800  }
0x2d0: {  	[sflag:s22] =	ssyncset.done $0x0  }
0x2d1: {  	[sflag:s22] =	ssyncadd.s32 $0xFFFFF800  }
0x2d2: {  	v7 =	vld [tilespmem:$0x1BF20];
	_ =	sdelay $0x7  }
0x2d3: {  	[hbm4b:s6+s5] =	stream.indirect_vreg.scatter [tilespmem:s24], [sflag:$0x3], $0x80, v7, vm0, $0xb8;
	[tilespmem:$0x1C460] =	vst v63  }
0x2d4: {  	_ =	swait.ge [sflag:s26], $0x800  }
0x2d5: {  	[sflag:s26] =	ssyncset.done $0x0  }
0x2d6: {  	[sflag:s26] =	ssyncadd.s32 $0xFFFFF800  }
0x2d7: {  	v7 =	vld [tilespmem:$0x1C380];
	_ =	sdelay $0x7  }
0x2d8: {  	[tilespmem:s20], [sflag:$0x2] =	stream.indirect_vreg.gather [hbm4b:s4+s5], $0x80, v7, vm0, $0xb8;
	[tilespmem:$0x1C460] =	vst v63  }
0x2d9: {  	_ =	swait.ge [sflag:s22], $0x800  }
0x2da: {  	[sflag:s22] =	ssyncset.done $0x0  }
0x2db: {  	[sflag:s22] =	ssyncadd.s32 $0xFFFFF800  }
0x2dc: {  	v7 =	vld [tilespmem:$0x1BF30];
	_ =	sdelay $0x7  }
0x2dd: {  	[hbm4b:s6+s5] =	stream.indirect_vreg.scatter [tilespmem:s25], [sflag:$0x3], $0x80, v7, vm0, $0xb8;
	[tilespmem:$0x1C460] =	vst v63  }
0x2de: {  	_ =	swait.ge [sflag:s26], $0x800  }
0x2df: {  	[sflag:s26] =	ssyncset.done $0x0  }
0x2e0: {  	[sflag:s26] =	ssyncadd.s32 $0xFFFFF800  }
0x2e1: {  	v7 =	vld [tilespmem:$0x1C390];
	_ =	sdelay $0x7  }
0x2e2: {  	[tilespmem:s21], [sflag:$0x2] =	stream.indirect_vreg.gather [hbm4b:s4+s5], $0x80, v7, vm0, $0xb8;
	[tilespmem:$0x1C460] =	vst v63  }
0x2e3: {  	_ =	swait.ge [sflag:s22], $0x800  }
0x2e4: {  	[sflag:s22] =	ssyncset.done $0x0  }
0x2e5: {  	[sflag:s22] =	ssyncadd.s32 $0xFFFFF800  }
0x2e6: {  	v7 =	vld [tilespmem:$0x1BF40];
	_ =	sdelay $0x7  }
0x2e7: {  	[hbm4b:s6+s5] =	stream.indirect_vreg.scatter [tilespmem:s17], [sflag:$0x3], $0x80, v7, vm0, $0xb8;
	[tilespmem:$0x1C460] =	vst v63  }
0x2e8: {  	_ =	swait.ge [sflag:s26], $0x800  }
0x2e9: {  	[sflag:s26] =	ssyncset.done $0x0  }
0x2ea: {  	[sflag:s26] =	ssyncadd.s32 $0xFFFFF800  }
0x2eb: {  	v7 =	vld [tilespmem:$0x1C3A0];
	_ =	sdelay $0x7  }
0x2ec: {  	[tilespmem:s23], [sflag:$0x2] =	stream.indirect_vreg.gather [hbm4b:s4+s5], $0x80, v7, vm0, $0xb8;
	[tilespmem:$0x1C460] =	vst v63  }
0x2ed: {  	_ =	swait.ge [sflag:s22], $0x800  }
0x2ee: {  	[sflag:s22] =	ssyncset.done $0x0  }
0x2ef: {  	[sflag:s22] =	ssyncadd.s32 $0xFFFFF800  }
0x2f0: {  	v7 =	vld [tilespmem:$0x1BF50];
	_ =	sdelay $0x7  }
0x2f1: {  	[hbm4b:s6+s5] =	stream.indirect_vreg.scatter [tilespmem:s18], [sflag:$0x3], $0x80, v7, vm0, $0xb8;
	[tilespmem:$0x1C460] =	vst v63  }
0x2f2: {  	_ =	swait.ge [sflag:s26], $0x800  }
0x2f3: {  	[sflag:s26] =	ssyncset.done $0x0  }
0x2f4: {  	[sflag:s26] =	ssyncadd.s32 $0xFFFFF800  }
0x2f5: {  	v7 =	vld [tilespmem:$0x1C3B0];
	_ =	sdelay $0x7  }
0x2f6: {  	[tilespmem:s24], [sflag:$0x2] =	stream.indirect_vreg.gather [hbm4b:s4+s5], $0x80, v7, vm0, $0xb8;
	[tilespmem:$0x1C460] =	vst v63  }
0x2f7: {  	_ =	swait.ge [sflag:s22], $0x800  }
0x2f8: {  	[sflag:s22] =	ssyncset.done $0x0  }
0x2f9: {  	[sflag:s22] =	ssyncadd.s32 $0xFFFFF800  }
0x2fa: {  	v7 =	vld [tilespmem:$0x1BF60];
	_ =	sdelay $0x7  }
0x2fb: {  	[hbm4b:s6+s5] =	stream.indirect_vreg.scatter [tilespmem:s19], [sflag:$0x3], $0x80, v7, vm0, $0xb8;
	[tilespmem:$0x1C460] =	vst v63  }
0x2fc: {  	_ =	swait.ge [sflag:s26], $0x800  }
0x2fd: {  	[sflag:s26] =	ssyncset.done $0x0  }
0x2fe: {  	[sflag:s26] =	ssyncadd.s32 $0xFFFFF800  }
0x2ff: {  	v7 =	vld [tilespmem:$0x1C3C0];
	_ =	sdelay $0x7  }
0x300: {  	[tilespmem:s25], [sflag:$0x2] =	stream.indirect_vreg.gather [hbm4b:s4+s5], $0x80, v7, vm0, $0xb8;
	[tilespmem:$0x1C460] =	vst v63  }
0x301: {  	_ =	swait.ge [sflag:s22], $0x800  }
0x302: {  	[sflag:s22] =	ssyncset.done $0x0  }
0x303: {  	[sflag:s22] =	ssyncadd.s32 $0xFFFFF800  }
0x304: {  	v7 =	vld [tilespmem:$0x1BF70];
	_ =	sdelay $0x7  }
0x305: {  	[hbm4b:s6+s5] =	stream.indirect_vreg.scatter [tilespmem:s20], [sflag:$0x3], $0x80, v7, vm0, $0xb8;
	[tilespmem:$0x1C460] =	vst v63  }
0x306: {  	_ =	swait.ge [sflag:s26], $0x800  }
0x307: {  	[sflag:s26] =	ssyncset.done $0x0  }
0x308: {  	[sflag:s26] =	ssyncadd.s32 $0xFFFFF800  }
0x309: {  	v7 =	vld [tilespmem:$0x1C3D0];
	_ =	sdelay $0x7  }
0x30a: {  	[tilespmem:s17], [sflag:$0x2] =	stream.indirect_vreg.gather [hbm4b:s4+s5], $0x80, v7, vm0, $0xb8;
	[tilespmem:$0x1C460] =	vst v63  }
0x30b: {  	_ =	swait.ge [sflag:s22], $0x800  }
0x30c: {  	[sflag:s22] =	ssyncset.done $0x0  }
0x30d: {  	[sflag:s22] =	ssyncadd.s32 $0xFFFFF800  }
0x30e: {  	v7 =	vld [tilespmem:$0x1BF80];
	_ =	sdelay $0x7  }
0x30f: {  	[hbm4b:s6+s5] =	stream.indirect_vreg.scatter [tilespmem:s21], [sflag:$0x3], $0x80, v7, vm0, $0xb8;
	[tilespmem:$0x1C460] =	vst v63  }
0x310: {  	_ =	swait.ge [sflag:s26], $0x800  }
0x311: {  	[sflag:s26] =	ssyncset.done $0x0  }
0x312: {  	[sflag:s26] =	ssyncadd.s32 $0xFFFFF800  }
0x313: {  	v7 =	vld [tilespmem:$0x1C3E0];
	_ =	sdelay $0x7  }
0x314: {  	[tilespmem:s18], [sflag:$0x2] =	stream.indirect_vreg.gather [hbm4b:s4+s5], $0x80, v7, vm0, $0xb8;
	[tilespmem:$0x1C460] =	vst v63  }
0x315: {  	_ =	swait.ge [sflag:s22], $0x800  }
0x316: {  	[sflag:s22] =	ssyncset.done $0x0  }
0x317: {  	[sflag:s22] =	ssyncadd.s32 $0xFFFFF800  }
0x318: {  	v7 =	vld [tilespmem:$0x1BF90];
	_ =	sdelay $0x7  }
0x319: {  	[hbm4b:s6+s5] =	stream.indirect_vreg.scatter [tilespmem:s23], [sflag:$0x3], $0x80, v7, vm0, $0xb8;
	[tilespmem:$0x1C460] =	vst v63  }
0x31a: {  	_ =	swait.ge [sflag:s26], $0x800  }
0x31b: {  	[sflag:s26] =	ssyncset.done $0x0  }
0x31c: {  	[sflag:s26] =	ssyncadd.s32 $0xFFFFF800  }
0x31d: {  	v7 =	vld [tilespmem:$0x1C3F0];
	_ =	sdelay $0x7  }
0x31e: {  	[tilespmem:s19], [sflag:$0x2] =	stream.indirect_vreg.gather [hbm4b:s4+s5], $0x80, v7, vm0, $0xb8;
	[tilespmem:$0x1C460] =	vst v63  }
0x31f: {  	_ =	swait.ge [sflag:s22], $0x800  }
0x320: {  	[sflag:s22] =	ssyncset.done $0x0  }
0x321: {  	[sflag:s22] =	ssyncadd.s32 $0xFFFFF800  }
0x322: {  	v7 =	vld [tilespmem:$0x1BFA0];
	_ =	sdelay $0x7  }
0x323: {  	[hbm4b:s6+s5] =	stream.indirect_vreg.scatter [tilespmem:s24], [sflag:$0x3], $0x80, v7, vm0, $0xb8;
	[tilespmem:$0x1C460] =	vst v63  }
0x324: {  	_ =	swait.ge [sflag:s26], $0x800  }
0x325: {  	[sflag:s26] =	ssyncset.done $0x0  }
0x326: {  	[sflag:s26] =	ssyncadd.s32 $0xFFFFF800  }
0x327: {  	v7 =	vld [tilespmem:$0x1C400];
	_ =	sdelay $0x7  }
0x328: {  	[tilespmem:s20], [sflag:$0x2] =	stream.indirect_vreg.gather [hbm4b:s4+s5], $0x80, v7, vm0, $0xb8;
	[tilespmem:$0x1C460] =	vst v63  }
0x329: {  	_ =	swait.ge [sflag:s22], $0x800  }
0x32a: {  	[sflag:s22] =	ssyncset.done $0x0  }
0x32b: {  	[sflag:s22] =	ssyncadd.s32 $0xFFFFF800  }
0x32c: {  	v7 =	vld [tilespmem:$0x1BFB0];
	_ =	sdelay $0x7  }
0x32d: {  	[hbm4b:s6+s5] =	stream.indirect_vreg.scatter [tilespmem:s25], [sflag:$0x3], $0x80, v7, vm0, $0xb8;
	[tilespmem:$0x1C460] =	vst v63  }
0x32e: {  	_ =	swait.ge [sflag:s26], $0x800  }
0x32f: {  	[sflag:s26] =	ssyncset.done $0x0  }
0x330: {  	[sflag:s26] =	ssyncadd.s32 $0xFFFFF800  }
0x331: {  	v7 =	vld [tilespmem:$0x1C410];
	_ =	sdelay $0x7  }
0x332: {  	[tilespmem:s21], [sflag:$0x2] =	stream.indirect_vreg.gather [hbm4b:s4+s5], $0x80, v7, vm0, $0xb8;
	[tilespmem:$0x1C460] =	vst v63  }
0x333: {  	_ =	swait.ge [sflag:s22], $0x800  }
0x334: {  	[sflag:s22] =	ssyncset.done $0x0  }
0x335: {  	[sflag:s22] =	ssyncadd.s32 $0xFFFFF800  }
0x336: {  	v7 =	vld [tilespmem:$0x1BFC0];
	_ =	sdelay $0x7  }
0x337: {  	[hbm4b:s6+s5] =	stream.indirect_vreg.scatter [tilespmem:s17], [sflag:$0x3], $0x80, v7, vm0, $0xb8;
	[tilespmem:$0x1C460] =	vst v63  }
0x338: {  	_ =	swait.ge [sflag:s26], $0x800  }
0x339: {  	[sflag:s26] =	ssyncset.done $0x0  }
0x33a: {  	[sflag:s26] =	ssyncadd.s32 $0xFFFFF800  }
0x33b: {  	v7 =	vld [tilespmem:$0x1C420];
	_ =	sdelay $0x7  }
0x33c: {  	[tilespmem:s23], [sflag:$0x2] =	stream.indirect_vreg.gather [hbm4b:s4+s5], $0x80, v7, vm0, $0xb8;
	[tilespmem:$0x1C460] =	vst v63  }
0x33d: {  	_ =	swait.ge [sflag:s22], $0x800  }
0x33e: {  	[sflag:s22] =	ssyncset.done $0x0  }
0x33f: {  	[sflag:s22] =	ssyncadd.s32 $0xFFFFF800  }
0x340: {  	v7 =	vld [tilespmem:$0x1BFD0];
	_ =	sdelay $0x7  }
0x341: {  	[hbm4b:s6+s5] =	stream.indirect_vreg.scatter [tilespmem:s18], [sflag:$0x3], $0x80, v7, vm0, $0xb8;
	[tilespmem:$0x1C460] =	vst v63  }
0x342: {  	_ =	swait.ge [sflag:s26], $0x800  }
0x343: {  	[sflag:s26] =	ssyncset.done $0x0  }
0x344: {  	[sflag:s26] =	ssyncadd.s32 $0xFFFFF800  }
0x345: {  	v7 =	vld [tilespmem:$0x1C430];
	_ =	sdelay $0x7  }
0x346: {  	[tilespmem:s24], [sflag:$0x2] =	stream.indirect_vreg.gather [hbm4b:s4+s5], $0x80, v7, vm0, $0xb8;
	[tilespmem:$0x1C460] =	vst v63  }
0x347: {  	_ =	swait.ge [sflag:s22], $0x800  }
0x348: {  	[sflag:s22] =	ssyncset.done $0x0  }
0x349: {  	[sflag:s22] =	ssyncadd.s32 $0xFFFFF800  }
0x34a: {  	v7 =	vld [tilespmem:$0x1BFE0];
	_ =	sdelay $0x7  }
0x34b: {  	[hbm4b:s6+s5] =	stream.indirect_vreg.scatter [tilespmem:s19], [sflag:$0x3], $0x80, v7, vm0, $0xb8;
	[tilespmem:$0x1C460] =	vst v63  }
0x34c: {  	_ =	swait.ge [sflag:s26], $0x800  }
0x34d: {  	[sflag:s26] =	ssyncset.done $0x0  }
0x34e: {  	[sflag:s26] =	ssyncadd.s32 $0xFFFFF800  }
0x34f: {  	v7 =	vld [tilespmem:$0x1C440];
	_ =	sdelay $0x7  }
0x350: {  	[tilespmem:s25], [sflag:$0x2] =	stream.indirect_vreg.gather [hbm4b:s4+s5], $0x80, v7, vm0, $0xb8;
	[tilespmem:$0x1C460] =	vst v63  }
0x351: {  	_ =	swait.ge [sflag:s22], $0x800  }
0x352: {  	[sflag:s22] =	ssyncset.done $0x0  }
0x353: {  	[sflag:s22] =	ssyncadd.s32 $0xFFFFF800  }
0x354: {  	v7 =	vld [tilespmem:$0x1BFF0];
	_ =	sdelay $0x7  }
0x355: {  	[hbm4b:s6+s5] =	stream.indirect_vreg.scatter [tilespmem:s20], [sflag:$0x3], $0x80, v7, vm0, $0xb8;
	[tilespmem:$0x1C460] =	vst v63  }
0x356: {  	_ =	swait.ge [sflag:s22], $0x800  }
0x357: {  	[sflag:s22] =	ssyncset.done $0x0  }
0x358: {  	[sflag:s22] =	ssyncadd.s32 $0xFFFFF800  }
0x359: {  	v7 =	vld [tilespmem:$0x1C000];
	_ =	sdelay $0x7  }
0x35a: {  	[hbm4b:s6+s5] =	stream.indirect_vreg.scatter [tilespmem:s21], [sflag:$0x3], $0x80, v7, vm0, $0xb8;
	[tilespmem:$0x1C460] =	vst v63  }
0x35b: {  	_ =	swait.ge [sflag:s22], $0x800  }
0x35c: {  	[sflag:s22] =	ssyncset.done $0x0  }
0x35d: {  	[sflag:s22] =	ssyncadd.s32 $0xFFFFF800  }
0x35e: {  	v7 =	vld [tilespmem:$0x1C010];
	_ =	sdelay $0x7  }
0x35f: {  	[hbm4b:s6+s5] =	stream.indirect_vreg.scatter [tilespmem:s23], [sflag:$0x3], $0x80, v7, vm0, $0xb8;
	[tilespmem:$0x1C460] =	vst v63  }
0x360: {  	_ =	swait.ge [sflag:s22], $0x800  }
0x361: {  	[sflag:s22] =	ssyncset.done $0x0  }
0x362: {  	[sflag:s22] =	ssyncadd.s32 $0xFFFFF800  }
0x363: {  	v7 =	vld [tilespmem:$0x1C020];
	_ =	sdelay $0x7  }
0x364: {  	[hbm4b:s6+s5] =	stream.indirect_vreg.scatter [tilespmem:s24], [sflag:$0x3], $0x80, v7, vm0, $0xb8;
	[tilespmem:$0x1C460] =	vst v63  }
0x365: {  	_ =	swait.ge [sflag:s22], $0x800  }
0x366: {  	[sflag:s22] =	ssyncset.done $0x0  }
0x367: {  	[sflag:s22] =	ssyncadd.s32 $0xFFFFF800  }
0x368: {  	v7 =	vld [tilespmem:$0x1C030];
	_ =	sdelay $0x7  }
0x369: {  	[hbm4b:s6+s5] =	stream.indirect_vreg.scatter [tilespmem:s25], [sflag:$0x3], $0x80, v7, vm0, $0xb8;
	[tilespmem:$0x1C460] =	vst v63  }
0x36a: {  	_ =	swait.ge [sflag:s26], $0x800  }
0x36b: {  	[sflag:s26] =	ssyncset.done $0x0  }
0x36c: {  	[sflag:s26] =	ssyncadd.s32 $0xFFFFF800  }
0x36d: {  	_ =	swait.ge [sflag:s26], $0x800  }
0x36e: {  	[sflag:s26] =	ssyncset.done $0x0  }
0x36f: {  	[sflag:s26] =	ssyncadd.s32 $0xFFFFF800  }
0x370: {  	_ =	swait.ge [sflag:s26], $0x800  }
0x371: {  	[sflag:s26] =	ssyncset.done $0x0  }
0x372: {  	[sflag:s26] =	ssyncadd.s32 $0xFFFFF800  }
0x373: {  	_ =	swait.ge [sflag:s26], $0x800  }
0x374: {  	[sflag:s26] =	ssyncset.done $0x0  }
0x375: {  	[sflag:s26] =	ssyncadd.s32 $0xFFFFF800  }
0x376: {  	_ =	swait.ge [sflag:s26], $0x800  }
0x377: {  	[sflag:s26] =	ssyncset.done $0x0  }
0x378: {  	[sflag:s26] =	ssyncadd.s32 $0xFFFFF800  }
0x379: {  	_ =	swait.ge [sflag:s26], $0x800  }
0x37a: {  	[sflag:s26] =	ssyncset.done $0x0  }
0x37b: {  	[sflag:s26] =	ssyncadd.s32 $0xFFFFF800  }
0x37c: {  	_ =	swait.ge [sflag:s26], $0x800  }
0x37d: {  	[sflag:s26] =	ssyncset.done $0x0  }
0x37e: {  	[sflag:s26] =	ssyncadd.s32 $0xFFFFF800  }
0x37f: {  	_ =	swait.ge [sflag:s26], $0x800  }
0x380: {  	[sflag:s26] =	ssyncset.done $0x0  }
0x381: {  	s28 =	sadd.s32 $0x1, s28;
	s2 =	simm.s32 @p0 $0x1;
	[sflag:s26] =	ssyncadd.s32 $0xFFFFF800  }
0x382: {  	p1 =	sne.s32 s28, s11;
	_ =	swait.ge @p0 [sflag:s2], $0x7860  }
.Ltmp2:
0x383: {  	[sflag:s2] =	ssyncset.done @p0 $0x0;
	(pc) =	sbr.rel @p1 .LBB2_1-.Ltmp2, $4  }
0x384: {  	[sflag:s2] =	ssyncadd.s32 @p0 $0xFFFF87A0;
	s2 =	simm.s32 @!p0 $0x1  }
0x385: {  	_ =	swait.ge @!p0 [sflag:s2], $0x7A20  }
0x386: {  	[sflag:s2] =	ssyncset.done @!p0 $0x0  }
0x387: {  	[sflag:s2] =	ssyncadd.s32 @!p0 $0xFFFF85E0  }
0x388: {  	_ =	sfence.sel $0x180000  }
0x389: {  	[bflag:$0x0] =	sbarrier.arrive $0xFFFF  }
0x38a: {  	_ =	strace $0x90000047  }
0x38b: {  	[bflag:$0x2] =	sbarrier.arrive $0xFFFF  }
0x38c: {  	p0 =	sne.s32 s3, $0x0;
	s0 =	rddreg [dreg:$0x5]  }
0x38d: {  	s0 =	sadd.s32 @!p0 $0x100000, s0  }
0x38e: {  	[sflag:s0] =	ssyncadd.tile.s32 @!p0 $0x1;
	_ =	shalt  }
.Lfunc_end2:
_tile_overlayer_lowered:
.L_overlay_start_2:
0x38f: {  	(tag) =	ssettag $0x2  }
0x390: {  	s0 =	rddreg [dreg:$0x0];
	s2 =	stileid.u32  }
0x391: {  	s1 =	rddreg [dreg:$0x1];
	p0 =	sne.s32 s2, $0x0  }
0x392: {  	s3 =	rddreg [dreg:$0x2];
	[bflag:$0x3] =	sbarrier.arrive $0xFFFF;
	s2 =	simm.s32 @!p0 $0x1C04  }
0x393: {  	[timem:s3], [sflag:s2] =	dma.local @!p0 [hbm:s0], s1  }
0x394: {  	s0 =	simm.s32 @!p0 $0x4  }
0x395: {  	_ =	swait.ge @!p0 [sflag:s0], s1  }
0x396: {  	s1 =	ssub.s32 @!p0 $0x0, s1;
	[sflag:s0] =	ssyncset.done @!p0 $0x0  }
0x397: {  	[sflag:s0] =	ssyncadd.s32 @!p0 s1  }
0x398: {  	[bflag:$0x3] =	sbarrier.arrive $0xFFFF  }
0x399: {  	_ =	shalt  }

// kernel: sparse-core-data-format-call.cloned.1.call-start
scs
called_computation_lowered:
.L_overlay_start_0:
0x0: {  	s2 =	sld [smem:$0x3FD9]  }
0x1: {  	s3 =	sld [smem:$0x3FFE];
	_ =	sdelay $0x1  }
0x2: {  	s1 =	srdreg.scid  }
0x3: {  	s0 =	sand.u32 $0x1, s1  }
0x4: {  	s15 =	sshll.u32 s0, $0xA;
	s2 =	sadd.s32 s3, s2  }
0x5: {  	s2 =	sadd.s32 s2, s15  }
0x6: {  	[smem:$0x3FC3] =	sst s2  }
0x7: {  	_ = 	snop  }
0x8: {  	s2 =	sld [smem:$0x3FD0];
	_ =	sdelay $0x2  }
0x9: {  	s16 =	simm.s32 $0xA;
	s4 =	simm.s32 $0x10  }
0xa: {  	[smem:s4], [sflag:s16] =	dma.local [hbm:s2], $0x1  }
0xb: {  	_ =	swait.eq [sflag:s16], $0x1  }
0xc: {  	[sflag:s16] =	ssyncset.done $0x0  }
0xd: {  	[sflag:s16] =	ssyncadd.s32 $0xFFFFFFFF  }
0xe: {  	s17 =	sld [smem:$0x10];
	(tm) =	ssettm $0x1  }
0xf: {  	s18 =	sld [smem:$0x3FFB];
	_ =	sdelay $0x3  }
0x10: {  	_ =	strace s18  }
0x11: {  	s3 =	sld [smem:$0x3FFC];
	_ =	sdelay $0x3  }
0x12: {  	_ =	strace s3  }
0x13: {  	s3 =	sld [smem:$0x3FFD];
	_ =	sdelay $0x3  }
0x14: {  	_ =	strace s3  }
0x15: {  	_ =	strace $0x8FFFFFFF  }
0x16: {  	s19 =	sld [smem:$0x3FDB];
	_ =	sdelay $0x1  }
0x17: {  	s20 =	simm.s32 $_scs_section_size  }
0x18: {  	s5 =	simm.s32 $_size__tile_overlayer_lowered;
	s6 =	simm.s32 $_tile_overlayer_lowered  }
0x19: {  	s23 =	simm.s32 $0x1BFF;
	s22 =	sshll.u32 s6, $0x1;
	s3 =	sadd.s32 s20, s19  }
0x1a: {  	s7 =	simm.s32 $0x0;
	s21 =	sshll.u32 s5, $0x1;
	s5 =	sadd.s32 s22, s3  }
0x1b: {  	[timem:s7], [sflag:s23] =	dma.local [hbm:s5], s21  }
0x1c: {  	_ =	swait.ge [sflag:s23], s21  }
0x1d: {  	s4 =	ssub.s32 $0x0, s21;
	[sflag:s23] =	ssyncset.done $0x0  }
0x1e: {  	[sflag:s23] =	ssyncadd.s32 s4;
	_ =	sdelay $0x1  }
0x1f: {  	s24 =	simm.s32 $0x1B8B  }
0x20: {  	_ =	swait.ge [sflag:s24], $0x1  }
0x21: {  	[sflag:s24] =	ssyncset.done $0x0  }
0x22: {  	s26 =	simm.s32 $0x1B8E;
	s25 =	sld [smem:$0x3FFE];
	[sflag:s24] =	ssyncadd.s32 $0xFFFFFFFF  }
0x23: {  	s27 =	simm.s32 $execute0_lowered;
	[smem:$0x3FD2] =	sst s26  }
0x24: {  	s5 =	sshll.u32 s27, $0x1;
	_ =	strace $0x80000049;
	[dreg:$0x1] =	wrdreg $0xFFFFFFFF  }
0x25: {  	s28 =	simm.s32 $_size_execute0_lowered;
	s3 =	sadd.s32 s3, s5;
	[dreg:$0x0] =	wrdreg $0x0  }
0x26: {  	s5 =	sshll.u32 s28, $0x1;
	[dreg:$0x2] =	wrdreg s3  }
0x27: {  	[dreg:$0x3] =	wrdreg s5  }
0x28: {  	[dreg:$0x4] =	wrdreg $0xC0  }
0x29: {  	_ =	task [dreg:s7], $0x5FFFF  }
0x2a: {  	[dreg:$0x1] =	wrdreg $0xFFFFFFFF  }
0x2b: {  	[dreg:$0x0] =	wrdreg $0x60  }
0x2c: {  	[dreg:$0x2] =	wrdreg s25  }
0x2d: {  	[dreg:$0x3] =	wrdreg s17  }
0x2e: {  	[dreg:$0x4] =	wrdreg $0x9  }
0x2f: {  	_ =	task.clear_ibuf [dreg:s7], $0x5FFFF;
	_ =	strace $0x90000049  }
0x30: {  	s29 =	simm.s32 $0x9;
	_ =	strace $0x8000004B  }
0x31: {  	_ =	swait.ge [sflag:s29], $0x1  }
0x32: {  	[sflag:s29] =	ssyncadd.s32 $0xFFFFFFFF  }
0x33: {  	_ =	strace $0x9000004B  }
0x34: {  	_ =	sfence  }
0x35: {  	s30 =	sld [smem:$0x0];
	_ =	sdelay $0x2  }
0x36: {  	s31 =	sshll.u32 s1, $0xD;
	s1 =	sshrl.u32 s1, $0x2  }
0x37: {  	s3 =	sand.u32 $0x4000, s31;
	s1 =	sadd.s32 s1, s30  }
0x38: {  	s0 =	sor.u32 s3, s0;
	s1 =	sshll.u32 s1, $0x11  }
0x39: {  	s0 =	sor.u32 s1, s0  }
0x3a: {  	s0 =	sadd.s32 $0x8F2B, s0  }
0x3b: {  	[sflag:s0] =	ssyncadd.remote.s32 $0x1  }
0x3c: {  	_ =	sfence.sel $0xFFFF  }
0x3d: {  	[dreg:$0x0] =	wrdreg $0xFFFFFFFF;
	(pc) =	sbr.abs _section_cstart, $3  }
0x3e: {  	[dreg:$0x1] =	wrdreg $0xFFFFFFFF  }
0x3f: {  	_ =	task.clear_ibuf [dreg:s7], $0x2FFFF;
	_ =	strace $0x9FFFFFFF  }
0x40: {  	(tm) =	ssettm $0x7FFFFFFF  }
0x41: {  	_ =	shalt  }
tec
execute0_lowered:
.L_overlay_start_1:
0x0: {  	(tag) =	ssettag $0x1  }
0x1: {  	s4 =	rddreg [dreg:$0x0]  }
0x2: {  	s0 =	srdreg.scid;
	s2 =	rddreg [dreg:$0x1]  }
0x3: {  	s1 =	stileid.u32;
	s5 =	simm.s32 $0x1;
	s0 =	sshll.u32 s0, $0x4  }
0x4: {  	s7 =	simm.s32 $0x2;
	s11 =	simm.s32 $0x0;
	s3 =	sand.u32 $0x10, s0  }
.Ltmp0:
0x5: {  	p0 =	por $0x0, $0x0;
	s3 =	sor.u32 s1, s3;
	(pc) =	sbr.rel .LBB1_1-.Ltmp0, $4  }
0x6: {  	s8 =	simm.s32 $0x7A1400;
	s10 =	simm.s32 $0x0;
	s3 =	sshll.u32 s3, $0x7  }
0x7: {  	s0 =	rddreg [dreg:$0x2];
	_ =	strace $0x8000004A;
	s6 =	ssub.s32 $0xF4200, s3  }
0x8: {  	s4 =	sadd.s32 $0xF43400, s4;
	[sflag:s5] =	ssyncpa.u1 $0x0;
	s6 =	sshrl.u32 s6, $0xC  }
0x9: {  	[sflag:s7] =	ssyncpa.u1 $0x0;
	s9 =	smov.u32 s3;
	s7 =	sadd.s32 $0x2, s6  }
.LBB1_5:
0xa: {  	s13 =	sadd.s32 $0x1000, s9  }
0xb: {  	p2 =	sgt.s32 s13, $0xF423F  }
0xc: {  	s13 =	smov.u32 @p2 s3;
	p2 =	sne.s32 s10, s7  }
.Ltmp1:
0xd: {  	p1 =	slt.u32 s10, $0x2;
	(pc) =	sbr.rel @!p2 .LBB1_6-.Ltmp1, $4  }
0xe: {  	s12 =	simm.s32 @!p1 $0x2  }
0xf: {  	s14 =	sadd.s32 $0x1, s10;
	_ =	swait.ge @!p1 [sflag:s12], $0x1000  }
0x10: {  	s11 =	smov.u32 s9;
	p0 =	por !p0, !p0;
	[sflag:s12] =	ssyncset.done @!p1 $0x0  }
0x11: {  	s10 =	smov.u32 s14;
	s9 =	smov.u32 s13;
	[sflag:s12] =	ssyncadd.s32 @!p1 $0xFFFFF000  }
.LBB1_1:
0x12: {  	p1 =	sgt.u32 s10, s6  }
0x13: {  	s13 =	smov.u32 s9;
	p2 =	sgt.s32 @!p1 s9, $0xF41C0  }
0x14: {  	s12 =	sand.u32 @!p1 $0x1FFFFFF, s9;
	s14 =	sshra.s32 @!p1 s9, $0x1F;
	p2 =	por !p2, p1  }
0x15: {  	s15 =	smulhi.u32 @!p1 $0x218DEF5, s12;
	s14 =	sand.u32 @!p1 s14, s9;
	s13 =	simm.s32 @p2 $0xF41C0  }
0x16: {  	s13 =	ssub.s32 @!p1 s13, s14  }
0x17: {  	s14 =	sshrl.u32 @!p1 s15, $0xD;
	s13 =	sadd.s32 @!p1 $0xFFF0BE40, s13  }
0x18: {  	s15 =	sxor.u32 @!p1 $0xFFFFFFFF, s10;
	s14 =	smul.u32 @!p1 $0xF4240, s14;
	s16 =	sshll.u32 @!p1 s13, $0x7  }
0x19: {  	s15 =	sshll.u32 @!p1 s15, $0xC;
	p2 =	sgt.s32 @!p1 s13, $0x7F;
	s13 =	ssub.s32 @!p1 $0x4000, s16  }
0x1a: {  	s12 =	ssub.s32 @!p1 s12, s14;
	p2 =	por !p2, p1;
	s14 =	sand.u32 @!p1 $0x1000, s15  }
0x1b: {  	s15 =	simm.s32 @!p1 $0x20;
	s13 =	sshrl.u32 @!p1 s13, $0x2;
	s12 =	sshll.u32 @!p1 s12, $0x4  }
0x1c: {  	s16 =	simm.s32 @!p1 $0x80;
	s13 =	simm.s32 @!p2 $0x0;
	s12 =	sadd.s32 @!p1 s4, s12  }
0x1d: {  	[tilespmem:s14], [sflag:$0x1] =	stream.strided.gather @!p1 [hbm4b:s12+s15], s13, s16, s15, $0x38;
	[tilespmem:$0x4040] =	vst v63  }
0x1e: {  	p1 =	seq.s32 s10, $0x0  }
0x1f: {  	p2 =	sge.u32 @!p1 s10, s7  }
0x20: {  	p1 =	por p1, p2  }
.Ltmp2:
0x21: {  	_ = 	snop;
	(pc) =	sbr.rel @p1 .LBB1_5-.Ltmp2, $1  }
0x22: {  	_ =	sdelay $0x3  }
0x23: {  	p1 =	sgt.s32 s11, $0xF41C0;
	s12 =	smov.u32 s11;
	s13 =	sshra.s32 s11, $0x1F  }
0x24: {  	s12 =	simm.s32 @!p1 $0xF41C0;
	s13 =	sand.u32 s13, s11  }
0x25: {  	s12 =	ssub.s32 s12, s13  }
0x26: {  	s12 =	sadd.s32 $0xFFF0BE40, s12  }
0x27: {  	s28 =	sshll.u32 s12, $0x7  }
0x28: {  	s13 =	ssub.s32 $0x4000, s28  }
0x29: {  	p1 =	sgt.s32 s12, $0x7F;
	s12 =	sshrl.u32 s13, $0x2  }
0x2a: {  	s13 =	simm.s32 $0x1;
	s12 =	simm.s32 @p1 $0x0  }
0x2b: {  	s13 =	simm.s32 @!p0 $0x0;
	_ =	swait.ge [sflag:s5], s12  }
0x2c: {  	s14 =	sshll.u32 s13, $0xC;
	s12 =	ssub.s32 $0x0, s12;
	[sflag:s5] =	ssyncset.done $0x0  }
0x2d: {  	s16 =	sor.u32 $0x10, s14;
	[sflag:s5] =	ssyncadd.s32 s12  }
0x2e: {  	s29 =	smul.u32 $0x4080, s13;
	v1 =	vld [tilespmem:s16+$0x0]  }
0x2f: {  	s30 =	sand.u32 $0x1, s10;
	v0 =	vld [tilespmem:s16+$0xFFFFFFF0]  }
0x30: {  	s13 =	smul.u32 $0x4080, s30;
	s12 =	sshrl.u32 s29, $0x2  }
0x31: {  	s14 =	sor.u32 $0x2000, s12  }
0x32: {  	s31 =	sshrl.u32 s13, $0x2;
	s13 =	sadd.s32 $0x0, s14  }
0x33: {  	s15 =	simm.s32 $0x4;
	s12 =	sor.u32 $0x2000, s31;
	s16 =	sadd.s32 $0x20, s16;
	[tilespmem:s13+$0x810 ss:$0x81] =	vst.msk $0xffff, v1  }
.LBB1_3:
0x34: {  	v1 =	vld [tilespmem:s16+$0x0];
	p1 =	sne.s32 s15, $0x1FC;
	[tilespmem:s13+$0x0 ss:$0x81] =	vst.msk $0xffff, v0;
	s13 =	smov.u32 s15;
	s15 =	sadd.s32 $0x4, s15  }
.Ltmp3:
0x35: {  	v0 =	vld [tilespmem:s16+$0xFFFFFFF0];
	(pc) =	sbr.rel @p1 .LBB1_3-.Ltmp3, $4  }
0x36: {  	_ = 	snop  }
0x37: {  	s13 =	sshra.s32 s13, $0x2  }
0x38: {  	s13 =	sadd.s32 s13, s14  }
0x39: {  	s16 =	sadd.s32 $0x20, s16;
	[tilespmem:s13+$0x810 ss:$0x81] =	vst.msk $0xffff, v1  }
0x3a: {  	s14 =	sshll.u32 s11, $0x3  }
0x3b: {  	s30 =	sand.u32 $0x7F, s11;
	s14 =	sand.u32 $0xFFFFFC00, s14  }
0x3c: {  	s11 =	sor.u32 s30, s14  }
0x3d: {  	s15 =	smulhi.u32 $0x218D6287, s11;
	_ =	sdelay $0x1  }
0x3e: {  	s14 =	smulhi.u32 $0x218D6287, s14;
	s15 =	sshrl.u32 s15, $0x11  }
0x3f: {  	s15 =	smul.u32 $0xF4280, s15  }
0x40: {  	s14 =	sshrl.u32 s14, $0x11  }
.Ltmp4:
0x41: {  	s14 =	sand.u32 $0x1F, s14;
	s11 =	ssub.s32 s11, s15;
	(pc) =	sbr.rel .LBB1_5-.Ltmp4, $4  }
0x42: {  	s14 =	smul.u32 $0x1E850, s14;
	s15 =	sshrl.u32 s11, $0x3;
	s11 =	sand.u32 $0x7, s11  }
0x43: {  	s15 =	sadd.s32 s2, s15;
	s11 =	sshll.u32 s11, $0x12  }
0x44: {  	[tilespmem:s13+$0x0 ss:$0x81] =	vst.msk $0xffff, v0;
	s31 =	sadd.s32 s14, s15;
	s11 =	sor.u32 $0x400, s11  }
0x45: {  	[hbm4b:s31+s11] =	stream.strided.scatter [tilespmem:s12], [sflag:$0x2], $0x1000, s8, s11, $0x20;
	[tilespmem:$0x4040] =	vst v63  }
.LBB1_6:
0x46: {  	_ =	sfence.sel $0x180000  }
0x47: {  	s2 =	simm.s32 $0x1;
	[bflag:$0x0] =	sbarrier.arrive $0xFFFF  }
0x48: {  	s31 =	simm.s32 $0x2;
	[sflag:s2] =	ssyncpa.u1 $0x1  }
0x49: {  	[sflag:s31] =	ssyncpa.u1 $0x1  }
0x4a: {  	p0 =	sne.s32 s1, $0x0;
	_ =	strace $0x9000004A  }
0x4b: {  	s0 =	sadd.s32 @!p0 $0x100000, s0;
	[bflag:$0x2] =	sbarrier.arrive $0xFFFF  }
0x4c: {  	[sflag:s0] =	ssyncadd.tile.s32 @!p0 $0x1;
	_ =	shalt  }
.Lfunc_end1:
_tile_overlayer_lowered:
.L_overlay_start_2:
0x4d: {  	(tag) =	ssettag $0x2  }
0x4e: {  	s0 =	rddreg [dreg:$0x0];
	s2 =	stileid.u32  }
0x4f: {  	s1 =	rddreg [dreg:$0x1];
	p0 =	sne.s32 s2, $0x0  }
0x50: {  	s3 =	rddreg [dreg:$0x2];
	[bflag:$0x3] =	sbarrier.arrive $0xFFFF;
	s2 =	simm.s32 @!p0 $0x1C01  }
0x51: {  	[timem:s3], [sflag:s2] =	dma.local @!p0 [hbm:s0], s1  }
0x52: {  	s0 =	simm.s32 @!p0 $0x1  }
0x53: {  	_ =	swait.ge @!p0 [sflag:s0], s1  }
0x54: {  	s1 =	ssub.s32 @!p0 $0x0, s1;
	[sflag:s0] =	ssyncset.done @!p0 $0x0  }
0x55: {  	[sflag:s0] =	ssyncadd.s32 @!p0 s1  }
0x56: {  	[bflag:$0x3] =	sbarrier.arrive $0xFFFF  }
0x57: {  	_ =	shalt  }

</sc_bundles>
